<compile_context>
chip_gen: v7x
topology: tpu7x:2x2x1
jax: 0.10.2.dev20260603
libtpu: 0.0.44.dev20260713+nightly
codegen_flags: <defaults>
</compile_context>

<pallas_src>
import functools

import jax
import jax.numpy as jnp
from jax import lax
from jax.experimental import pallas as pl
from jax.experimental.pallas import tpu as pltpu
from jax.experimental.pallas import tpu_sc as plsc

F = 32
T = 16384
K = 8192
TB = 2048
KB = 512
NT = T // TB


def _argmax_body(g_ref, xs_ref, a_ref):
    xs = xs_ref[...]
    NG = KB // 8

    def step(k, carry):
        bv8, bg8 = carry
        g = g_ref[pl.ds(k * KB, KB), :]
        tile = lax.dot_general(
            g, xs, (((1,), (0,)), ((), ())),
            preferred_element_type=jnp.float32)
        base = (-(k * NG)).astype(jnp.float32)
        for r in range(NG):
            t8 = tile[r * 8:(r + 1) * 8, :]
            better = t8 > bv8
            bv8 = jnp.where(better, t8, bv8)
            bg8 = jnp.where(better, base - jnp.float32(r), bg8)
        return bv8, bg8

    init = (jnp.full((8, TB), -jnp.inf, jnp.float32),
            jnp.zeros((8, TB), jnp.float32))
    bv8, bg8 = lax.fori_loop(0, K // KB, step, init, unroll=8)
    sub = lax.broadcasted_iota(jnp.int32, (8, TB), 0).astype(jnp.float32)
    idx8 = jnp.float32(-8.0) * bg8 + sub
    bestv = jnp.max(bv8, axis=0, keepdims=True)
    nidx = jnp.max(jnp.where(bv8 == bestv, -idx8, -jnp.inf),
                   axis=0, keepdims=True)
    a_ref[0, :, :] = (-nidx).astype(jnp.int32)


def _stage_a(g_mat, x_source):
    out = pl.pallas_call(
        _argmax_body,
        grid=(NT,),
        in_specs=[
            pl.BlockSpec((K, F), lambda i: (0, 0)),
            pl.BlockSpec((F, TB), lambda i: (0, i)),
        ],
        out_specs=pl.BlockSpec((1, 1, TB), lambda i: (i, 0, 0)),
        out_shape=jax.ShapeDtypeStruct((NT, 1, TB), jnp.int32),
    )(g_mat, x_source)
    return out.reshape(T)


def _stage_b(a_idx):
    mesh = plsc.VectorSubcoreMesh(core_axis_name="c", subcore_axis_name="s")

    @functools.partial(
        pl.kernel,
        mesh=mesh,
        compiler_params=pltpu.CompilerParams(needs_layout_passes=False),
        out_type=jax.ShapeDtypeStruct((K,), jnp.float32),
        scratch_types=[
            pltpu.VMEM((T,), jnp.int32),
            pltpu.VMEM((K,), jnp.float32),
        ],
    )
    def body(idx_hbm, zeros_hbm, m_hbm, idx_v, m_v):
        @pl.when((lax.axis_index("c") == 0) & (lax.axis_index("s") == 0))
        def _():
            pltpu.sync_copy(zeros_hbm, m_v)
            pltpu.sync_copy(idx_hbm, idx_v)
            ones = jnp.full((16,), 1.0, jnp.float32)

            def scat(i, carry):
                idx = idx_v[pl.ds(i * 16, 16)]
                plsc.store_scatter(m_v, [idx], ones)
                return carry

            lax.fori_loop(0, T // 16, scat, 0)
            pltpu.sync_copy(m_v, m_hbm)

    return body(a_idx, jnp.zeros((K,), jnp.float32))


def _loss_body(m_ref, gt_ref, xs_ref, xo_ref, out_ref):
    xo = xo_ref[...]
    total = jnp.sum(xo * xo)
    gx = gt_ref[...] * xs_ref[...]
    corr = jnp.sum(m_ref[...] * (gx * gx - 2.0 * gx * xo[:, :K]))
    out_ref[...] = ((total + corr) / (F * T)).reshape(1, 1)


def _stage_c(m, g_t, xs_k, x_out):
    out = pl.pallas_call(
        _loss_body,
        out_shape=jax.ShapeDtypeStruct((1, 1), jnp.float32),
    )(m.reshape(1, K), g_t, xs_k, x_out)
    return out.reshape(())


def kernel(x_out, x_source, x_clean, G_mat):
    del x_clean
    a_idx = _stage_a(G_mat, x_source)
    m = _stage_b(a_idx)
    return _stage_c(m, G_mat.T, x_source[:, :K], x_out)

# --- scband reference (transcript-rebuilt; emitter-appended) ---
"""Pipeline reference for scband-mmse-loss-79319456022842 (READ-ONLY COPY).

The authoritative reference and input builder live on the scoring server;
editing this copy changes nothing except your own understanding.
"""

import jax, jax.numpy as jnp
import numpy as np


def setup_inputs(seed: int = 0) -> dict:
    key = jax.random.key(seed)
    k1, k2, k3, k4 = jax.random.split(key, 4)
    F, T, K = 32, 16384, 8192
    x_out = jax.random.normal(k1, (F, T), dtype=jnp.float32)
    x_source = jax.random.uniform(k2, (F, T), dtype=jnp.float32)
    x_clean = jax.random.uniform(k3, (F, T), dtype=jnp.float32)
    # G_mat is the constructor arg: cluster centers of shape [K, F].
    # The module stores self.G_mat = G_mat.T -> [F, K].
    G_mat = jax.random.uniform(k4, (K, F), dtype=jnp.float32)
    return {"x_out": x_out, "x_source": x_source, "x_clean": x_clean, "G_mat": G_mat}


def reference(x_out, x_source, x_clean, G_mat):
    # self.G_mat = G_mat.T -> G has shape [F, K]
    G = G_mat.T
    Fd, T = x_source.shape
    K = G.shape[1]
    # Original double loop:
    #   sums[a, t] = sum_f( x_clean[f, t] - G[f, a] * x_source[f, t] )
    # Vectorized: sum_f x_clean[:, t] is independent of a; the second term is G.T @ x_source.
    col_clean = jnp.sum(x_clean, axis=0)              # [T]
    proj = jnp.matmul(G.T, x_source)                  # [K, T]
    sums = col_clean[None, :] - proj                  # [K, T]
    A_t = jnp.argmin(sums, axis=0)                    # [T] int, values in [0, K)
    # Faithful reproduction of the original (buggy) loop:
    #   for a in A_t: wiener_true[:, a] = G[:, a]
    # i.e. columns of wiener_true are indexed by the ACTION index, not the timestep.
    # Duplicate indices write identical values, so scatter-set is equivalent.
    wiener_true = jnp.zeros((Fd, T), dtype=x_source.dtype)
    wiener_true = wiener_true.at[:, A_t].set(G[:, A_t])
    true_out = (wiener_true * x_source).T             # [T, F]
    x_out_T = x_out.T                                 # [T, F]
    loss = jnp.mean((true_out - x_out_T) ** 2)
    return loss

if __name__ == "__main__":
    import jax
    _d = setup_inputs()
    print(jax.jit(kernel)(*tuple(_d.values())))

</pallas_src>

<mosaic_0001>
#map = affine_map<(d0, d1) -> (0)>
module attributes {stable_mosaic.version = 14 : i64} {
  func.func @body(%arg0: i32, %arg1: i32, %arg2: memref<16384xi32, #tpu.memory_space<hbm>>, %arg3: memref<8192xf32, #tpu.memory_space<hbm>>, %arg4: memref<8192xf32, #tpu.memory_space<hbm>>, %arg5: memref<16384xi32, #tpu.memory_space<vmem>>, %arg6: memref<8192xf32, #tpu.memory_space<vmem>>) attributes {dimension_semantics = [#tpu.dimension_semantics<core_parallel>, #tpu.dimension_semantics<subcore_parallel>], iteration_bounds = array<i64: 2, 16>, scalar_prefetch = 0 : i64, scratch_operands = 2 : i64, tpu.core_type = #tpu.core_type<sc_vector_subcore>, window_params = [{transform_indices = #map}, {transform_indices = #map}, {transform_indices = #map}]} {
    %eq3A = arith.constant 0 : i32
    %eq3A_0 = arith.cmpi eq, %arg0, %eq3A : i32
    %eq3A_1 = arith.constant 0 : i32
    %eq3A_2 = arith.cmpi eq, %arg1, %eq3A_1 : i32
    %and3A = arith.andi %eq3A_0, %eq3A_2 : i1
    %convert_element_type3A = arith.extui %and3A : i1 to i32
    %cond3A = arith.constant 0 : i32
    %cond3A_3 = arith.cmpi ne, %convert_element_type3A, %cond3A : i32
    scf.if %cond3A_3 {
      "tpu.region"() ({
        %run_scoped3A = tpu.sem_alloc : memref<!tpu.dma_semaphore, #tpu.memory_space<semaphore_mem>>
        tpu.enqueue_dma source(%arg3 : memref<8192xf32, #tpu.memory_space<hbm>>) target(%arg6 : memref<8192xf32, #tpu.memory_space<vmem>>) target_semaphore(%run_scoped3A : memref<!tpu.dma_semaphore, #tpu.memory_space<semaphore_mem>>)
        tpu.wait_dma2 semaphore(%run_scoped3A : memref<!tpu.dma_semaphore, #tpu.memory_space<semaphore_mem>>) src(%arg3 : memref<8192xf32, #tpu.memory_space<hbm>>) dst(%arg6 : memref<8192xf32, #tpu.memory_space<vmem>>)
        tpu.yield
      }) : () -> ()
      "tpu.region"() ({
        %run_scoped3A = tpu.sem_alloc : memref<!tpu.dma_semaphore, #tpu.memory_space<semaphore_mem>>
        tpu.enqueue_dma source(%arg2 : memref<16384xi32, #tpu.memory_space<hbm>>) target(%arg5 : memref<16384xi32, #tpu.memory_space<vmem>>) target_semaphore(%run_scoped3A : memref<!tpu.dma_semaphore, #tpu.memory_space<semaphore_mem>>)
        tpu.wait_dma2 semaphore(%run_scoped3A : memref<!tpu.dma_semaphore, #tpu.memory_space<semaphore_mem>>) src(%arg2 : memref<16384xi32, #tpu.memory_space<hbm>>) dst(%arg5 : memref<16384xi32, #tpu.memory_space<vmem>>)
        tpu.yield
      }) : () -> ()
      %broadcast_in_dim3A = arith.constant 1.000000e+00 : f32
      %broadcast_in_dim3A_4 = vector.broadcast %broadcast_in_dim3A : f32 to vector<16xf32>
      %scan3A = arith.constant 0 : i32
      %scan3A_5 = arith.constant 0 : i32
      %scan3A_6 = arith.constant 1024 : i32
      %scan3A_7 = arith.addi %scan3A_5, %scan3A_6 : i32
      %scan3A_8 = arith.constant 1 : i32
      scf.for %scan3A_10 = %scan3A_5 to %scan3A_7 step %scan3A_8  : i32 {
        %mul3A = arith.constant 16 : i32
        %mul3A_11 = arith.muli %scan3A_10, %mul3A : i32
        %get3A = arith.index_cast %mul3A_11 : i32 to index
        %get3A_12 = tpu.vector_load %arg5[%get3A] {strides = array<i32>} : memref<16384xi32, #tpu.memory_space<vmem>>, vector<16xi32>,
        tpu.vector_store_idx %arg6[%get3A_12], %broadcast_in_dim3A_4 : memref<8192xf32, #tpu.memory_space<vmem>>[vector<16xi32>], vector<16xf32>,
      }
      %scan3A_9 = arith.constant 1024 : i32
      "tpu.region"() ({
        %run_scoped3A = tpu.sem_alloc : memref<!tpu.dma_semaphore, #tpu.memory_space<semaphore_mem>>
        tpu.enqueue_dma source(%arg6 : memref<8192xf32, #tpu.memory_space<vmem>>) target(%arg4 : memref<8192xf32, #tpu.memory_space<hbm>>) target_semaphore(%run_scoped3A : memref<!tpu.dma_semaphore, #tpu.memory_space<semaphore_mem>>)
        tpu.wait_dma2 semaphore(%run_scoped3A : memref<!tpu.dma_semaphore, #tpu.memory_space<semaphore_mem>>) src(%arg6 : memref<8192xf32, #tpu.memory_space<vmem>>) dst(%arg4 : memref<8192xf32, #tpu.memory_space<hbm>>)
        tpu.yield
      }) : () -> ()
    } else {
    }
    return
  }
}

module attributes {stable_mosaic.version = 14 : i64} {
  func.func @_loss_body(%arg0: memref<1x8192xf32, #tpu.memory_space<vmem>>, %arg1: memref<32x8192xf32, #tpu.memory_space<vmem>>, %arg2: memref<32x8192xf32, #tpu.memory_space<vmem>>, %arg3: memref<32x16384xf32, #tpu.memory_space<vmem>>, %arg4: memref<1x1xf32, #tpu.memory_space<vmem>>) attributes {dimension_semantics = [], scalar_prefetch = 0 : i64, scratch_operands = 0 : i64, tpu.core_type = #tpu.core_type<tc>} {
    %get3A = arith.constant 0 : index
    %get3A_0 = arith.constant 0 : index
    %get3A_1 = vector.load %arg3[%get3A, %get3A_0] : memref<32x16384xf32, #tpu.memory_space<vmem>>, vector<32x16384xf32>
    %mul3A = arith.mulf %get3A_1, %get3A_1 : vector<32x16384xf32>
    %reduce_sum3A = vector.shape_cast %mul3A : vector<32x16384xf32> to vector<1x32x16384xf32>
    %reduce_sum3A_2 = arith.constant dense<0.000000e+00> : vector<1xf32>
    %reduce_sum3A_3 = vector.multi_reduction <add>, %reduce_sum3A, %reduce_sum3A_2 [1, 2] : vector<1x32x16384xf32> to vector<1xf32>
    %reduce_sum3A_4 = vector.shape_cast %reduce_sum3A_3 : vector<1xf32> to vector<1x1x1xf32>
    %reduce_sum3A_5 = vector.extract %reduce_sum3A_4[0, 0, 0] : f32 from vector<1x1x1xf32>
    %get3A_6 = arith.constant 0 : index
    %get3A_7 = arith.constant 0 : index
    %get3A_8 = vector.load %arg1[%get3A_6, %get3A_7] : memref<32x8192xf32, #tpu.memory_space<vmem>>, vector<32x8192xf32>
    %get3A_9 = arith.constant 0 : index
    %get3A_10 = arith.constant 0 : index
    %get3A_11 = vector.load %arg2[%get3A_9, %get3A_10] : memref<32x8192xf32, #tpu.memory_space<vmem>>, vector<32x8192xf32>
    %mul3A_12 = arith.mulf %get3A_8, %get3A_11 : vector<32x8192xf32>
    %get3A_13 = arith.constant 0 : index
    %get3A_14 = arith.constant 0 : index
    %get3A_15 = vector.load %arg0[%get3A_13, %get3A_14] : memref<1x8192xf32, #tpu.memory_space<vmem>>, vector<1x8192xf32>
    %mul3A_16 = arith.mulf %mul3A_12, %mul3A_12 : vector<32x8192xf32>
    %mul3A_17 = arith.constant 2.000000e+00 : f32
    %mul3A_18 = vector.broadcast %mul3A_17 : f32 to vector<32x8192xf32>
    %mul3A_19 = arith.mulf %mul3A_18, %mul3A_12 : vector<32x8192xf32>
    %slice3A = vector.extract_strided_slice %get3A_1 {offsets = [0, 0], sizes = [32, 8192], strides = [1, 1]} : vector<32x16384xf32> to vector<32x8192xf32>
    %mul3A_20 = arith.mulf %mul3A_19, %slice3A : vector<32x8192xf32>
    %sub3A = arith.subf %mul3A_16, %mul3A_20 : vector<32x8192xf32>
    %mul3A_21 = vector.broadcast %get3A_15 : vector<1x8192xf32> to vector<32x8192xf32>
    %mul3A_22 = arith.mulf %mul3A_21, %sub3A : vector<32x8192xf32>
    %reduce_sum3A_23 = vector.shape_cast %mul3A_22 : vector<32x8192xf32> to vector<1x32x8192xf32>
    %reduce_sum3A_24 = arith.constant dense<0.000000e+00> : vector<1xf32>
    %reduce_sum3A_25 = vector.multi_reduction <add>, %reduce_sum3A_23, %reduce_sum3A_24 [1, 2] : vector<1x32x8192xf32> to vector<1xf32>
    %reduce_sum3A_26 = vector.shape_cast %reduce_sum3A_25 : vector<1xf32> to vector<1x1x1xf32>
    %reduce_sum3A_27 = vector.extract %reduce_sum3A_26[0, 0, 0] : f32 from vector<1x1x1xf32>
    %add3A = arith.addf %reduce_sum3A_5, %reduce_sum3A_27 : f32
    %div3A = arith.constant 5.242880e+05 : f32
    %div3A_28 = arith.divf %add3A, %div3A : f32
    %reshape3A = vector.broadcast %div3A_28 : f32 to vector<1x1xf32>
    %swap3A = arith.constant 0 : index
    %swap3A_29 = arith.constant 0 : index
    %swap3A_30 = vector.load %arg4[%swap3A, %swap3A_29] : memref<1x1xf32, #tpu.memory_space<vmem>>, vector<1x1xf32>
    tpu.vector_store %arg4[%swap3A, %swap3A_29], %reshape3A {strides = array<i32>} : memref<1x1xf32, #tpu.memory_space<vmem>>, vector<1x1xf32>,
    return
  }
}

module attributes {stable_mosaic.version = 14 : i64} {
  func.func @_argmax_body(%arg0: i32, %arg1: memref<8192x32xf32, #tpu.memory_space<vmem>>, %arg2: memref<32x2048xf32, #tpu.memory_space<vmem>>, %arg3: memref<1x1x2048xi32, #tpu.memory_space<vmem>>) attributes {dimension_semantics = [#tpu.dimension_semantics<arbitrary>], iteration_bounds = array<i64: 8>, scalar_prefetch = 0 : i64, scratch_operands = 0 : i64, tpu.core_type = #tpu.core_type<tc>, window_params = [{pipeline_mode = #tpu.pipeline_mode<synchronous>, transform_indices = @transform_0, window_bounds = array<i64: 8192, 32>}, {transform_indices = @transform_1, window_bounds = array<i64: 32, 2048>}, {transform_indices = @transform_2, window_bounds = array<i64: 1, 1, 2048>}]} {
    %get3A = arith.constant 0 : index
    %get3A_0 = arith.constant 0 : index
    %get3A_1 = vector.load %arg2[%get3A, %get3A_0] : memref<32x2048xf32, #tpu.memory_space<vmem>>, vector<32x2048xf32>
    %broadcast_in_dim3A = arith.constant 0xFF800000 : f32
    %broadcast_in_dim3A_2 = vector.broadcast %broadcast_in_dim3A : f32 to vector<8x2048xf32>
    %broadcast_in_dim3A_3 = arith.constant 0.000000e+00 : f32
    %broadcast_in_dim3A_4 = vector.broadcast %broadcast_in_dim3A_3 : f32 to vector<8x2048xf32>
    %scan3A = arith.constant 0 : i32
    %scan3A_5 = arith.constant 16 : i32
    %scan3A_6 = arith.addi %scan3A, %scan3A_5 : i32
    %scan3A_7 = arith.constant 8 : i32
    %scan3A_8:2 = scf.for %scan3A_30 = %scan3A to %scan3A_6 step %scan3A_7 iter_args(%scan3A_31 = %broadcast_in_dim3A_2, %scan3A_32 = %broadcast_in_dim3A_4) -> (vector<8x2048xf32>, vector<8x2048xf32>)  : i32 {
      %mul3A_33 = arith.constant 512 : i32
      %mul3A_34 = arith.muli %scan3A_30, %mul3A_33 : i32
      %get3A_35 = arith.index_cast %mul3A_34 : i32 to index
      %get3A_36 = arith.constant 0 : index
      %get3A_37 = vector.load %arg1[%get3A_35, %get3A_36] : memref<8192x32xf32, #tpu.memory_space<vmem>>, vector<512x32xf32>
      %dot_general3A = arith.constant dense<0.000000e+00> : vector<512x2048xf32>
      %dot_general3A_38 = tpu.matmul %get3A_37, %get3A_1, %dot_general3A {dimension_numbers = #tpu.dot_dimension_numbers<[1], [0], [0], [1], [0, 0, 1, 1], [], []>, transpose_lhs_hint = false} : vector<512x32xf32>, vector<32x2048xf32>, vector<512x2048xf32> -> vector<512x2048xf32>
      %mul3A_39 = arith.constant 64 : i32
      %mul3A_40 = arith.muli %scan3A_30, %mul3A_39 : i32
      %neg3A_41 = arith.constant 0 : i32
      %neg3A_42 = arith.subi %neg3A_41, %mul3A_40 : i32
      %convert_element_type3A_43 = arith.sitofp %neg3A_42 : i32 to f32
      %slice3A = vector.extract_strided_slice %dot_general3A_38 {offsets = [0, 0], sizes = [8, 2048], strides = [1, 1]} : vector<512x2048xf32> to vector<8x2048xf32>
      %gt3A = arith.cmpf ogt, %slice3A, %scan3A_31 : vector<8x2048xf32>
      %select_n3A_44 = arith.select %gt3A, %slice3A, %scan3A_31 : vector<8x2048xi1>, vector<8x2048xf32>
      %sub3A = arith.constant 0.000000e+00 : f32
      %sub3A_45 = arith.subf %convert_element_type3A_43, %sub3A : f32
      %broadcast_in_dim3A_46 = vector.broadcast %sub3A_45 : f32 to vector<8x2048xf32>
      %select_n3A_47 = arith.select %gt3A, %broadcast_in_dim3A_46, %scan3A_32 : vector<8x2048xi1>, vector<8x2048xf32>
      %slice3A_48 = vector.extract_strided_slice %dot_general3A_38 {offsets = [8, 0], sizes = [8, 2048], strides = [1, 1]} : vector<512x2048xf32> to vector<8x2048xf32>
      %gt3A_49 = arith.cmpf ogt, %slice3A_48, %select_n3A_44 : vector<8x2048xf32>
      %select_n3A_50 = arith.select %gt3A_49, %slice3A_48, %select_n3A_44 : vector<8x2048xi1>, vector<8x2048xf32>
      %sub3A_51 = arith.constant 1.000000e+00 : f32
      %sub3A_52 = arith.subf %convert_element_type3A_43, %sub3A_51 : f32
      %broadcast_in_dim3A_53 = vector.broadcast %sub3A_52 : f32 to vector<8x2048xf32>
      %select_n3A_54 = arith.select %gt3A_49, %broadcast_in_dim3A_53, %select_n3A_47 : vector<8x2048xi1>, vector<8x2048xf32>
      %slice3A_55 = vector.extract_strided_slice %dot_general3A_38 {offsets = [16, 0], sizes = [8, 2048], strides = [1, 1]} : vector<512x2048xf32> to vector<8x2048xf32>
      %gt3A_56 = arith.cmpf ogt, %slice3A_55, %select_n3A_50 : vector<8x2048xf32>
      %select_n3A_57 = arith.select %gt3A_56, %slice3A_55, %select_n3A_50 : vector<8x2048xi1>, vector<8x2048xf32>
      %sub3A_58 = arith.constant 2.000000e+00 : f32
      %sub3A_59 = arith.subf %convert_element_type3A_43, %sub3A_58 : f32
      %broadcast_in_dim3A_60 = vector.broadcast %sub3A_59 : f32 to vector<8x2048xf32>
      %select_n3A_61 = arith.select %gt3A_56, %broadcast_in_dim3A_60, %select_n3A_54 : vector<8x2048xi1>, vector<8x2048xf32>
      %slice3A_62 = vector.extract_strided_slice %dot_general3A_38 {offsets = [24, 0], sizes = [8, 2048], strides = [1, 1]} : vector<512x2048xf32> to vector<8x2048xf32>
      %gt3A_63 = arith.cmpf ogt, %slice3A_62, %select_n3A_57 : vector<8x2048xf32>
      %select_n3A_64 = arith.select %gt3A_63, %slice3A_62, %select_n3A_57 : vector<8x2048xi1>, vector<8x2048xf32>
      %sub3A_65 = arith.constant 3.000000e+00 : f32
      %sub3A_66 = arith.subf %convert_element_type3A_43, %sub3A_65 : f32
      %broadcast_in_dim3A_67 = vector.broadcast %sub3A_66 : f32 to vector<8x2048xf32>
      %select_n3A_68 = arith.select %gt3A_63, %broadcast_in_dim3A_67, %select_n3A_61 : vector<8x2048xi1>, vector<8x2048xf32>
      %slice3A_69 = vector.extract_strided_slice %dot_general3A_38 {offsets = [32, 0], sizes = [8, 2048], strides = [1, 1]} : vector<512x2048xf32> to vector<8x2048xf32>
      %gt3A_70 = arith.cmpf ogt, %slice3A_69, %select_n3A_64 : vector<8x2048xf32>
      %select_n3A_71 = arith.select %gt3A_70, %slice3A_69, %select_n3A_64 : vector<8x2048xi1>, vector<8x2048xf32>
      %sub3A_72 = arith.constant 4.000000e+00 : f32
      %sub3A_73 = arith.subf %convert_element_type3A_43, %sub3A_72 : f32
      %broadcast_in_dim3A_74 = vector.broadcast %sub3A_73 : f32 to vector<8x2048xf32>
      %select_n3A_75 = arith.select %gt3A_70, %broadcast_in_dim3A_74, %select_n3A_68 : vector<8x2048xi1>, vector<8x2048xf32>
      %slice3A_76 = vector.extract_strided_slice %dot_general3A_38 {offsets = [40, 0], sizes = [8, 2048], strides = [1, 1]} : vector<512x2048xf32> to vector<8x2048xf32>
      %gt3A_77 = arith.cmpf ogt, %slice3A_76, %select_n3A_71 : vector<8x2048xf32>
      %select_n3A_78 = arith.select %gt3A_77, %slice3A_76, %select_n3A_71 : vector<8x2048xi1>, vector<8x2048xf32>
      %sub3A_79 = arith.constant 5.000000e+00 : f32
      %sub3A_80 = arith.subf %convert_element_type3A_43, %sub3A_79 : f32
      %broadcast_in_dim3A_81 = vector.broadcast %sub3A_80 : f32 to vector<8x2048xf32>
      %select_n3A_82 = arith.select %gt3A_77, %broadcast_in_dim3A_81, %select_n3A_75 : vector<8x2048xi1>, vector<8x2048xf32>
      %slice3A_83 = vector.extract_strided_slice %dot_general3A_38 {offsets = [48, 0], sizes = [8, 2048], strides = [1, 1]} : vector<512x2048xf32> to vector<8x2048xf32>
      %gt3A_84 = arith.cmpf ogt, %slice3A_83, %select_n3A_78 : vector<8x2048xf32>
      %select_n3A_85 = arith.select %gt3A_84, %slice3A_83, %select_n3A_78 : vector<8x2048xi1>, vector<8x2048xf32>
      %sub3A_86 = arith.constant 6.000000e+00 : f32
      %sub3A_87 = arith.subf %convert_element_type3A_43, %sub3A_86 : f32
      %broadcast_in_dim3A_88 = vector.broadcast %sub3A_87 : f32 to vector<8x2048xf32>
      %select_n3A_89 = arith.select %gt3A_84, %broadcast_in_dim3A_88, %select_n3A_82 : vector<8x2048xi1>, vector<8x2048xf32>
      %slice3A_90 = vector.extract_strided_slice %dot_general3A_38 {offsets = [56, 0], sizes = [8, 2048], strides = [1, 1]} : vector<512x2048xf32> to vector<8x2048xf32>
      %gt3A_91 = arith.cmpf ogt, %slice3A_90, %select_n3A_85 : vector<8x2048xf32>
      %select_n3A_92 = arith.select %gt3A_91, %slice3A_90, %select_n3A_85 : vector<8x2048xi1>, vector<8x2048xf32>
      %sub3A_93 = arith.constant 7.000000e+00 : f32
      %sub3A_94 = arith.subf %convert_element_type3A_43, %sub3A_93 : f32
      %broadcast_in_dim3A_95 = vector.broadcast %sub3A_94 : f32 to vector<8x2048xf32>
      %select_n3A_96 = arith.select %gt3A_91, %broadcast_in_dim3A_95, %select_n3A_89 : vector<8x2048xi1>, vector<8x2048xf32>
      %slice3A_97 = vector.extract_strided_slice %dot_general3A_38 {offsets = [64, 0], sizes = [8, 2048], strides = [1, 1]} : vector<512x2048xf32> to vector<8x2048xf32>
      %gt3A_98 = arith.cmpf ogt, %slice3A_97, %select_n3A_92 : vector<8x2048xf32>
      %select_n3A_99 = arith.select %gt3A_98, %slice3A_97, %select_n3A_92 : vector<8x2048xi1>, vector<8x2048xf32>
      %sub3A_100 = arith.constant 8.000000e+00 : f32
      %sub3A_101 = arith.subf %convert_element_type3A_43, %sub3A_100 : f32
      %broadcast_in_dim3A_102 = vector.broadcast %sub3A_101 : f32 to vector<8x2048xf32>
      %select_n3A_103 = arith.select %gt3A_98, %broadcast_in_dim3A_102, %select_n3A_96 : vector<8x2048xi1>, vector<8x2048xf32>
      %slice3A_104 = vector.extract_strided_slice %dot_general3A_38 {offsets = [72, 0], sizes = [8, 2048], strides = [1, 1]} : vector<512x2048xf32> to vector<8x2048xf32>
      %gt3A_105 = arith.cmpf ogt, %slice3A_104, %select_n3A_99 : vector<8x2048xf32>
      %select_n3A_106 = arith.select %gt3A_105, %slice3A_104, %select_n3A_99 : vector<8x2048xi1>, vector<8x2048xf32>
      %sub3A_107 = arith.constant 9.000000e+00 : f32
      %sub3A_108 = arith.subf %convert_element_type3A_43, %sub3A_107 : f32
      %broadcast_in_dim3A_109 = vector.broadcast %sub3A_108 : f32 to vector<8x2048xf32>
      %select_n3A_110 = arith.select %gt3A_105, %broadcast_in_dim3A_109, %select_n3A_103 : vector<8x2048xi1>, vector<8x2048xf32>
      %slice3A_111 = vector.extract_strided_slice %dot_general3A_38 {offsets = [80, 0], sizes = [8, 2048], strides = [1, 1]} : vector<512x2048xf32> to vector<8x2048xf32>
      %gt3A_112 = arith.cmpf ogt, %slice3A_111, %select_n3A_106 : vector<8x2048xf32>
      %select_n3A_113 = arith.select %gt3A_112, %slice3A_111, %select_n3A_106 : vector<8x2048xi1>, vector<8x2048xf32>
      %sub3A_114 = arith.constant 1.000000e+01 : f32
      %sub3A_115 = arith.subf %convert_element_type3A_43, %sub3A_114 : f32
      %broadcast_in_dim3A_116 = vector.broadcast %sub3A_115 : f32 to vector<8x2048xf32>
      %select_n3A_117 = arith.select %gt3A_112, %broadcast_in_dim3A_116, %select_n3A_110 : vector<8x2048xi1>, vector<8x2048xf32>
      %slice3A_118 = vector.extract_strided_slice %dot_general3A_38 {offsets = [88, 0], sizes = [8, 2048], strides = [1, 1]} : vector<512x2048xf32> to vector<8x2048xf32>
      %gt3A_119 = arith.cmpf ogt, %slice3A_118, %select_n3A_113 : vector<8x2048xf32>
      %select_n3A_120 = arith.select %gt3A_119, %slice3A_118, %select_n3A_113 : vector<8x2048xi1>, vector<8x2048xf32>
      %sub3A_121 = arith.constant 1.100000e+01 : f32
      %sub3A_122 = arith.subf %convert_element_type3A_43, %sub3A_121 : f32
      %broadcast_in_dim3A_123 = vector.broadcast %sub3A_122 : f32 to vector<8x2048xf32>
      %select_n3A_124 = arith.select %gt3A_119, %broadcast_in_dim3A_123, %select_n3A_117 : vector<8x2048xi1>, vector<8x2048xf32>
      %slice3A_125 = vector.extract_strided_slice %dot_general3A_38 {offsets = [96, 0], sizes = [8, 2048], strides = [1, 1]} : vector<512x2048xf32> to vector<8x2048xf32>
      %gt3A_126 = arith.cmpf ogt, %slice3A_125, %select_n3A_120 : vector<8x2048xf32>
      %select_n3A_127 = arith.select %gt3A_126, %slice3A_125, %select_n3A_120 : vector<8x2048xi1>, vector<8x2048xf32>
      %sub3A_128 = arith.constant 1.200000e+01 : f32
      %sub3A_129 = arith.subf %convert_element_type3A_43, %sub3A_128 : f32
      %broadcast_in_dim3A_130 = vector.broadcast %sub3A_129 : f32 to vector<8x2048xf32>
      %select_n3A_131 = arith.select %gt3A_126, %broadcast_in_dim3A_130, %select_n3A_124 : vector<8x2048xi1>, vector<8x2048xf32>
      %slice3A_132 = vector.extract_strided_slice %dot_general3A_38 {offsets = [104, 0], sizes = [8, 2048], strides = [1, 1]} : vector<512x2048xf32> to vector<8x2048xf32>
      %gt3A_133 = arith.cmpf ogt, %slice3A_132, %select_n3A_127 : vector<8x2048xf32>
      %select_n3A_134 = arith.select %gt3A_133, %slice3A_132, %select_n3A_127 : vector<8x2048xi1>, vector<8x2048xf32>
      %sub3A_135 = arith.constant 1.300000e+01 : f32
      %sub3A_136 = arith.subf %convert_element_type3A_43, %sub3A_135 : f32
      %broadcast_in_dim3A_137 = vector.broadcast %sub3A_136 : f32 to vector<8x2048xf32>
      %select_n3A_138 = arith.select %gt3A_133, %broadcast_in_dim3A_137, %select_n3A_131 : vector<8x2048xi1>, vector<8x2048xf32>
      %slice3A_139 = vector.extract_strided_slice %dot_general3A_38 {offsets = [112, 0], sizes = [8, 2048], strides = [1, 1]} : vector<512x2048xf32> to vector<8x2048xf32>
      %gt3A_140 = arith.cmpf ogt, %slice3A_139, %select_n3A_134 : vector<8x2048xf32>
      %select_n3A_141 = arith.select %gt3A_140, %slice3A_139, %select_n3A_134 : vector<8x2048xi1>, vector<8x2048xf32>
      %sub3A_142 = arith.constant 1.400000e+01 : f32
      %sub3A_143 = arith.subf %convert_element_type3A_43, %sub3A_142 : f32
      %broadcast_in_dim3A_144 = vector.broadcast %sub3A_143 : f32 to vector<8x2048xf32>
      %select_n3A_145 = arith.select %gt3A_140, %broadcast_in_dim3A_144, %select_n3A_138 : vector<8x2048xi1>, vector<8x2048xf32>
      %slice3A_146 = vector.extract_strided_slice %dot_general3A_38 {offsets = [120, 0], sizes = [8, 2048], strides = [1, 1]} : vector<512x2048xf32> to vector<8x2048xf32>
      %gt3A_147 = arith.cmpf ogt, %slice3A_146, %select_n3A_141 : vector<8x2048xf32>
      %select_n3A_148 = arith.select %gt3A_147, %slice3A_146, %select_n3A_141 : vector<8x2048xi1>, vector<8x2048xf32>
      %sub3A_149 = arith.constant 1.500000e+01 : f32
      %sub3A_150 = arith.subf %convert_element_type3A_43, %sub3A_149 : f32
      %broadcast_in_dim3A_151 = vector.broadcast %sub3A_150 : f32 to vector<8x2048xf32>
      %select_n3A_152 = arith.select %gt3A_147, %broadcast_in_dim3A_151, %select_n3A_145 : vector<8x2048xi1>, vector<8x2048xf32>
      %slice3A_153 = vector.extract_strided_slice %dot_general3A_38 {offsets = [128, 0], sizes = [8, 2048], strides = [1, 1]} : vector<512x2048xf32> to vector<8x2048xf32>
      %gt3A_154 = arith.cmpf ogt, %slice3A_153, %select_n3A_148 : vector<8x2048xf32>
      %select_n3A_155 = arith.select %gt3A_154, %slice3A_153, %select_n3A_148 : vector<8x2048xi1>, vector<8x2048xf32>
      %sub3A_156 = arith.constant 1.600000e+01 : f32
      %sub3A_157 = arith.subf %convert_element_type3A_43, %sub3A_156 : f32
      %broadcast_in_dim3A_158 = vector.broadcast %sub3A_157 : f32 to vector<8x2048xf32>
      %select_n3A_159 = arith.select %gt3A_154, %broadcast_in_dim3A_158, %select_n3A_152 : vector<8x2048xi1>, vector<8x2048xf32>
      %slice3A_160 = vector.extract_strided_slice %dot_general3A_38 {offsets = [136, 0], sizes = [8, 2048], strides = [1, 1]} : vector<512x2048xf32> to vector<8x2048xf32>
      %gt3A_161 = arith.cmpf ogt, %slice3A_160, %select_n3A_155 : vector<8x2048xf32>
      %select_n3A_162 = arith.select %gt3A_161, %slice3A_160, %select_n3A_155 : vector<8x2048xi1>, vector<8x2048xf32>
      %sub3A_163 = arith.constant 1.700000e+01 : f32
      %sub3A_164 = arith.subf %convert_element_type3A_43, %sub3A_163 : f32
      %broadcast_in_dim3A_165 = vector.broadcast %sub3A_164 : f32 to vector<8x2048xf32>
      %select_n3A_166 = arith.select %gt3A_161, %broadcast_in_dim3A_165, %select_n3A_159 : vector<8x2048xi1>, vector<8x2048xf32>
      %slice3A_167 = vector.extract_strided_slice %dot_general3A_38 {offsets = [144, 0], sizes = [8, 2048], strides = [1, 1]} : vector<512x2048xf32> to vector<8x2048xf32>
      %gt3A_168 = arith.cmpf ogt, %slice3A_167, %select_n3A_162 : vector<8x2048xf32>
      %select_n3A_169 = arith.select %gt3A_168, %slice3A_167, %select_n3A_162 : vector<8x2048xi1>, vector<8x2048xf32>
      %sub3A_170 = arith.constant 1.800000e+01 : f32
      %sub3A_171 = arith.subf %convert_element_type3A_43, %sub3A_170 : f32
      %broadcast_in_dim3A_172 = vector.broadcast %sub3A_171 : f32 to vector<8x2048xf32>
      %select_n3A_173 = arith.select %gt3A_168, %broadcast_in_dim3A_172, %select_n3A_166 : vector<8x2048xi1>, vector<8x2048xf32>
      %slice3A_174 = vector.extract_strided_slice %dot_general3A_38 {offsets = [152, 0], sizes = [8, 2048], strides = [1, 1]} : vector<512x2048xf32> to vector<8x2048xf32>
      %gt3A_175 = arith.cmpf ogt, %slice3A_174, %select_n3A_169 : vector<8x2048xf32>
      %select_n3A_176 = arith.select %gt3A_175, %slice3A_174, %select_n3A_169 : vector<8x2048xi1>, vector<8x2048xf32>
      %sub3A_177 = arith.constant 1.900000e+01 : f32
      %sub3A_178 = arith.subf %convert_element_type3A_43, %sub3A_177 : f32
      %broadcast_in_dim3A_179 = vector.broadcast %sub3A_178 : f32 to vector<8x2048xf32>
      %select_n3A_180 = arith.select %gt3A_175, %broadcast_in_dim3A_179, %select_n3A_173 : vector<8x2048xi1>, vector<8x2048xf32>
      %slice3A_181 = vector.extract_strided_slice %dot_general3A_38 {offsets = [160, 0], sizes = [8, 2048], strides = [1, 1]} : vector<512x2048xf32> to vector<8x2048xf32>
      %gt3A_182 = arith.cmpf ogt, %slice3A_181, %select_n3A_176 : vector<8x2048xf32>
      %select_n3A_183 = arith.select %gt3A_182, %slice3A_181, %select_n3A_176 : vector<8x2048xi1>, vector<8x2048xf32>
      %sub3A_184 = arith.constant 2.000000e+01 : f32
      %sub3A_185 = arith.subf %convert_element_type3A_43, %sub3A_184 : f32
      %broadcast_in_dim3A_186 = vector.broadcast %sub3A_185 : f32 to vector<8x2048xf32>
      %select_n3A_187 = arith.select %gt3A_182, %broadcast_in_dim3A_186, %select_n3A_180 : vector<8x2048xi1>, vector<8x2048xf32>
      %slice3A_188 = vector.extract_strided_slice %dot_general3A_38 {offsets = [168, 0], sizes = [8, 2048], strides = [1, 1]} : vector<512x2048xf32> to vector<8x2048xf32>
      %gt3A_189 = arith.cmpf ogt, %slice3A_188, %select_n3A_183 : vector<8x2048xf32>
      %select_n3A_190 = arith.select %gt3A_189, %slice3A_188, %select_n3A_183 : vector<8x2048xi1>, vector<8x2048xf32>
      %sub3A_191 = arith.constant 2.100000e+01 : f32
      %sub3A_192 = arith.subf %convert_element_type3A_43, %sub3A_191 : f32
      %broadcast_in_dim3A_193 = vector.broadcast %sub3A_192 : f32 to vector<8x2048xf32>
      %select_n3A_194 = arith.select %gt3A_189, %broadcast_in_dim3A_193, %select_n3A_187 : vector<8x2048xi1>, vector<8x2048xf32>
      %slice3A_195 = vector.extract_strided_slice %dot_general3A_38 {offsets = [176, 0], sizes = [8, 2048], strides = [1, 1]} : vector<512x2048xf32> to vector<8x2048xf32>
      %gt3A_196 = arith.cmpf ogt, %slice3A_195, %select_n3A_190 : vector<8x2048xf32>
      %select_n3A_197 = arith.select %gt3A_196, %slice3A_195, %select_n3A_190 : vector<8x2048xi1>, vector<8x2048xf32>
      %sub3A_198 = arith.constant 2.200000e+01 : f32
      %sub3A_199 = arith.subf %convert_element_type3A_43, %sub3A_198 : f32
      %broadcast_in_dim3A_200 = vector.broadcast %sub3A_199 : f32 to vector<8x2048xf32>
      %select_n3A_201 = arith.select %gt3A_196, %broadcast_in_dim3A_200, %select_n3A_194 : vector<8x2048xi1>, vector<8x2048xf32>
      %slice3A_202 = vector.extract_strided_slice %dot_general3A_38 {offsets = [184, 0], sizes = [8, 2048], strides = [1, 1]} : vector<512x2048xf32> to vector<8x2048xf32>
      %gt3A_203 = arith.cmpf ogt, %slice3A_202, %select_n3A_197 : vector<8x2048xf32>
      %select_n3A_204 = arith.select %gt3A_203, %slice3A_202, %select_n3A_197 : vector<8x2048xi1>, vector<8x2048xf32>
      %sub3A_205 = arith.constant 2.300000e+01 : f32
      %sub3A_206 = arith.subf %convert_element_type3A_43, %sub3A_205 : f32
      %broadcast_in_dim3A_207 = vector.broadcast %sub3A_206 : f32 to vector<8x2048xf32>
      %select_n3A_208 = arith.select %gt3A_203, %broadcast_in_dim3A_207, %select_n3A_201 : vector<8x2048xi1>, vector<8x2048xf32>
      %slice3A_209 = vector.extract_strided_slice %dot_general3A_38 {offsets = [192, 0], sizes = [8, 2048], strides = [1, 1]} : vector<512x2048xf32> to vector<8x2048xf32>
      %gt3A_210 = arith.cmpf ogt, %slice3A_209, %select_n3A_204 : vector<8x2048xf32>
      %select_n3A_211 = arith.select %gt3A_210, %slice3A_209, %select_n3A_204 : vector<8x2048xi1>, vector<8x2048xf32>
      %sub3A_212 = arith.constant 2.400000e+01 : f32
      %sub3A_213 = arith.subf %convert_element_type3A_43, %sub3A_212 : f32
      %broadcast_in_dim3A_214 = vector.broadcast %sub3A_213 : f32 to vector<8x2048xf32>
      %select_n3A_215 = arith.select %gt3A_210, %broadcast_in_dim3A_214, %select_n3A_208 : vector<8x2048xi1>, vector<8x2048xf32>
      %slice3A_216 = vector.extract_strided_slice %dot_general3A_38 {offsets = [200, 0], sizes = [8, 2048], strides = [1, 1]} : vector<512x2048xf32> to vector<8x2048xf32>
      %gt3A_217 = arith.cmpf ogt, %slice3A_216, %select_n3A_211 : vector<8x2048xf32>
      %select_n3A_218 = arith.select %gt3A_217, %slice3A_216, %select_n3A_211 : vector<8x2048xi1>, vector<8x2048xf32>
      %sub3A_219 = arith.constant 2.500000e+01 : f32
      %sub3A_220 = arith.subf %convert_element_type3A_43, %sub3A_219 : f32
      %broadcast_in_dim3A_221 = vector.broadcast %sub3A_220 : f32 to vector<8x2048xf32>
      %select_n3A_222 = arith.select %gt3A_217, %broadcast_in_dim3A_221, %select_n3A_215 : vector<8x2048xi1>, vector<8x2048xf32>
      %slice3A_223 = vector.extract_strided_slice %dot_general3A_38 {offsets = [208, 0], sizes = [8, 2048], strides = [1, 1]} : vector<512x2048xf32> to vector<8x2048xf32>
      %gt3A_224 = arith.cmpf ogt, %slice3A_223, %select_n3A_218 : vector<8x2048xf32>
      %select_n3A_225 = arith.select %gt3A_224, %slice3A_223, %select_n3A_218 : vector<8x2048xi1>, vector<8x2048xf32>
      %sub3A_226 = arith.constant 2.600000e+01 : f32
      %sub3A_227 = arith.subf %convert_element_type3A_43, %sub3A_226 : f32
      %broadcast_in_dim3A_228 = vector.broadcast %sub3A_227 : f32 to vector<8x2048xf32>
      %select_n3A_229 = arith.select %gt3A_224, %broadcast_in_dim3A_228, %select_n3A_222 : vector<8x2048xi1>, vector<8x2048xf32>
      %slice3A_230 = vector.extract_strided_slice %dot_general3A_38 {offsets = [216, 0], sizes = [8, 2048], strides = [1, 1]} : vector<512x2048xf32> to vector<8x2048xf32>
      %gt3A_231 = arith.cmpf ogt, %slice3A_230, %select_n3A_225 : vector<8x2048xf32>
      %select_n3A_232 = arith.select %gt3A_231, %slice3A_230, %select_n3A_225 : vector<8x2048xi1>, vector<8x2048xf32>
      %sub3A_233 = arith.constant 2.700000e+01 : f32
      %sub3A_234 = arith.subf %convert_element_type3A_43, %sub3A_233 : f32
      %broadcast_in_dim3A_235 = vector.broadcast %sub3A_234 : f32 to vector<8x2048xf32>
      %select_n3A_236 = arith.select %gt3A_231, %broadcast_in_dim3A_235, %select_n3A_229 : vector<8x2048xi1>, vector<8x2048xf32>
      %slice3A_237 = vector.extract_strided_slice %dot_general3A_38 {offsets = [224, 0], sizes = [8, 2048], strides = [1, 1]} : vector<512x2048xf32> to vector<8x2048xf32>
      %gt3A_238 = arith.cmpf ogt, %slice3A_237, %select_n3A_232 : vector<8x2048xf32>
      %select_n3A_239 = arith.select %gt3A_238, %slice3A_237, %select_n3A_232 : vector<8x2048xi1>, vector<8x2048xf32>
      %sub3A_240 = arith.constant 2.800000e+01 : f32
      %sub3A_241 = arith.subf %convert_element_type3A_43, %sub3A_240 : f32
      %broadcast_in_dim3A_242 = vector.broadcast %sub3A_241 : f32 to vector<8x2048xf32>
      %select_n3A_243 = arith.select %gt3A_238, %broadcast_in_dim3A_242, %select_n3A_236 : vector<8x2048xi1>, vector<8x2048xf32>
      %slice3A_244 = vector.extract_strided_slice %dot_general3A_38 {offsets = [232, 0], sizes = [8, 2048], strides = [1, 1]} : vector<512x2048xf32> to vector<8x2048xf32>
      %gt3A_245 = arith.cmpf ogt, %slice3A_244, %select_n3A_239 : vector<8x2048xf32>
      %select_n3A_246 = arith.select %gt3A_245, %slice3A_244, %select_n3A_239 : vector<8x2048xi1>, vector<8x2048xf32>
      %sub3A_247 = arith.constant 2.900000e+01 : f32
      %sub3A_248 = arith.subf %convert_element_type3A_43, %sub3A_247 : f32
      %broadcast_in_dim3A_249 = vector.broadcast %sub3A_248 : f32 to vector<8x2048xf32>
      %select_n3A_250 = arith.select %gt3A_245, %broadcast_in_dim3A_249, %select_n3A_243 : vector<8x2048xi1>, vector<8x2048xf32>
      %slice3A_251 = vector.extract_strided_slice %dot_general3A_38 {offsets = [240, 0], sizes = [8, 2048], strides = [1, 1]} : vector<512x2048xf32> to vector<8x2048xf32>
      %gt3A_252 = arith.cmpf ogt, %slice3A_251, %select_n3A_246 : vector<8x2048xf32>
      %select_n3A_253 = arith.select %gt3A_252, %slice3A_251, %select_n3A_246 : vector<8x2048xi1>, vector<8x2048xf32>
      %sub3A_254 = arith.constant 3.000000e+01 : f32
      %sub3A_255 = arith.subf %convert_element_type3A_43, %sub3A_254 : f32
      %broadcast_in_dim3A_256 = vector.broadcast %sub3A_255 : f32 to vector<8x2048xf32>
      %select_n3A_257 = arith.select %gt3A_252, %broadcast_in_dim3A_256, %select_n3A_250 : vector<8x2048xi1>, vector<8x2048xf32>
      %slice3A_258 = vector.extract_strided_slice %dot_general3A_38 {offsets = [248, 0], sizes = [8, 2048], strides = [1, 1]} : vector<512x2048xf32> to vector<8x2048xf32>
      %gt3A_259 = arith.cmpf ogt, %slice3A_258, %select_n3A_253 : vector<8x2048xf32>
      %select_n3A_260 = arith.select %gt3A_259, %slice3A_258, %select_n3A_253 : vector<8x2048xi1>, vector<8x2048xf32>
      %sub3A_261 = arith.constant 3.100000e+01 : f32
      %sub3A_262 = arith.subf %convert_element_type3A_43, %sub3A_261 : f32
      %broadcast_in_dim3A_263 = vector.broadcast %sub3A_262 : f32 to vector<8x2048xf32>
      %select_n3A_264 = arith.select %gt3A_259, %broadcast_in_dim3A_263, %select_n3A_257 : vector<8x2048xi1>, vector<8x2048xf32>
      %slice3A_265 = vector.extract_strided_slice %dot_general3A_38 {offsets = [256, 0], sizes = [8, 2048], strides = [1, 1]} : vector<512x2048xf32> to vector<8x2048xf32>
      %gt3A_266 = arith.cmpf ogt, %slice3A_265, %select_n3A_260 : vector<8x2048xf32>
      %select_n3A_267 = arith.select %gt3A_266, %slice3A_265, %select_n3A_260 : vector<8x2048xi1>, vector<8x2048xf32>
      %sub3A_268 = arith.constant 3.200000e+01 : f32
      %sub3A_269 = arith.subf %convert_element_type3A_43, %sub3A_268 : f32
      %broadcast_in_dim3A_270 = vector.broadcast %sub3A_269 : f32 to vector<8x2048xf32>
      %select_n3A_271 = arith.select %gt3A_266, %broadcast_in_dim3A_270, %select_n3A_264 : vector<8x2048xi1>, vector<8x2048xf32>
      %slice3A_272 = vector.extract_strided_slice %dot_general3A_38 {offsets = [264, 0], sizes = [8, 2048], strides = [1, 1]} : vector<512x2048xf32> to vector<8x2048xf32>
      %gt3A_273 = arith.cmpf ogt, %slice3A_272, %select_n3A_267 : vector<8x2048xf32>
      %select_n3A_274 = arith.select %gt3A_273, %slice3A_272, %select_n3A_267 : vector<8x2048xi1>, vector<8x2048xf32>
      %sub3A_275 = arith.constant 3.300000e+01 : f32
      %sub3A_276 = arith.subf %convert_element_type3A_43, %sub3A_275 : f32
      %broadcast_in_dim3A_277 = vector.broadcast %sub3A_276 : f32 to vector<8x2048xf32>
      %select_n3A_278 = arith.select %gt3A_273, %broadcast_in_dim3A_277, %select_n3A_271 : vector<8x2048xi1>, vector<8x2048xf32>
      %slice3A_279 = vector.extract_strided_slice %dot_general3A_38 {offsets = [272, 0], sizes = [8, 2048], strides = [1, 1]} : vector<512x2048xf32> to vector<8x2048xf32>
      %gt3A_280 = arith.cmpf ogt, %slice3A_279, %select_n3A_274 : vector<8x2048xf32>
      %select_n3A_281 = arith.select %gt3A_280, %slice3A_279, %select_n3A_274 : vector<8x2048xi1>, vector<8x2048xf32>
      %sub3A_282 = arith.constant 3.400000e+01 : f32
      %sub3A_283 = arith.subf %convert_element_type3A_43, %sub3A_282 : f32
      %broadcast_in_dim3A_284 = vector.broadcast %sub3A_283 : f32 to vector<8x2048xf32>
      %select_n3A_285 = arith.select %gt3A_280, %broadcast_in_dim3A_284, %select_n3A_278 : vector<8x2048xi1>, vector<8x2048xf32>
      %slice3A_286 = vector.extract_strided_slice %dot_general3A_38 {offsets = [280, 0], sizes = [8, 2048], strides = [1, 1]} : vector<512x2048xf32> to vector<8x2048xf32>
      %gt3A_287 = arith.cmpf ogt, %slice3A_286, %select_n3A_281 : vector<8x2048xf32>
      %select_n3A_288 = arith.select %gt3A_287, %slice3A_286, %select_n3A_281 : vector<8x2048xi1>, vector<8x2048xf32>
      %sub3A_289 = arith.constant 3.500000e+01 : f32
      %sub3A_290 = arith.subf %convert_element_type3A_43, %sub3A_289 : f32
      %broadcast_in_dim3A_291 = vector.broadcast %sub3A_290 : f32 to vector<8x2048xf32>
      %select_n3A_292 = arith.select %gt3A_287, %broadcast_in_dim3A_291, %select_n3A_285 : vector<8x2048xi1>, vector<8x2048xf32>
      %slice3A_293 = vector.extract_strided_slice %dot_general3A_38 {offsets = [288, 0], sizes = [8, 2048], strides = [1, 1]} : vector<512x2048xf32> to vector<8x2048xf32>
      %gt3A_294 = arith.cmpf ogt, %slice3A_293, %select_n3A_288 : vector<8x2048xf32>
      %select_n3A_295 = arith.select %gt3A_294, %slice3A_293, %select_n3A_288 : vector<8x2048xi1>, vector<8x2048xf32>
      %sub3A_296 = arith.constant 3.600000e+01 : f32
      %sub3A_297 = arith.subf %convert_element_type3A_43, %sub3A_296 : f32
      %broadcast_in_dim3A_298 = vector.broadcast %sub3A_297 : f32 to vector<8x2048xf32>
      %select_n3A_299 = arith.select %gt3A_294, %broadcast_in_dim3A_298, %select_n3A_292 : vector<8x2048xi1>, vector<8x2048xf32>
      %slice3A_300 = vector.extract_strided_slice %dot_general3A_38 {offsets = [296, 0], sizes = [8, 2048], strides = [1, 1]} : vector<512x2048xf32> to vector<8x2048xf32>
      %gt3A_301 = arith.cmpf ogt, %slice3A_300, %select_n3A_295 : vector<8x2048xf32>
      %select_n3A_302 = arith.select %gt3A_301, %slice3A_300, %select_n3A_295 : vector<8x2048xi1>, vector<8x2048xf32>
      %sub3A_303 = arith.constant 3.700000e+01 : f32
      %sub3A_304 = arith.subf %convert_element_type3A_43, %sub3A_303 : f32
      %broadcast_in_dim3A_305 = vector.broadcast %sub3A_304 : f32 to vector<8x2048xf32>
      %select_n3A_306 = arith.select %gt3A_301, %broadcast_in_dim3A_305, %select_n3A_299 : vector<8x2048xi1>, vector<8x2048xf32>
      %slice3A_307 = vector.extract_strided_slice %dot_general3A_38 {offsets = [304, 0], sizes = [8, 2048], strides = [1, 1]} : vector<512x2048xf32> to vector<8x2048xf32>
      %gt3A_308 = arith.cmpf ogt, %slice3A_307, %select_n3A_302 : vector<8x2048xf32>
      %select_n3A_309 = arith.select %gt3A_308, %slice3A_307, %select_n3A_302 : vector<8x2048xi1>, vector<8x2048xf32>
      %sub3A_310 = arith.constant 3.800000e+01 : f32
      %sub3A_311 = arith.subf %convert_element_type3A_43, %sub3A_310 : f32
      %broadcast_in_dim3A_312 = vector.broadcast %sub3A_311 : f32 to vector<8x2048xf32>
      %select_n3A_313 = arith.select %gt3A_308, %broadcast_in_dim3A_312, %select_n3A_306 : vector<8x2048xi1>, vector<8x2048xf32>
      %slice3A_314 = vector.extract_strided_slice %dot_general3A_38 {offsets = [312, 0], sizes = [8, 2048], strides = [1, 1]} : vector<512x2048xf32> to vector<8x2048xf32>
      %gt3A_315 = arith.cmpf ogt, %slice3A_314, %select_n3A_309 : vector<8x2048xf32>
      %select_n3A_316 = arith.select %gt3A_315, %slice3A_314, %select_n3A_309 : vector<8x2048xi1>, vector<8x2048xf32>
      %sub3A_317 = arith.constant 3.900000e+01 : f32
      %sub3A_318 = arith.subf %convert_element_type3A_43, %sub3A_317 : f32
      %broadcast_in_dim3A_319 = vector.broadcast %sub3A_318 : f32 to vector<8x2048xf32>
      %select_n3A_320 = arith.select %gt3A_315, %broadcast_in_dim3A_319, %select_n3A_313 : vector<8x2048xi1>, vector<8x2048xf32>
      %slice3A_321 = vector.extract_strided_slice %dot_general3A_38 {offsets = [320, 0], sizes = [8, 2048], strides = [1, 1]} : vector<512x2048xf32> to vector<8x2048xf32>
      %gt3A_322 = arith.cmpf ogt, %slice3A_321, %select_n3A_316 : vector<8x2048xf32>
      %select_n3A_323 = arith.select %gt3A_322, %slice3A_321, %select_n3A_316 : vector<8x2048xi1>, vector<8x2048xf32>
      %sub3A_324 = arith.constant 4.000000e+01 : f32
      %sub3A_325 = arith.subf %convert_element_type3A_43, %sub3A_324 : f32
      %broadcast_in_dim3A_326 = vector.broadcast %sub3A_325 : f32 to vector<8x2048xf32>
      %select_n3A_327 = arith.select %gt3A_322, %broadcast_in_dim3A_326, %select_n3A_320 : vector<8x2048xi1>, vector<8x2048xf32>
      %slice3A_328 = vector.extract_strided_slice %dot_general3A_38 {offsets = [328, 0], sizes = [8, 2048], strides = [1, 1]} : vector<512x2048xf32> to vector<8x2048xf32>
      %gt3A_329 = arith.cmpf ogt, %slice3A_328, %select_n3A_323 : vector<8x2048xf32>
      %select_n3A_330 = arith.select %gt3A_329, %slice3A_328, %select_n3A_323 : vector<8x2048xi1>, vector<8x2048xf32>
      %sub3A_331 = arith.constant 4.100000e+01 : f32
      %sub3A_332 = arith.subf %convert_element_type3A_43, %sub3A_331 : f32
      %broadcast_in_dim3A_333 = vector.broadcast %sub3A_332 : f32 to vector<8x2048xf32>
      %select_n3A_334 = arith.select %gt3A_329, %broadcast_in_dim3A_333, %select_n3A_327 : vector<8x2048xi1>, vector<8x2048xf32>
      %slice3A_335 = vector.extract_strided_slice %dot_general3A_38 {offsets = [336, 0], sizes = [8, 2048], strides = [1, 1]} : vector<512x2048xf32> to vector<8x2048xf32>
      %gt3A_336 = arith.cmpf ogt, %slice3A_335, %select_n3A_330 : vector<8x2048xf32>
      %select_n3A_337 = arith.select %gt3A_336, %slice3A_335, %select_n3A_330 : vector<8x2048xi1>, vector<8x2048xf32>
      %sub3A_338 = arith.constant 4.200000e+01 : f32
      %sub3A_339 = arith.subf %convert_element_type3A_43, %sub3A_338 : f32
      %broadcast_in_dim3A_340 = vector.broadcast %sub3A_339 : f32 to vector<8x2048xf32>
      %select_n3A_341 = arith.select %gt3A_336, %broadcast_in_dim3A_340, %select_n3A_334 : vector<8x2048xi1>, vector<8x2048xf32>
      %slice3A_342 = vector.extract_strided_slice %dot_general3A_38 {offsets = [344, 0], sizes = [8, 2048], strides = [1, 1]} : vector<512x2048xf32> to vector<8x2048xf32>
      %gt3A_343 = arith.cmpf ogt, %slice3A_342, %select_n3A_337 : vector<8x2048xf32>
      %select_n3A_344 = arith.select %gt3A_343, %slice3A_342, %select_n3A_337 : vector<8x2048xi1>, vector<8x2048xf32>
      %sub3A_345 = arith.constant 4.300000e+01 : f32
      %sub3A_346 = arith.subf %convert_element_type3A_43, %sub3A_345 : f32
      %broadcast_in_dim3A_347 = vector.broadcast %sub3A_346 : f32 to vector<8x2048xf32>
      %select_n3A_348 = arith.select %gt3A_343, %broadcast_in_dim3A_347, %select_n3A_341 : vector<8x2048xi1>, vector<8x2048xf32>
      %slice3A_349 = vector.extract_strided_slice %dot_general3A_38 {offsets = [352, 0], sizes = [8, 2048], strides = [1, 1]} : vector<512x2048xf32> to vector<8x2048xf32>
      %gt3A_350 = arith.cmpf ogt, %slice3A_349, %select_n3A_344 : vector<8x2048xf32>
      %select_n3A_351 = arith.select %gt3A_350, %slice3A_349, %select_n3A_344 : vector<8x2048xi1>, vector<8x2048xf32>
      %sub3A_352 = arith.constant 4.400000e+01 : f32
      %sub3A_353 = arith.subf %convert_element_type3A_43, %sub3A_352 : f32
      %broadcast_in_dim3A_354 = vector.broadcast %sub3A_353 : f32 to vector<8x2048xf32>
      %select_n3A_355 = arith.select %gt3A_350, %broadcast_in_dim3A_354, %select_n3A_348 : vector<8x2048xi1>, vector<8x2048xf32>
      %slice3A_356 = vector.extract_strided_slice %dot_general3A_38 {offsets = [360, 0], sizes = [8, 2048], strides = [1, 1]} : vector<512x2048xf32> to vector<8x2048xf32>
      %gt3A_357 = arith.cmpf ogt, %slice3A_356, %select_n3A_351 : vector<8x2048xf32>
      %select_n3A_358 = arith.select %gt3A_357, %slice3A_356, %select_n3A_351 : vector<8x2048xi1>, vector<8x2048xf32>
      %sub3A_359 = arith.constant 4.500000e+01 : f32
      %sub3A_360 = arith.subf %convert_element_type3A_43, %sub3A_359 : f32
      %broadcast_in_dim3A_361 = vector.broadcast %sub3A_360 : f32 to vector<8x2048xf32>
      %select_n3A_362 = arith.select %gt3A_357, %broadcast_in_dim3A_361, %select_n3A_355 : vector<8x2048xi1>, vector<8x2048xf32>
      %slice3A_363 = vector.extract_strided_slice %dot_general3A_38 {offsets = [368, 0], sizes = [8, 2048], strides = [1, 1]} : vector<512x2048xf32> to vector<8x2048xf32>
      %gt3A_364 = arith.cmpf ogt, %slice3A_363, %select_n3A_358 : vector<8x2048xf32>
      %select_n3A_365 = arith.select %gt3A_364, %slice3A_363, %select_n3A_358 : vector<8x2048xi1>, vector<8x2048xf32>
      %sub3A_366 = arith.constant 4.600000e+01 : f32
      %sub3A_367 = arith.subf %convert_element_type3A_43, %sub3A_366 : f32
      %broadcast_in_dim3A_368 = vector.broadcast %sub3A_367 : f32 to vector<8x2048xf32>
      %select_n3A_369 = arith.select %gt3A_364, %broadcast_in_dim3A_368, %select_n3A_362 : vector<8x2048xi1>, vector<8x2048xf32>
      %slice3A_370 = vector.extract_strided_slice %dot_general3A_38 {offsets = [376, 0], sizes = [8, 2048], strides = [1, 1]} : vector<512x2048xf32> to vector<8x2048xf32>
      %gt3A_371 = arith.cmpf ogt, %slice3A_370, %select_n3A_365 : vector<8x2048xf32>
      %select_n3A_372 = arith.select %gt3A_371, %slice3A_370, %select_n3A_365 : vector<8x2048xi1>, vector<8x2048xf32>
      %sub3A_373 = arith.constant 4.700000e+01 : f32
      %sub3A_374 = arith.subf %convert_element_type3A_43, %sub3A_373 : f32
      %broadcast_in_dim3A_375 = vector.broadcast %sub3A_374 : f32 to vector<8x2048xf32>
      %select_n3A_376 = arith.select %gt3A_371, %broadcast_in_dim3A_375, %select_n3A_369 : vector<8x2048xi1>, vector<8x2048xf32>
      %slice3A_377 = vector.extract_strided_slice %dot_general3A_38 {offsets = [384, 0], sizes = [8, 2048], strides = [1, 1]} : vector<512x2048xf32> to vector<8x2048xf32>
      %gt3A_378 = arith.cmpf ogt, %slice3A_377, %select_n3A_372 : vector<8x2048xf32>
      %select_n3A_379 = arith.select %gt3A_378, %slice3A_377, %select_n3A_372 : vector<8x2048xi1>, vector<8x2048xf32>
      %sub3A_380 = arith.constant 4.800000e+01 : f32
      %sub3A_381 = arith.subf %convert_element_type3A_43, %sub3A_380 : f32
      %broadcast_in_dim3A_382 = vector.broadcast %sub3A_381 : f32 to vector<8x2048xf32>
      %select_n3A_383 = arith.select %gt3A_378, %broadcast_in_dim3A_382, %select_n3A_376 : vector<8x2048xi1>, vector<8x2048xf32>
      %slice3A_384 = vector.extract_strided_slice %dot_general3A_38 {offsets = [392, 0], sizes = [8, 2048], strides = [1, 1]} : vector<512x2048xf32> to vector<8x2048xf32>
      %gt3A_385 = arith.cmpf ogt, %slice3A_384, %select_n3A_379 : vector<8x2048xf32>
      %select_n3A_386 = arith.select %gt3A_385, %slice3A_384, %select_n3A_379 : vector<8x2048xi1>, vector<8x2048xf32>
      %sub3A_387 = arith.constant 4.900000e+01 : f32
      %sub3A_388 = arith.subf %convert_element_type3A_43, %sub3A_387 : f32
      %broadcast_in_dim3A_389 = vector.broadcast %sub3A_388 : f32 to vector<8x2048xf32>
      %select_n3A_390 = arith.select %gt3A_385, %broadcast_in_dim3A_389, %select_n3A_383 : vector<8x2048xi1>, vector<8x2048xf32>
      %slice3A_391 = vector.extract_strided_slice %dot_general3A_38 {offsets = [400, 0], sizes = [8, 2048], strides = [1, 1]} : vector<512x2048xf32> to vector<8x2048xf32>
      %gt3A_392 = arith.cmpf ogt, %slice3A_391, %select_n3A_386 : vector<8x2048xf32>
      %select_n3A_393 = arith.select %gt3A_392, %slice3A_391, %select_n3A_386 : vector<8x2048xi1>, vector<8x2048xf32>
      %sub3A_394 = arith.constant 5.000000e+01 : f32
      %sub3A_395 = arith.subf %convert_element_type3A_43, %sub3A_394 : f32
      %broadcast_in_dim3A_396 = vector.broadcast %sub3A_395 : f32 to vector<8x2048xf32>
      %select_n3A_397 = arith.select %gt3A_392, %broadcast_in_dim3A_396, %select_n3A_390 : vector<8x2048xi1>, vector<8x2048xf32>
      %slice3A_398 = vector.extract_strided_slice %dot_general3A_38 {offsets = [408, 0], sizes = [8, 2048], strides = [1, 1]} : vector<512x2048xf32> to vector<8x2048xf32>
      %gt3A_399 = arith.cmpf ogt, %slice3A_398, %select_n3A_393 : vector<8x2048xf32>
      %select_n3A_400 = arith.select %gt3A_399, %slice3A_398, %select_n3A_393 : vector<8x2048xi1>, vector<8x2048xf32>
      %sub3A_401 = arith.constant 5.100000e+01 : f32
      %sub3A_402 = arith.subf %convert_element_type3A_43, %sub3A_401 : f32
      %broadcast_in_dim3A_403 = vector.broadcast %sub3A_402 : f32 to vector<8x2048xf32>
      %select_n3A_404 = arith.select %gt3A_399, %broadcast_in_dim3A_403, %select_n3A_397 : vector<8x2048xi1>, vector<8x2048xf32>
      %slice3A_405 = vector.extract_strided_slice %dot_general3A_38 {offsets = [416, 0], sizes = [8, 2048], strides = [1, 1]} : vector<512x2048xf32> to vector<8x2048xf32>
      %gt3A_406 = arith.cmpf ogt, %slice3A_405, %select_n3A_400 : vector<8x2048xf32>
      %select_n3A_407 = arith.select %gt3A_406, %slice3A_405, %select_n3A_400 : vector<8x2048xi1>, vector<8x2048xf32>
      %sub3A_408 = arith.constant 5.200000e+01 : f32
      %sub3A_409 = arith.subf %convert_element_type3A_43, %sub3A_408 : f32
      %broadcast_in_dim3A_410 = vector.broadcast %sub3A_409 : f32 to vector<8x2048xf32>
      %select_n3A_411 = arith.select %gt3A_406, %broadcast_in_dim3A_410, %select_n3A_404 : vector<8x2048xi1>, vector<8x2048xf32>
      %slice3A_412 = vector.extract_strided_slice %dot_general3A_38 {offsets = [424, 0], sizes = [8, 2048], strides = [1, 1]} : vector<512x2048xf32> to vector<8x2048xf32>
      %gt3A_413 = arith.cmpf ogt, %slice3A_412, %select_n3A_407 : vector<8x2048xf32>
      %select_n3A_414 = arith.select %gt3A_413, %slice3A_412, %select_n3A_407 : vector<8x2048xi1>, vector<8x2048xf32>
      %sub3A_415 = arith.constant 5.300000e+01 : f32
      %sub3A_416 = arith.subf %convert_element_type3A_43, %sub3A_415 : f32
      %broadcast_in_dim3A_417 = vector.broadcast %sub3A_416 : f32 to vector<8x2048xf32>
      %select_n3A_418 = arith.select %gt3A_413, %broadcast_in_dim3A_417, %select_n3A_411 : vector<8x2048xi1>, vector<8x2048xf32>
      %slice3A_419 = vector.extract_strided_slice %dot_general3A_38 {offsets = [432, 0], sizes = [8, 2048], strides = [1, 1]} : vector<512x2048xf32> to vector<8x2048xf32>
      %gt3A_420 = arith.cmpf ogt, %slice3A_419, %select_n3A_414 : vector<8x2048xf32>
      %select_n3A_421 = arith.select %gt3A_420, %slice3A_419, %select_n3A_414 : vector<8x2048xi1>, vector<8x2048xf32>
      %sub3A_422 = arith.constant 5.400000e+01 : f32
      %sub3A_423 = arith.subf %convert_element_type3A_43, %sub3A_422 : f32
      %broadcast_in_dim3A_424 = vector.broadcast %sub3A_423 : f32 to vector<8x2048xf32>
      %select_n3A_425 = arith.select %gt3A_420, %broadcast_in_dim3A_424, %select_n3A_418 : vector<8x2048xi1>, vector<8x2048xf32>
      %slice3A_426 = vector.extract_strided_slice %dot_general3A_38 {offsets = [440, 0], sizes = [8, 2048], strides = [1, 1]} : vector<512x2048xf32> to vector<8x2048xf32>
      %gt3A_427 = arith.cmpf ogt, %slice3A_426, %select_n3A_421 : vector<8x2048xf32>
      %select_n3A_428 = arith.select %gt3A_427, %slice3A_426, %select_n3A_421 : vector<8x2048xi1>, vector<8x2048xf32>
      %sub3A_429 = arith.constant 5.500000e+01 : f32
      %sub3A_430 = arith.subf %convert_element_type3A_43, %sub3A_429 : f32
      %broadcast_in_dim3A_431 = vector.broadcast %sub3A_430 : f32 to vector<8x2048xf32>
      %select_n3A_432 = arith.select %gt3A_427, %broadcast_in_dim3A_431, %select_n3A_425 : vector<8x2048xi1>, vector<8x2048xf32>
      %slice3A_433 = vector.extract_strided_slice %dot_general3A_38 {offsets = [448, 0], sizes = [8, 2048], strides = [1, 1]} : vector<512x2048xf32> to vector<8x2048xf32>
      %gt3A_434 = arith.cmpf ogt, %slice3A_433, %select_n3A_428 : vector<8x2048xf32>
      %select_n3A_435 = arith.select %gt3A_434, %slice3A_433, %select_n3A_428 : vector<8x2048xi1>, vector<8x2048xf32>
      %sub3A_436 = arith.constant 5.600000e+01 : f32
      %sub3A_437 = arith.subf %convert_element_type3A_43, %sub3A_436 : f32
      %broadcast_in_dim3A_438 = vector.broadcast %sub3A_437 : f32 to vector<8x2048xf32>
      %select_n3A_439 = arith.select %gt3A_434, %broadcast_in_dim3A_438, %select_n3A_432 : vector<8x2048xi1>, vector<8x2048xf32>
      %slice3A_440 = vector.extract_strided_slice %dot_general3A_38 {offsets = [456, 0], sizes = [8, 2048], strides = [1, 1]} : vector<512x2048xf32> to vector<8x2048xf32>
      %gt3A_441 = arith.cmpf ogt, %slice3A_440, %select_n3A_435 : vector<8x2048xf32>
      %select_n3A_442 = arith.select %gt3A_441, %slice3A_440, %select_n3A_435 : vector<8x2048xi1>, vector<8x2048xf32>
      %sub3A_443 = arith.constant 5.700000e+01 : f32
      %sub3A_444 = arith.subf %convert_element_type3A_43, %sub3A_443 : f32
      %broadcast_in_dim3A_445 = vector.broadcast %sub3A_444 : f32 to vector<8x2048xf32>
      %select_n3A_446 = arith.select %gt3A_441, %broadcast_in_dim3A_445, %select_n3A_439 : vector<8x2048xi1>, vector<8x2048xf32>
      %slice3A_447 = vector.extract_strided_slice %dot_general3A_38 {offsets = [464, 0], sizes = [8, 2048], strides = [1, 1]} : vector<512x2048xf32> to vector<8x2048xf32>
      %gt3A_448 = arith.cmpf ogt, %slice3A_447, %select_n3A_442 : vector<8x2048xf32>
      %select_n3A_449 = arith.select %gt3A_448, %slice3A_447, %select_n3A_442 : vector<8x2048xi1>, vector<8x2048xf32>
      %sub3A_450 = arith.constant 5.800000e+01 : f32
      %sub3A_451 = arith.subf %convert_element_type3A_43, %sub3A_450 : f32
      %broadcast_in_dim3A_452 = vector.broadcast %sub3A_451 : f32 to vector<8x2048xf32>
      %select_n3A_453 = arith.select %gt3A_448, %broadcast_in_dim3A_452, %select_n3A_446 : vector<8x2048xi1>, vector<8x2048xf32>
      %slice3A_454 = vector.extract_strided_slice %dot_general3A_38 {offsets = [472, 0], sizes = [8, 2048], strides = [1, 1]} : vector<512x2048xf32> to vector<8x2048xf32>
      %gt3A_455 = arith.cmpf ogt, %slice3A_454, %select_n3A_449 : vector<8x2048xf32>
      %select_n3A_456 = arith.select %gt3A_455, %slice3A_454, %select_n3A_449 : vector<8x2048xi1>, vector<8x2048xf32>
      %sub3A_457 = arith.constant 5.900000e+01 : f32
      %sub3A_458 = arith.subf %convert_element_type3A_43, %sub3A_457 : f32
      %broadcast_in_dim3A_459 = vector.broadcast %sub3A_458 : f32 to vector<8x2048xf32>
      %select_n3A_460 = arith.select %gt3A_455, %broadcast_in_dim3A_459, %select_n3A_453 : vector<8x2048xi1>, vector<8x2048xf32>
      %slice3A_461 = vector.extract_strided_slice %dot_general3A_38 {offsets = [480, 0], sizes = [8, 2048], strides = [1, 1]} : vector<512x2048xf32> to vector<8x2048xf32>
      %gt3A_462 = arith.cmpf ogt, %slice3A_461, %select_n3A_456 : vector<8x2048xf32>
      %select_n3A_463 = arith.select %gt3A_462, %slice3A_461, %select_n3A_456 : vector<8x2048xi1>, vector<8x2048xf32>
      %sub3A_464 = arith.constant 6.000000e+01 : f32
      %sub3A_465 = arith.subf %convert_element_type3A_43, %sub3A_464 : f32
      %broadcast_in_dim3A_466 = vector.broadcast %sub3A_465 : f32 to vector<8x2048xf32>
      %select_n3A_467 = arith.select %gt3A_462, %broadcast_in_dim3A_466, %select_n3A_460 : vector<8x2048xi1>, vector<8x2048xf32>
      %slice3A_468 = vector.extract_strided_slice %dot_general3A_38 {offsets = [488, 0], sizes = [8, 2048], strides = [1, 1]} : vector<512x2048xf32> to vector<8x2048xf32>
      %gt3A_469 = arith.cmpf ogt, %slice3A_468, %select_n3A_463 : vector<8x2048xf32>
      %select_n3A_470 = arith.select %gt3A_469, %slice3A_468, %select_n3A_463 : vector<8x2048xi1>, vector<8x2048xf32>
      %sub3A_471 = arith.constant 6.100000e+01 : f32
      %sub3A_472 = arith.subf %convert_element_type3A_43, %sub3A_471 : f32
      %broadcast_in_dim3A_473 = vector.broadcast %sub3A_472 : f32 to vector<8x2048xf32>
      %select_n3A_474 = arith.select %gt3A_469, %broadcast_in_dim3A_473, %select_n3A_467 : vector<8x2048xi1>, vector<8x2048xf32>
      %slice3A_475 = vector.extract_strided_slice %dot_general3A_38 {offsets = [496, 0], sizes = [8, 2048], strides = [1, 1]} : vector<512x2048xf32> to vector<8x2048xf32>
      %gt3A_476 = arith.cmpf ogt, %slice3A_475, %select_n3A_470 : vector<8x2048xf32>
      %select_n3A_477 = arith.select %gt3A_476, %slice3A_475, %select_n3A_470 : vector<8x2048xi1>, vector<8x2048xf32>
      %sub3A_478 = arith.constant 6.200000e+01 : f32
      %sub3A_479 = arith.subf %convert_element_type3A_43, %sub3A_478 : f32
      %broadcast_in_dim3A_480 = vector.broadcast %sub3A_479 : f32 to vector<8x2048xf32>
      %select_n3A_481 = arith.select %gt3A_476, %broadcast_in_dim3A_480, %select_n3A_474 : vector<8x2048xi1>, vector<8x2048xf32>
      %slice3A_482 = vector.extract_strided_slice %dot_general3A_38 {offsets = [504, 0], sizes = [8, 2048], strides = [1, 1]} : vector<512x2048xf32> to vector<8x2048xf32>
      %gt3A_483 = arith.cmpf ogt, %slice3A_482, %select_n3A_477 : vector<8x2048xf32>
      %select_n3A_484 = arith.select %gt3A_483, %slice3A_482, %select_n3A_477 : vector<8x2048xi1>, vector<8x2048xf32>
      %sub3A_485 = arith.constant 6.300000e+01 : f32
      %sub3A_486 = arith.subf %convert_element_type3A_43, %sub3A_485 : f32
      %broadcast_in_dim3A_487 = vector.broadcast %sub3A_486 : f32 to vector<8x2048xf32>
      %select_n3A_488 = arith.select %gt3A_483, %broadcast_in_dim3A_487, %select_n3A_481 : vector<8x2048xi1>, vector<8x2048xf32>
      %scan3A_489 = arith.constant 1 : i32
      %scan3A_490 = arith.addi %scan3A_30, %scan3A_489 : i32
      %mul3A_491 = arith.constant 512 : i32
      %mul3A_492 = arith.muli %scan3A_490, %mul3A_491 : i32
      %get3A_493 = arith.index_cast %mul3A_492 : i32 to index
      %get3A_494 = arith.constant 0 : index
      %get3A_495 = vector.load %arg1[%get3A_493, %get3A_494] : memref<8192x32xf32, #tpu.memory_space<vmem>>, vector<512x32xf32>
      %dot_general3A_496 = arith.constant dense<0.000000e+00> : vector<512x2048xf32>
      %dot_general3A_497 = tpu.matmul %get3A_495, %get3A_1, %dot_general3A_496 {dimension_numbers = #tpu.dot_dimension_numbers<[1], [0], [0], [1], [0, 0, 1, 1], [], []>, transpose_lhs_hint = false} : vector<512x32xf32>, vector<32x2048xf32>, vector<512x2048xf32> -> vector<512x2048xf32>
      %mul3A_498 = arith.constant 64 : i32
      %mul3A_499 = arith.muli %scan3A_490, %mul3A_498 : i32
      %neg3A_500 = arith.constant 0 : i32
      %neg3A_501 = arith.subi %neg3A_500, %mul3A_499 : i32
      %convert_element_type3A_502 = arith.sitofp %neg3A_501 : i32 to f32
      %slice3A_503 = vector.extract_strided_slice %dot_general3A_497 {offsets = [0, 0], sizes = [8, 2048], strides = [1, 1]} : vector<512x2048xf32> to vector<8x2048xf32>
      %gt3A_504 = arith.cmpf ogt, %slice3A_503, %select_n3A_484 : vector<8x2048xf32>
      %select_n3A_505 = arith.select %gt3A_504, %slice3A_503, %select_n3A_484 : vector<8x2048xi1>, vector<8x2048xf32>
      %sub3A_506 = arith.constant 0.000000e+00 : f32
      %sub3A_507 = arith.subf %convert_element_type3A_502, %sub3A_506 : f32
      %broadcast_in_dim3A_508 = vector.broadcast %sub3A_507 : f32 to vector<8x2048xf32>
      %select_n3A_509 = arith.select %gt3A_504, %broadcast_in_dim3A_508, %select_n3A_488 : vector<8x2048xi1>, vector<8x2048xf32>
      %slice3A_510 = vector.extract_strided_slice %dot_general3A_497 {offsets = [8, 0], sizes = [8, 2048], strides = [1, 1]} : vector<512x2048xf32> to vector<8x2048xf32>
      %gt3A_511 = arith.cmpf ogt, %slice3A_510, %select_n3A_505 : vector<8x2048xf32>
      %select_n3A_512 = arith.select %gt3A_511, %slice3A_510, %select_n3A_505 : vector<8x2048xi1>, vector<8x2048xf32>
      %sub3A_513 = arith.constant 1.000000e+00 : f32
      %sub3A_514 = arith.subf %convert_element_type3A_502, %sub3A_513 : f32
      %broadcast_in_dim3A_515 = vector.broadcast %sub3A_514 : f32 to vector<8x2048xf32>
      %select_n3A_516 = arith.select %gt3A_511, %broadcast_in_dim3A_515, %select_n3A_509 : vector<8x2048xi1>, vector<8x2048xf32>
      %slice3A_517 = vector.extract_strided_slice %dot_general3A_497 {offsets = [16, 0], sizes = [8, 2048], strides = [1, 1]} : vector<512x2048xf32> to vector<8x2048xf32>
      %gt3A_518 = arith.cmpf ogt, %slice3A_517, %select_n3A_512 : vector<8x2048xf32>
      %select_n3A_519 = arith.select %gt3A_518, %slice3A_517, %select_n3A_512 : vector<8x2048xi1>, vector<8x2048xf32>
      %sub3A_520 = arith.constant 2.000000e+00 : f32
      %sub3A_521 = arith.subf %convert_element_type3A_502, %sub3A_520 : f32
      %broadcast_in_dim3A_522 = vector.broadcast %sub3A_521 : f32 to vector<8x2048xf32>
      %select_n3A_523 = arith.select %gt3A_518, %broadcast_in_dim3A_522, %select_n3A_516 : vector<8x2048xi1>, vector<8x2048xf32>
      %slice3A_524 = vector.extract_strided_slice %dot_general3A_497 {offsets = [24, 0], sizes = [8, 2048], strides = [1, 1]} : vector<512x2048xf32> to vector<8x2048xf32>
      %gt3A_525 = arith.cmpf ogt, %slice3A_524, %select_n3A_519 : vector<8x2048xf32>
      %select_n3A_526 = arith.select %gt3A_525, %slice3A_524, %select_n3A_519 : vector<8x2048xi1>, vector<8x2048xf32>
      %sub3A_527 = arith.constant 3.000000e+00 : f32
      %sub3A_528 = arith.subf %convert_element_type3A_502, %sub3A_527 : f32
      %broadcast_in_dim3A_529 = vector.broadcast %sub3A_528 : f32 to vector<8x2048xf32>
      %select_n3A_530 = arith.select %gt3A_525, %broadcast_in_dim3A_529, %select_n3A_523 : vector<8x2048xi1>, vector<8x2048xf32>
      %slice3A_531 = vector.extract_strided_slice %dot_general3A_497 {offsets = [32, 0], sizes = [8, 2048], strides = [1, 1]} : vector<512x2048xf32> to vector<8x2048xf32>
      %gt3A_532 = arith.cmpf ogt, %slice3A_531, %select_n3A_526 : vector<8x2048xf32>
      %select_n3A_533 = arith.select %gt3A_532, %slice3A_531, %select_n3A_526 : vector<8x2048xi1>, vector<8x2048xf32>
      %sub3A_534 = arith.constant 4.000000e+00 : f32
      %sub3A_535 = arith.subf %convert_element_type3A_502, %sub3A_534 : f32
      %broadcast_in_dim3A_536 = vector.broadcast %sub3A_535 : f32 to vector<8x2048xf32>
      %select_n3A_537 = arith.select %gt3A_532, %broadcast_in_dim3A_536, %select_n3A_530 : vector<8x2048xi1>, vector<8x2048xf32>
      %slice3A_538 = vector.extract_strided_slice %dot_general3A_497 {offsets = [40, 0], sizes = [8, 2048], strides = [1, 1]} : vector<512x2048xf32> to vector<8x2048xf32>
      %gt3A_539 = arith.cmpf ogt, %slice3A_538, %select_n3A_533 : vector<8x2048xf32>
      %select_n3A_540 = arith.select %gt3A_539, %slice3A_538, %select_n3A_533 : vector<8x2048xi1>, vector<8x2048xf32>
      %sub3A_541 = arith.constant 5.000000e+00 : f32
      %sub3A_542 = arith.subf %convert_element_type3A_502, %sub3A_541 : f32
      %broadcast_in_dim3A_543 = vector.broadcast %sub3A_542 : f32 to vector<8x2048xf32>
      %select_n3A_544 = arith.select %gt3A_539, %broadcast_in_dim3A_543, %select_n3A_537 : vector<8x2048xi1>, vector<8x2048xf32>
      %slice3A_545 = vector.extract_strided_slice %dot_general3A_497 {offsets = [48, 0], sizes = [8, 2048], strides = [1, 1]} : vector<512x2048xf32> to vector<8x2048xf32>
      %gt3A_546 = arith.cmpf ogt, %slice3A_545, %select_n3A_540 : vector<8x2048xf32>
      %select_n3A_547 = arith.select %gt3A_546, %slice3A_545, %select_n3A_540 : vector<8x2048xi1>, vector<8x2048xf32>
      %sub3A_548 = arith.constant 6.000000e+00 : f32
      %sub3A_549 = arith.subf %convert_element_type3A_502, %sub3A_548 : f32
      %broadcast_in_dim3A_550 = vector.broadcast %sub3A_549 : f32 to vector<8x2048xf32>
      %select_n3A_551 = arith.select %gt3A_546, %broadcast_in_dim3A_550, %select_n3A_544 : vector<8x2048xi1>, vector<8x2048xf32>
      %slice3A_552 = vector.extract_strided_slice %dot_general3A_497 {offsets = [56, 0], sizes = [8, 2048], strides = [1, 1]} : vector<512x2048xf32> to vector<8x2048xf32>
      %gt3A_553 = arith.cmpf ogt, %slice3A_552, %select_n3A_547 : vector<8x2048xf32>
      %select_n3A_554 = arith.select %gt3A_553, %slice3A_552, %select_n3A_547 : vector<8x2048xi1>, vector<8x2048xf32>
      %sub3A_555 = arith.constant 7.000000e+00 : f32
      %sub3A_556 = arith.subf %convert_element_type3A_502, %sub3A_555 : f32
      %broadcast_in_dim3A_557 = vector.broadcast %sub3A_556 : f32 to vector<8x2048xf32>
      %select_n3A_558 = arith.select %gt3A_553, %broadcast_in_dim3A_557, %select_n3A_551 : vector<8x2048xi1>, vector<8x2048xf32>
      %slice3A_559 = vector.extract_strided_slice %dot_general3A_497 {offsets = [64, 0], sizes = [8, 2048], strides = [1, 1]} : vector<512x2048xf32> to vector<8x2048xf32>
      %gt3A_560 = arith.cmpf ogt, %slice3A_559, %select_n3A_554 : vector<8x2048xf32>
      %select_n3A_561 = arith.select %gt3A_560, %slice3A_559, %select_n3A_554 : vector<8x2048xi1>, vector<8x2048xf32>
      %sub3A_562 = arith.constant 8.000000e+00 : f32
      %sub3A_563 = arith.subf %convert_element_type3A_502, %sub3A_562 : f32
      %broadcast_in_dim3A_564 = vector.broadcast %sub3A_563 : f32 to vector<8x2048xf32>
      %select_n3A_565 = arith.select %gt3A_560, %broadcast_in_dim3A_564, %select_n3A_558 : vector<8x2048xi1>, vector<8x2048xf32>
      %slice3A_566 = vector.extract_strided_slice %dot_general3A_497 {offsets = [72, 0], sizes = [8, 2048], strides = [1, 1]} : vector<512x2048xf32> to vector<8x2048xf32>
      %gt3A_567 = arith.cmpf ogt, %slice3A_566, %select_n3A_561 : vector<8x2048xf32>
      %select_n3A_568 = arith.select %gt3A_567, %slice3A_566, %select_n3A_561 : vector<8x2048xi1>, vector<8x2048xf32>
      %sub3A_569 = arith.constant 9.000000e+00 : f32
      %sub3A_570 = arith.subf %convert_element_type3A_502, %sub3A_569 : f32
      %broadcast_in_dim3A_571 = vector.broadcast %sub3A_570 : f32 to vector<8x2048xf32>
      %select_n3A_572 = arith.select %gt3A_567, %broadcast_in_dim3A_571, %select_n3A_565 : vector<8x2048xi1>, vector<8x2048xf32>
      %slice3A_573 = vector.extract_strided_slice %dot_general3A_497 {offsets = [80, 0], sizes = [8, 2048], strides = [1, 1]} : vector<512x2048xf32> to vector<8x2048xf32>
      %gt3A_574 = arith.cmpf ogt, %slice3A_573, %select_n3A_568 : vector<8x2048xf32>
      %select_n3A_575 = arith.select %gt3A_574, %slice3A_573, %select_n3A_568 : vector<8x2048xi1>, vector<8x2048xf32>
      %sub3A_576 = arith.constant 1.000000e+01 : f32
      %sub3A_577 = arith.subf %convert_element_type3A_502, %sub3A_576 : f32
      %broadcast_in_dim3A_578 = vector.broadcast %sub3A_577 : f32 to vector<8x2048xf32>
      %select_n3A_579 = arith.select %gt3A_574, %broadcast_in_dim3A_578, %select_n3A_572 : vector<8x2048xi1>, vector<8x2048xf32>
      %slice3A_580 = vector.extract_strided_slice %dot_general3A_497 {offsets = [88, 0], sizes = [8, 2048], strides = [1, 1]} : vector<512x2048xf32> to vector<8x2048xf32>
      %gt3A_581 = arith.cmpf ogt, %slice3A_580, %select_n3A_575 : vector<8x2048xf32>
      %select_n3A_582 = arith.select %gt3A_581, %slice3A_580, %select_n3A_575 : vector<8x2048xi1>, vector<8x2048xf32>
      %sub3A_583 = arith.constant 1.100000e+01 : f32
      %sub3A_584 = arith.subf %convert_element_type3A_502, %sub3A_583 : f32
      %broadcast_in_dim3A_585 = vector.broadcast %sub3A_584 : f32 to vector<8x2048xf32>
      %select_n3A_586 = arith.select %gt3A_581, %broadcast_in_dim3A_585, %select_n3A_579 : vector<8x2048xi1>, vector<8x2048xf32>
      %slice3A_587 = vector.extract_strided_slice %dot_general3A_497 {offsets = [96, 0], sizes = [8, 2048], strides = [1, 1]} : vector<512x2048xf32> to vector<8x2048xf32>
      %gt3A_588 = arith.cmpf ogt, %slice3A_587, %select_n3A_582 : vector<8x2048xf32>
      %select_n3A_589 = arith.select %gt3A_588, %slice3A_587, %select_n3A_582 : vector<8x2048xi1>, vector<8x2048xf32>
      %sub3A_590 = arith.constant 1.200000e+01 : f32
      %sub3A_591 = arith.subf %convert_element_type3A_502, %sub3A_590 : f32
      %broadcast_in_dim3A_592 = vector.broadcast %sub3A_591 : f32 to vector<8x2048xf32>
      %select_n3A_593 = arith.select %gt3A_588, %broadcast_in_dim3A_592, %select_n3A_586 : vector<8x2048xi1>, vector<8x2048xf32>
      %slice3A_594 = vector.extract_strided_slice %dot_general3A_497 {offsets = [104, 0], sizes = [8, 2048], strides = [1, 1]} : vector<512x2048xf32> to vector<8x2048xf32>
      %gt3A_595 = arith.cmpf ogt, %slice3A_594, %select_n3A_589 : vector<8x2048xf32>
      %select_n3A_596 = arith.select %gt3A_595, %slice3A_594, %select_n3A_589 : vector<8x2048xi1>, vector<8x2048xf32>
      %sub3A_597 = arith.constant 1.300000e+01 : f32
      %sub3A_598 = arith.subf %convert_element_type3A_502, %sub3A_597 : f32
      %broadcast_in_dim3A_599 = vector.broadcast %sub3A_598 : f32 to vector<8x2048xf32>
      %select_n3A_600 = arith.select %gt3A_595, %broadcast_in_dim3A_599, %select_n3A_593 : vector<8x2048xi1>, vector<8x2048xf32>
      %slice3A_601 = vector.extract_strided_slice %dot_general3A_497 {offsets = [112, 0], sizes = [8, 2048], strides = [1, 1]} : vector<512x2048xf32> to vector<8x2048xf32>
      %gt3A_602 = arith.cmpf ogt, %slice3A_601, %select_n3A_596 : vector<8x2048xf32>
      %select_n3A_603 = arith.select %gt3A_602, %slice3A_601, %select_n3A_596 : vector<8x2048xi1>, vector<8x2048xf32>
      %sub3A_604 = arith.constant 1.400000e+01 : f32
      %sub3A_605 = arith.subf %convert_element_type3A_502, %sub3A_604 : f32
      %broadcast_in_dim3A_606 = vector.broadcast %sub3A_605 : f32 to vector<8x2048xf32>
      %select_n3A_607 = arith.select %gt3A_602, %broadcast_in_dim3A_606, %select_n3A_600 : vector<8x2048xi1>, vector<8x2048xf32>
      %slice3A_608 = vector.extract_strided_slice %dot_general3A_497 {offsets = [120, 0], sizes = [8, 2048], strides = [1, 1]} : vector<512x2048xf32> to vector<8x2048xf32>
      %gt3A_609 = arith.cmpf ogt, %slice3A_608, %select_n3A_603 : vector<8x2048xf32>
      %select_n3A_610 = arith.select %gt3A_609, %slice3A_608, %select_n3A_603 : vector<8x2048xi1>, vector<8x2048xf32>
      %sub3A_611 = arith.constant 1.500000e+01 : f32
      %sub3A_612 = arith.subf %convert_element_type3A_502, %sub3A_611 : f32
      %broadcast_in_dim3A_613 = vector.broadcast %sub3A_612 : f32 to vector<8x2048xf32>
      %select_n3A_614 = arith.select %gt3A_609, %broadcast_in_dim3A_613, %select_n3A_607 : vector<8x2048xi1>, vector<8x2048xf32>
      %slice3A_615 = vector.extract_strided_slice %dot_general3A_497 {offsets = [128, 0], sizes = [8, 2048], strides = [1, 1]} : vector<512x2048xf32> to vector<8x2048xf32>
      %gt3A_616 = arith.cmpf ogt, %slice3A_615, %select_n3A_610 : vector<8x2048xf32>
      %select_n3A_617 = arith.select %gt3A_616, %slice3A_615, %select_n3A_610 : vector<8x2048xi1>, vector<8x2048xf32>
      %sub3A_618 = arith.constant 1.600000e+01 : f32
      %sub3A_619 = arith.subf %convert_element_type3A_502, %sub3A_618 : f32
      %broadcast_in_dim3A_620 = vector.broadcast %sub3A_619 : f32 to vector<8x2048xf32>
      %select_n3A_621 = arith.select %gt3A_616, %broadcast_in_dim3A_620, %select_n3A_614 : vector<8x2048xi1>, vector<8x2048xf32>
      %slice3A_622 = vector.extract_strided_slice %dot_general3A_497 {offsets = [136, 0], sizes = [8, 2048], strides = [1, 1]} : vector<512x2048xf32> to vector<8x2048xf32>
      %gt3A_623 = arith.cmpf ogt, %slice3A_622, %select_n3A_617 : vector<8x2048xf32>
      %select_n3A_624 = arith.select %gt3A_623, %slice3A_622, %select_n3A_617 : vector<8x2048xi1>, vector<8x2048xf32>
      %sub3A_625 = arith.constant 1.700000e+01 : f32
      %sub3A_626 = arith.subf %convert_element_type3A_502, %sub3A_625 : f32
      %broadcast_in_dim3A_627 = vector.broadcast %sub3A_626 : f32 to vector<8x2048xf32>
      %select_n3A_628 = arith.select %gt3A_623, %broadcast_in_dim3A_627, %select_n3A_621 : vector<8x2048xi1>, vector<8x2048xf32>
      %slice3A_629 = vector.extract_strided_slice %dot_general3A_497 {offsets = [144, 0], sizes = [8, 2048], strides = [1, 1]} : vector<512x2048xf32> to vector<8x2048xf32>
      %gt3A_630 = arith.cmpf ogt, %slice3A_629, %select_n3A_624 : vector<8x2048xf32>
      %select_n3A_631 = arith.select %gt3A_630, %slice3A_629, %select_n3A_624 : vector<8x2048xi1>, vector<8x2048xf32>
      %sub3A_632 = arith.constant 1.800000e+01 : f32
      %sub3A_633 = arith.subf %convert_element_type3A_502, %sub3A_632 : f32
      %broadcast_in_dim3A_634 = vector.broadcast %sub3A_633 : f32 to vector<8x2048xf32>
      %select_n3A_635 = arith.select %gt3A_630, %broadcast_in_dim3A_634, %select_n3A_628 : vector<8x2048xi1>, vector<8x2048xf32>
      %slice3A_636 = vector.extract_strided_slice %dot_general3A_497 {offsets = [152, 0], sizes = [8, 2048], strides = [1, 1]} : vector<512x2048xf32> to vector<8x2048xf32>
      %gt3A_637 = arith.cmpf ogt, %slice3A_636, %select_n3A_631 : vector<8x2048xf32>
      %select_n3A_638 = arith.select %gt3A_637, %slice3A_636, %select_n3A_631 : vector<8x2048xi1>, vector<8x2048xf32>
      %sub3A_639 = arith.constant 1.900000e+01 : f32
      %sub3A_640 = arith.subf %convert_element_type3A_502, %sub3A_639 : f32
      %broadcast_in_dim3A_641 = vector.broadcast %sub3A_640 : f32 to vector<8x2048xf32>
      %select_n3A_642 = arith.select %gt3A_637, %broadcast_in_dim3A_641, %select_n3A_635 : vector<8x2048xi1>, vector<8x2048xf32>
      %slice3A_643 = vector.extract_strided_slice %dot_general3A_497 {offsets = [160, 0], sizes = [8, 2048], strides = [1, 1]} : vector<512x2048xf32> to vector<8x2048xf32>
      %gt3A_644 = arith.cmpf ogt, %slice3A_643, %select_n3A_638 : vector<8x2048xf32>
      %select_n3A_645 = arith.select %gt3A_644, %slice3A_643, %select_n3A_638 : vector<8x2048xi1>, vector<8x2048xf32>
      %sub3A_646 = arith.constant 2.000000e+01 : f32
      %sub3A_647 = arith.subf %convert_element_type3A_502, %sub3A_646 : f32
      %broadcast_in_dim3A_648 = vector.broadcast %sub3A_647 : f32 to vector<8x2048xf32>
      %select_n3A_649 = arith.select %gt3A_644, %broadcast_in_dim3A_648, %select_n3A_642 : vector<8x2048xi1>, vector<8x2048xf32>
      %slice3A_650 = vector.extract_strided_slice %dot_general3A_497 {offsets = [168, 0], sizes = [8, 2048], strides = [1, 1]} : vector<512x2048xf32> to vector<8x2048xf32>
      %gt3A_651 = arith.cmpf ogt, %slice3A_650, %select_n3A_645 : vector<8x2048xf32>
      %select_n3A_652 = arith.select %gt3A_651, %slice3A_650, %select_n3A_645 : vector<8x2048xi1>, vector<8x2048xf32>
      %sub3A_653 = arith.constant 2.100000e+01 : f32
      %sub3A_654 = arith.subf %convert_element_type3A_502, %sub3A_653 : f32
      %broadcast_in_dim3A_655 = vector.broadcast %sub3A_654 : f32 to vector<8x2048xf32>
      %select_n3A_656 = arith.select %gt3A_651, %broadcast_in_dim3A_655, %select_n3A_649 : vector<8x2048xi1>, vector<8x2048xf32>
      %slice3A_657 = vector.extract_strided_slice %dot_general3A_497 {offsets = [176, 0], sizes = [8, 2048], strides = [1, 1]} : vector<512x2048xf32> to vector<8x2048xf32>
      %gt3A_658 = arith.cmpf ogt, %slice3A_657, %select_n3A_652 : vector<8x2048xf32>
      %select_n3A_659 = arith.select %gt3A_658, %slice3A_657, %select_n3A_652 : vector<8x2048xi1>, vector<8x2048xf32>
      %sub3A_660 = arith.constant 2.200000e+01 : f32
      %sub3A_661 = arith.subf %convert_element_type3A_502, %sub3A_660 : f32
      %broadcast_in_dim3A_662 = vector.broadcast %sub3A_661 : f32 to vector<8x2048xf32>
      %select_n3A_663 = arith.select %gt3A_658, %broadcast_in_dim3A_662, %select_n3A_656 : vector<8x2048xi1>, vector<8x2048xf32>
      %slice3A_664 = vector.extract_strided_slice %dot_general3A_497 {offsets = [184, 0], sizes = [8, 2048], strides = [1, 1]} : vector<512x2048xf32> to vector<8x2048xf32>
      %gt3A_665 = arith.cmpf ogt, %slice3A_664, %select_n3A_659 : vector<8x2048xf32>
      %select_n3A_666 = arith.select %gt3A_665, %slice3A_664, %select_n3A_659 : vector<8x2048xi1>, vector<8x2048xf32>
      %sub3A_667 = arith.constant 2.300000e+01 : f32
      %sub3A_668 = arith.subf %convert_element_type3A_502, %sub3A_667 : f32
      %broadcast_in_dim3A_669 = vector.broadcast %sub3A_668 : f32 to vector<8x2048xf32>
      %select_n3A_670 = arith.select %gt3A_665, %broadcast_in_dim3A_669, %select_n3A_663 : vector<8x2048xi1>, vector<8x2048xf32>
      %slice3A_671 = vector.extract_strided_slice %dot_general3A_497 {offsets = [192, 0], sizes = [8, 2048], strides = [1, 1]} : vector<512x2048xf32> to vector<8x2048xf32>
      %gt3A_672 = arith.cmpf ogt, %slice3A_671, %select_n3A_666 : vector<8x2048xf32>
      %select_n3A_673 = arith.select %gt3A_672, %slice3A_671, %select_n3A_666 : vector<8x2048xi1>, vector<8x2048xf32>
      %sub3A_674 = arith.constant 2.400000e+01 : f32
      %sub3A_675 = arith.subf %convert_element_type3A_502, %sub3A_674 : f32
      %broadcast_in_dim3A_676 = vector.broadcast %sub3A_675 : f32 to vector<8x2048xf32>
      %select_n3A_677 = arith.select %gt3A_672, %broadcast_in_dim3A_676, %select_n3A_670 : vector<8x2048xi1>, vector<8x2048xf32>
      %slice3A_678 = vector.extract_strided_slice %dot_general3A_497 {offsets = [200, 0], sizes = [8, 2048], strides = [1, 1]} : vector<512x2048xf32> to vector<8x2048xf32>
      %gt3A_679 = arith.cmpf ogt, %slice3A_678, %select_n3A_673 : vector<8x2048xf32>
      %select_n3A_680 = arith.select %gt3A_679, %slice3A_678, %select_n3A_673 : vector<8x2048xi1>, vector<8x2048xf32>
      %sub3A_681 = arith.constant 2.500000e+01 : f32
      %sub3A_682 = arith.subf %convert_element_type3A_502, %sub3A_681 : f32
      %broadcast_in_dim3A_683 = vector.broadcast %sub3A_682 : f32 to vector<8x2048xf32>
      %select_n3A_684 = arith.select %gt3A_679, %broadcast_in_dim3A_683, %select_n3A_677 : vector<8x2048xi1>, vector<8x2048xf32>
      %slice3A_685 = vector.extract_strided_slice %dot_general3A_497 {offsets = [208, 0], sizes = [8, 2048], strides = [1, 1]} : vector<512x2048xf32> to vector<8x2048xf32>
      %gt3A_686 = arith.cmpf ogt, %slice3A_685, %select_n3A_680 : vector<8x2048xf32>
      %select_n3A_687 = arith.select %gt3A_686, %slice3A_685, %select_n3A_680 : vector<8x2048xi1>, vector<8x2048xf32>
      %sub3A_688 = arith.constant 2.600000e+01 : f32
      %sub3A_689 = arith.subf %convert_element_type3A_502, %sub3A_688 : f32
      %broadcast_in_dim3A_690 = vector.broadcast %sub3A_689 : f32 to vector<8x2048xf32>
      %select_n3A_691 = arith.select %gt3A_686, %broadcast_in_dim3A_690, %select_n3A_684 : vector<8x2048xi1>, vector<8x2048xf32>
      %slice3A_692 = vector.extract_strided_slice %dot_general3A_497 {offsets = [216, 0], sizes = [8, 2048], strides = [1, 1]} : vector<512x2048xf32> to vector<8x2048xf32>
      %gt3A_693 = arith.cmpf ogt, %slice3A_692, %select_n3A_687 : vector<8x2048xf32>
      %select_n3A_694 = arith.select %gt3A_693, %slice3A_692, %select_n3A_687 : vector<8x2048xi1>, vector<8x2048xf32>
      %sub3A_695 = arith.constant 2.700000e+01 : f32
      %sub3A_696 = arith.subf %convert_element_type3A_502, %sub3A_695 : f32
      %broadcast_in_dim3A_697 = vector.broadcast %sub3A_696 : f32 to vector<8x2048xf32>
      %select_n3A_698 = arith.select %gt3A_693, %broadcast_in_dim3A_697, %select_n3A_691 : vector<8x2048xi1>, vector<8x2048xf32>
      %slice3A_699 = vector.extract_strided_slice %dot_general3A_497 {offsets = [224, 0], sizes = [8, 2048], strides = [1, 1]} : vector<512x2048xf32> to vector<8x2048xf32>
      %gt3A_700 = arith.cmpf ogt, %slice3A_699, %select_n3A_694 : vector<8x2048xf32>
      %select_n3A_701 = arith.select %gt3A_700, %slice3A_699, %select_n3A_694 : vector<8x2048xi1>, vector<8x2048xf32>
      %sub3A_702 = arith.constant 2.800000e+01 : f32
      %sub3A_703 = arith.subf %convert_element_type3A_502, %sub3A_702 : f32
      %broadcast_in_dim3A_704 = vector.broadcast %sub3A_703 : f32 to vector<8x2048xf32>
      %select_n3A_705 = arith.select %gt3A_700, %broadcast_in_dim3A_704, %select_n3A_698 : vector<8x2048xi1>, vector<8x2048xf32>
      %slice3A_706 = vector.extract_strided_slice %dot_general3A_497 {offsets = [232, 0], sizes = [8, 2048], strides = [1, 1]} : vector<512x2048xf32> to vector<8x2048xf32>
      %gt3A_707 = arith.cmpf ogt, %slice3A_706, %select_n3A_701 : vector<8x2048xf32>
      %select_n3A_708 = arith.select %gt3A_707, %slice3A_706, %select_n3A_701 : vector<8x2048xi1>, vector<8x2048xf32>
      %sub3A_709 = arith.constant 2.900000e+01 : f32
      %sub3A_710 = arith.subf %convert_element_type3A_502, %sub3A_709 : f32
      %broadcast_in_dim3A_711 = vector.broadcast %sub3A_710 : f32 to vector<8x2048xf32>
      %select_n3A_712 = arith.select %gt3A_707, %broadcast_in_dim3A_711, %select_n3A_705 : vector<8x2048xi1>, vector<8x2048xf32>
      %slice3A_713 = vector.extract_strided_slice %dot_general3A_497 {offsets = [240, 0], sizes = [8, 2048], strides = [1, 1]} : vector<512x2048xf32> to vector<8x2048xf32>
      %gt3A_714 = arith.cmpf ogt, %slice3A_713, %select_n3A_708 : vector<8x2048xf32>
      %select_n3A_715 = arith.select %gt3A_714, %slice3A_713, %select_n3A_708 : vector<8x2048xi1>, vector<8x2048xf32>
      %sub3A_716 = arith.constant 3.000000e+01 : f32
      %sub3A_717 = arith.subf %convert_element_type3A_502, %sub3A_716 : f32
      %broadcast_in_dim3A_718 = vector.broadcast %sub3A_717 : f32 to vector<8x2048xf32>
      %select_n3A_719 = arith.select %gt3A_714, %broadcast_in_dim3A_718, %select_n3A_712 : vector<8x2048xi1>, vector<8x2048xf32>
      %slice3A_720 = vector.extract_strided_slice %dot_general3A_497 {offsets = [248, 0], sizes = [8, 2048], strides = [1, 1]} : vector<512x2048xf32> to vector<8x2048xf32>
      %gt3A_721 = arith.cmpf ogt, %slice3A_720, %select_n3A_715 : vector<8x2048xf32>
      %select_n3A_722 = arith.select %gt3A_721, %slice3A_720, %select_n3A_715 : vector<8x2048xi1>, vector<8x2048xf32>
      %sub3A_723 = arith.constant 3.100000e+01 : f32
      %sub3A_724 = arith.subf %convert_element_type3A_502, %sub3A_723 : f32
      %broadcast_in_dim3A_725 = vector.broadcast %sub3A_724 : f32 to vector<8x2048xf32>
      %select_n3A_726 = arith.select %gt3A_721, %broadcast_in_dim3A_725, %select_n3A_719 : vector<8x2048xi1>, vector<8x2048xf32>
      %slice3A_727 = vector.extract_strided_slice %dot_general3A_497 {offsets = [256, 0], sizes = [8, 2048], strides = [1, 1]} : vector<512x2048xf32> to vector<8x2048xf32>
      %gt3A_728 = arith.cmpf ogt, %slice3A_727, %select_n3A_722 : vector<8x2048xf32>
      %select_n3A_729 = arith.select %gt3A_728, %slice3A_727, %select_n3A_722 : vector<8x2048xi1>, vector<8x2048xf32>
      %sub3A_730 = arith.constant 3.200000e+01 : f32
      %sub3A_731 = arith.subf %convert_element_type3A_502, %sub3A_730 : f32
      %broadcast_in_dim3A_732 = vector.broadcast %sub3A_731 : f32 to vector<8x2048xf32>
      %select_n3A_733 = arith.select %gt3A_728, %broadcast_in_dim3A_732, %select_n3A_726 : vector<8x2048xi1>, vector<8x2048xf32>
      %slice3A_734 = vector.extract_strided_slice %dot_general3A_497 {offsets = [264, 0], sizes = [8, 2048], strides = [1, 1]} : vector<512x2048xf32> to vector<8x2048xf32>
      %gt3A_735 = arith.cmpf ogt, %slice3A_734, %select_n3A_729 : vector<8x2048xf32>
      %select_n3A_736 = arith.select %gt3A_735, %slice3A_734, %select_n3A_729 : vector<8x2048xi1>, vector<8x2048xf32>
      %sub3A_737 = arith.constant 3.300000e+01 : f32
      %sub3A_738 = arith.subf %convert_element_type3A_502, %sub3A_737 : f32
      %broadcast_in_dim3A_739 = vector.broadcast %sub3A_738 : f32 to vector<8x2048xf32>
      %select_n3A_740 = arith.select %gt3A_735, %broadcast_in_dim3A_739, %select_n3A_733 : vector<8x2048xi1>, vector<8x2048xf32>
      %slice3A_741 = vector.extract_strided_slice %dot_general3A_497 {offsets = [272, 0], sizes = [8, 2048], strides = [1, 1]} : vector<512x2048xf32> to vector<8x2048xf32>
      %gt3A_742 = arith.cmpf ogt, %slice3A_741, %select_n3A_736 : vector<8x2048xf32>
      %select_n3A_743 = arith.select %gt3A_742, %slice3A_741, %select_n3A_736 : vector<8x2048xi1>, vector<8x2048xf32>
      %sub3A_744 = arith.constant 3.400000e+01 : f32
      %sub3A_745 = arith.subf %convert_element_type3A_502, %sub3A_744 : f32
      %broadcast_in_dim3A_746 = vector.broadcast %sub3A_745 : f32 to vector<8x2048xf32>
      %select_n3A_747 = arith.select %gt3A_742, %broadcast_in_dim3A_746, %select_n3A_740 : vector<8x2048xi1>, vector<8x2048xf32>
      %slice3A_748 = vector.extract_strided_slice %dot_general3A_497 {offsets = [280, 0], sizes = [8, 2048], strides = [1, 1]} : vector<512x2048xf32> to vector<8x2048xf32>
      %gt3A_749 = arith.cmpf ogt, %slice3A_748, %select_n3A_743 : vector<8x2048xf32>
      %select_n3A_750 = arith.select %gt3A_749, %slice3A_748, %select_n3A_743 : vector<8x2048xi1>, vector<8x2048xf32>
      %sub3A_751 = arith.constant 3.500000e+01 : f32
      %sub3A_752 = arith.subf %convert_element_type3A_502, %sub3A_751 : f32
      %broadcast_in_dim3A_753 = vector.broadcast %sub3A_752 : f32 to vector<8x2048xf32>
      %select_n3A_754 = arith.select %gt3A_749, %broadcast_in_dim3A_753, %select_n3A_747 : vector<8x2048xi1>, vector<8x2048xf32>
      %slice3A_755 = vector.extract_strided_slice %dot_general3A_497 {offsets = [288, 0], sizes = [8, 2048], strides = [1, 1]} : vector<512x2048xf32> to vector<8x2048xf32>
      %gt3A_756 = arith.cmpf ogt, %slice3A_755, %select_n3A_750 : vector<8x2048xf32>
      %select_n3A_757 = arith.select %gt3A_756, %slice3A_755, %select_n3A_750 : vector<8x2048xi1>, vector<8x2048xf32>
      %sub3A_758 = arith.constant 3.600000e+01 : f32
      %sub3A_759 = arith.subf %convert_element_type3A_502, %sub3A_758 : f32
      %broadcast_in_dim3A_760 = vector.broadcast %sub3A_759 : f32 to vector<8x2048xf32>
      %select_n3A_761 = arith.select %gt3A_756, %broadcast_in_dim3A_760, %select_n3A_754 : vector<8x2048xi1>, vector<8x2048xf32>
      %slice3A_762 = vector.extract_strided_slice %dot_general3A_497 {offsets = [296, 0], sizes = [8, 2048], strides = [1, 1]} : vector<512x2048xf32> to vector<8x2048xf32>
      %gt3A_763 = arith.cmpf ogt, %slice3A_762, %select_n3A_757 : vector<8x2048xf32>
      %select_n3A_764 = arith.select %gt3A_763, %slice3A_762, %select_n3A_757 : vector<8x2048xi1>, vector<8x2048xf32>
      %sub3A_765 = arith.constant 3.700000e+01 : f32
      %sub3A_766 = arith.subf %convert_element_type3A_502, %sub3A_765 : f32
      %broadcast_in_dim3A_767 = vector.broadcast %sub3A_766 : f32 to vector<8x2048xf32>
      %select_n3A_768 = arith.select %gt3A_763, %broadcast_in_dim3A_767, %select_n3A_761 : vector<8x2048xi1>, vector<8x2048xf32>
      %slice3A_769 = vector.extract_strided_slice %dot_general3A_497 {offsets = [304, 0], sizes = [8, 2048], strides = [1, 1]} : vector<512x2048xf32> to vector<8x2048xf32>
      %gt3A_770 = arith.cmpf ogt, %slice3A_769, %select_n3A_764 : vector<8x2048xf32>
      %select_n3A_771 = arith.select %gt3A_770, %slice3A_769, %select_n3A_764 : vector<8x2048xi1>, vector<8x2048xf32>
      %sub3A_772 = arith.constant 3.800000e+01 : f32
      %sub3A_773 = arith.subf %convert_element_type3A_502, %sub3A_772 : f32
      %broadcast_in_dim3A_774 = vector.broadcast %sub3A_773 : f32 to vector<8x2048xf32>
      %select_n3A_775 = arith.select %gt3A_770, %broadcast_in_dim3A_774, %select_n3A_768 : vector<8x2048xi1>, vector<8x2048xf32>
      %slice3A_776 = vector.extract_strided_slice %dot_general3A_497 {offsets = [312, 0], sizes = [8, 2048], strides = [1, 1]} : vector<512x2048xf32> to vector<8x2048xf32>
      %gt3A_777 = arith.cmpf ogt, %slice3A_776, %select_n3A_771 : vector<8x2048xf32>
      %select_n3A_778 = arith.select %gt3A_777, %slice3A_776, %select_n3A_771 : vector<8x2048xi1>, vector<8x2048xf32>
      %sub3A_779 = arith.constant 3.900000e+01 : f32
      %sub3A_780 = arith.subf %convert_element_type3A_502, %sub3A_779 : f32
      %broadcast_in_dim3A_781 = vector.broadcast %sub3A_780 : f32 to vector<8x2048xf32>
      %select_n3A_782 = arith.select %gt3A_777, %broadcast_in_dim3A_781, %select_n3A_775 : vector<8x2048xi1>, vector<8x2048xf32>
      %slice3A_783 = vector.extract_strided_slice %dot_general3A_497 {offsets = [320, 0], sizes = [8, 2048], strides = [1, 1]} : vector<512x2048xf32> to vector<8x2048xf32>
      %gt3A_784 = arith.cmpf ogt, %slice3A_783, %select_n3A_778 : vector<8x2048xf32>
      %select_n3A_785 = arith.select %gt3A_784, %slice3A_783, %select_n3A_778 : vector<8x2048xi1>, vector<8x2048xf32>
      %sub3A_786 = arith.constant 4.000000e+01 : f32
      %sub3A_787 = arith.subf %convert_element_type3A_502, %sub3A_786 : f32
      %broadcast_in_dim3A_788 = vector.broadcast %sub3A_787 : f32 to vector<8x2048xf32>
      %select_n3A_789 = arith.select %gt3A_784, %broadcast_in_dim3A_788, %select_n3A_782 : vector<8x2048xi1>, vector<8x2048xf32>
      %slice3A_790 = vector.extract_strided_slice %dot_general3A_497 {offsets = [328, 0], sizes = [8, 2048], strides = [1, 1]} : vector<512x2048xf32> to vector<8x2048xf32>
      %gt3A_791 = arith.cmpf ogt, %slice3A_790, %select_n3A_785 : vector<8x2048xf32>
      %select_n3A_792 = arith.select %gt3A_791, %slice3A_790, %select_n3A_785 : vector<8x2048xi1>, vector<8x2048xf32>
      %sub3A_793 = arith.constant 4.100000e+01 : f32
      %sub3A_794 = arith.subf %convert_element_type3A_502, %sub3A_793 : f32
      %broadcast_in_dim3A_795 = vector.broadcast %sub3A_794 : f32 to vector<8x2048xf32>
      %select_n3A_796 = arith.select %gt3A_791, %broadcast_in_dim3A_795, %select_n3A_789 : vector<8x2048xi1>, vector<8x2048xf32>
      %slice3A_797 = vector.extract_strided_slice %dot_general3A_497 {offsets = [336, 0], sizes = [8, 2048], strides = [1, 1]} : vector<512x2048xf32> to vector<8x2048xf32>
      %gt3A_798 = arith.cmpf ogt, %slice3A_797, %select_n3A_792 : vector<8x2048xf32>
      %select_n3A_799 = arith.select %gt3A_798, %slice3A_797, %select_n3A_792 : vector<8x2048xi1>, vector<8x2048xf32>
      %sub3A_800 = arith.constant 4.200000e+01 : f32
      %sub3A_801 = arith.subf %convert_element_type3A_502, %sub3A_800 : f32
      %broadcast_in_dim3A_802 = vector.broadcast %sub3A_801 : f32 to vector<8x2048xf32>
      %select_n3A_803 = arith.select %gt3A_798, %broadcast_in_dim3A_802, %select_n3A_796 : vector<8x2048xi1>, vector<8x2048xf32>
      %slice3A_804 = vector.extract_strided_slice %dot_general3A_497 {offsets = [344, 0], sizes = [8, 2048], strides = [1, 1]} : vector<512x2048xf32> to vector<8x2048xf32>
      %gt3A_805 = arith.cmpf ogt, %slice3A_804, %select_n3A_799 : vector<8x2048xf32>
      %select_n3A_806 = arith.select %gt3A_805, %slice3A_804, %select_n3A_799 : vector<8x2048xi1>, vector<8x2048xf32>
      %sub3A_807 = arith.constant 4.300000e+01 : f32
      %sub3A_808 = arith.subf %convert_element_type3A_502, %sub3A_807 : f32
      %broadcast_in_dim3A_809 = vector.broadcast %sub3A_808 : f32 to vector<8x2048xf32>
      %select_n3A_810 = arith.select %gt3A_805, %broadcast_in_dim3A_809, %select_n3A_803 : vector<8x2048xi1>, vector<8x2048xf32>
      %slice3A_811 = vector.extract_strided_slice %dot_general3A_497 {offsets = [352, 0], sizes = [8, 2048], strides = [1, 1]} : vector<512x2048xf32> to vector<8x2048xf32>
      %gt3A_812 = arith.cmpf ogt, %slice3A_811, %select_n3A_806 : vector<8x2048xf32>
      %select_n3A_813 = arith.select %gt3A_812, %slice3A_811, %select_n3A_806 : vector<8x2048xi1>, vector<8x2048xf32>
      %sub3A_814 = arith.constant 4.400000e+01 : f32
      %sub3A_815 = arith.subf %convert_element_type3A_502, %sub3A_814 : f32
      %broadcast_in_dim3A_816 = vector.broadcast %sub3A_815 : f32 to vector<8x2048xf32>
      %select_n3A_817 = arith.select %gt3A_812, %broadcast_in_dim3A_816, %select_n3A_810 : vector<8x2048xi1>, vector<8x2048xf32>
      %slice3A_818 = vector.extract_strided_slice %dot_general3A_497 {offsets = [360, 0], sizes = [8, 2048], strides = [1, 1]} : vector<512x2048xf32> to vector<8x2048xf32>
      %gt3A_819 = arith.cmpf ogt, %slice3A_818, %select_n3A_813 : vector<8x2048xf32>
      %select_n3A_820 = arith.select %gt3A_819, %slice3A_818, %select_n3A_813 : vector<8x2048xi1>, vector<8x2048xf32>
      %sub3A_821 = arith.constant 4.500000e+01 : f32
      %sub3A_822 = arith.subf %convert_element_type3A_502, %sub3A_821 : f32
      %broadcast_in_dim3A_823 = vector.broadcast %sub3A_822 : f32 to vector<8x2048xf32>
      %select_n3A_824 = arith.select %gt3A_819, %broadcast_in_dim3A_823, %select_n3A_817 : vector<8x2048xi1>, vector<8x2048xf32>
      %slice3A_825 = vector.extract_strided_slice %dot_general3A_497 {offsets = [368, 0], sizes = [8, 2048], strides = [1, 1]} : vector<512x2048xf32> to vector<8x2048xf32>
      %gt3A_826 = arith.cmpf ogt, %slice3A_825, %select_n3A_820 : vector<8x2048xf32>
      %select_n3A_827 = arith.select %gt3A_826, %slice3A_825, %select_n3A_820 : vector<8x2048xi1>, vector<8x2048xf32>
      %sub3A_828 = arith.constant 4.600000e+01 : f32
      %sub3A_829 = arith.subf %convert_element_type3A_502, %sub3A_828 : f32
      %broadcast_in_dim3A_830 = vector.broadcast %sub3A_829 : f32 to vector<8x2048xf32>
      %select_n3A_831 = arith.select %gt3A_826, %broadcast_in_dim3A_830, %select_n3A_824 : vector<8x2048xi1>, vector<8x2048xf32>
      %slice3A_832 = vector.extract_strided_slice %dot_general3A_497 {offsets = [376, 0], sizes = [8, 2048], strides = [1, 1]} : vector<512x2048xf32> to vector<8x2048xf32>
      %gt3A_833 = arith.cmpf ogt, %slice3A_832, %select_n3A_827 : vector<8x2048xf32>
      %select_n3A_834 = arith.select %gt3A_833, %slice3A_832, %select_n3A_827 : vector<8x2048xi1>, vector<8x2048xf32>
      %sub3A_835 = arith.constant 4.700000e+01 : f32
      %sub3A_836 = arith.subf %convert_element_type3A_502, %sub3A_835 : f32
      %broadcast_in_dim3A_837 = vector.broadcast %sub3A_836 : f32 to vector<8x2048xf32>
      %select_n3A_838 = arith.select %gt3A_833, %broadcast_in_dim3A_837, %select_n3A_831 : vector<8x2048xi1>, vector<8x2048xf32>
      %slice3A_839 = vector.extract_strided_slice %dot_general3A_497 {offsets = [384, 0], sizes = [8, 2048], strides = [1, 1]} : vector<512x2048xf32> to vector<8x2048xf32>
      %gt3A_840 = arith.cmpf ogt, %slice3A_839, %select_n3A_834 : vector<8x2048xf32>
      %select_n3A_841 = arith.select %gt3A_840, %slice3A_839, %select_n3A_834 : vector<8x2048xi1>, vector<8x2048xf32>
      %sub3A_842 = arith.constant 4.800000e+01 : f32
      %sub3A_843 = arith.subf %convert_element_type3A_502, %sub3A_842 : f32
      %broadcast_in_dim3A_844 = vector.broadcast %sub3A_843 : f32 to vector<8x2048xf32>
      %select_n3A_845 = arith.select %gt3A_840, %broadcast_in_dim3A_844, %select_n3A_838 : vector<8x2048xi1>, vector<8x2048xf32>
      %slice3A_846 = vector.extract_strided_slice %dot_general3A_497 {offsets = [392, 0], sizes = [8, 2048], strides = [1, 1]} : vector<512x2048xf32> to vector<8x2048xf32>
      %gt3A_847 = arith.cmpf ogt, %slice3A_846, %select_n3A_841 : vector<8x2048xf32>
      %select_n3A_848 = arith.select %gt3A_847, %slice3A_846, %select_n3A_841 : vector<8x2048xi1>, vector<8x2048xf32>
      %sub3A_849 = arith.constant 4.900000e+01 : f32
      %sub3A_850 = arith.subf %convert_element_type3A_502, %sub3A_849 : f32
      %broadcast_in_dim3A_851 = vector.broadcast %sub3A_850 : f32 to vector<8x2048xf32>
      %select_n3A_852 = arith.select %gt3A_847, %broadcast_in_dim3A_851, %select_n3A_845 : vector<8x2048xi1>, vector<8x2048xf32>
      %slice3A_853 = vector.extract_strided_slice %dot_general3A_497 {offsets = [400, 0], sizes = [8, 2048], strides = [1, 1]} : vector<512x2048xf32> to vector<8x2048xf32>
      %gt3A_854 = arith.cmpf ogt, %slice3A_853, %select_n3A_848 : vector<8x2048xf32>
      %select_n3A_855 = arith.select %gt3A_854, %slice3A_853, %select_n3A_848 : vector<8x2048xi1>, vector<8x2048xf32>
      %sub3A_856 = arith.constant 5.000000e+01 : f32
      %sub3A_857 = arith.subf %convert_element_type3A_502, %sub3A_856 : f32
      %broadcast_in_dim3A_858 = vector.broadcast %sub3A_857 : f32 to vector<8x2048xf32>
      %select_n3A_859 = arith.select %gt3A_854, %broadcast_in_dim3A_858, %select_n3A_852 : vector<8x2048xi1>, vector<8x2048xf32>
      %slice3A_860 = vector.extract_strided_slice %dot_general3A_497 {offsets = [408, 0], sizes = [8, 2048], strides = [1, 1]} : vector<512x2048xf32> to vector<8x2048xf32>
      %gt3A_861 = arith.cmpf ogt, %slice3A_860, %select_n3A_855 : vector<8x2048xf32>
      %select_n3A_862 = arith.select %gt3A_861, %slice3A_860, %select_n3A_855 : vector<8x2048xi1>, vector<8x2048xf32>
      %sub3A_863 = arith.constant 5.100000e+01 : f32
      %sub3A_864 = arith.subf %convert_element_type3A_502, %sub3A_863 : f32
      %broadcast_in_dim3A_865 = vector.broadcast %sub3A_864 : f32 to vector<8x2048xf32>
      %select_n3A_866 = arith.select %gt3A_861, %broadcast_in_dim3A_865, %select_n3A_859 : vector<8x2048xi1>, vector<8x2048xf32>
      %slice3A_867 = vector.extract_strided_slice %dot_general3A_497 {offsets = [416, 0], sizes = [8, 2048], strides = [1, 1]} : vector<512x2048xf32> to vector<8x2048xf32>
      %gt3A_868 = arith.cmpf ogt, %slice3A_867, %select_n3A_862 : vector<8x2048xf32>
      %select_n3A_869 = arith.select %gt3A_868, %slice3A_867, %select_n3A_862 : vector<8x2048xi1>, vector<8x2048xf32>
      %sub3A_870 = arith.constant 5.200000e+01 : f32
      %sub3A_871 = arith.subf %convert_element_type3A_502, %sub3A_870 : f32
      %broadcast_in_dim3A_872 = vector.broadcast %sub3A_871 : f32 to vector<8x2048xf32>
      %select_n3A_873 = arith.select %gt3A_868, %broadcast_in_dim3A_872, %select_n3A_866 : vector<8x2048xi1>, vector<8x2048xf32>
      %slice3A_874 = vector.extract_strided_slice %dot_general3A_497 {offsets = [424, 0], sizes = [8, 2048], strides = [1, 1]} : vector<512x2048xf32> to vector<8x2048xf32>
      %gt3A_875 = arith.cmpf ogt, %slice3A_874, %select_n3A_869 : vector<8x2048xf32>
      %select_n3A_876 = arith.select %gt3A_875, %slice3A_874, %select_n3A_869 : vector<8x2048xi1>, vector<8x2048xf32>
      %sub3A_877 = arith.constant 5.300000e+01 : f32
      %sub3A_878 = arith.subf %convert_element_type3A_502, %sub3A_877 : f32
      %broadcast_in_dim3A_879 = vector.broadcast %sub3A_878 : f32 to vector<8x2048xf32>
      %select_n3A_880 = arith.select %gt3A_875, %broadcast_in_dim3A_879, %select_n3A_873 : vector<8x2048xi1>, vector<8x2048xf32>
      %slice3A_881 = vector.extract_strided_slice %dot_general3A_497 {offsets = [432, 0], sizes = [8, 2048], strides = [1, 1]} : vector<512x2048xf32> to vector<8x2048xf32>
      %gt3A_882 = arith.cmpf ogt, %slice3A_881, %select_n3A_876 : vector<8x2048xf32>
      %select_n3A_883 = arith.select %gt3A_882, %slice3A_881, %select_n3A_876 : vector<8x2048xi1>, vector<8x2048xf32>
      %sub3A_884 = arith.constant 5.400000e+01 : f32
      %sub3A_885 = arith.subf %convert_element_type3A_502, %sub3A_884 : f32
      %broadcast_in_dim3A_886 = vector.broadcast %sub3A_885 : f32 to vector<8x2048xf32>
      %select_n3A_887 = arith.select %gt3A_882, %broadcast_in_dim3A_886, %select_n3A_880 : vector<8x2048xi1>, vector<8x2048xf32>
      %slice3A_888 = vector.extract_strided_slice %dot_general3A_497 {offsets = [440, 0], sizes = [8, 2048], strides = [1, 1]} : vector<512x2048xf32> to vector<8x2048xf32>
      %gt3A_889 = arith.cmpf ogt, %slice3A_888, %select_n3A_883 : vector<8x2048xf32>
      %select_n3A_890 = arith.select %gt3A_889, %slice3A_888, %select_n3A_883 : vector<8x2048xi1>, vector<8x2048xf32>
      %sub3A_891 = arith.constant 5.500000e+01 : f32
      %sub3A_892 = arith.subf %convert_element_type3A_502, %sub3A_891 : f32
      %broadcast_in_dim3A_893 = vector.broadcast %sub3A_892 : f32 to vector<8x2048xf32>
      %select_n3A_894 = arith.select %gt3A_889, %broadcast_in_dim3A_893, %select_n3A_887 : vector<8x2048xi1>, vector<8x2048xf32>
      %slice3A_895 = vector.extract_strided_slice %dot_general3A_497 {offsets = [448, 0], sizes = [8, 2048], strides = [1, 1]} : vector<512x2048xf32> to vector<8x2048xf32>
      %gt3A_896 = arith.cmpf ogt, %slice3A_895, %select_n3A_890 : vector<8x2048xf32>
      %select_n3A_897 = arith.select %gt3A_896, %slice3A_895, %select_n3A_890 : vector<8x2048xi1>, vector<8x2048xf32>
      %sub3A_898 = arith.constant 5.600000e+01 : f32
      %sub3A_899 = arith.subf %convert_element_type3A_502, %sub3A_898 : f32
      %broadcast_in_dim3A_900 = vector.broadcast %sub3A_899 : f32 to vector<8x2048xf32>
      %select_n3A_901 = arith.select %gt3A_896, %broadcast_in_dim3A_900, %select_n3A_894 : vector<8x2048xi1>, vector<8x2048xf32>
      %slice3A_902 = vector.extract_strided_slice %dot_general3A_497 {offsets = [456, 0], sizes = [8, 2048], strides = [1, 1]} : vector<512x2048xf32> to vector<8x2048xf32>
      %gt3A_903 = arith.cmpf ogt, %slice3A_902, %select_n3A_897 : vector<8x2048xf32>
      %select_n3A_904 = arith.select %gt3A_903, %slice3A_902, %select_n3A_897 : vector<8x2048xi1>, vector<8x2048xf32>
      %sub3A_905 = arith.constant 5.700000e+01 : f32
      %sub3A_906 = arith.subf %convert_element_type3A_502, %sub3A_905 : f32
      %broadcast_in_dim3A_907 = vector.broadcast %sub3A_906 : f32 to vector<8x2048xf32>
      %select_n3A_908 = arith.select %gt3A_903, %broadcast_in_dim3A_907, %select_n3A_901 : vector<8x2048xi1>, vector<8x2048xf32>
      %slice3A_909 = vector.extract_strided_slice %dot_general3A_497 {offsets = [464, 0], sizes = [8, 2048], strides = [1, 1]} : vector<512x2048xf32> to vector<8x2048xf32>
      %gt3A_910 = arith.cmpf ogt, %slice3A_909, %select_n3A_904 : vector<8x2048xf32>
      %select_n3A_911 = arith.select %gt3A_910, %slice3A_909, %select_n3A_904 : vector<8x2048xi1>, vector<8x2048xf32>
      %sub3A_912 = arith.constant 5.800000e+01 : f32
      %sub3A_913 = arith.subf %convert_element_type3A_502, %sub3A_912 : f32
      %broadcast_in_dim3A_914 = vector.broadcast %sub3A_913 : f32 to vector<8x2048xf32>
      %select_n3A_915 = arith.select %gt3A_910, %broadcast_in_dim3A_914, %select_n3A_908 : vector<8x2048xi1>, vector<8x2048xf32>
      %slice3A_916 = vector.extract_strided_slice %dot_general3A_497 {offsets = [472, 0], sizes = [8, 2048], strides = [1, 1]} : vector<512x2048xf32> to vector<8x2048xf32>
      %gt3A_917 = arith.cmpf ogt, %slice3A_916, %select_n3A_911 : vector<8x2048xf32>
      %select_n3A_918 = arith.select %gt3A_917, %slice3A_916, %select_n3A_911 : vector<8x2048xi1>, vector<8x2048xf32>
      %sub3A_919 = arith.constant 5.900000e+01 : f32
      %sub3A_920 = arith.subf %convert_element_type3A_502, %sub3A_919 : f32
      %broadcast_in_dim3A_921 = vector.broadcast %sub3A_920 : f32 to vector<8x2048xf32>
      %select_n3A_922 = arith.select %gt3A_917, %broadcast_in_dim3A_921, %select_n3A_915 : vector<8x2048xi1>, vector<8x2048xf32>
      %slice3A_923 = vector.extract_strided_slice %dot_general3A_497 {offsets = [480, 0], sizes = [8, 2048], strides = [1, 1]} : vector<512x2048xf32> to vector<8x2048xf32>
      %gt3A_924 = arith.cmpf ogt, %slice3A_923, %select_n3A_918 : vector<8x2048xf32>
      %select_n3A_925 = arith.select %gt3A_924, %slice3A_923, %select_n3A_918 : vector<8x2048xi1>, vector<8x2048xf32>
      %sub3A_926 = arith.constant 6.000000e+01 : f32
      %sub3A_927 = arith.subf %convert_element_type3A_502, %sub3A_926 : f32
      %broadcast_in_dim3A_928 = vector.broadcast %sub3A_927 : f32 to vector<8x2048xf32>
      %select_n3A_929 = arith.select %gt3A_924, %broadcast_in_dim3A_928, %select_n3A_922 : vector<8x2048xi1>, vector<8x2048xf32>
      %slice3A_930 = vector.extract_strided_slice %dot_general3A_497 {offsets = [488, 0], sizes = [8, 2048], strides = [1, 1]} : vector<512x2048xf32> to vector<8x2048xf32>
      %gt3A_931 = arith.cmpf ogt, %slice3A_930, %select_n3A_925 : vector<8x2048xf32>
      %select_n3A_932 = arith.select %gt3A_931, %slice3A_930, %select_n3A_925 : vector<8x2048xi1>, vector<8x2048xf32>
      %sub3A_933 = arith.constant 6.100000e+01 : f32
      %sub3A_934 = arith.subf %convert_element_type3A_502, %sub3A_933 : f32
      %broadcast_in_dim3A_935 = vector.broadcast %sub3A_934 : f32 to vector<8x2048xf32>
      %select_n3A_936 = arith.select %gt3A_931, %broadcast_in_dim3A_935, %select_n3A_929 : vector<8x2048xi1>, vector<8x2048xf32>
      %slice3A_937 = vector.extract_strided_slice %dot_general3A_497 {offsets = [496, 0], sizes = [8, 2048], strides = [1, 1]} : vector<512x2048xf32> to vector<8x2048xf32>
      %gt3A_938 = arith.cmpf ogt, %slice3A_937, %select_n3A_932 : vector<8x2048xf32>
      %select_n3A_939 = arith.select %gt3A_938, %slice3A_937, %select_n3A_932 : vector<8x2048xi1>, vector<8x2048xf32>
      %sub3A_940 = arith.constant 6.200000e+01 : f32
      %sub3A_941 = arith.subf %convert_element_type3A_502, %sub3A_940 : f32
      %broadcast_in_dim3A_942 = vector.broadcast %sub3A_941 : f32 to vector<8x2048xf32>
      %select_n3A_943 = arith.select %gt3A_938, %broadcast_in_dim3A_942, %select_n3A_936 : vector<8x2048xi1>, vector<8x2048xf32>
      %slice3A_944 = vector.extract_strided_slice %dot_general3A_497 {offsets = [504, 0], sizes = [8, 2048], strides = [1, 1]} : vector<512x2048xf32> to vector<8x2048xf32>
      %gt3A_945 = arith.cmpf ogt, %slice3A_944, %select_n3A_939 : vector<8x2048xf32>
      %select_n3A_946 = arith.select %gt3A_945, %slice3A_944, %select_n3A_939 : vector<8x2048xi1>, vector<8x2048xf32>
      %sub3A_947 = arith.constant 6.300000e+01 : f32
      %sub3A_948 = arith.subf %convert_element_type3A_502, %sub3A_947 : f32
      %broadcast_in_dim3A_949 = vector.broadcast %sub3A_948 : f32 to vector<8x2048xf32>
      %select_n3A_950 = arith.select %gt3A_945, %broadcast_in_dim3A_949, %select_n3A_943 : vector<8x2048xi1>, vector<8x2048xf32>
      %scan3A_951 = arith.constant 2 : i32
      %scan3A_952 = arith.addi %scan3A_30, %scan3A_951 : i32
      %mul3A_953 = arith.constant 512 : i32
      %mul3A_954 = arith.muli %scan3A_952, %mul3A_953 : i32
      %get3A_955 = arith.index_cast %mul3A_954 : i32 to index
      %get3A_956 = arith.constant 0 : index
      %get3A_957 = vector.load %arg1[%get3A_955, %get3A_956] : memref<8192x32xf32, #tpu.memory_space<vmem>>, vector<512x32xf32>
      %dot_general3A_958 = arith.constant dense<0.000000e+00> : vector<512x2048xf32>
      %dot_general3A_959 = tpu.matmul %get3A_957, %get3A_1, %dot_general3A_958 {dimension_numbers = #tpu.dot_dimension_numbers<[1], [0], [0], [1], [0, 0, 1, 1], [], []>, transpose_lhs_hint = false} : vector<512x32xf32>, vector<32x2048xf32>, vector<512x2048xf32> -> vector<512x2048xf32>
      %mul3A_960 = arith.constant 64 : i32
      %mul3A_961 = arith.muli %scan3A_952, %mul3A_960 : i32
      %neg3A_962 = arith.constant 0 : i32
      %neg3A_963 = arith.subi %neg3A_962, %mul3A_961 : i32
      %convert_element_type3A_964 = arith.sitofp %neg3A_963 : i32 to f32
      %slice3A_965 = vector.extract_strided_slice %dot_general3A_959 {offsets = [0, 0], sizes = [8, 2048], strides = [1, 1]} : vector<512x2048xf32> to vector<8x2048xf32>
      %gt3A_966 = arith.cmpf ogt, %slice3A_965, %select_n3A_946 : vector<8x2048xf32>
      %select_n3A_967 = arith.select %gt3A_966, %slice3A_965, %select_n3A_946 : vector<8x2048xi1>, vector<8x2048xf32>
      %sub3A_968 = arith.constant 0.000000e+00 : f32
      %sub3A_969 = arith.subf %convert_element_type3A_964, %sub3A_968 : f32
      %broadcast_in_dim3A_970 = vector.broadcast %sub3A_969 : f32 to vector<8x2048xf32>
      %select_n3A_971 = arith.select %gt3A_966, %broadcast_in_dim3A_970, %select_n3A_950 : vector<8x2048xi1>, vector<8x2048xf32>
      %slice3A_972 = vector.extract_strided_slice %dot_general3A_959 {offsets = [8, 0], sizes = [8, 2048], strides = [1, 1]} : vector<512x2048xf32> to vector<8x2048xf32>
      %gt3A_973 = arith.cmpf ogt, %slice3A_972, %select_n3A_967 : vector<8x2048xf32>
      %select_n3A_974 = arith.select %gt3A_973, %slice3A_972, %select_n3A_967 : vector<8x2048xi1>, vector<8x2048xf32>
      %sub3A_975 = arith.constant 1.000000e+00 : f32
      %sub3A_976 = arith.subf %convert_element_type3A_964, %sub3A_975 : f32
      %broadcast_in_dim3A_977 = vector.broadcast %sub3A_976 : f32 to vector<8x2048xf32>
      %select_n3A_978 = arith.select %gt3A_973, %broadcast_in_dim3A_977, %select_n3A_971 : vector<8x2048xi1>, vector<8x2048xf32>
      %slice3A_979 = vector.extract_strided_slice %dot_general3A_959 {offsets = [16, 0], sizes = [8, 2048], strides = [1, 1]} : vector<512x2048xf32> to vector<8x2048xf32>
      %gt3A_980 = arith.cmpf ogt, %slice3A_979, %select_n3A_974 : vector<8x2048xf32>
      %select_n3A_981 = arith.select %gt3A_980, %slice3A_979, %select_n3A_974 : vector<8x2048xi1>, vector<8x2048xf32>
      %sub3A_982 = arith.constant 2.000000e+00 : f32
      %sub3A_983 = arith.subf %convert_element_type3A_964, %sub3A_982 : f32
      %broadcast_in_dim3A_984 = vector.broadcast %sub3A_983 : f32 to vector<8x2048xf32>
      %select_n3A_985 = arith.select %gt3A_980, %broadcast_in_dim3A_984, %select_n3A_978 : vector<8x2048xi1>, vector<8x2048xf32>
      %slice3A_986 = vector.extract_strided_slice %dot_general3A_959 {offsets = [24, 0], sizes = [8, 2048], strides = [1, 1]} : vector<512x2048xf32> to vector<8x2048xf32>
      %gt3A_987 = arith.cmpf ogt, %slice3A_986, %select_n3A_981 : vector<8x2048xf32>
      %select_n3A_988 = arith.select %gt3A_987, %slice3A_986, %select_n3A_981 : vector<8x2048xi1>, vector<8x2048xf32>
      %sub3A_989 = arith.constant 3.000000e+00 : f32
      %sub3A_990 = arith.subf %convert_element_type3A_964, %sub3A_989 : f32
      %broadcast_in_dim3A_991 = vector.broadcast %sub3A_990 : f32 to vector<8x2048xf32>
      %select_n3A_992 = arith.select %gt3A_987, %broadcast_in_dim3A_991, %select_n3A_985 : vector<8x2048xi1>, vector<8x2048xf32>
      %slice3A_993 = vector.extract_strided_slice %dot_general3A_959 {offsets = [32, 0], sizes = [8, 2048], strides = [1, 1]} : vector<512x2048xf32> to vector<8x2048xf32>
      %gt3A_994 = arith.cmpf ogt, %slice3A_993, %select_n3A_988 : vector<8x2048xf32>
      %select_n3A_995 = arith.select %gt3A_994, %slice3A_993, %select_n3A_988 : vector<8x2048xi1>, vector<8x2048xf32>
      %sub3A_996 = arith.constant 4.000000e+00 : f32
      %sub3A_997 = arith.subf %convert_element_type3A_964, %sub3A_996 : f32
      %broadcast_in_dim3A_998 = vector.broadcast %sub3A_997 : f32 to vector<8x2048xf32>
      %select_n3A_999 = arith.select %gt3A_994, %broadcast_in_dim3A_998, %select_n3A_992 : vector<8x2048xi1>, vector<8x2048xf32>
      %slice3A_1000 = vector.extract_strided_slice %dot_general3A_959 {offsets = [40, 0], sizes = [8, 2048], strides = [1, 1]} : vector<512x2048xf32> to vector<8x2048xf32>
      %gt3A_1001 = arith.cmpf ogt, %slice3A_1000, %select_n3A_995 : vector<8x2048xf32>
      %select_n3A_1002 = arith.select %gt3A_1001, %slice3A_1000, %select_n3A_995 : vector<8x2048xi1>, vector<8x2048xf32>
      %sub3A_1003 = arith.constant 5.000000e+00 : f32
      %sub3A_1004 = arith.subf %convert_element_type3A_964, %sub3A_1003 : f32
      %broadcast_in_dim3A_1005 = vector.broadcast %sub3A_1004 : f32 to vector<8x2048xf32>
      %select_n3A_1006 = arith.select %gt3A_1001, %broadcast_in_dim3A_1005, %select_n3A_999 : vector<8x2048xi1>, vector<8x2048xf32>
      %slice3A_1007 = vector.extract_strided_slice %dot_general3A_959 {offsets = [48, 0], sizes = [8, 2048], strides = [1, 1]} : vector<512x2048xf32> to vector<8x2048xf32>
      %gt3A_1008 = arith.cmpf ogt, %slice3A_1007, %select_n3A_1002 : vector<8x2048xf32>
      %select_n3A_1009 = arith.select %gt3A_1008, %slice3A_1007, %select_n3A_1002 : vector<8x2048xi1>, vector<8x2048xf32>
      %sub3A_1010 = arith.constant 6.000000e+00 : f32
      %sub3A_1011 = arith.subf %convert_element_type3A_964, %sub3A_1010 : f32
      %broadcast_in_dim3A_1012 = vector.broadcast %sub3A_1011 : f32 to vector<8x2048xf32>
      %select_n3A_1013 = arith.select %gt3A_1008, %broadcast_in_dim3A_1012, %select_n3A_1006 : vector<8x2048xi1>, vector<8x2048xf32>
      %slice3A_1014 = vector.extract_strided_slice %dot_general3A_959 {offsets = [56, 0], sizes = [8, 2048], strides = [1, 1]} : vector<512x2048xf32> to vector<8x2048xf32>
      %gt3A_1015 = arith.cmpf ogt, %slice3A_1014, %select_n3A_1009 : vector<8x2048xf32>
      %select_n3A_1016 = arith.select %gt3A_1015, %slice3A_1014, %select_n3A_1009 : vector<8x2048xi1>, vector<8x2048xf32>
      %sub3A_1017 = arith.constant 7.000000e+00 : f32
      %sub3A_1018 = arith.subf %convert_element_type3A_964, %sub3A_1017 : f32
      %broadcast_in_dim3A_1019 = vector.broadcast %sub3A_1018 : f32 to vector<8x2048xf32>
      %select_n3A_1020 = arith.select %gt3A_1015, %broadcast_in_dim3A_1019, %select_n3A_1013 : vector<8x2048xi1>, vector<8x2048xf32>
      %slice3A_1021 = vector.extract_strided_slice %dot_general3A_959 {offsets = [64, 0], sizes = [8, 2048], strides = [1, 1]} : vector<512x2048xf32> to vector<8x2048xf32>
      %gt3A_1022 = arith.cmpf ogt, %slice3A_1021, %select_n3A_1016 : vector<8x2048xf32>
      %select_n3A_1023 = arith.select %gt3A_1022, %slice3A_1021, %select_n3A_1016 : vector<8x2048xi1>, vector<8x2048xf32>
      %sub3A_1024 = arith.constant 8.000000e+00 : f32
      %sub3A_1025 = arith.subf %convert_element_type3A_964, %sub3A_1024 : f32
      %broadcast_in_dim3A_1026 = vector.broadcast %sub3A_1025 : f32 to vector<8x2048xf32>
      %select_n3A_1027 = arith.select %gt3A_1022, %broadcast_in_dim3A_1026, %select_n3A_1020 : vector<8x2048xi1>, vector<8x2048xf32>
      %slice3A_1028 = vector.extract_strided_slice %dot_general3A_959 {offsets = [72, 0], sizes = [8, 2048], strides = [1, 1]} : vector<512x2048xf32> to vector<8x2048xf32>
      %gt3A_1029 = arith.cmpf ogt, %slice3A_1028, %select_n3A_1023 : vector<8x2048xf32>
      %select_n3A_1030 = arith.select %gt3A_1029, %slice3A_1028, %select_n3A_1023 : vector<8x2048xi1>, vector<8x2048xf32>
      %sub3A_1031 = arith.constant 9.000000e+00 : f32
      %sub3A_1032 = arith.subf %convert_element_type3A_964, %sub3A_1031 : f32
      %broadcast_in_dim3A_1033 = vector.broadcast %sub3A_1032 : f32 to vector<8x2048xf32>
      %select_n3A_1034 = arith.select %gt3A_1029, %broadcast_in_dim3A_1033, %select_n3A_1027 : vector<8x2048xi1>, vector<8x2048xf32>
      %slice3A_1035 = vector.extract_strided_slice %dot_general3A_959 {offsets = [80, 0], sizes = [8, 2048], strides = [1, 1]} : vector<512x2048xf32> to vector<8x2048xf32>
      %gt3A_1036 = arith.cmpf ogt, %slice3A_1035, %select_n3A_1030 : vector<8x2048xf32>
      %select_n3A_1037 = arith.select %gt3A_1036, %slice3A_1035, %select_n3A_1030 : vector<8x2048xi1>, vector<8x2048xf32>
      %sub3A_1038 = arith.constant 1.000000e+01 : f32
      %sub3A_1039 = arith.subf %convert_element_type3A_964, %sub3A_1038 : f32
      %broadcast_in_dim3A_1040 = vector.broadcast %sub3A_1039 : f32 to vector<8x2048xf32>
      %select_n3A_1041 = arith.select %gt3A_1036, %broadcast_in_dim3A_1040, %select_n3A_1034 : vector<8x2048xi1>, vector<8x2048xf32>
      %slice3A_1042 = vector.extract_strided_slice %dot_general3A_959 {offsets = [88, 0], sizes = [8, 2048], strides = [1, 1]} : vector<512x2048xf32> to vector<8x2048xf32>
      %gt3A_1043 = arith.cmpf ogt, %slice3A_1042, %select_n3A_1037 : vector<8x2048xf32>
      %select_n3A_1044 = arith.select %gt3A_1043, %slice3A_1042, %select_n3A_1037 : vector<8x2048xi1>, vector<8x2048xf32>
      %sub3A_1045 = arith.constant 1.100000e+01 : f32
      %sub3A_1046 = arith.subf %convert_element_type3A_964, %sub3A_1045 : f32
      %broadcast_in_dim3A_1047 = vector.broadcast %sub3A_1046 : f32 to vector<8x2048xf32>
      %select_n3A_1048 = arith.select %gt3A_1043, %broadcast_in_dim3A_1047, %select_n3A_1041 : vector<8x2048xi1>, vector<8x2048xf32>
      %slice3A_1049 = vector.extract_strided_slice %dot_general3A_959 {offsets = [96, 0], sizes = [8, 2048], strides = [1, 1]} : vector<512x2048xf32> to vector<8x2048xf32>
      %gt3A_1050 = arith.cmpf ogt, %slice3A_1049, %select_n3A_1044 : vector<8x2048xf32>
      %select_n3A_1051 = arith.select %gt3A_1050, %slice3A_1049, %select_n3A_1044 : vector<8x2048xi1>, vector<8x2048xf32>
      %sub3A_1052 = arith.constant 1.200000e+01 : f32
      %sub3A_1053 = arith.subf %convert_element_type3A_964, %sub3A_1052 : f32
      %broadcast_in_dim3A_1054 = vector.broadcast %sub3A_1053 : f32 to vector<8x2048xf32>
      %select_n3A_1055 = arith.select %gt3A_1050, %broadcast_in_dim3A_1054, %select_n3A_1048 : vector<8x2048xi1>, vector<8x2048xf32>
      %slice3A_1056 = vector.extract_strided_slice %dot_general3A_959 {offsets = [104, 0], sizes = [8, 2048], strides = [1, 1]} : vector<512x2048xf32> to vector<8x2048xf32>
      %gt3A_1057 = arith.cmpf ogt, %slice3A_1056, %select_n3A_1051 : vector<8x2048xf32>
      %select_n3A_1058 = arith.select %gt3A_1057, %slice3A_1056, %select_n3A_1051 : vector<8x2048xi1>, vector<8x2048xf32>
      %sub3A_1059 = arith.constant 1.300000e+01 : f32
      %sub3A_1060 = arith.subf %convert_element_type3A_964, %sub3A_1059 : f32
      %broadcast_in_dim3A_1061 = vector.broadcast %sub3A_1060 : f32 to vector<8x2048xf32>
      %select_n3A_1062 = arith.select %gt3A_1057, %broadcast_in_dim3A_1061, %select_n3A_1055 : vector<8x2048xi1>, vector<8x2048xf32>
      %slice3A_1063 = vector.extract_strided_slice %dot_general3A_959 {offsets = [112, 0], sizes = [8, 2048], strides = [1, 1]} : vector<512x2048xf32> to vector<8x2048xf32>
      %gt3A_1064 = arith.cmpf ogt, %slice3A_1063, %select_n3A_1058 : vector<8x2048xf32>
      %select_n3A_1065 = arith.select %gt3A_1064, %slice3A_1063, %select_n3A_1058 : vector<8x2048xi1>, vector<8x2048xf32>
      %sub3A_1066 = arith.constant 1.400000e+01 : f32
      %sub3A_1067 = arith.subf %convert_element_type3A_964, %sub3A_1066 : f32
      %broadcast_in_dim3A_1068 = vector.broadcast %sub3A_1067 : f32 to vector<8x2048xf32>
      %select_n3A_1069 = arith.select %gt3A_1064, %broadcast_in_dim3A_1068, %select_n3A_1062 : vector<8x2048xi1>, vector<8x2048xf32>
      %slice3A_1070 = vector.extract_strided_slice %dot_general3A_959 {offsets = [120, 0], sizes = [8, 2048], strides = [1, 1]} : vector<512x2048xf32> to vector<8x2048xf32>
      %gt3A_1071 = arith.cmpf ogt, %slice3A_1070, %select_n3A_1065 : vector<8x2048xf32>
      %select_n3A_1072 = arith.select %gt3A_1071, %slice3A_1070, %select_n3A_1065 : vector<8x2048xi1>, vector<8x2048xf32>
      %sub3A_1073 = arith.constant 1.500000e+01 : f32
      %sub3A_1074 = arith.subf %convert_element_type3A_964, %sub3A_1073 : f32
      %broadcast_in_dim3A_1075 = vector.broadcast %sub3A_1074 : f32 to vector<8x2048xf32>
      %select_n3A_1076 = arith.select %gt3A_1071, %broadcast_in_dim3A_1075, %select_n3A_1069 : vector<8x2048xi1>, vector<8x2048xf32>
      %slice3A_1077 = vector.extract_strided_slice %dot_general3A_959 {offsets = [128, 0], sizes = [8, 2048], strides = [1, 1]} : vector<512x2048xf32> to vector<8x2048xf32>
      %gt3A_1078 = arith.cmpf ogt, %slice3A_1077, %select_n3A_1072 : vector<8x2048xf32>
      %select_n3A_1079 = arith.select %gt3A_1078, %slice3A_1077, %select_n3A_1072 : vector<8x2048xi1>, vector<8x2048xf32>
      %sub3A_1080 = arith.constant 1.600000e+01 : f32
      %sub3A_1081 = arith.subf %convert_element_type3A_964, %sub3A_1080 : f32
      %broadcast_in_dim3A_1082 = vector.broadcast %sub3A_1081 : f32 to vector<8x2048xf32>
      %select_n3A_1083 = arith.select %gt3A_1078, %broadcast_in_dim3A_1082, %select_n3A_1076 : vector<8x2048xi1>, vector<8x2048xf32>
      %slice3A_1084 = vector.extract_strided_slice %dot_general3A_959 {offsets = [136, 0], sizes = [8, 2048], strides = [1, 1]} : vector<512x2048xf32> to vector<8x2048xf32>
      %gt3A_1085 = arith.cmpf ogt, %slice3A_1084, %select_n3A_1079 : vector<8x2048xf32>
      %select_n3A_1086 = arith.select %gt3A_1085, %slice3A_1084, %select_n3A_1079 : vector<8x2048xi1>, vector<8x2048xf32>
      %sub3A_1087 = arith.constant 1.700000e+01 : f32
      %sub3A_1088 = arith.subf %convert_element_type3A_964, %sub3A_1087 : f32
      %broadcast_in_dim3A_1089 = vector.broadcast %sub3A_1088 : f32 to vector<8x2048xf32>
      %select_n3A_1090 = arith.select %gt3A_1085, %broadcast_in_dim3A_1089, %select_n3A_1083 : vector<8x2048xi1>, vector<8x2048xf32>
      %slice3A_1091 = vector.extract_strided_slice %dot_general3A_959 {offsets = [144, 0], sizes = [8, 2048], strides = [1, 1]} : vector<512x2048xf32> to vector<8x2048xf32>
      %gt3A_1092 = arith.cmpf ogt, %slice3A_1091, %select_n3A_1086 : vector<8x2048xf32>
      %select_n3A_1093 = arith.select %gt3A_1092, %slice3A_1091, %select_n3A_1086 : vector<8x2048xi1>, vector<8x2048xf32>
      %sub3A_1094 = arith.constant 1.800000e+01 : f32
      %sub3A_1095 = arith.subf %convert_element_type3A_964, %sub3A_1094 : f32
      %broadcast_in_dim3A_1096 = vector.broadcast %sub3A_1095 : f32 to vector<8x2048xf32>
      %select_n3A_1097 = arith.select %gt3A_1092, %broadcast_in_dim3A_1096, %select_n3A_1090 : vector<8x2048xi1>, vector<8x2048xf32>
      %slice3A_1098 = vector.extract_strided_slice %dot_general3A_959 {offsets = [152, 0], sizes = [8, 2048], strides = [1, 1]} : vector<512x2048xf32> to vector<8x2048xf32>
      %gt3A_1099 = arith.cmpf ogt, %slice3A_1098, %select_n3A_1093 : vector<8x2048xf32>
      %select_n3A_1100 = arith.select %gt3A_1099, %slice3A_1098, %select_n3A_1093 : vector<8x2048xi1>, vector<8x2048xf32>
      %sub3A_1101 = arith.constant 1.900000e+01 : f32
      %sub3A_1102 = arith.subf %convert_element_type3A_964, %sub3A_1101 : f32
      %broadcast_in_dim3A_1103 = vector.broadcast %sub3A_1102 : f32 to vector<8x2048xf32>
      %select_n3A_1104 = arith.select %gt3A_1099, %broadcast_in_dim3A_1103, %select_n3A_1097 : vector<8x2048xi1>, vector<8x2048xf32>
      %slice3A_1105 = vector.extract_strided_slice %dot_general3A_959 {offsets = [160, 0], sizes = [8, 2048], strides = [1, 1]} : vector<512x2048xf32> to vector<8x2048xf32>
      %gt3A_1106 = arith.cmpf ogt, %slice3A_1105, %select_n3A_1100 : vector<8x2048xf32>
      %select_n3A_1107 = arith.select %gt3A_1106, %slice3A_1105, %select_n3A_1100 : vector<8x2048xi1>, vector<8x2048xf32>
      %sub3A_1108 = arith.constant 2.000000e+01 : f32
      %sub3A_1109 = arith.subf %convert_element_type3A_964, %sub3A_1108 : f32
      %broadcast_in_dim3A_1110 = vector.broadcast %sub3A_1109 : f32 to vector<8x2048xf32>
      %select_n3A_1111 = arith.select %gt3A_1106, %broadcast_in_dim3A_1110, %select_n3A_1104 : vector<8x2048xi1>, vector<8x2048xf32>
      %slice3A_1112 = vector.extract_strided_slice %dot_general3A_959 {offsets = [168, 0], sizes = [8, 2048], strides = [1, 1]} : vector<512x2048xf32> to vector<8x2048xf32>
      %gt3A_1113 = arith.cmpf ogt, %slice3A_1112, %select_n3A_1107 : vector<8x2048xf32>
      %select_n3A_1114 = arith.select %gt3A_1113, %slice3A_1112, %select_n3A_1107 : vector<8x2048xi1>, vector<8x2048xf32>
      %sub3A_1115 = arith.constant 2.100000e+01 : f32
      %sub3A_1116 = arith.subf %convert_element_type3A_964, %sub3A_1115 : f32
      %broadcast_in_dim3A_1117 = vector.broadcast %sub3A_1116 : f32 to vector<8x2048xf32>
      %select_n3A_1118 = arith.select %gt3A_1113, %broadcast_in_dim3A_1117, %select_n3A_1111 : vector<8x2048xi1>, vector<8x2048xf32>
      %slice3A_1119 = vector.extract_strided_slice %dot_general3A_959 {offsets = [176, 0], sizes = [8, 2048], strides = [1, 1]} : vector<512x2048xf32> to vector<8x2048xf32>
      %gt3A_1120 = arith.cmpf ogt, %slice3A_1119, %select_n3A_1114 : vector<8x2048xf32>
      %select_n3A_1121 = arith.select %gt3A_1120, %slice3A_1119, %select_n3A_1114 : vector<8x2048xi1>, vector<8x2048xf32>
      %sub3A_1122 = arith.constant 2.200000e+01 : f32
      %sub3A_1123 = arith.subf %convert_element_type3A_964, %sub3A_1122 : f32
      %broadcast_in_dim3A_1124 = vector.broadcast %sub3A_1123 : f32 to vector<8x2048xf32>
      %select_n3A_1125 = arith.select %gt3A_1120, %broadcast_in_dim3A_1124, %select_n3A_1118 : vector<8x2048xi1>, vector<8x2048xf32>
      %slice3A_1126 = vector.extract_strided_slice %dot_general3A_959 {offsets = [184, 0], sizes = [8, 2048], strides = [1, 1]} : vector<512x2048xf32> to vector<8x2048xf32>
      %gt3A_1127 = arith.cmpf ogt, %slice3A_1126, %select_n3A_1121 : vector<8x2048xf32>
      %select_n3A_1128 = arith.select %gt3A_1127, %slice3A_1126, %select_n3A_1121 : vector<8x2048xi1>, vector<8x2048xf32>
      %sub3A_1129 = arith.constant 2.300000e+01 : f32
      %sub3A_1130 = arith.subf %convert_element_type3A_964, %sub3A_1129 : f32
      %broadcast_in_dim3A_1131 = vector.broadcast %sub3A_1130 : f32 to vector<8x2048xf32>
      %select_n3A_1132 = arith.select %gt3A_1127, %broadcast_in_dim3A_1131, %select_n3A_1125 : vector<8x2048xi1>, vector<8x2048xf32>
      %slice3A_1133 = vector.extract_strided_slice %dot_general3A_959 {offsets = [192, 0], sizes = [8, 2048], strides = [1, 1]} : vector<512x2048xf32> to vector<8x2048xf32>
      %gt3A_1134 = arith.cmpf ogt, %slice3A_1133, %select_n3A_1128 : vector<8x2048xf32>
      %select_n3A_1135 = arith.select %gt3A_1134, %slice3A_1133, %select_n3A_1128 : vector<8x2048xi1>, vector<8x2048xf32>
      %sub3A_1136 = arith.constant 2.400000e+01 : f32
      %sub3A_1137 = arith.subf %convert_element_type3A_964, %sub3A_1136 : f32
      %broadcast_in_dim3A_1138 = vector.broadcast %sub3A_1137 : f32 to vector<8x2048xf32>
      %select_n3A_1139 = arith.select %gt3A_1134, %broadcast_in_dim3A_1138, %select_n3A_1132 : vector<8x2048xi1>, vector<8x2048xf32>
      %slice3A_1140 = vector.extract_strided_slice %dot_general3A_959 {offsets = [200, 0], sizes = [8, 2048], strides = [1, 1]} : vector<512x2048xf32> to vector<8x2048xf32>
      %gt3A_1141 = arith.cmpf ogt, %slice3A_1140, %select_n3A_1135 : vector<8x2048xf32>
      %select_n3A_1142 = arith.select %gt3A_1141, %slice3A_1140, %select_n3A_1135 : vector<8x2048xi1>, vector<8x2048xf32>
      %sub3A_1143 = arith.constant 2.500000e+01 : f32
      %sub3A_1144 = arith.subf %convert_element_type3A_964, %sub3A_1143 : f32
      %broadcast_in_dim3A_1145 = vector.broadcast %sub3A_1144 : f32 to vector<8x2048xf32>
      %select_n3A_1146 = arith.select %gt3A_1141, %broadcast_in_dim3A_1145, %select_n3A_1139 : vector<8x2048xi1>, vector<8x2048xf32>
      %slice3A_1147 = vector.extract_strided_slice %dot_general3A_959 {offsets = [208, 0], sizes = [8, 2048], strides = [1, 1]} : vector<512x2048xf32> to vector<8x2048xf32>
      %gt3A_1148 = arith.cmpf ogt, %slice3A_1147, %select_n3A_1142 : vector<8x2048xf32>
      %select_n3A_1149 = arith.select %gt3A_1148, %slice3A_1147, %select_n3A_1142 : vector<8x2048xi1>, vector<8x2048xf32>
      %sub3A_1150 = arith.constant 2.600000e+01 : f32
      %sub3A_1151 = arith.subf %convert_element_type3A_964, %sub3A_1150 : f32
      %broadcast_in_dim3A_1152 = vector.broadcast %sub3A_1151 : f32 to vector<8x2048xf32>
      %select_n3A_1153 = arith.select %gt3A_1148, %broadcast_in_dim3A_1152, %select_n3A_1146 : vector<8x2048xi1>, vector<8x2048xf32>
      %slice3A_1154 = vector.extract_strided_slice %dot_general3A_959 {offsets = [216, 0], sizes = [8, 2048], strides = [1, 1]} : vector<512x2048xf32> to vector<8x2048xf32>
      %gt3A_1155 = arith.cmpf ogt, %slice3A_1154, %select_n3A_1149 : vector<8x2048xf32>
      %select_n3A_1156 = arith.select %gt3A_1155, %slice3A_1154, %select_n3A_1149 : vector<8x2048xi1>, vector<8x2048xf32>
      %sub3A_1157 = arith.constant 2.700000e+01 : f32
      %sub3A_1158 = arith.subf %convert_element_type3A_964, %sub3A_1157 : f32
      %broadcast_in_dim3A_1159 = vector.broadcast %sub3A_1158 : f32 to vector<8x2048xf32>
      %select_n3A_1160 = arith.select %gt3A_1155, %broadcast_in_dim3A_1159, %select_n3A_1153 : vector<8x2048xi1>, vector<8x2048xf32>
      %slice3A_1161 = vector.extract_strided_slice %dot_general3A_959 {offsets = [224, 0], sizes = [8, 2048], strides = [1, 1]} : vector<512x2048xf32> to vector<8x2048xf32>
      %gt3A_1162 = arith.cmpf ogt, %slice3A_1161, %select_n3A_1156 : vector<8x2048xf32>
      %select_n3A_1163 = arith.select %gt3A_1162, %slice3A_1161, %select_n3A_1156 : vector<8x2048xi1>, vector<8x2048xf32>
      %sub3A_1164 = arith.constant 2.800000e+01 : f32
      %sub3A_1165 = arith.subf %convert_element_type3A_964, %sub3A_1164 : f32
      %broadcast_in_dim3A_1166 = vector.broadcast %sub3A_1165 : f32 to vector<8x2048xf32>
      %select_n3A_1167 = arith.select %gt3A_1162, %broadcast_in_dim3A_1166, %select_n3A_1160 : vector<8x2048xi1>, vector<8x2048xf32>
      %slice3A_1168 = vector.extract_strided_slice %dot_general3A_959 {offsets = [232, 0], sizes = [8, 2048], strides = [1, 1]} : vector<512x2048xf32> to vector<8x2048xf32>
      %gt3A_1169 = arith.cmpf ogt, %slice3A_1168, %select_n3A_1163 : vector<8x2048xf32>
      %select_n3A_1170 = arith.select %gt3A_1169, %slice3A_1168, %select_n3A_1163 : vector<8x2048xi1>, vector<8x2048xf32>
      %sub3A_1171 = arith.constant 2.900000e+01 : f32
      %sub3A_1172 = arith.subf %convert_element_type3A_964, %sub3A_1171 : f32
      %broadcast_in_dim3A_1173 = vector.broadcast %sub3A_1172 : f32 to vector<8x2048xf32>
      %select_n3A_1174 = arith.select %gt3A_1169, %broadcast_in_dim3A_1173, %select_n3A_1167 : vector<8x2048xi1>, vector<8x2048xf32>
      %slice3A_1175 = vector.extract_strided_slice %dot_general3A_959 {offsets = [240, 0], sizes = [8, 2048], strides = [1, 1]} : vector<512x2048xf32> to vector<8x2048xf32>
      %gt3A_1176 = arith.cmpf ogt, %slice3A_1175, %select_n3A_1170 : vector<8x2048xf32>
      %select_n3A_1177 = arith.select %gt3A_1176, %slice3A_1175, %select_n3A_1170 : vector<8x2048xi1>, vector<8x2048xf32>
      %sub3A_1178 = arith.constant 3.000000e+01 : f32
      %sub3A_1179 = arith.subf %convert_element_type3A_964, %sub3A_1178 : f32
      %broadcast_in_dim3A_1180 = vector.broadcast %sub3A_1179 : f32 to vector<8x2048xf32>
      %select_n3A_1181 = arith.select %gt3A_1176, %broadcast_in_dim3A_1180, %select_n3A_1174 : vector<8x2048xi1>, vector<8x2048xf32>
      %slice3A_1182 = vector.extract_strided_slice %dot_general3A_959 {offsets = [248, 0], sizes = [8, 2048], strides = [1, 1]} : vector<512x2048xf32> to vector<8x2048xf32>
      %gt3A_1183 = arith.cmpf ogt, %slice3A_1182, %select_n3A_1177 : vector<8x2048xf32>
      %select_n3A_1184 = arith.select %gt3A_1183, %slice3A_1182, %select_n3A_1177 : vector<8x2048xi1>, vector<8x2048xf32>
      %sub3A_1185 = arith.constant 3.100000e+01 : f32
      %sub3A_1186 = arith.subf %convert_element_type3A_964, %sub3A_1185 : f32
      %broadcast_in_dim3A_1187 = vector.broadcast %sub3A_1186 : f32 to vector<8x2048xf32>
      %select_n3A_1188 = arith.select %gt3A_1183, %broadcast_in_dim3A_1187, %select_n3A_1181 : vector<8x2048xi1>, vector<8x2048xf32>
      %slice3A_1189 = vector.extract_strided_slice %dot_general3A_959 {offsets = [256, 0], sizes = [8, 2048], strides = [1, 1]} : vector<512x2048xf32> to vector<8x2048xf32>
      %gt3A_1190 = arith.cmpf ogt, %slice3A_1189, %select_n3A_1184 : vector<8x2048xf32>
      %select_n3A_1191 = arith.select %gt3A_1190, %slice3A_1189, %select_n3A_1184 : vector<8x2048xi1>, vector<8x2048xf32>
      %sub3A_1192 = arith.constant 3.200000e+01 : f32
      %sub3A_1193 = arith.subf %convert_element_type3A_964, %sub3A_1192 : f32
      %broadcast_in_dim3A_1194 = vector.broadcast %sub3A_1193 : f32 to vector<8x2048xf32>
      %select_n3A_1195 = arith.select %gt3A_1190, %broadcast_in_dim3A_1194, %select_n3A_1188 : vector<8x2048xi1>, vector<8x2048xf32>
      %slice3A_1196 = vector.extract_strided_slice %dot_general3A_959 {offsets = [264, 0], sizes = [8, 2048], strides = [1, 1]} : vector<512x2048xf32> to vector<8x2048xf32>
      %gt3A_1197 = arith.cmpf ogt, %slice3A_1196, %select_n3A_1191 : vector<8x2048xf32>
      %select_n3A_1198 = arith.select %gt3A_1197, %slice3A_1196, %select_n3A_1191 : vector<8x2048xi1>, vector<8x2048xf32>
      %sub3A_1199 = arith.constant 3.300000e+01 : f32
      %sub3A_1200 = arith.subf %convert_element_type3A_964, %sub3A_1199 : f32
      %broadcast_in_dim3A_1201 = vector.broadcast %sub3A_1200 : f32 to vector<8x2048xf32>
      %select_n3A_1202 = arith.select %gt3A_1197, %broadcast_in_dim3A_1201, %select_n3A_1195 : vector<8x2048xi1>, vector<8x2048xf32>
      %slice3A_1203 = vector.extract_strided_slice %dot_general3A_959 {offsets = [272, 0], sizes = [8, 2048], strides = [1, 1]} : vector<512x2048xf32> to vector<8x2048xf32>
      %gt3A_1204 = arith.cmpf ogt, %slice3A_1203, %select_n3A_1198 : vector<8x2048xf32>
      %select_n3A_1205 = arith.select %gt3A_1204, %slice3A_1203, %select_n3A_1198 : vector<8x2048xi1>, vector<8x2048xf32>
      %sub3A_1206 = arith.constant 3.400000e+01 : f32
      %sub3A_1207 = arith.subf %convert_element_type3A_964, %sub3A_1206 : f32
      %broadcast_in_dim3A_1208 = vector.broadcast %sub3A_1207 : f32 to vector<8x2048xf32>
      %select_n3A_1209 = arith.select %gt3A_1204, %broadcast_in_dim3A_1208, %select_n3A_1202 : vector<8x2048xi1>, vector<8x2048xf32>
      %slice3A_1210 = vector.extract_strided_slice %dot_general3A_959 {offsets = [280, 0], sizes = [8, 2048], strides = [1, 1]} : vector<512x2048xf32> to vector<8x2048xf32>
      %gt3A_1211 = arith.cmpf ogt, %slice3A_1210, %select_n3A_1205 : vector<8x2048xf32>
      %select_n3A_1212 = arith.select %gt3A_1211, %slice3A_1210, %select_n3A_1205 : vector<8x2048xi1>, vector<8x2048xf32>
      %sub3A_1213 = arith.constant 3.500000e+01 : f32
      %sub3A_1214 = arith.subf %convert_element_type3A_964, %sub3A_1213 : f32
      %broadcast_in_dim3A_1215 = vector.broadcast %sub3A_1214 : f32 to vector<8x2048xf32>
      %select_n3A_1216 = arith.select %gt3A_1211, %broadcast_in_dim3A_1215, %select_n3A_1209 : vector<8x2048xi1>, vector<8x2048xf32>
      %slice3A_1217 = vector.extract_strided_slice %dot_general3A_959 {offsets = [288, 0], sizes = [8, 2048], strides = [1, 1]} : vector<512x2048xf32> to vector<8x2048xf32>
      %gt3A_1218 = arith.cmpf ogt, %slice3A_1217, %select_n3A_1212 : vector<8x2048xf32>
      %select_n3A_1219 = arith.select %gt3A_1218, %slice3A_1217, %select_n3A_1212 : vector<8x2048xi1>, vector<8x2048xf32>
      %sub3A_1220 = arith.constant 3.600000e+01 : f32
      %sub3A_1221 = arith.subf %convert_element_type3A_964, %sub3A_1220 : f32
      %broadcast_in_dim3A_1222 = vector.broadcast %sub3A_1221 : f32 to vector<8x2048xf32>
      %select_n3A_1223 = arith.select %gt3A_1218, %broadcast_in_dim3A_1222, %select_n3A_1216 : vector<8x2048xi1>, vector<8x2048xf32>
      %slice3A_1224 = vector.extract_strided_slice %dot_general3A_959 {offsets = [296, 0], sizes = [8, 2048], strides = [1, 1]} : vector<512x2048xf32> to vector<8x2048xf32>
      %gt3A_1225 = arith.cmpf ogt, %slice3A_1224, %select_n3A_1219 : vector<8x2048xf32>
      %select_n3A_1226 = arith.select %gt3A_1225, %slice3A_1224, %select_n3A_1219 : vector<8x2048xi1>, vector<8x2048xf32>
      %sub3A_1227 = arith.constant 3.700000e+01 : f32
      %sub3A_1228 = arith.subf %convert_element_type3A_964, %sub3A_1227 : f32
      %broadcast_in_dim3A_1229 = vector.broadcast %sub3A_1228 : f32 to vector<8x2048xf32>
      %select_n3A_1230 = arith.select %gt3A_1225, %broadcast_in_dim3A_1229, %select_n3A_1223 : vector<8x2048xi1>, vector<8x2048xf32>
      %slice3A_1231 = vector.extract_strided_slice %dot_general3A_959 {offsets = [304, 0], sizes = [8, 2048], strides = [1, 1]} : vector<512x2048xf32> to vector<8x2048xf32>
      %gt3A_1232 = arith.cmpf ogt, %slice3A_1231, %select_n3A_1226 : vector<8x2048xf32>
      %select_n3A_1233 = arith.select %gt3A_1232, %slice3A_1231, %select_n3A_1226 : vector<8x2048xi1>, vector<8x2048xf32>
      %sub3A_1234 = arith.constant 3.800000e+01 : f32
      %sub3A_1235 = arith.subf %convert_element_type3A_964, %sub3A_1234 : f32
      %broadcast_in_dim3A_1236 = vector.broadcast %sub3A_1235 : f32 to vector<8x2048xf32>
      %select_n3A_1237 = arith.select %gt3A_1232, %broadcast_in_dim3A_1236, %select_n3A_1230 : vector<8x2048xi1>, vector<8x2048xf32>
      %slice3A_1238 = vector.extract_strided_slice %dot_general3A_959 {offsets = [312, 0], sizes = [8, 2048], strides = [1, 1]} : vector<512x2048xf32> to vector<8x2048xf32>
      %gt3A_1239 = arith.cmpf ogt, %slice3A_1238, %select_n3A_1233 : vector<8x2048xf32>
      %select_n3A_1240 = arith.select %gt3A_1239, %slice3A_1238, %select_n3A_1233 : vector<8x2048xi1>, vector<8x2048xf32>
      %sub3A_1241 = arith.constant 3.900000e+01 : f32
      %sub3A_1242 = arith.subf %convert_element_type3A_964, %sub3A_1241 : f32
      %broadcast_in_dim3A_1243 = vector.broadcast %sub3A_1242 : f32 to vector<8x2048xf32>
      %select_n3A_1244 = arith.select %gt3A_1239, %broadcast_in_dim3A_1243, %select_n3A_1237 : vector<8x2048xi1>, vector<8x2048xf32>
      %slice3A_1245 = vector.extract_strided_slice %dot_general3A_959 {offsets = [320, 0], sizes = [8, 2048], strides = [1, 1]} : vector<512x2048xf32> to vector<8x2048xf32>
      %gt3A_1246 = arith.cmpf ogt, %slice3A_1245, %select_n3A_1240 : vector<8x2048xf32>
      %select_n3A_1247 = arith.select %gt3A_1246, %slice3A_1245, %select_n3A_1240 : vector<8x2048xi1>, vector<8x2048xf32>
      %sub3A_1248 = arith.constant 4.000000e+01 : f32
      %sub3A_1249 = arith.subf %convert_element_type3A_964, %sub3A_1248 : f32
      %broadcast_in_dim3A_1250 = vector.broadcast %sub3A_1249 : f32 to vector<8x2048xf32>
      %select_n3A_1251 = arith.select %gt3A_1246, %broadcast_in_dim3A_1250, %select_n3A_1244 : vector<8x2048xi1>, vector<8x2048xf32>
      %slice3A_1252 = vector.extract_strided_slice %dot_general3A_959 {offsets = [328, 0], sizes = [8, 2048], strides = [1, 1]} : vector<512x2048xf32> to vector<8x2048xf32>
      %gt3A_1253 = arith.cmpf ogt, %slice3A_1252, %select_n3A_1247 : vector<8x2048xf32>
      %select_n3A_1254 = arith.select %gt3A_1253, %slice3A_1252, %select_n3A_1247 : vector<8x2048xi1>, vector<8x2048xf32>
      %sub3A_1255 = arith.constant 4.100000e+01 : f32
      %sub3A_1256 = arith.subf %convert_element_type3A_964, %sub3A_1255 : f32
      %broadcast_in_dim3A_1257 = vector.broadcast %sub3A_1256 : f32 to vector<8x2048xf32>
      %select_n3A_1258 = arith.select %gt3A_1253, %broadcast_in_dim3A_1257, %select_n3A_1251 : vector<8x2048xi1>, vector<8x2048xf32>
      %slice3A_1259 = vector.extract_strided_slice %dot_general3A_959 {offsets = [336, 0], sizes = [8, 2048], strides = [1, 1]} : vector<512x2048xf32> to vector<8x2048xf32>
      %gt3A_1260 = arith.cmpf ogt, %slice3A_1259, %select_n3A_1254 : vector<8x2048xf32>
      %select_n3A_1261 = arith.select %gt3A_1260, %slice3A_1259, %select_n3A_1254 : vector<8x2048xi1>, vector<8x2048xf32>
      %sub3A_1262 = arith.constant 4.200000e+01 : f32
      %sub3A_1263 = arith.subf %convert_element_type3A_964, %sub3A_1262 : f32
      %broadcast_in_dim3A_1264 = vector.broadcast %sub3A_1263 : f32 to vector<8x2048xf32>
      %select_n3A_1265 = arith.select %gt3A_1260, %broadcast_in_dim3A_1264, %select_n3A_1258 : vector<8x2048xi1>, vector<8x2048xf32>
      %slice3A_1266 = vector.extract_strided_slice %dot_general3A_959 {offsets = [344, 0], sizes = [8, 2048], strides = [1, 1]} : vector<512x2048xf32> to vector<8x2048xf32>
      %gt3A_1267 = arith.cmpf ogt, %slice3A_1266, %select_n3A_1261 : vector<8x2048xf32>
      %select_n3A_1268 = arith.select %gt3A_1267, %slice3A_1266, %select_n3A_1261 : vector<8x2048xi1>, vector<8x2048xf32>
      %sub3A_1269 = arith.constant 4.300000e+01 : f32
      %sub3A_1270 = arith.subf %convert_element_type3A_964, %sub3A_1269 : f32
      %broadcast_in_dim3A_1271 = vector.broadcast %sub3A_1270 : f32 to vector<8x2048xf32>
      %select_n3A_1272 = arith.select %gt3A_1267, %broadcast_in_dim3A_1271, %select_n3A_1265 : vector<8x2048xi1>, vector<8x2048xf32>
      %slice3A_1273 = vector.extract_strided_slice %dot_general3A_959 {offsets = [352, 0], sizes = [8, 2048], strides = [1, 1]} : vector<512x2048xf32> to vector<8x2048xf32>
      %gt3A_1274 = arith.cmpf ogt, %slice3A_1273, %select_n3A_1268 : vector<8x2048xf32>
      %select_n3A_1275 = arith.select %gt3A_1274, %slice3A_1273, %select_n3A_1268 : vector<8x2048xi1>, vector<8x2048xf32>
      %sub3A_1276 = arith.constant 4.400000e+01 : f32
      %sub3A_1277 = arith.subf %convert_element_type3A_964, %sub3A_1276 : f32
      %broadcast_in_dim3A_1278 = vector.broadcast %sub3A_1277 : f32 to vector<8x2048xf32>
      %select_n3A_1279 = arith.select %gt3A_1274, %broadcast_in_dim3A_1278, %select_n3A_1272 : vector<8x2048xi1>, vector<8x2048xf32>
      %slice3A_1280 = vector.extract_strided_slice %dot_general3A_959 {offsets = [360, 0], sizes = [8, 2048], strides = [1, 1]} : vector<512x2048xf32> to vector<8x2048xf32>
      %gt3A_1281 = arith.cmpf ogt, %slice3A_1280, %select_n3A_1275 : vector<8x2048xf32>
      %select_n3A_1282 = arith.select %gt3A_1281, %slice3A_1280, %select_n3A_1275 : vector<8x2048xi1>, vector<8x2048xf32>
      %sub3A_1283 = arith.constant 4.500000e+01 : f32
      %sub3A_1284 = arith.subf %convert_element_type3A_964, %sub3A_1283 : f32
      %broadcast_in_dim3A_1285 = vector.broadcast %sub3A_1284 : f32 to vector<8x2048xf32>
      %select_n3A_1286 = arith.select %gt3A_1281, %broadcast_in_dim3A_1285, %select_n3A_1279 : vector<8x2048xi1>, vector<8x2048xf32>
      %slice3A_1287 = vector.extract_strided_slice %dot_general3A_959 {offsets = [368, 0], sizes = [8, 2048], strides = [1, 1]} : vector<512x2048xf32> to vector<8x2048xf32>
      %gt3A_1288 = arith.cmpf ogt, %slice3A_1287, %select_n3A_1282 : vector<8x2048xf32>
      %select_n3A_1289 = arith.select %gt3A_1288, %slice3A_1287, %select_n3A_1282 : vector<8x2048xi1>, vector<8x2048xf32>
      %sub3A_1290 = arith.constant 4.600000e+01 : f32
      %sub3A_1291 = arith.subf %convert_element_type3A_964, %sub3A_1290 : f32
      %broadcast_in_dim3A_1292 = vector.broadcast %sub3A_1291 : f32 to vector<8x2048xf32>
      %select_n3A_1293 = arith.select %gt3A_1288, %broadcast_in_dim3A_1292, %select_n3A_1286 : vector<8x2048xi1>, vector<8x2048xf32>
      %slice3A_1294 = vector.extract_strided_slice %dot_general3A_959 {offsets = [376, 0], sizes = [8, 2048], strides = [1, 1]} : vector<512x2048xf32> to vector<8x2048xf32>
      %gt3A_1295 = arith.cmpf ogt, %slice3A_1294, %select_n3A_1289 : vector<8x2048xf32>
      %select_n3A_1296 = arith.select %gt3A_1295, %slice3A_1294, %select_n3A_1289 : vector<8x2048xi1>, vector<8x2048xf32>
      %sub3A_1297 = arith.constant 4.700000e+01 : f32
      %sub3A_1298 = arith.subf %convert_element_type3A_964, %sub3A_1297 : f32
      %broadcast_in_dim3A_1299 = vector.broadcast %sub3A_1298 : f32 to vector<8x2048xf32>
      %select_n3A_1300 = arith.select %gt3A_1295, %broadcast_in_dim3A_1299, %select_n3A_1293 : vector<8x2048xi1>, vector<8x2048xf32>
      %slice3A_1301 = vector.extract_strided_slice %dot_general3A_959 {offsets = [384, 0], sizes = [8, 2048], strides = [1, 1]} : vector<512x2048xf32> to vector<8x2048xf32>
      %gt3A_1302 = arith.cmpf ogt, %slice3A_1301, %select_n3A_1296 : vector<8x2048xf32>
      %select_n3A_1303 = arith.select %gt3A_1302, %slice3A_1301, %select_n3A_1296 : vector<8x2048xi1>, vector<8x2048xf32>
      %sub3A_1304 = arith.constant 4.800000e+01 : f32
      %sub3A_1305 = arith.subf %convert_element_type3A_964, %sub3A_1304 : f32
      %broadcast_in_dim3A_1306 = vector.broadcast %sub3A_1305 : f32 to vector<8x2048xf32>
      %select_n3A_1307 = arith.select %gt3A_1302, %broadcast_in_dim3A_1306, %select_n3A_1300 : vector<8x2048xi1>, vector<8x2048xf32>
      %slice3A_1308 = vector.extract_strided_slice %dot_general3A_959 {offsets = [392, 0], sizes = [8, 2048], strides = [1, 1]} : vector<512x2048xf32> to vector<8x2048xf32>
      %gt3A_1309 = arith.cmpf ogt, %slice3A_1308, %select_n3A_1303 : vector<8x2048xf32>
      %select_n3A_1310 = arith.select %gt3A_1309, %slice3A_1308, %select_n3A_1303 : vector<8x2048xi1>, vector<8x2048xf32>
      %sub3A_1311 = arith.constant 4.900000e+01 : f32
      %sub3A_1312 = arith.subf %convert_element_type3A_964, %sub3A_1311 : f32
      %broadcast_in_dim3A_1313 = vector.broadcast %sub3A_1312 : f32 to vector<8x2048xf32>
      %select_n3A_1314 = arith.select %gt3A_1309, %broadcast_in_dim3A_1313, %select_n3A_1307 : vector<8x2048xi1>, vector<8x2048xf32>
      %slice3A_1315 = vector.extract_strided_slice %dot_general3A_959 {offsets = [400, 0], sizes = [8, 2048], strides = [1, 1]} : vector<512x2048xf32> to vector<8x2048xf32>
      %gt3A_1316 = arith.cmpf ogt, %slice3A_1315, %select_n3A_1310 : vector<8x2048xf32>
      %select_n3A_1317 = arith.select %gt3A_1316, %slice3A_1315, %select_n3A_1310 : vector<8x2048xi1>, vector<8x2048xf32>
      %sub3A_1318 = arith.constant 5.000000e+01 : f32
      %sub3A_1319 = arith.subf %convert_element_type3A_964, %sub3A_1318 : f32
      %broadcast_in_dim3A_1320 = vector.broadcast %sub3A_1319 : f32 to vector<8x2048xf32>
      %select_n3A_1321 = arith.select %gt3A_1316, %broadcast_in_dim3A_1320, %select_n3A_1314 : vector<8x2048xi1>, vector<8x2048xf32>
      %slice3A_1322 = vector.extract_strided_slice %dot_general3A_959 {offsets = [408, 0], sizes = [8, 2048], strides = [1, 1]} : vector<512x2048xf32> to vector<8x2048xf32>
      %gt3A_1323 = arith.cmpf ogt, %slice3A_1322, %select_n3A_1317 : vector<8x2048xf32>
      %select_n3A_1324 = arith.select %gt3A_1323, %slice3A_1322, %select_n3A_1317 : vector<8x2048xi1>, vector<8x2048xf32>
      %sub3A_1325 = arith.constant 5.100000e+01 : f32
      %sub3A_1326 = arith.subf %convert_element_type3A_964, %sub3A_1325 : f32
      %broadcast_in_dim3A_1327 = vector.broadcast %sub3A_1326 : f32 to vector<8x2048xf32>
      %select_n3A_1328 = arith.select %gt3A_1323, %broadcast_in_dim3A_1327, %select_n3A_1321 : vector<8x2048xi1>, vector<8x2048xf32>
      %slice3A_1329 = vector.extract_strided_slice %dot_general3A_959 {offsets = [416, 0], sizes = [8, 2048], strides = [1, 1]} : vector<512x2048xf32> to vector<8x2048xf32>
      %gt3A_1330 = arith.cmpf ogt, %slice3A_1329, %select_n3A_1324 : vector<8x2048xf32>
      %select_n3A_1331 = arith.select %gt3A_1330, %slice3A_1329, %select_n3A_1324 : vector<8x2048xi1>, vector<8x2048xf32>
      %sub3A_1332 = arith.constant 5.200000e+01 : f32
      %sub3A_1333 = arith.subf %convert_element_type3A_964, %sub3A_1332 : f32
      %broadcast_in_dim3A_1334 = vector.broadcast %sub3A_1333 : f32 to vector<8x2048xf32>
      %select_n3A_1335 = arith.select %gt3A_1330, %broadcast_in_dim3A_1334, %select_n3A_1328 : vector<8x2048xi1>, vector<8x2048xf32>
      %slice3A_1336 = vector.extract_strided_slice %dot_general3A_959 {offsets = [424, 0], sizes = [8, 2048], strides = [1, 1]} : vector<512x2048xf32> to vector<8x2048xf32>
      %gt3A_1337 = arith.cmpf ogt, %slice3A_1336, %select_n3A_1331 : vector<8x2048xf32>
      %select_n3A_1338 = arith.select %gt3A_1337, %slice3A_1336, %select_n3A_1331 : vector<8x2048xi1>, vector<8x2048xf32>
      %sub3A_1339 = arith.constant 5.300000e+01 : f32
      %sub3A_1340 = arith.subf %convert_element_type3A_964, %sub3A_1339 : f32
      %broadcast_in_dim3A_1341 = vector.broadcast %sub3A_1340 : f32 to vector<8x2048xf32>
      %select_n3A_1342 = arith.select %gt3A_1337, %broadcast_in_dim3A_1341, %select_n3A_1335 : vector<8x2048xi1>, vector<8x2048xf32>
      %slice3A_1343 = vector.extract_strided_slice %dot_general3A_959 {offsets = [432, 0], sizes = [8, 2048], strides = [1, 1]} : vector<512x2048xf32> to vector<8x2048xf32>
      %gt3A_1344 = arith.cmpf ogt, %slice3A_1343, %select_n3A_1338 : vector<8x2048xf32>
      %select_n3A_1345 = arith.select %gt3A_1344, %slice3A_1343, %select_n3A_1338 : vector<8x2048xi1>, vector<8x2048xf32>
      %sub3A_1346 = arith.constant 5.400000e+01 : f32
      %sub3A_1347 = arith.subf %convert_element_type3A_964, %sub3A_1346 : f32
      %broadcast_in_dim3A_1348 = vector.broadcast %sub3A_1347 : f32 to vector<8x2048xf32>
      %select_n3A_1349 = arith.select %gt3A_1344, %broadcast_in_dim3A_1348, %select_n3A_1342 : vector<8x2048xi1>, vector<8x2048xf32>
      %slice3A_1350 = vector.extract_strided_slice %dot_general3A_959 {offsets = [440, 0], sizes = [8, 2048], strides = [1, 1]} : vector<512x2048xf32> to vector<8x2048xf32>
      %gt3A_1351 = arith.cmpf ogt, %slice3A_1350, %select_n3A_1345 : vector<8x2048xf32>
      %select_n3A_1352 = arith.select %gt3A_1351, %slice3A_1350, %select_n3A_1345 : vector<8x2048xi1>, vector<8x2048xf32>
      %sub3A_1353 = arith.constant 5.500000e+01 : f32
      %sub3A_1354 = arith.subf %convert_element_type3A_964, %sub3A_1353 : f32
      %broadcast_in_dim3A_1355 = vector.broadcast %sub3A_1354 : f32 to vector<8x2048xf32>
      %select_n3A_1356 = arith.select %gt3A_1351, %broadcast_in_dim3A_1355, %select_n3A_1349 : vector<8x2048xi1>, vector<8x2048xf32>
      %slice3A_1357 = vector.extract_strided_slice %dot_general3A_959 {offsets = [448, 0], sizes = [8, 2048], strides = [1, 1]} : vector<512x2048xf32> to vector<8x2048xf32>
      %gt3A_1358 = arith.cmpf ogt, %slice3A_1357, %select_n3A_1352 : vector<8x2048xf32>
      %select_n3A_1359 = arith.select %gt3A_1358, %slice3A_1357, %select_n3A_1352 : vector<8x2048xi1>, vector<8x2048xf32>
      %sub3A_1360 = arith.constant 5.600000e+01 : f32
      %sub3A_1361 = arith.subf %convert_element_type3A_964, %sub3A_1360 : f32
      %broadcast_in_dim3A_1362 = vector.broadcast %sub3A_1361 : f32 to vector<8x2048xf32>
      %select_n3A_1363 = arith.select %gt3A_1358, %broadcast_in_dim3A_1362, %select_n3A_1356 : vector<8x2048xi1>, vector<8x2048xf32>
      %slice3A_1364 = vector.extract_strided_slice %dot_general3A_959 {offsets = [456, 0], sizes = [8, 2048], strides = [1, 1]} : vector<512x2048xf32> to vector<8x2048xf32>
      %gt3A_1365 = arith.cmpf ogt, %slice3A_1364, %select_n3A_1359 : vector<8x2048xf32>
      %select_n3A_1366 = arith.select %gt3A_1365, %slice3A_1364, %select_n3A_1359 : vector<8x2048xi1>, vector<8x2048xf32>
      %sub3A_1367 = arith.constant 5.700000e+01 : f32
      %sub3A_1368 = arith.subf %convert_element_type3A_964, %sub3A_1367 : f32
      %broadcast_in_dim3A_1369 = vector.broadcast %sub3A_1368 : f32 to vector<8x2048xf32>
      %select_n3A_1370 = arith.select %gt3A_1365, %broadcast_in_dim3A_1369, %select_n3A_1363 : vector<8x2048xi1>, vector<8x2048xf32>
      %slice3A_1371 = vector.extract_strided_slice %dot_general3A_959 {offsets = [464, 0], sizes = [8, 2048], strides = [1, 1]} : vector<512x2048xf32> to vector<8x2048xf32>
      %gt3A_1372 = arith.cmpf ogt, %slice3A_1371, %select_n3A_1366 : vector<8x2048xf32>
      %select_n3A_1373 = arith.select %gt3A_1372, %slice3A_1371, %select_n3A_1366 : vector<8x2048xi1>, vector<8x2048xf32>
      %sub3A_1374 = arith.constant 5.800000e+01 : f32
      %sub3A_1375 = arith.subf %convert_element_type3A_964, %sub3A_1374 : f32
      %broadcast_in_dim3A_1376 = vector.broadcast %sub3A_1375 : f32 to vector<8x2048xf32>
      %select_n3A_1377 = arith.select %gt3A_1372, %broadcast_in_dim3A_1376, %select_n3A_1370 : vector<8x2048xi1>, vector<8x2048xf32>
      %slice3A_1378 = vector.extract_strided_slice %dot_general3A_959 {offsets = [472, 0], sizes = [8, 2048], strides = [1, 1]} : vector<512x2048xf32> to vector<8x2048xf32>
      %gt3A_1379 = arith.cmpf ogt, %slice3A_1378, %select_n3A_1373 : vector<8x2048xf32>
      %select_n3A_1380 = arith.select %gt3A_1379, %slice3A_1378, %select_n3A_1373 : vector<8x2048xi1>, vector<8x2048xf32>
      %sub3A_1381 = arith.constant 5.900000e+01 : f32
      %sub3A_1382 = arith.subf %convert_element_type3A_964, %sub3A_1381 : f32
      %broadcast_in_dim3A_1383 = vector.broadcast %sub3A_1382 : f32 to vector<8x2048xf32>
      %select_n3A_1384 = arith.select %gt3A_1379, %broadcast_in_dim3A_1383, %select_n3A_1377 : vector<8x2048xi1>, vector<8x2048xf32>
      %slice3A_1385 = vector.extract_strided_slice %dot_general3A_959 {offsets = [480, 0], sizes = [8, 2048], strides = [1, 1]} : vector<512x2048xf32> to vector<8x2048xf32>
      %gt3A_1386 = arith.cmpf ogt, %slice3A_1385, %select_n3A_1380 : vector<8x2048xf32>
      %select_n3A_1387 = arith.select %gt3A_1386, %slice3A_1385, %select_n3A_1380 : vector<8x2048xi1>, vector<8x2048xf32>
      %sub3A_1388 = arith.constant 6.000000e+01 : f32
      %sub3A_1389 = arith.subf %convert_element_type3A_964, %sub3A_1388 : f32
      %broadcast_in_dim3A_1390 = vector.broadcast %sub3A_1389 : f32 to vector<8x2048xf32>
      %select_n3A_1391 = arith.select %gt3A_1386, %broadcast_in_dim3A_1390, %select_n3A_1384 : vector<8x2048xi1>, vector<8x2048xf32>
      %slice3A_1392 = vector.extract_strided_slice %dot_general3A_959 {offsets = [488, 0], sizes = [8, 2048], strides = [1, 1]} : vector<512x2048xf32> to vector<8x2048xf32>
      %gt3A_1393 = arith.cmpf ogt, %slice3A_1392, %select_n3A_1387 : vector<8x2048xf32>
      %select_n3A_1394 = arith.select %gt3A_1393, %slice3A_1392, %select_n3A_1387 : vector<8x2048xi1>, vector<8x2048xf32>
      %sub3A_1395 = arith.constant 6.100000e+01 : f32
      %sub3A_1396 = arith.subf %convert_element_type3A_964, %sub3A_1395 : f32
      %broadcast_in_dim3A_1397 = vector.broadcast %sub3A_1396 : f32 to vector<8x2048xf32>
      %select_n3A_1398 = arith.select %gt3A_1393, %broadcast_in_dim3A_1397, %select_n3A_1391 : vector<8x2048xi1>, vector<8x2048xf32>
      %slice3A_1399 = vector.extract_strided_slice %dot_general3A_959 {offsets = [496, 0], sizes = [8, 2048], strides = [1, 1]} : vector<512x2048xf32> to vector<8x2048xf32>
      %gt3A_1400 = arith.cmpf ogt, %slice3A_1399, %select_n3A_1394 : vector<8x2048xf32>
      %select_n3A_1401 = arith.select %gt3A_1400, %slice3A_1399, %select_n3A_1394 : vector<8x2048xi1>, vector<8x2048xf32>
      %sub3A_1402 = arith.constant 6.200000e+01 : f32
      %sub3A_1403 = arith.subf %convert_element_type3A_964, %sub3A_1402 : f32
      %broadcast_in_dim3A_1404 = vector.broadcast %sub3A_1403 : f32 to vector<8x2048xf32>
      %select_n3A_1405 = arith.select %gt3A_1400, %broadcast_in_dim3A_1404, %select_n3A_1398 : vector<8x2048xi1>, vector<8x2048xf32>
      %slice3A_1406 = vector.extract_strided_slice %dot_general3A_959 {offsets = [504, 0], sizes = [8, 2048], strides = [1, 1]} : vector<512x2048xf32> to vector<8x2048xf32>
      %gt3A_1407 = arith.cmpf ogt, %slice3A_1406, %select_n3A_1401 : vector<8x2048xf32>
      %select_n3A_1408 = arith.select %gt3A_1407, %slice3A_1406, %select_n3A_1401 : vector<8x2048xi1>, vector<8x2048xf32>
      %sub3A_1409 = arith.constant 6.300000e+01 : f32
      %sub3A_1410 = arith.subf %convert_element_type3A_964, %sub3A_1409 : f32
      %broadcast_in_dim3A_1411 = vector.broadcast %sub3A_1410 : f32 to vector<8x2048xf32>
      %select_n3A_1412 = arith.select %gt3A_1407, %broadcast_in_dim3A_1411, %select_n3A_1405 : vector<8x2048xi1>, vector<8x2048xf32>
      %scan3A_1413 = arith.constant 3 : i32
      %scan3A_1414 = arith.addi %scan3A_30, %scan3A_1413 : i32
      %mul3A_1415 = arith.constant 512 : i32
      %mul3A_1416 = arith.muli %scan3A_1414, %mul3A_1415 : i32
      %get3A_1417 = arith.index_cast %mul3A_1416 : i32 to index
      %get3A_1418 = arith.constant 0 : index
      %get3A_1419 = vector.load %arg1[%get3A_1417, %get3A_1418] : memref<8192x32xf32, #tpu.memory_space<vmem>>, vector<512x32xf32>
      %dot_general3A_1420 = arith.constant dense<0.000000e+00> : vector<512x2048xf32>
      %dot_general3A_1421 = tpu.matmul %get3A_1419, %get3A_1, %dot_general3A_1420 {dimension_numbers = #tpu.dot_dimension_numbers<[1], [0], [0], [1], [0, 0, 1, 1], [], []>, transpose_lhs_hint = false} : vector<512x32xf32>, vector<32x2048xf32>, vector<512x2048xf32> -> vector<512x2048xf32>
      %mul3A_1422 = arith.constant 64 : i32
      %mul3A_1423 = arith.muli %scan3A_1414, %mul3A_1422 : i32
      %neg3A_1424 = arith.constant 0 : i32
      %neg3A_1425 = arith.subi %neg3A_1424, %mul3A_1423 : i32
      %convert_element_type3A_1426 = arith.sitofp %neg3A_1425 : i32 to f32
      %slice3A_1427 = vector.extract_strided_slice %dot_general3A_1421 {offsets = [0, 0], sizes = [8, 2048], strides = [1, 1]} : vector<512x2048xf32> to vector<8x2048xf32>
      %gt3A_1428 = arith.cmpf ogt, %slice3A_1427, %select_n3A_1408 : vector<8x2048xf32>
      %select_n3A_1429 = arith.select %gt3A_1428, %slice3A_1427, %select_n3A_1408 : vector<8x2048xi1>, vector<8x2048xf32>
      %sub3A_1430 = arith.constant 0.000000e+00 : f32
      %sub3A_1431 = arith.subf %convert_element_type3A_1426, %sub3A_1430 : f32
      %broadcast_in_dim3A_1432 = vector.broadcast %sub3A_1431 : f32 to vector<8x2048xf32>
      %select_n3A_1433 = arith.select %gt3A_1428, %broadcast_in_dim3A_1432, %select_n3A_1412 : vector<8x2048xi1>, vector<8x2048xf32>
      %slice3A_1434 = vector.extract_strided_slice %dot_general3A_1421 {offsets = [8, 0], sizes = [8, 2048], strides = [1, 1]} : vector<512x2048xf32> to vector<8x2048xf32>
      %gt3A_1435 = arith.cmpf ogt, %slice3A_1434, %select_n3A_1429 : vector<8x2048xf32>
      %select_n3A_1436 = arith.select %gt3A_1435, %slice3A_1434, %select_n3A_1429 : vector<8x2048xi1>, vector<8x2048xf32>
      %sub3A_1437 = arith.constant 1.000000e+00 : f32
      %sub3A_1438 = arith.subf %convert_element_type3A_1426, %sub3A_1437 : f32
      %broadcast_in_dim3A_1439 = vector.broadcast %sub3A_1438 : f32 to vector<8x2048xf32>
      %select_n3A_1440 = arith.select %gt3A_1435, %broadcast_in_dim3A_1439, %select_n3A_1433 : vector<8x2048xi1>, vector<8x2048xf32>
      %slice3A_1441 = vector.extract_strided_slice %dot_general3A_1421 {offsets = [16, 0], sizes = [8, 2048], strides = [1, 1]} : vector<512x2048xf32> to vector<8x2048xf32>
      %gt3A_1442 = arith.cmpf ogt, %slice3A_1441, %select_n3A_1436 : vector<8x2048xf32>
      %select_n3A_1443 = arith.select %gt3A_1442, %slice3A_1441, %select_n3A_1436 : vector<8x2048xi1>, vector<8x2048xf32>
      %sub3A_1444 = arith.constant 2.000000e+00 : f32
      %sub3A_1445 = arith.subf %convert_element_type3A_1426, %sub3A_1444 : f32
      %broadcast_in_dim3A_1446 = vector.broadcast %sub3A_1445 : f32 to vector<8x2048xf32>
      %select_n3A_1447 = arith.select %gt3A_1442, %broadcast_in_dim3A_1446, %select_n3A_1440 : vector<8x2048xi1>, vector<8x2048xf32>
      %slice3A_1448 = vector.extract_strided_slice %dot_general3A_1421 {offsets = [24, 0], sizes = [8, 2048], strides = [1, 1]} : vector<512x2048xf32> to vector<8x2048xf32>
      %gt3A_1449 = arith.cmpf ogt, %slice3A_1448, %select_n3A_1443 : vector<8x2048xf32>
      %select_n3A_1450 = arith.select %gt3A_1449, %slice3A_1448, %select_n3A_1443 : vector<8x2048xi1>, vector<8x2048xf32>
      %sub3A_1451 = arith.constant 3.000000e+00 : f32
      %sub3A_1452 = arith.subf %convert_element_type3A_1426, %sub3A_1451 : f32
      %broadcast_in_dim3A_1453 = vector.broadcast %sub3A_1452 : f32 to vector<8x2048xf32>
      %select_n3A_1454 = arith.select %gt3A_1449, %broadcast_in_dim3A_1453, %select_n3A_1447 : vector<8x2048xi1>, vector<8x2048xf32>
      %slice3A_1455 = vector.extract_strided_slice %dot_general3A_1421 {offsets = [32, 0], sizes = [8, 2048], strides = [1, 1]} : vector<512x2048xf32> to vector<8x2048xf32>
      %gt3A_1456 = arith.cmpf ogt, %slice3A_1455, %select_n3A_1450 : vector<8x2048xf32>
      %select_n3A_1457 = arith.select %gt3A_1456, %slice3A_1455, %select_n3A_1450 : vector<8x2048xi1>, vector<8x2048xf32>
      %sub3A_1458 = arith.constant 4.000000e+00 : f32
      %sub3A_1459 = arith.subf %convert_element_type3A_1426, %sub3A_1458 : f32
      %broadcast_in_dim3A_1460 = vector.broadcast %sub3A_1459 : f32 to vector<8x2048xf32>
      %select_n3A_1461 = arith.select %gt3A_1456, %broadcast_in_dim3A_1460, %select_n3A_1454 : vector<8x2048xi1>, vector<8x2048xf32>
      %slice3A_1462 = vector.extract_strided_slice %dot_general3A_1421 {offsets = [40, 0], sizes = [8, 2048], strides = [1, 1]} : vector<512x2048xf32> to vector<8x2048xf32>
      %gt3A_1463 = arith.cmpf ogt, %slice3A_1462, %select_n3A_1457 : vector<8x2048xf32>
      %select_n3A_1464 = arith.select %gt3A_1463, %slice3A_1462, %select_n3A_1457 : vector<8x2048xi1>, vector<8x2048xf32>
      %sub3A_1465 = arith.constant 5.000000e+00 : f32
      %sub3A_1466 = arith.subf %convert_element_type3A_1426, %sub3A_1465 : f32
      %broadcast_in_dim3A_1467 = vector.broadcast %sub3A_1466 : f32 to vector<8x2048xf32>
      %select_n3A_1468 = arith.select %gt3A_1463, %broadcast_in_dim3A_1467, %select_n3A_1461 : vector<8x2048xi1>, vector<8x2048xf32>
      %slice3A_1469 = vector.extract_strided_slice %dot_general3A_1421 {offsets = [48, 0], sizes = [8, 2048], strides = [1, 1]} : vector<512x2048xf32> to vector<8x2048xf32>
      %gt3A_1470 = arith.cmpf ogt, %slice3A_1469, %select_n3A_1464 : vector<8x2048xf32>
      %select_n3A_1471 = arith.select %gt3A_1470, %slice3A_1469, %select_n3A_1464 : vector<8x2048xi1>, vector<8x2048xf32>
      %sub3A_1472 = arith.constant 6.000000e+00 : f32
      %sub3A_1473 = arith.subf %convert_element_type3A_1426, %sub3A_1472 : f32
      %broadcast_in_dim3A_1474 = vector.broadcast %sub3A_1473 : f32 to vector<8x2048xf32>
      %select_n3A_1475 = arith.select %gt3A_1470, %broadcast_in_dim3A_1474, %select_n3A_1468 : vector<8x2048xi1>, vector<8x2048xf32>
      %slice3A_1476 = vector.extract_strided_slice %dot_general3A_1421 {offsets = [56, 0], sizes = [8, 2048], strides = [1, 1]} : vector<512x2048xf32> to vector<8x2048xf32>
      %gt3A_1477 = arith.cmpf ogt, %slice3A_1476, %select_n3A_1471 : vector<8x2048xf32>
      %select_n3A_1478 = arith.select %gt3A_1477, %slice3A_1476, %select_n3A_1471 : vector<8x2048xi1>, vector<8x2048xf32>
      %sub3A_1479 = arith.constant 7.000000e+00 : f32
      %sub3A_1480 = arith.subf %convert_element_type3A_1426, %sub3A_1479 : f32
      %broadcast_in_dim3A_1481 = vector.broadcast %sub3A_1480 : f32 to vector<8x2048xf32>
      %select_n3A_1482 = arith.select %gt3A_1477, %broadcast_in_dim3A_1481, %select_n3A_1475 : vector<8x2048xi1>, vector<8x2048xf32>
      %slice3A_1483 = vector.extract_strided_slice %dot_general3A_1421 {offsets = [64, 0], sizes = [8, 2048], strides = [1, 1]} : vector<512x2048xf32> to vector<8x2048xf32>
      %gt3A_1484 = arith.cmpf ogt, %slice3A_1483, %select_n3A_1478 : vector<8x2048xf32>
      %select_n3A_1485 = arith.select %gt3A_1484, %slice3A_1483, %select_n3A_1478 : vector<8x2048xi1>, vector<8x2048xf32>
      %sub3A_1486 = arith.constant 8.000000e+00 : f32
      %sub3A_1487 = arith.subf %convert_element_type3A_1426, %sub3A_1486 : f32
      %broadcast_in_dim3A_1488 = vector.broadcast %sub3A_1487 : f32 to vector<8x2048xf32>
      %select_n3A_1489 = arith.select %gt3A_1484, %broadcast_in_dim3A_1488, %select_n3A_1482 : vector<8x2048xi1>, vector<8x2048xf32>
      %slice3A_1490 = vector.extract_strided_slice %dot_general3A_1421 {offsets = [72, 0], sizes = [8, 2048], strides = [1, 1]} : vector<512x2048xf32> to vector<8x2048xf32>
      %gt3A_1491 = arith.cmpf ogt, %slice3A_1490, %select_n3A_1485 : vector<8x2048xf32>
      %select_n3A_1492 = arith.select %gt3A_1491, %slice3A_1490, %select_n3A_1485 : vector<8x2048xi1>, vector<8x2048xf32>
      %sub3A_1493 = arith.constant 9.000000e+00 : f32
      %sub3A_1494 = arith.subf %convert_element_type3A_1426, %sub3A_1493 : f32
      %broadcast_in_dim3A_1495 = vector.broadcast %sub3A_1494 : f32 to vector<8x2048xf32>
      %select_n3A_1496 = arith.select %gt3A_1491, %broadcast_in_dim3A_1495, %select_n3A_1489 : vector<8x2048xi1>, vector<8x2048xf32>
      %slice3A_1497 = vector.extract_strided_slice %dot_general3A_1421 {offsets = [80, 0], sizes = [8, 2048], strides = [1, 1]} : vector<512x2048xf32> to vector<8x2048xf32>
      %gt3A_1498 = arith.cmpf ogt, %slice3A_1497, %select_n3A_1492 : vector<8x2048xf32>
      %select_n3A_1499 = arith.select %gt3A_1498, %slice3A_1497, %select_n3A_1492 : vector<8x2048xi1>, vector<8x2048xf32>
      %sub3A_1500 = arith.constant 1.000000e+01 : f32
      %sub3A_1501 = arith.subf %convert_element_type3A_1426, %sub3A_1500 : f32
      %broadcast_in_dim3A_1502 = vector.broadcast %sub3A_1501 : f32 to vector<8x2048xf32>
      %select_n3A_1503 = arith.select %gt3A_1498, %broadcast_in_dim3A_1502, %select_n3A_1496 : vector<8x2048xi1>, vector<8x2048xf32>
      %slice3A_1504 = vector.extract_strided_slice %dot_general3A_1421 {offsets = [88, 0], sizes = [8, 2048], strides = [1, 1]} : vector<512x2048xf32> to vector<8x2048xf32>
      %gt3A_1505 = arith.cmpf ogt, %slice3A_1504, %select_n3A_1499 : vector<8x2048xf32>
      %select_n3A_1506 = arith.select %gt3A_1505, %slice3A_1504, %select_n3A_1499 : vector<8x2048xi1>, vector<8x2048xf32>
      %sub3A_1507 = arith.constant 1.100000e+01 : f32
      %sub3A_1508 = arith.subf %convert_element_type3A_1426, %sub3A_1507 : f32
      %broadcast_in_dim3A_1509 = vector.broadcast %sub3A_1508 : f32 to vector<8x2048xf32>
      %select_n3A_1510 = arith.select %gt3A_1505, %broadcast_in_dim3A_1509, %select_n3A_1503 : vector<8x2048xi1>, vector<8x2048xf32>
      %slice3A_1511 = vector.extract_strided_slice %dot_general3A_1421 {offsets = [96, 0], sizes = [8, 2048], strides = [1, 1]} : vector<512x2048xf32> to vector<8x2048xf32>
      %gt3A_1512 = arith.cmpf ogt, %slice3A_1511, %select_n3A_1506 : vector<8x2048xf32>
      %select_n3A_1513 = arith.select %gt3A_1512, %slice3A_1511, %select_n3A_1506 : vector<8x2048xi1>, vector<8x2048xf32>
      %sub3A_1514 = arith.constant 1.200000e+01 : f32
      %sub3A_1515 = arith.subf %convert_element_type3A_1426, %sub3A_1514 : f32
      %broadcast_in_dim3A_1516 = vector.broadcast %sub3A_1515 : f32 to vector<8x2048xf32>
      %select_n3A_1517 = arith.select %gt3A_1512, %broadcast_in_dim3A_1516, %select_n3A_1510 : vector<8x2048xi1>, vector<8x2048xf32>
      %slice3A_1518 = vector.extract_strided_slice %dot_general3A_1421 {offsets = [104, 0], sizes = [8, 2048], strides = [1, 1]} : vector<512x2048xf32> to vector<8x2048xf32>
      %gt3A_1519 = arith.cmpf ogt, %slice3A_1518, %select_n3A_1513 : vector<8x2048xf32>
      %select_n3A_1520 = arith.select %gt3A_1519, %slice3A_1518, %select_n3A_1513 : vector<8x2048xi1>, vector<8x2048xf32>
      %sub3A_1521 = arith.constant 1.300000e+01 : f32
      %sub3A_1522 = arith.subf %convert_element_type3A_1426, %sub3A_1521 : f32
      %broadcast_in_dim3A_1523 = vector.broadcast %sub3A_1522 : f32 to vector<8x2048xf32>
      %select_n3A_1524 = arith.select %gt3A_1519, %broadcast_in_dim3A_1523, %select_n3A_1517 : vector<8x2048xi1>, vector<8x2048xf32>
      %slice3A_1525 = vector.extract_strided_slice %dot_general3A_1421 {offsets = [112, 0], sizes = [8, 2048], strides = [1, 1]} : vector<512x2048xf32> to vector<8x2048xf32>
      %gt3A_1526 = arith.cmpf ogt, %slice3A_1525, %select_n3A_1520 : vector<8x2048xf32>
      %select_n3A_1527 = arith.select %gt3A_1526, %slice3A_1525, %select_n3A_1520 : vector<8x2048xi1>, vector<8x2048xf32>
      %sub3A_1528 = arith.constant 1.400000e+01 : f32
      %sub3A_1529 = arith.subf %convert_element_type3A_1426, %sub3A_1528 : f32
      %broadcast_in_dim3A_1530 = vector.broadcast %sub3A_1529 : f32 to vector<8x2048xf32>
      %select_n3A_1531 = arith.select %gt3A_1526, %broadcast_in_dim3A_1530, %select_n3A_1524 : vector<8x2048xi1>, vector<8x2048xf32>
      %slice3A_1532 = vector.extract_strided_slice %dot_general3A_1421 {offsets = [120, 0], sizes = [8, 2048], strides = [1, 1]} : vector<512x2048xf32> to vector<8x2048xf32>
      %gt3A_1533 = arith.cmpf ogt, %slice3A_1532, %select_n3A_1527 : vector<8x2048xf32>
      %select_n3A_1534 = arith.select %gt3A_1533, %slice3A_1532, %select_n3A_1527 : vector<8x2048xi1>, vector<8x2048xf32>
      %sub3A_1535 = arith.constant 1.500000e+01 : f32
      %sub3A_1536 = arith.subf %convert_element_type3A_1426, %sub3A_1535 : f32
      %broadcast_in_dim3A_1537 = vector.broadcast %sub3A_1536 : f32 to vector<8x2048xf32>
      %select_n3A_1538 = arith.select %gt3A_1533, %broadcast_in_dim3A_1537, %select_n3A_1531 : vector<8x2048xi1>, vector<8x2048xf32>
      %slice3A_1539 = vector.extract_strided_slice %dot_general3A_1421 {offsets = [128, 0], sizes = [8, 2048], strides = [1, 1]} : vector<512x2048xf32> to vector<8x2048xf32>
      %gt3A_1540 = arith.cmpf ogt, %slice3A_1539, %select_n3A_1534 : vector<8x2048xf32>
      %select_n3A_1541 = arith.select %gt3A_1540, %slice3A_1539, %select_n3A_1534 : vector<8x2048xi1>, vector<8x2048xf32>
      %sub3A_1542 = arith.constant 1.600000e+01 : f32
      %sub3A_1543 = arith.subf %convert_element_type3A_1426, %sub3A_1542 : f32
      %broadcast_in_dim3A_1544 = vector.broadcast %sub3A_1543 : f32 to vector<8x2048xf32>
      %select_n3A_1545 = arith.select %gt3A_1540, %broadcast_in_dim3A_1544, %select_n3A_1538 : vector<8x2048xi1>, vector<8x2048xf32>
      %slice3A_1546 = vector.extract_strided_slice %dot_general3A_1421 {offsets = [136, 0], sizes = [8, 2048], strides = [1, 1]} : vector<512x2048xf32> to vector<8x2048xf32>
      %gt3A_1547 = arith.cmpf ogt, %slice3A_1546, %select_n3A_1541 : vector<8x2048xf32>
      %select_n3A_1548 = arith.select %gt3A_1547, %slice3A_1546, %select_n3A_1541 : vector<8x2048xi1>, vector<8x2048xf32>
      %sub3A_1549 = arith.constant 1.700000e+01 : f32
      %sub3A_1550 = arith.subf %convert_element_type3A_1426, %sub3A_1549 : f32
      %broadcast_in_dim3A_1551 = vector.broadcast %sub3A_1550 : f32 to vector<8x2048xf32>
      %select_n3A_1552 = arith.select %gt3A_1547, %broadcast_in_dim3A_1551, %select_n3A_1545 : vector<8x2048xi1>, vector<8x2048xf32>
      %slice3A_1553 = vector.extract_strided_slice %dot_general3A_1421 {offsets = [144, 0], sizes = [8, 2048], strides = [1, 1]} : vector<512x2048xf32> to vector<8x2048xf32>
      %gt3A_1554 = arith.cmpf ogt, %slice3A_1553, %select_n3A_1548 : vector<8x2048xf32>
      %select_n3A_1555 = arith.select %gt3A_1554, %slice3A_1553, %select_n3A_1548 : vector<8x2048xi1>, vector<8x2048xf32>
      %sub3A_1556 = arith.constant 1.800000e+01 : f32
      %sub3A_1557 = arith.subf %convert_element_type3A_1426, %sub3A_1556 : f32
      %broadcast_in_dim3A_1558 = vector.broadcast %sub3A_1557 : f32 to vector<8x2048xf32>
      %select_n3A_1559 = arith.select %gt3A_1554, %broadcast_in_dim3A_1558, %select_n3A_1552 : vector<8x2048xi1>, vector<8x2048xf32>
      %slice3A_1560 = vector.extract_strided_slice %dot_general3A_1421 {offsets = [152, 0], sizes = [8, 2048], strides = [1, 1]} : vector<512x2048xf32> to vector<8x2048xf32>
      %gt3A_1561 = arith.cmpf ogt, %slice3A_1560, %select_n3A_1555 : vector<8x2048xf32>
      %select_n3A_1562 = arith.select %gt3A_1561, %slice3A_1560, %select_n3A_1555 : vector<8x2048xi1>, vector<8x2048xf32>
      %sub3A_1563 = arith.constant 1.900000e+01 : f32
      %sub3A_1564 = arith.subf %convert_element_type3A_1426, %sub3A_1563 : f32
      %broadcast_in_dim3A_1565 = vector.broadcast %sub3A_1564 : f32 to vector<8x2048xf32>
      %select_n3A_1566 = arith.select %gt3A_1561, %broadcast_in_dim3A_1565, %select_n3A_1559 : vector<8x2048xi1>, vector<8x2048xf32>
      %slice3A_1567 = vector.extract_strided_slice %dot_general3A_1421 {offsets = [160, 0], sizes = [8, 2048], strides = [1, 1]} : vector<512x2048xf32> to vector<8x2048xf32>
      %gt3A_1568 = arith.cmpf ogt, %slice3A_1567, %select_n3A_1562 : vector<8x2048xf32>
      %select_n3A_1569 = arith.select %gt3A_1568, %slice3A_1567, %select_n3A_1562 : vector<8x2048xi1>, vector<8x2048xf32>
      %sub3A_1570 = arith.constant 2.000000e+01 : f32
      %sub3A_1571 = arith.subf %convert_element_type3A_1426, %sub3A_1570 : f32
      %broadcast_in_dim3A_1572 = vector.broadcast %sub3A_1571 : f32 to vector<8x2048xf32>
      %select_n3A_1573 = arith.select %gt3A_1568, %broadcast_in_dim3A_1572, %select_n3A_1566 : vector<8x2048xi1>, vector<8x2048xf32>
      %slice3A_1574 = vector.extract_strided_slice %dot_general3A_1421 {offsets = [168, 0], sizes = [8, 2048], strides = [1, 1]} : vector<512x2048xf32> to vector<8x2048xf32>
      %gt3A_1575 = arith.cmpf ogt, %slice3A_1574, %select_n3A_1569 : vector<8x2048xf32>
      %select_n3A_1576 = arith.select %gt3A_1575, %slice3A_1574, %select_n3A_1569 : vector<8x2048xi1>, vector<8x2048xf32>
      %sub3A_1577 = arith.constant 2.100000e+01 : f32
      %sub3A_1578 = arith.subf %convert_element_type3A_1426, %sub3A_1577 : f32
      %broadcast_in_dim3A_1579 = vector.broadcast %sub3A_1578 : f32 to vector<8x2048xf32>
      %select_n3A_1580 = arith.select %gt3A_1575, %broadcast_in_dim3A_1579, %select_n3A_1573 : vector<8x2048xi1>, vector<8x2048xf32>
      %slice3A_1581 = vector.extract_strided_slice %dot_general3A_1421 {offsets = [176, 0], sizes = [8, 2048], strides = [1, 1]} : vector<512x2048xf32> to vector<8x2048xf32>
      %gt3A_1582 = arith.cmpf ogt, %slice3A_1581, %select_n3A_1576 : vector<8x2048xf32>
      %select_n3A_1583 = arith.select %gt3A_1582, %slice3A_1581, %select_n3A_1576 : vector<8x2048xi1>, vector<8x2048xf32>
      %sub3A_1584 = arith.constant 2.200000e+01 : f32
      %sub3A_1585 = arith.subf %convert_element_type3A_1426, %sub3A_1584 : f32
      %broadcast_in_dim3A_1586 = vector.broadcast %sub3A_1585 : f32 to vector<8x2048xf32>
      %select_n3A_1587 = arith.select %gt3A_1582, %broadcast_in_dim3A_1586, %select_n3A_1580 : vector<8x2048xi1>, vector<8x2048xf32>
      %slice3A_1588 = vector.extract_strided_slice %dot_general3A_1421 {offsets = [184, 0], sizes = [8, 2048], strides = [1, 1]} : vector<512x2048xf32> to vector<8x2048xf32>
      %gt3A_1589 = arith.cmpf ogt, %slice3A_1588, %select_n3A_1583 : vector<8x2048xf32>
      %select_n3A_1590 = arith.select %gt3A_1589, %slice3A_1588, %select_n3A_1583 : vector<8x2048xi1>, vector<8x2048xf32>
      %sub3A_1591 = arith.constant 2.300000e+01 : f32
      %sub3A_1592 = arith.subf %convert_element_type3A_1426, %sub3A_1591 : f32
      %broadcast_in_dim3A_1593 = vector.broadcast %sub3A_1592 : f32 to vector<8x2048xf32>
      %select_n3A_1594 = arith.select %gt3A_1589, %broadcast_in_dim3A_1593, %select_n3A_1587 : vector<8x2048xi1>, vector<8x2048xf32>
      %slice3A_1595 = vector.extract_strided_slice %dot_general3A_1421 {offsets = [192, 0], sizes = [8, 2048], strides = [1, 1]} : vector<512x2048xf32> to vector<8x2048xf32>
      %gt3A_1596 = arith.cmpf ogt, %slice3A_1595, %select_n3A_1590 : vector<8x2048xf32>
      %select_n3A_1597 = arith.select %gt3A_1596, %slice3A_1595, %select_n3A_1590 : vector<8x2048xi1>, vector<8x2048xf32>
      %sub3A_1598 = arith.constant 2.400000e+01 : f32
      %sub3A_1599 = arith.subf %convert_element_type3A_1426, %sub3A_1598 : f32
      %broadcast_in_dim3A_1600 = vector.broadcast %sub3A_1599 : f32 to vector<8x2048xf32>
      %select_n3A_1601 = arith.select %gt3A_1596, %broadcast_in_dim3A_1600, %select_n3A_1594 : vector<8x2048xi1>, vector<8x2048xf32>
      %slice3A_1602 = vector.extract_strided_slice %dot_general3A_1421 {offsets = [200, 0], sizes = [8, 2048], strides = [1, 1]} : vector<512x2048xf32> to vector<8x2048xf32>
      %gt3A_1603 = arith.cmpf ogt, %slice3A_1602, %select_n3A_1597 : vector<8x2048xf32>
      %select_n3A_1604 = arith.select %gt3A_1603, %slice3A_1602, %select_n3A_1597 : vector<8x2048xi1>, vector<8x2048xf32>
      %sub3A_1605 = arith.constant 2.500000e+01 : f32
      %sub3A_1606 = arith.subf %convert_element_type3A_1426, %sub3A_1605 : f32
      %broadcast_in_dim3A_1607 = vector.broadcast %sub3A_1606 : f32 to vector<8x2048xf32>
      %select_n3A_1608 = arith.select %gt3A_1603, %broadcast_in_dim3A_1607, %select_n3A_1601 : vector<8x2048xi1>, vector<8x2048xf32>
      %slice3A_1609 = vector.extract_strided_slice %dot_general3A_1421 {offsets = [208, 0], sizes = [8, 2048], strides = [1, 1]} : vector<512x2048xf32> to vector<8x2048xf32>
      %gt3A_1610 = arith.cmpf ogt, %slice3A_1609, %select_n3A_1604 : vector<8x2048xf32>
      %select_n3A_1611 = arith.select %gt3A_1610, %slice3A_1609, %select_n3A_1604 : vector<8x2048xi1>, vector<8x2048xf32>
      %sub3A_1612 = arith.constant 2.600000e+01 : f32
      %sub3A_1613 = arith.subf %convert_element_type3A_1426, %sub3A_1612 : f32
      %broadcast_in_dim3A_1614 = vector.broadcast %sub3A_1613 : f32 to vector<8x2048xf32>
      %select_n3A_1615 = arith.select %gt3A_1610, %broadcast_in_dim3A_1614, %select_n3A_1608 : vector<8x2048xi1>, vector<8x2048xf32>
      %slice3A_1616 = vector.extract_strided_slice %dot_general3A_1421 {offsets = [216, 0], sizes = [8, 2048], strides = [1, 1]} : vector<512x2048xf32> to vector<8x2048xf32>
      %gt3A_1617 = arith.cmpf ogt, %slice3A_1616, %select_n3A_1611 : vector<8x2048xf32>
      %select_n3A_1618 = arith.select %gt3A_1617, %slice3A_1616, %select_n3A_1611 : vector<8x2048xi1>, vector<8x2048xf32>
      %sub3A_1619 = arith.constant 2.700000e+01 : f32
      %sub3A_1620 = arith.subf %convert_element_type3A_1426, %sub3A_1619 : f32
      %broadcast_in_dim3A_1621 = vector.broadcast %sub3A_1620 : f32 to vector<8x2048xf32>
      %select_n3A_1622 = arith.select %gt3A_1617, %broadcast_in_dim3A_1621, %select_n3A_1615 : vector<8x2048xi1>, vector<8x2048xf32>
      %slice3A_1623 = vector.extract_strided_slice %dot_general3A_1421 {offsets = [224, 0], sizes = [8, 2048], strides = [1, 1]} : vector<512x2048xf32> to vector<8x2048xf32>
      %gt3A_1624 = arith.cmpf ogt, %slice3A_1623, %select_n3A_1618 : vector<8x2048xf32>
      %select_n3A_1625 = arith.select %gt3A_1624, %slice3A_1623, %select_n3A_1618 : vector<8x2048xi1>, vector<8x2048xf32>
      %sub3A_1626 = arith.constant 2.800000e+01 : f32
      %sub3A_1627 = arith.subf %convert_element_type3A_1426, %sub3A_1626 : f32
      %broadcast_in_dim3A_1628 = vector.broadcast %sub3A_1627 : f32 to vector<8x2048xf32>
      %select_n3A_1629 = arith.select %gt3A_1624, %broadcast_in_dim3A_1628, %select_n3A_1622 : vector<8x2048xi1>, vector<8x2048xf32>
      %slice3A_1630 = vector.extract_strided_slice %dot_general3A_1421 {offsets = [232, 0], sizes = [8, 2048], strides = [1, 1]} : vector<512x2048xf32> to vector<8x2048xf32>
      %gt3A_1631 = arith.cmpf ogt, %slice3A_1630, %select_n3A_1625 : vector<8x2048xf32>
      %select_n3A_1632 = arith.select %gt3A_1631, %slice3A_1630, %select_n3A_1625 : vector<8x2048xi1>, vector<8x2048xf32>
      %sub3A_1633 = arith.constant 2.900000e+01 : f32
      %sub3A_1634 = arith.subf %convert_element_type3A_1426, %sub3A_1633 : f32
      %broadcast_in_dim3A_1635 = vector.broadcast %sub3A_1634 : f32 to vector<8x2048xf32>
      %select_n3A_1636 = arith.select %gt3A_1631, %broadcast_in_dim3A_1635, %select_n3A_1629 : vector<8x2048xi1>, vector<8x2048xf32>
      %slice3A_1637 = vector.extract_strided_slice %dot_general3A_1421 {offsets = [240, 0], sizes = [8, 2048], strides = [1, 1]} : vector<512x2048xf32> to vector<8x2048xf32>
      %gt3A_1638 = arith.cmpf ogt, %slice3A_1637, %select_n3A_1632 : vector<8x2048xf32>
      %select_n3A_1639 = arith.select %gt3A_1638, %slice3A_1637, %select_n3A_1632 : vector<8x2048xi1>, vector<8x2048xf32>
      %sub3A_1640 = arith.constant 3.000000e+01 : f32
      %sub3A_1641 = arith.subf %convert_element_type3A_1426, %sub3A_1640 : f32
      %broadcast_in_dim3A_1642 = vector.broadcast %sub3A_1641 : f32 to vector<8x2048xf32>
      %select_n3A_1643 = arith.select %gt3A_1638, %broadcast_in_dim3A_1642, %select_n3A_1636 : vector<8x2048xi1>, vector<8x2048xf32>
      %slice3A_1644 = vector.extract_strided_slice %dot_general3A_1421 {offsets = [248, 0], sizes = [8, 2048], strides = [1, 1]} : vector<512x2048xf32> to vector<8x2048xf32>
      %gt3A_1645 = arith.cmpf ogt, %slice3A_1644, %select_n3A_1639 : vector<8x2048xf32>
      %select_n3A_1646 = arith.select %gt3A_1645, %slice3A_1644, %select_n3A_1639 : vector<8x2048xi1>, vector<8x2048xf32>
      %sub3A_1647 = arith.constant 3.100000e+01 : f32
      %sub3A_1648 = arith.subf %convert_element_type3A_1426, %sub3A_1647 : f32
      %broadcast_in_dim3A_1649 = vector.broadcast %sub3A_1648 : f32 to vector<8x2048xf32>
      %select_n3A_1650 = arith.select %gt3A_1645, %broadcast_in_dim3A_1649, %select_n3A_1643 : vector<8x2048xi1>, vector<8x2048xf32>
      %slice3A_1651 = vector.extract_strided_slice %dot_general3A_1421 {offsets = [256, 0], sizes = [8, 2048], strides = [1, 1]} : vector<512x2048xf32> to vector<8x2048xf32>
      %gt3A_1652 = arith.cmpf ogt, %slice3A_1651, %select_n3A_1646 : vector<8x2048xf32>
      %select_n3A_1653 = arith.select %gt3A_1652, %slice3A_1651, %select_n3A_1646 : vector<8x2048xi1>, vector<8x2048xf32>
      %sub3A_1654 = arith.constant 3.200000e+01 : f32
      %sub3A_1655 = arith.subf %convert_element_type3A_1426, %sub3A_1654 : f32
      %broadcast_in_dim3A_1656 = vector.broadcast %sub3A_1655 : f32 to vector<8x2048xf32>
      %select_n3A_1657 = arith.select %gt3A_1652, %broadcast_in_dim3A_1656, %select_n3A_1650 : vector<8x2048xi1>, vector<8x2048xf32>
      %slice3A_1658 = vector.extract_strided_slice %dot_general3A_1421 {offsets = [264, 0], sizes = [8, 2048], strides = [1, 1]} : vector<512x2048xf32> to vector<8x2048xf32>
      %gt3A_1659 = arith.cmpf ogt, %slice3A_1658, %select_n3A_1653 : vector<8x2048xf32>
      %select_n3A_1660 = arith.select %gt3A_1659, %slice3A_1658, %select_n3A_1653 : vector<8x2048xi1>, vector<8x2048xf32>
      %sub3A_1661 = arith.constant 3.300000e+01 : f32
      %sub3A_1662 = arith.subf %convert_element_type3A_1426, %sub3A_1661 : f32
      %broadcast_in_dim3A_1663 = vector.broadcast %sub3A_1662 : f32 to vector<8x2048xf32>
      %select_n3A_1664 = arith.select %gt3A_1659, %broadcast_in_dim3A_1663, %select_n3A_1657 : vector<8x2048xi1>, vector<8x2048xf32>
      %slice3A_1665 = vector.extract_strided_slice %dot_general3A_1421 {offsets = [272, 0], sizes = [8, 2048], strides = [1, 1]} : vector<512x2048xf32> to vector<8x2048xf32>
      %gt3A_1666 = arith.cmpf ogt, %slice3A_1665, %select_n3A_1660 : vector<8x2048xf32>
      %select_n3A_1667 = arith.select %gt3A_1666, %slice3A_1665, %select_n3A_1660 : vector<8x2048xi1>, vector<8x2048xf32>
      %sub3A_1668 = arith.constant 3.400000e+01 : f32
      %sub3A_1669 = arith.subf %convert_element_type3A_1426, %sub3A_1668 : f32
      %broadcast_in_dim3A_1670 = vector.broadcast %sub3A_1669 : f32 to vector<8x2048xf32>
      %select_n3A_1671 = arith.select %gt3A_1666, %broadcast_in_dim3A_1670, %select_n3A_1664 : vector<8x2048xi1>, vector<8x2048xf32>
      %slice3A_1672 = vector.extract_strided_slice %dot_general3A_1421 {offsets = [280, 0], sizes = [8, 2048], strides = [1, 1]} : vector<512x2048xf32> to vector<8x2048xf32>
      %gt3A_1673 = arith.cmpf ogt, %slice3A_1672, %select_n3A_1667 : vector<8x2048xf32>
      %select_n3A_1674 = arith.select %gt3A_1673, %slice3A_1672, %select_n3A_1667 : vector<8x2048xi1>, vector<8x2048xf32>
      %sub3A_1675 = arith.constant 3.500000e+01 : f32
      %sub3A_1676 = arith.subf %convert_element_type3A_1426, %sub3A_1675 : f32
      %broadcast_in_dim3A_1677 = vector.broadcast %sub3A_1676 : f32 to vector<8x2048xf32>
      %select_n3A_1678 = arith.select %gt3A_1673, %broadcast_in_dim3A_1677, %select_n3A_1671 : vector<8x2048xi1>, vector<8x2048xf32>
      %slice3A_1679 = vector.extract_strided_slice %dot_general3A_1421 {offsets = [288, 0], sizes = [8, 2048], strides = [1, 1]} : vector<512x2048xf32> to vector<8x2048xf32>
      %gt3A_1680 = arith.cmpf ogt, %slice3A_1679, %select_n3A_1674 : vector<8x2048xf32>
      %select_n3A_1681 = arith.select %gt3A_1680, %slice3A_1679, %select_n3A_1674 : vector<8x2048xi1>, vector<8x2048xf32>
      %sub3A_1682 = arith.constant 3.600000e+01 : f32
      %sub3A_1683 = arith.subf %convert_element_type3A_1426, %sub3A_1682 : f32
      %broadcast_in_dim3A_1684 = vector.broadcast %sub3A_1683 : f32 to vector<8x2048xf32>
      %select_n3A_1685 = arith.select %gt3A_1680, %broadcast_in_dim3A_1684, %select_n3A_1678 : vector<8x2048xi1>, vector<8x2048xf32>
      %slice3A_1686 = vector.extract_strided_slice %dot_general3A_1421 {offsets = [296, 0], sizes = [8, 2048], strides = [1, 1]} : vector<512x2048xf32> to vector<8x2048xf32>
      %gt3A_1687 = arith.cmpf ogt, %slice3A_1686, %select_n3A_1681 : vector<8x2048xf32>
      %select_n3A_1688 = arith.select %gt3A_1687, %slice3A_1686, %select_n3A_1681 : vector<8x2048xi1>, vector<8x2048xf32>
      %sub3A_1689 = arith.constant 3.700000e+01 : f32
      %sub3A_1690 = arith.subf %convert_element_type3A_1426, %sub3A_1689 : f32
      %broadcast_in_dim3A_1691 = vector.broadcast %sub3A_1690 : f32 to vector<8x2048xf32>
      %select_n3A_1692 = arith.select %gt3A_1687, %broadcast_in_dim3A_1691, %select_n3A_1685 : vector<8x2048xi1>, vector<8x2048xf32>
      %slice3A_1693 = vector.extract_strided_slice %dot_general3A_1421 {offsets = [304, 0], sizes = [8, 2048], strides = [1, 1]} : vector<512x2048xf32> to vector<8x2048xf32>
      %gt3A_1694 = arith.cmpf ogt, %slice3A_1693, %select_n3A_1688 : vector<8x2048xf32>
      %select_n3A_1695 = arith.select %gt3A_1694, %slice3A_1693, %select_n3A_1688 : vector<8x2048xi1>, vector<8x2048xf32>
      %sub3A_1696 = arith.constant 3.800000e+01 : f32
      %sub3A_1697 = arith.subf %convert_element_type3A_1426, %sub3A_1696 : f32
      %broadcast_in_dim3A_1698 = vector.broadcast %sub3A_1697 : f32 to vector<8x2048xf32>
      %select_n3A_1699 = arith.select %gt3A_1694, %broadcast_in_dim3A_1698, %select_n3A_1692 : vector<8x2048xi1>, vector<8x2048xf32>
      %slice3A_1700 = vector.extract_strided_slice %dot_general3A_1421 {offsets = [312, 0], sizes = [8, 2048], strides = [1, 1]} : vector<512x2048xf32> to vector<8x2048xf32>
      %gt3A_1701 = arith.cmpf ogt, %slice3A_1700, %select_n3A_1695 : vector<8x2048xf32>
      %select_n3A_1702 = arith.select %gt3A_1701, %slice3A_1700, %select_n3A_1695 : vector<8x2048xi1>, vector<8x2048xf32>
      %sub3A_1703 = arith.constant 3.900000e+01 : f32
      %sub3A_1704 = arith.subf %convert_element_type3A_1426, %sub3A_1703 : f32
      %broadcast_in_dim3A_1705 = vector.broadcast %sub3A_1704 : f32 to vector<8x2048xf32>
      %select_n3A_1706 = arith.select %gt3A_1701, %broadcast_in_dim3A_1705, %select_n3A_1699 : vector<8x2048xi1>, vector<8x2048xf32>
      %slice3A_1707 = vector.extract_strided_slice %dot_general3A_1421 {offsets = [320, 0], sizes = [8, 2048], strides = [1, 1]} : vector<512x2048xf32> to vector<8x2048xf32>
      %gt3A_1708 = arith.cmpf ogt, %slice3A_1707, %select_n3A_1702 : vector<8x2048xf32>
      %select_n3A_1709 = arith.select %gt3A_1708, %slice3A_1707, %select_n3A_1702 : vector<8x2048xi1>, vector<8x2048xf32>
      %sub3A_1710 = arith.constant 4.000000e+01 : f32
      %sub3A_1711 = arith.subf %convert_element_type3A_1426, %sub3A_1710 : f32
      %broadcast_in_dim3A_1712 = vector.broadcast %sub3A_1711 : f32 to vector<8x2048xf32>
      %select_n3A_1713 = arith.select %gt3A_1708, %broadcast_in_dim3A_1712, %select_n3A_1706 : vector<8x2048xi1>, vector<8x2048xf32>
      %slice3A_1714 = vector.extract_strided_slice %dot_general3A_1421 {offsets = [328, 0], sizes = [8, 2048], strides = [1, 1]} : vector<512x2048xf32> to vector<8x2048xf32>
      %gt3A_1715 = arith.cmpf ogt, %slice3A_1714, %select_n3A_1709 : vector<8x2048xf32>
      %select_n3A_1716 = arith.select %gt3A_1715, %slice3A_1714, %select_n3A_1709 : vector<8x2048xi1>, vector<8x2048xf32>
      %sub3A_1717 = arith.constant 4.100000e+01 : f32
      %sub3A_1718 = arith.subf %convert_element_type3A_1426, %sub3A_1717 : f32
      %broadcast_in_dim3A_1719 = vector.broadcast %sub3A_1718 : f32 to vector<8x2048xf32>
      %select_n3A_1720 = arith.select %gt3A_1715, %broadcast_in_dim3A_1719, %select_n3A_1713 : vector<8x2048xi1>, vector<8x2048xf32>
      %slice3A_1721 = vector.extract_strided_slice %dot_general3A_1421 {offsets = [336, 0], sizes = [8, 2048], strides = [1, 1]} : vector<512x2048xf32> to vector<8x2048xf32>
      %gt3A_1722 = arith.cmpf ogt, %slice3A_1721, %select_n3A_1716 : vector<8x2048xf32>
      %select_n3A_1723 = arith.select %gt3A_1722, %slice3A_1721, %select_n3A_1716 : vector<8x2048xi1>, vector<8x2048xf32>
      %sub3A_1724 = arith.constant 4.200000e+01 : f32
      %sub3A_1725 = arith.subf %convert_element_type3A_1426, %sub3A_1724 : f32
      %broadcast_in_dim3A_1726 = vector.broadcast %sub3A_1725 : f32 to vector<8x2048xf32>
      %select_n3A_1727 = arith.select %gt3A_1722, %broadcast_in_dim3A_1726, %select_n3A_1720 : vector<8x2048xi1>, vector<8x2048xf32>
      %slice3A_1728 = vector.extract_strided_slice %dot_general3A_1421 {offsets = [344, 0], sizes = [8, 2048], strides = [1, 1]} : vector<512x2048xf32> to vector<8x2048xf32>
      %gt3A_1729 = arith.cmpf ogt, %slice3A_1728, %select_n3A_1723 : vector<8x2048xf32>
      %select_n3A_1730 = arith.select %gt3A_1729, %slice3A_1728, %select_n3A_1723 : vector<8x2048xi1>, vector<8x2048xf32>
      %sub3A_1731 = arith.constant 4.300000e+01 : f32
      %sub3A_1732 = arith.subf %convert_element_type3A_1426, %sub3A_1731 : f32
      %broadcast_in_dim3A_1733 = vector.broadcast %sub3A_1732 : f32 to vector<8x2048xf32>
      %select_n3A_1734 = arith.select %gt3A_1729, %broadcast_in_dim3A_1733, %select_n3A_1727 : vector<8x2048xi1>, vector<8x2048xf32>
      %slice3A_1735 = vector.extract_strided_slice %dot_general3A_1421 {offsets = [352, 0], sizes = [8, 2048], strides = [1, 1]} : vector<512x2048xf32> to vector<8x2048xf32>
      %gt3A_1736 = arith.cmpf ogt, %slice3A_1735, %select_n3A_1730 : vector<8x2048xf32>
      %select_n3A_1737 = arith.select %gt3A_1736, %slice3A_1735, %select_n3A_1730 : vector<8x2048xi1>, vector<8x2048xf32>
      %sub3A_1738 = arith.constant 4.400000e+01 : f32
      %sub3A_1739 = arith.subf %convert_element_type3A_1426, %sub3A_1738 : f32
      %broadcast_in_dim3A_1740 = vector.broadcast %sub3A_1739 : f32 to vector<8x2048xf32>
      %select_n3A_1741 = arith.select %gt3A_1736, %broadcast_in_dim3A_1740, %select_n3A_1734 : vector<8x2048xi1>, vector<8x2048xf32>
      %slice3A_1742 = vector.extract_strided_slice %dot_general3A_1421 {offsets = [360, 0], sizes = [8, 2048], strides = [1, 1]} : vector<512x2048xf32> to vector<8x2048xf32>
      %gt3A_1743 = arith.cmpf ogt, %slice3A_1742, %select_n3A_1737 : vector<8x2048xf32>
      %select_n3A_1744 = arith.select %gt3A_1743, %slice3A_1742, %select_n3A_1737 : vector<8x2048xi1>, vector<8x2048xf32>
      %sub3A_1745 = arith.constant 4.500000e+01 : f32
      %sub3A_1746 = arith.subf %convert_element_type3A_1426, %sub3A_1745 : f32
      %broadcast_in_dim3A_1747 = vector.broadcast %sub3A_1746 : f32 to vector<8x2048xf32>
      %select_n3A_1748 = arith.select %gt3A_1743, %broadcast_in_dim3A_1747, %select_n3A_1741 : vector<8x2048xi1>, vector<8x2048xf32>
      %slice3A_1749 = vector.extract_strided_slice %dot_general3A_1421 {offsets = [368, 0], sizes = [8, 2048], strides = [1, 1]} : vector<512x2048xf32> to vector<8x2048xf32>
      %gt3A_1750 = arith.cmpf ogt, %slice3A_1749, %select_n3A_1744 : vector<8x2048xf32>
      %select_n3A_1751 = arith.select %gt3A_1750, %slice3A_1749, %select_n3A_1744 : vector<8x2048xi1>, vector<8x2048xf32>
      %sub3A_1752 = arith.constant 4.600000e+01 : f32
      %sub3A_1753 = arith.subf %convert_element_type3A_1426, %sub3A_1752 : f32
      %broadcast_in_dim3A_1754 = vector.broadcast %sub3A_1753 : f32 to vector<8x2048xf32>
      %select_n3A_1755 = arith.select %gt3A_1750, %broadcast_in_dim3A_1754, %select_n3A_1748 : vector<8x2048xi1>, vector<8x2048xf32>
      %slice3A_1756 = vector.extract_strided_slice %dot_general3A_1421 {offsets = [376, 0], sizes = [8, 2048], strides = [1, 1]} : vector<512x2048xf32> to vector<8x2048xf32>
      %gt3A_1757 = arith.cmpf ogt, %slice3A_1756, %select_n3A_1751 : vector<8x2048xf32>
      %select_n3A_1758 = arith.select %gt3A_1757, %slice3A_1756, %select_n3A_1751 : vector<8x2048xi1>, vector<8x2048xf32>
      %sub3A_1759 = arith.constant 4.700000e+01 : f32
      %sub3A_1760 = arith.subf %convert_element_type3A_1426, %sub3A_1759 : f32
      %broadcast_in_dim3A_1761 = vector.broadcast %sub3A_1760 : f32 to vector<8x2048xf32>
      %select_n3A_1762 = arith.select %gt3A_1757, %broadcast_in_dim3A_1761, %select_n3A_1755 : vector<8x2048xi1>, vector<8x2048xf32>
      %slice3A_1763 = vector.extract_strided_slice %dot_general3A_1421 {offsets = [384, 0], sizes = [8, 2048], strides = [1, 1]} : vector<512x2048xf32> to vector<8x2048xf32>
      %gt3A_1764 = arith.cmpf ogt, %slice3A_1763, %select_n3A_1758 : vector<8x2048xf32>
      %select_n3A_1765 = arith.select %gt3A_1764, %slice3A_1763, %select_n3A_1758 : vector<8x2048xi1>, vector<8x2048xf32>
      %sub3A_1766 = arith.constant 4.800000e+01 : f32
      %sub3A_1767 = arith.subf %convert_element_type3A_1426, %sub3A_1766 : f32
      %broadcast_in_dim3A_1768 = vector.broadcast %sub3A_1767 : f32 to vector<8x2048xf32>
      %select_n3A_1769 = arith.select %gt3A_1764, %broadcast_in_dim3A_1768, %select_n3A_1762 : vector<8x2048xi1>, vector<8x2048xf32>
      %slice3A_1770 = vector.extract_strided_slice %dot_general3A_1421 {offsets = [392, 0], sizes = [8, 2048], strides = [1, 1]} : vector<512x2048xf32> to vector<8x2048xf32>
      %gt3A_1771 = arith.cmpf ogt, %slice3A_1770, %select_n3A_1765 : vector<8x2048xf32>
      %select_n3A_1772 = arith.select %gt3A_1771, %slice3A_1770, %select_n3A_1765 : vector<8x2048xi1>, vector<8x2048xf32>
      %sub3A_1773 = arith.constant 4.900000e+01 : f32
      %sub3A_1774 = arith.subf %convert_element_type3A_1426, %sub3A_1773 : f32
      %broadcast_in_dim3A_1775 = vector.broadcast %sub3A_1774 : f32 to vector<8x2048xf32>
      %select_n3A_1776 = arith.select %gt3A_1771, %broadcast_in_dim3A_1775, %select_n3A_1769 : vector<8x2048xi1>, vector<8x2048xf32>
      %slice3A_1777 = vector.extract_strided_slice %dot_general3A_1421 {offsets = [400, 0], sizes = [8, 2048], strides = [1, 1]} : vector<512x2048xf32> to vector<8x2048xf32>
      %gt3A_1778 = arith.cmpf ogt, %slice3A_1777, %select_n3A_1772 : vector<8x2048xf32>
      %select_n3A_1779 = arith.select %gt3A_1778, %slice3A_1777, %select_n3A_1772 : vector<8x2048xi1>, vector<8x2048xf32>
      %sub3A_1780 = arith.constant 5.000000e+01 : f32
      %sub3A_1781 = arith.subf %convert_element_type3A_1426, %sub3A_1780 : f32
      %broadcast_in_dim3A_1782 = vector.broadcast %sub3A_1781 : f32 to vector<8x2048xf32>
      %select_n3A_1783 = arith.select %gt3A_1778, %broadcast_in_dim3A_1782, %select_n3A_1776 : vector<8x2048xi1>, vector<8x2048xf32>
      %slice3A_1784 = vector.extract_strided_slice %dot_general3A_1421 {offsets = [408, 0], sizes = [8, 2048], strides = [1, 1]} : vector<512x2048xf32> to vector<8x2048xf32>
      %gt3A_1785 = arith.cmpf ogt, %slice3A_1784, %select_n3A_1779 : vector<8x2048xf32>
      %select_n3A_1786 = arith.select %gt3A_1785, %slice3A_1784, %select_n3A_1779 : vector<8x2048xi1>, vector<8x2048xf32>
      %sub3A_1787 = arith.constant 5.100000e+01 : f32
      %sub3A_1788 = arith.subf %convert_element_type3A_1426, %sub3A_1787 : f32
      %broadcast_in_dim3A_1789 = vector.broadcast %sub3A_1788 : f32 to vector<8x2048xf32>
      %select_n3A_1790 = arith.select %gt3A_1785, %broadcast_in_dim3A_1789, %select_n3A_1783 : vector<8x2048xi1>, vector<8x2048xf32>
      %slice3A_1791 = vector.extract_strided_slice %dot_general3A_1421 {offsets = [416, 0], sizes = [8, 2048], strides = [1, 1]} : vector<512x2048xf32> to vector<8x2048xf32>
      %gt3A_1792 = arith.cmpf ogt, %slice3A_1791, %select_n3A_1786 : vector<8x2048xf32>
      %select_n3A_1793 = arith.select %gt3A_1792, %slice3A_1791, %select_n3A_1786 : vector<8x2048xi1>, vector<8x2048xf32>
      %sub3A_1794 = arith.constant 5.200000e+01 : f32
      %sub3A_1795 = arith.subf %convert_element_type3A_1426, %sub3A_1794 : f32
      %broadcast_in_dim3A_1796 = vector.broadcast %sub3A_1795 : f32 to vector<8x2048xf32>
      %select_n3A_1797 = arith.select %gt3A_1792, %broadcast_in_dim3A_1796, %select_n3A_1790 : vector<8x2048xi1>, vector<8x2048xf32>
      %slice3A_1798 = vector.extract_strided_slice %dot_general3A_1421 {offsets = [424, 0], sizes = [8, 2048], strides = [1, 1]} : vector<512x2048xf32> to vector<8x2048xf32>
      %gt3A_1799 = arith.cmpf ogt, %slice3A_1798, %select_n3A_1793 : vector<8x2048xf32>
      %select_n3A_1800 = arith.select %gt3A_1799, %slice3A_1798, %select_n3A_1793 : vector<8x2048xi1>, vector<8x2048xf32>
      %sub3A_1801 = arith.constant 5.300000e+01 : f32
      %sub3A_1802 = arith.subf %convert_element_type3A_1426, %sub3A_1801 : f32
      %broadcast_in_dim3A_1803 = vector.broadcast %sub3A_1802 : f32 to vector<8x2048xf32>
      %select_n3A_1804 = arith.select %gt3A_1799, %broadcast_in_dim3A_1803, %select_n3A_1797 : vector<8x2048xi1>, vector<8x2048xf32>
      %slice3A_1805 = vector.extract_strided_slice %dot_general3A_1421 {offsets = [432, 0], sizes = [8, 2048], strides = [1, 1]} : vector<512x2048xf32> to vector<8x2048xf32>
      %gt3A_1806 = arith.cmpf ogt, %slice3A_1805, %select_n3A_1800 : vector<8x2048xf32>
      %select_n3A_1807 = arith.select %gt3A_1806, %slice3A_1805, %select_n3A_1800 : vector<8x2048xi1>, vector<8x2048xf32>
      %sub3A_1808 = arith.constant 5.400000e+01 : f32
      %sub3A_1809 = arith.subf %convert_element_type3A_1426, %sub3A_1808 : f32
      %broadcast_in_dim3A_1810 = vector.broadcast %sub3A_1809 : f32 to vector<8x2048xf32>
      %select_n3A_1811 = arith.select %gt3A_1806, %broadcast_in_dim3A_1810, %select_n3A_1804 : vector<8x2048xi1>, vector<8x2048xf32>
      %slice3A_1812 = vector.extract_strided_slice %dot_general3A_1421 {offsets = [440, 0], sizes = [8, 2048], strides = [1, 1]} : vector<512x2048xf32> to vector<8x2048xf32>
      %gt3A_1813 = arith.cmpf ogt, %slice3A_1812, %select_n3A_1807 : vector<8x2048xf32>
      %select_n3A_1814 = arith.select %gt3A_1813, %slice3A_1812, %select_n3A_1807 : vector<8x2048xi1>, vector<8x2048xf32>
      %sub3A_1815 = arith.constant 5.500000e+01 : f32
      %sub3A_1816 = arith.subf %convert_element_type3A_1426, %sub3A_1815 : f32
      %broadcast_in_dim3A_1817 = vector.broadcast %sub3A_1816 : f32 to vector<8x2048xf32>
      %select_n3A_1818 = arith.select %gt3A_1813, %broadcast_in_dim3A_1817, %select_n3A_1811 : vector<8x2048xi1>, vector<8x2048xf32>
      %slice3A_1819 = vector.extract_strided_slice %dot_general3A_1421 {offsets = [448, 0], sizes = [8, 2048], strides = [1, 1]} : vector<512x2048xf32> to vector<8x2048xf32>
      %gt3A_1820 = arith.cmpf ogt, %slice3A_1819, %select_n3A_1814 : vector<8x2048xf32>
      %select_n3A_1821 = arith.select %gt3A_1820, %slice3A_1819, %select_n3A_1814 : vector<8x2048xi1>, vector<8x2048xf32>
      %sub3A_1822 = arith.constant 5.600000e+01 : f32
      %sub3A_1823 = arith.subf %convert_element_type3A_1426, %sub3A_1822 : f32
      %broadcast_in_dim3A_1824 = vector.broadcast %sub3A_1823 : f32 to vector<8x2048xf32>
      %select_n3A_1825 = arith.select %gt3A_1820, %broadcast_in_dim3A_1824, %select_n3A_1818 : vector<8x2048xi1>, vector<8x2048xf32>
      %slice3A_1826 = vector.extract_strided_slice %dot_general3A_1421 {offsets = [456, 0], sizes = [8, 2048], strides = [1, 1]} : vector<512x2048xf32> to vector<8x2048xf32>
      %gt3A_1827 = arith.cmpf ogt, %slice3A_1826, %select_n3A_1821 : vector<8x2048xf32>
      %select_n3A_1828 = arith.select %gt3A_1827, %slice3A_1826, %select_n3A_1821 : vector<8x2048xi1>, vector<8x2048xf32>
      %sub3A_1829 = arith.constant 5.700000e+01 : f32
      %sub3A_1830 = arith.subf %convert_element_type3A_1426, %sub3A_1829 : f32
      %broadcast_in_dim3A_1831 = vector.broadcast %sub3A_1830 : f32 to vector<8x2048xf32>
      %select_n3A_1832 = arith.select %gt3A_1827, %broadcast_in_dim3A_1831, %select_n3A_1825 : vector<8x2048xi1>, vector<8x2048xf32>
      %slice3A_1833 = vector.extract_strided_slice %dot_general3A_1421 {offsets = [464, 0], sizes = [8, 2048], strides = [1, 1]} : vector<512x2048xf32> to vector<8x2048xf32>
      %gt3A_1834 = arith.cmpf ogt, %slice3A_1833, %select_n3A_1828 : vector<8x2048xf32>
      %select_n3A_1835 = arith.select %gt3A_1834, %slice3A_1833, %select_n3A_1828 : vector<8x2048xi1>, vector<8x2048xf32>
      %sub3A_1836 = arith.constant 5.800000e+01 : f32
      %sub3A_1837 = arith.subf %convert_element_type3A_1426, %sub3A_1836 : f32
      %broadcast_in_dim3A_1838 = vector.broadcast %sub3A_1837 : f32 to vector<8x2048xf32>
      %select_n3A_1839 = arith.select %gt3A_1834, %broadcast_in_dim3A_1838, %select_n3A_1832 : vector<8x2048xi1>, vector<8x2048xf32>
      %slice3A_1840 = vector.extract_strided_slice %dot_general3A_1421 {offsets = [472, 0], sizes = [8, 2048], strides = [1, 1]} : vector<512x2048xf32> to vector<8x2048xf32>
      %gt3A_1841 = arith.cmpf ogt, %slice3A_1840, %select_n3A_1835 : vector<8x2048xf32>
      %select_n3A_1842 = arith.select %gt3A_1841, %slice3A_1840, %select_n3A_1835 : vector<8x2048xi1>, vector<8x2048xf32>
      %sub3A_1843 = arith.constant 5.900000e+01 : f32
      %sub3A_1844 = arith.subf %convert_element_type3A_1426, %sub3A_1843 : f32
      %broadcast_in_dim3A_1845 = vector.broadcast %sub3A_1844 : f32 to vector<8x2048xf32>
      %select_n3A_1846 = arith.select %gt3A_1841, %broadcast_in_dim3A_1845, %select_n3A_1839 : vector<8x2048xi1>, vector<8x2048xf32>
      %slice3A_1847 = vector.extract_strided_slice %dot_general3A_1421 {offsets = [480, 0], sizes = [8, 2048], strides = [1, 1]} : vector<512x2048xf32> to vector<8x2048xf32>
      %gt3A_1848 = arith.cmpf ogt, %slice3A_1847, %select_n3A_1842 : vector<8x2048xf32>
      %select_n3A_1849 = arith.select %gt3A_1848, %slice3A_1847, %select_n3A_1842 : vector<8x2048xi1>, vector<8x2048xf32>
      %sub3A_1850 = arith.constant 6.000000e+01 : f32
      %sub3A_1851 = arith.subf %convert_element_type3A_1426, %sub3A_1850 : f32
      %broadcast_in_dim3A_1852 = vector.broadcast %sub3A_1851 : f32 to vector<8x2048xf32>
      %select_n3A_1853 = arith.select %gt3A_1848, %broadcast_in_dim3A_1852, %select_n3A_1846 : vector<8x2048xi1>, vector<8x2048xf32>
      %slice3A_1854 = vector.extract_strided_slice %dot_general3A_1421 {offsets = [488, 0], sizes = [8, 2048], strides = [1, 1]} : vector<512x2048xf32> to vector<8x2048xf32>
      %gt3A_1855 = arith.cmpf ogt, %slice3A_1854, %select_n3A_1849 : vector<8x2048xf32>
      %select_n3A_1856 = arith.select %gt3A_1855, %slice3A_1854, %select_n3A_1849 : vector<8x2048xi1>, vector<8x2048xf32>
      %sub3A_1857 = arith.constant 6.100000e+01 : f32
      %sub3A_1858 = arith.subf %convert_element_type3A_1426, %sub3A_1857 : f32
      %broadcast_in_dim3A_1859 = vector.broadcast %sub3A_1858 : f32 to vector<8x2048xf32>
      %select_n3A_1860 = arith.select %gt3A_1855, %broadcast_in_dim3A_1859, %select_n3A_1853 : vector<8x2048xi1>, vector<8x2048xf32>
      %slice3A_1861 = vector.extract_strided_slice %dot_general3A_1421 {offsets = [496, 0], sizes = [8, 2048], strides = [1, 1]} : vector<512x2048xf32> to vector<8x2048xf32>
      %gt3A_1862 = arith.cmpf ogt, %slice3A_1861, %select_n3A_1856 : vector<8x2048xf32>
      %select_n3A_1863 = arith.select %gt3A_1862, %slice3A_1861, %select_n3A_1856 : vector<8x2048xi1>, vector<8x2048xf32>
      %sub3A_1864 = arith.constant 6.200000e+01 : f32
      %sub3A_1865 = arith.subf %convert_element_type3A_1426, %sub3A_1864 : f32
      %broadcast_in_dim3A_1866 = vector.broadcast %sub3A_1865 : f32 to vector<8x2048xf32>
      %select_n3A_1867 = arith.select %gt3A_1862, %broadcast_in_dim3A_1866, %select_n3A_1860 : vector<8x2048xi1>, vector<8x2048xf32>
      %slice3A_1868 = vector.extract_strided_slice %dot_general3A_1421 {offsets = [504, 0], sizes = [8, 2048], strides = [1, 1]} : vector<512x2048xf32> to vector<8x2048xf32>
      %gt3A_1869 = arith.cmpf ogt, %slice3A_1868, %select_n3A_1863 : vector<8x2048xf32>
      %select_n3A_1870 = arith.select %gt3A_1869, %slice3A_1868, %select_n3A_1863 : vector<8x2048xi1>, vector<8x2048xf32>
      %sub3A_1871 = arith.constant 6.300000e+01 : f32
      %sub3A_1872 = arith.subf %convert_element_type3A_1426, %sub3A_1871 : f32
      %broadcast_in_dim3A_1873 = vector.broadcast %sub3A_1872 : f32 to vector<8x2048xf32>
      %select_n3A_1874 = arith.select %gt3A_1869, %broadcast_in_dim3A_1873, %select_n3A_1867 : vector<8x2048xi1>, vector<8x2048xf32>
      %scan3A_1875 = arith.constant 4 : i32
      %scan3A_1876 = arith.addi %scan3A_30, %scan3A_1875 : i32
      %mul3A_1877 = arith.constant 512 : i32
      %mul3A_1878 = arith.muli %scan3A_1876, %mul3A_1877 : i32
      %get3A_1879 = arith.index_cast %mul3A_1878 : i32 to index
      %get3A_1880 = arith.constant 0 : index
      %get3A_1881 = vector.load %arg1[%get3A_1879, %get3A_1880] : memref<8192x32xf32, #tpu.memory_space<vmem>>, vector<512x32xf32>
      %dot_general3A_1882 = arith.constant dense<0.000000e+00> : vector<512x2048xf32>
      %dot_general3A_1883 = tpu.matmul %get3A_1881, %get3A_1, %dot_general3A_1882 {dimension_numbers = #tpu.dot_dimension_numbers<[1], [0], [0], [1], [0, 0, 1, 1], [], []>, transpose_lhs_hint = false} : vector<512x32xf32>, vector<32x2048xf32>, vector<512x2048xf32> -> vector<512x2048xf32>
      %mul3A_1884 = arith.constant 64 : i32
      %mul3A_1885 = arith.muli %scan3A_1876, %mul3A_1884 : i32
      %neg3A_1886 = arith.constant 0 : i32
      %neg3A_1887 = arith.subi %neg3A_1886, %mul3A_1885 : i32
      %convert_element_type3A_1888 = arith.sitofp %neg3A_1887 : i32 to f32
      %slice3A_1889 = vector.extract_strided_slice %dot_general3A_1883 {offsets = [0, 0], sizes = [8, 2048], strides = [1, 1]} : vector<512x2048xf32> to vector<8x2048xf32>
      %gt3A_1890 = arith.cmpf ogt, %slice3A_1889, %select_n3A_1870 : vector<8x2048xf32>
      %select_n3A_1891 = arith.select %gt3A_1890, %slice3A_1889, %select_n3A_1870 : vector<8x2048xi1>, vector<8x2048xf32>
      %sub3A_1892 = arith.constant 0.000000e+00 : f32
      %sub3A_1893 = arith.subf %convert_element_type3A_1888, %sub3A_1892 : f32
      %broadcast_in_dim3A_1894 = vector.broadcast %sub3A_1893 : f32 to vector<8x2048xf32>
      %select_n3A_1895 = arith.select %gt3A_1890, %broadcast_in_dim3A_1894, %select_n3A_1874 : vector<8x2048xi1>, vector<8x2048xf32>
      %slice3A_1896 = vector.extract_strided_slice %dot_general3A_1883 {offsets = [8, 0], sizes = [8, 2048], strides = [1, 1]} : vector<512x2048xf32> to vector<8x2048xf32>
      %gt3A_1897 = arith.cmpf ogt, %slice3A_1896, %select_n3A_1891 : vector<8x2048xf32>
      %select_n3A_1898 = arith.select %gt3A_1897, %slice3A_1896, %select_n3A_1891 : vector<8x2048xi1>, vector<8x2048xf32>
      %sub3A_1899 = arith.constant 1.000000e+00 : f32
      %sub3A_1900 = arith.subf %convert_element_type3A_1888, %sub3A_1899 : f32
      %broadcast_in_dim3A_1901 = vector.broadcast %sub3A_1900 : f32 to vector<8x2048xf32>
      %select_n3A_1902 = arith.select %gt3A_1897, %broadcast_in_dim3A_1901, %select_n3A_1895 : vector<8x2048xi1>, vector<8x2048xf32>
      %slice3A_1903 = vector.extract_strided_slice %dot_general3A_1883 {offsets = [16, 0], sizes = [8, 2048], strides = [1, 1]} : vector<512x2048xf32> to vector<8x2048xf32>
      %gt3A_1904 = arith.cmpf ogt, %slice3A_1903, %select_n3A_1898 : vector<8x2048xf32>
      %select_n3A_1905 = arith.select %gt3A_1904, %slice3A_1903, %select_n3A_1898 : vector<8x2048xi1>, vector<8x2048xf32>
      %sub3A_1906 = arith.constant 2.000000e+00 : f32
      %sub3A_1907 = arith.subf %convert_element_type3A_1888, %sub3A_1906 : f32
      %broadcast_in_dim3A_1908 = vector.broadcast %sub3A_1907 : f32 to vector<8x2048xf32>
      %select_n3A_1909 = arith.select %gt3A_1904, %broadcast_in_dim3A_1908, %select_n3A_1902 : vector<8x2048xi1>, vector<8x2048xf32>
      %slice3A_1910 = vector.extract_strided_slice %dot_general3A_1883 {offsets = [24, 0], sizes = [8, 2048], strides = [1, 1]} : vector<512x2048xf32> to vector<8x2048xf32>
      %gt3A_1911 = arith.cmpf ogt, %slice3A_1910, %select_n3A_1905 : vector<8x2048xf32>
      %select_n3A_1912 = arith.select %gt3A_1911, %slice3A_1910, %select_n3A_1905 : vector<8x2048xi1>, vector<8x2048xf32>
      %sub3A_1913 = arith.constant 3.000000e+00 : f32
      %sub3A_1914 = arith.subf %convert_element_type3A_1888, %sub3A_1913 : f32
      %broadcast_in_dim3A_1915 = vector.broadcast %sub3A_1914 : f32 to vector<8x2048xf32>
      %select_n3A_1916 = arith.select %gt3A_1911, %broadcast_in_dim3A_1915, %select_n3A_1909 : vector<8x2048xi1>, vector<8x2048xf32>
      %slice3A_1917 = vector.extract_strided_slice %dot_general3A_1883 {offsets = [32, 0], sizes = [8, 2048], strides = [1, 1]} : vector<512x2048xf32> to vector<8x2048xf32>
      %gt3A_1918 = arith.cmpf ogt, %slice3A_1917, %select_n3A_1912 : vector<8x2048xf32>
      %select_n3A_1919 = arith.select %gt3A_1918, %slice3A_1917, %select_n3A_1912 : vector<8x2048xi1>, vector<8x2048xf32>
      %sub3A_1920 = arith.constant 4.000000e+00 : f32
      %sub3A_1921 = arith.subf %convert_element_type3A_1888, %sub3A_1920 : f32
      %broadcast_in_dim3A_1922 = vector.broadcast %sub3A_1921 : f32 to vector<8x2048xf32>
      %select_n3A_1923 = arith.select %gt3A_1918, %broadcast_in_dim3A_1922, %select_n3A_1916 : vector<8x2048xi1>, vector<8x2048xf32>
      %slice3A_1924 = vector.extract_strided_slice %dot_general3A_1883 {offsets = [40, 0], sizes = [8, 2048], strides = [1, 1]} : vector<512x2048xf32> to vector<8x2048xf32>
      %gt3A_1925 = arith.cmpf ogt, %slice3A_1924, %select_n3A_1919 : vector<8x2048xf32>
      %select_n3A_1926 = arith.select %gt3A_1925, %slice3A_1924, %select_n3A_1919 : vector<8x2048xi1>, vector<8x2048xf32>
      %sub3A_1927 = arith.constant 5.000000e+00 : f32
      %sub3A_1928 = arith.subf %convert_element_type3A_1888, %sub3A_1927 : f32
      %broadcast_in_dim3A_1929 = vector.broadcast %sub3A_1928 : f32 to vector<8x2048xf32>
      %select_n3A_1930 = arith.select %gt3A_1925, %broadcast_in_dim3A_1929, %select_n3A_1923 : vector<8x2048xi1>, vector<8x2048xf32>
      %slice3A_1931 = vector.extract_strided_slice %dot_general3A_1883 {offsets = [48, 0], sizes = [8, 2048], strides = [1, 1]} : vector<512x2048xf32> to vector<8x2048xf32>
      %gt3A_1932 = arith.cmpf ogt, %slice3A_1931, %select_n3A_1926 : vector<8x2048xf32>
      %select_n3A_1933 = arith.select %gt3A_1932, %slice3A_1931, %select_n3A_1926 : vector<8x2048xi1>, vector<8x2048xf32>
      %sub3A_1934 = arith.constant 6.000000e+00 : f32
      %sub3A_1935 = arith.subf %convert_element_type3A_1888, %sub3A_1934 : f32
      %broadcast_in_dim3A_1936 = vector.broadcast %sub3A_1935 : f32 to vector<8x2048xf32>
      %select_n3A_1937 = arith.select %gt3A_1932, %broadcast_in_dim3A_1936, %select_n3A_1930 : vector<8x2048xi1>, vector<8x2048xf32>
      %slice3A_1938 = vector.extract_strided_slice %dot_general3A_1883 {offsets = [56, 0], sizes = [8, 2048], strides = [1, 1]} : vector<512x2048xf32> to vector<8x2048xf32>
      %gt3A_1939 = arith.cmpf ogt, %slice3A_1938, %select_n3A_1933 : vector<8x2048xf32>
      %select_n3A_1940 = arith.select %gt3A_1939, %slice3A_1938, %select_n3A_1933 : vector<8x2048xi1>, vector<8x2048xf32>
      %sub3A_1941 = arith.constant 7.000000e+00 : f32
      %sub3A_1942 = arith.subf %convert_element_type3A_1888, %sub3A_1941 : f32
      %broadcast_in_dim3A_1943 = vector.broadcast %sub3A_1942 : f32 to vector<8x2048xf32>
      %select_n3A_1944 = arith.select %gt3A_1939, %broadcast_in_dim3A_1943, %select_n3A_1937 : vector<8x2048xi1>, vector<8x2048xf32>
      %slice3A_1945 = vector.extract_strided_slice %dot_general3A_1883 {offsets = [64, 0], sizes = [8, 2048], strides = [1, 1]} : vector<512x2048xf32> to vector<8x2048xf32>
      %gt3A_1946 = arith.cmpf ogt, %slice3A_1945, %select_n3A_1940 : vector<8x2048xf32>
      %select_n3A_1947 = arith.select %gt3A_1946, %slice3A_1945, %select_n3A_1940 : vector<8x2048xi1>, vector<8x2048xf32>
      %sub3A_1948 = arith.constant 8.000000e+00 : f32
      %sub3A_1949 = arith.subf %convert_element_type3A_1888, %sub3A_1948 : f32
      %broadcast_in_dim3A_1950 = vector.broadcast %sub3A_1949 : f32 to vector<8x2048xf32>
      %select_n3A_1951 = arith.select %gt3A_1946, %broadcast_in_dim3A_1950, %select_n3A_1944 : vector<8x2048xi1>, vector<8x2048xf32>
      %slice3A_1952 = vector.extract_strided_slice %dot_general3A_1883 {offsets = [72, 0], sizes = [8, 2048], strides = [1, 1]} : vector<512x2048xf32> to vector<8x2048xf32>
      %gt3A_1953 = arith.cmpf ogt, %slice3A_1952, %select_n3A_1947 : vector<8x2048xf32>
      %select_n3A_1954 = arith.select %gt3A_1953, %slice3A_1952, %select_n3A_1947 : vector<8x2048xi1>, vector<8x2048xf32>
      %sub3A_1955 = arith.constant 9.000000e+00 : f32
      %sub3A_1956 = arith.subf %convert_element_type3A_1888, %sub3A_1955 : f32
      %broadcast_in_dim3A_1957 = vector.broadcast %sub3A_1956 : f32 to vector<8x2048xf32>
      %select_n3A_1958 = arith.select %gt3A_1953, %broadcast_in_dim3A_1957, %select_n3A_1951 : vector<8x2048xi1>, vector<8x2048xf32>
      %slice3A_1959 = vector.extract_strided_slice %dot_general3A_1883 {offsets = [80, 0], sizes = [8, 2048], strides = [1, 1]} : vector<512x2048xf32> to vector<8x2048xf32>
      %gt3A_1960 = arith.cmpf ogt, %slice3A_1959, %select_n3A_1954 : vector<8x2048xf32>
      %select_n3A_1961 = arith.select %gt3A_1960, %slice3A_1959, %select_n3A_1954 : vector<8x2048xi1>, vector<8x2048xf32>
      %sub3A_1962 = arith.constant 1.000000e+01 : f32
      %sub3A_1963 = arith.subf %convert_element_type3A_1888, %sub3A_1962 : f32
      %broadcast_in_dim3A_1964 = vector.broadcast %sub3A_1963 : f32 to vector<8x2048xf32>
      %select_n3A_1965 = arith.select %gt3A_1960, %broadcast_in_dim3A_1964, %select_n3A_1958 : vector<8x2048xi1>, vector<8x2048xf32>
      %slice3A_1966 = vector.extract_strided_slice %dot_general3A_1883 {offsets = [88, 0], sizes = [8, 2048], strides = [1, 1]} : vector<512x2048xf32> to vector<8x2048xf32>
      %gt3A_1967 = arith.cmpf ogt, %slice3A_1966, %select_n3A_1961 : vector<8x2048xf32>
      %select_n3A_1968 = arith.select %gt3A_1967, %slice3A_1966, %select_n3A_1961 : vector<8x2048xi1>, vector<8x2048xf32>
      %sub3A_1969 = arith.constant 1.100000e+01 : f32
      %sub3A_1970 = arith.subf %convert_element_type3A_1888, %sub3A_1969 : f32
      %broadcast_in_dim3A_1971 = vector.broadcast %sub3A_1970 : f32 to vector<8x2048xf32>
      %select_n3A_1972 = arith.select %gt3A_1967, %broadcast_in_dim3A_1971, %select_n3A_1965 : vector<8x2048xi1>, vector<8x2048xf32>
      %slice3A_1973 = vector.extract_strided_slice %dot_general3A_1883 {offsets = [96, 0], sizes = [8, 2048], strides = [1, 1]} : vector<512x2048xf32> to vector<8x2048xf32>
      %gt3A_1974 = arith.cmpf ogt, %slice3A_1973, %select_n3A_1968 : vector<8x2048xf32>
      %select_n3A_1975 = arith.select %gt3A_1974, %slice3A_1973, %select_n3A_1968 : vector<8x2048xi1>, vector<8x2048xf32>
      %sub3A_1976 = arith.constant 1.200000e+01 : f32
      %sub3A_1977 = arith.subf %convert_element_type3A_1888, %sub3A_1976 : f32
      %broadcast_in_dim3A_1978 = vector.broadcast %sub3A_1977 : f32 to vector<8x2048xf32>
      %select_n3A_1979 = arith.select %gt3A_1974, %broadcast_in_dim3A_1978, %select_n3A_1972 : vector<8x2048xi1>, vector<8x2048xf32>
      %slice3A_1980 = vector.extract_strided_slice %dot_general3A_1883 {offsets = [104, 0], sizes = [8, 2048], strides = [1, 1]} : vector<512x2048xf32> to vector<8x2048xf32>
      %gt3A_1981 = arith.cmpf ogt, %slice3A_1980, %select_n3A_1975 : vector<8x2048xf32>
      %select_n3A_1982 = arith.select %gt3A_1981, %slice3A_1980, %select_n3A_1975 : vector<8x2048xi1>, vector<8x2048xf32>
      %sub3A_1983 = arith.constant 1.300000e+01 : f32
      %sub3A_1984 = arith.subf %convert_element_type3A_1888, %sub3A_1983 : f32
      %broadcast_in_dim3A_1985 = vector.broadcast %sub3A_1984 : f32 to vector<8x2048xf32>
      %select_n3A_1986 = arith.select %gt3A_1981, %broadcast_in_dim3A_1985, %select_n3A_1979 : vector<8x2048xi1>, vector<8x2048xf32>
      %slice3A_1987 = vector.extract_strided_slice %dot_general3A_1883 {offsets = [112, 0], sizes = [8, 2048], strides = [1, 1]} : vector<512x2048xf32> to vector<8x2048xf32>
      %gt3A_1988 = arith.cmpf ogt, %slice3A_1987, %select_n3A_1982 : vector<8x2048xf32>
      %select_n3A_1989 = arith.select %gt3A_1988, %slice3A_1987, %select_n3A_1982 : vector<8x2048xi1>, vector<8x2048xf32>
      %sub3A_1990 = arith.constant 1.400000e+01 : f32
      %sub3A_1991 = arith.subf %convert_element_type3A_1888, %sub3A_1990 : f32
      %broadcast_in_dim3A_1992 = vector.broadcast %sub3A_1991 : f32 to vector<8x2048xf32>
      %select_n3A_1993 = arith.select %gt3A_1988, %broadcast_in_dim3A_1992, %select_n3A_1986 : vector<8x2048xi1>, vector<8x2048xf32>
      %slice3A_1994 = vector.extract_strided_slice %dot_general3A_1883 {offsets = [120, 0], sizes = [8, 2048], strides = [1, 1]} : vector<512x2048xf32> to vector<8x2048xf32>
      %gt3A_1995 = arith.cmpf ogt, %slice3A_1994, %select_n3A_1989 : vector<8x2048xf32>
      %select_n3A_1996 = arith.select %gt3A_1995, %slice3A_1994, %select_n3A_1989 : vector<8x2048xi1>, vector<8x2048xf32>
      %sub3A_1997 = arith.constant 1.500000e+01 : f32
      %sub3A_1998 = arith.subf %convert_element_type3A_1888, %sub3A_1997 : f32
      %broadcast_in_dim3A_1999 = vector.broadcast %sub3A_1998 : f32 to vector<8x2048xf32>
      %select_n3A_2000 = arith.select %gt3A_1995, %broadcast_in_dim3A_1999, %select_n3A_1993 : vector<8x2048xi1>, vector<8x2048xf32>
      %slice3A_2001 = vector.extract_strided_slice %dot_general3A_1883 {offsets = [128, 0], sizes = [8, 2048], strides = [1, 1]} : vector<512x2048xf32> to vector<8x2048xf32>
      %gt3A_2002 = arith.cmpf ogt, %slice3A_2001, %select_n3A_1996 : vector<8x2048xf32>
      %select_n3A_2003 = arith.select %gt3A_2002, %slice3A_2001, %select_n3A_1996 : vector<8x2048xi1>, vector<8x2048xf32>
      %sub3A_2004 = arith.constant 1.600000e+01 : f32
      %sub3A_2005 = arith.subf %convert_element_type3A_1888, %sub3A_2004 : f32
      %broadcast_in_dim3A_2006 = vector.broadcast %sub3A_2005 : f32 to vector<8x2048xf32>
      %select_n3A_2007 = arith.select %gt3A_2002, %broadcast_in_dim3A_2006, %select_n3A_2000 : vector<8x2048xi1>, vector<8x2048xf32>
      %slice3A_2008 = vector.extract_strided_slice %dot_general3A_1883 {offsets = [136, 0], sizes = [8, 2048], strides = [1, 1]} : vector<512x2048xf32> to vector<8x2048xf32>
      %gt3A_2009 = arith.cmpf ogt, %slice3A_2008, %select_n3A_2003 : vector<8x2048xf32>
      %select_n3A_2010 = arith.select %gt3A_2009, %slice3A_2008, %select_n3A_2003 : vector<8x2048xi1>, vector<8x2048xf32>
      %sub3A_2011 = arith.constant 1.700000e+01 : f32
      %sub3A_2012 = arith.subf %convert_element_type3A_1888, %sub3A_2011 : f32
      %broadcast_in_dim3A_2013 = vector.broadcast %sub3A_2012 : f32 to vector<8x2048xf32>
      %select_n3A_2014 = arith.select %gt3A_2009, %broadcast_in_dim3A_2013, %select_n3A_2007 : vector<8x2048xi1>, vector<8x2048xf32>
      %slice3A_2015 = vector.extract_strided_slice %dot_general3A_1883 {offsets = [144, 0], sizes = [8, 2048], strides = [1, 1]} : vector<512x2048xf32> to vector<8x2048xf32>
      %gt3A_2016 = arith.cmpf ogt, %slice3A_2015, %select_n3A_2010 : vector<8x2048xf32>
      %select_n3A_2017 = arith.select %gt3A_2016, %slice3A_2015, %select_n3A_2010 : vector<8x2048xi1>, vector<8x2048xf32>
      %sub3A_2018 = arith.constant 1.800000e+01 : f32
      %sub3A_2019 = arith.subf %convert_element_type3A_1888, %sub3A_2018 : f32
      %broadcast_in_dim3A_2020 = vector.broadcast %sub3A_2019 : f32 to vector<8x2048xf32>
      %select_n3A_2021 = arith.select %gt3A_2016, %broadcast_in_dim3A_2020, %select_n3A_2014 : vector<8x2048xi1>, vector<8x2048xf32>
      %slice3A_2022 = vector.extract_strided_slice %dot_general3A_1883 {offsets = [152, 0], sizes = [8, 2048], strides = [1, 1]} : vector<512x2048xf32> to vector<8x2048xf32>
      %gt3A_2023 = arith.cmpf ogt, %slice3A_2022, %select_n3A_2017 : vector<8x2048xf32>
      %select_n3A_2024 = arith.select %gt3A_2023, %slice3A_2022, %select_n3A_2017 : vector<8x2048xi1>, vector<8x2048xf32>
      %sub3A_2025 = arith.constant 1.900000e+01 : f32
      %sub3A_2026 = arith.subf %convert_element_type3A_1888, %sub3A_2025 : f32
      %broadcast_in_dim3A_2027 = vector.broadcast %sub3A_2026 : f32 to vector<8x2048xf32>
      %select_n3A_2028 = arith.select %gt3A_2023, %broadcast_in_dim3A_2027, %select_n3A_2021 : vector<8x2048xi1>, vector<8x2048xf32>
      %slice3A_2029 = vector.extract_strided_slice %dot_general3A_1883 {offsets = [160, 0], sizes = [8, 2048], strides = [1, 1]} : vector<512x2048xf32> to vector<8x2048xf32>
      %gt3A_2030 = arith.cmpf ogt, %slice3A_2029, %select_n3A_2024 : vector<8x2048xf32>
      %select_n3A_2031 = arith.select %gt3A_2030, %slice3A_2029, %select_n3A_2024 : vector<8x2048xi1>, vector<8x2048xf32>
      %sub3A_2032 = arith.constant 2.000000e+01 : f32
      %sub3A_2033 = arith.subf %convert_element_type3A_1888, %sub3A_2032 : f32
      %broadcast_in_dim3A_2034 = vector.broadcast %sub3A_2033 : f32 to vector<8x2048xf32>
      %select_n3A_2035 = arith.select %gt3A_2030, %broadcast_in_dim3A_2034, %select_n3A_2028 : vector<8x2048xi1>, vector<8x2048xf32>
      %slice3A_2036 = vector.extract_strided_slice %dot_general3A_1883 {offsets = [168, 0], sizes = [8, 2048], strides = [1, 1]} : vector<512x2048xf32> to vector<8x2048xf32>
      %gt3A_2037 = arith.cmpf ogt, %slice3A_2036, %select_n3A_2031 : vector<8x2048xf32>
      %select_n3A_2038 = arith.select %gt3A_2037, %slice3A_2036, %select_n3A_2031 : vector<8x2048xi1>, vector<8x2048xf32>
      %sub3A_2039 = arith.constant 2.100000e+01 : f32
      %sub3A_2040 = arith.subf %convert_element_type3A_1888, %sub3A_2039 : f32
      %broadcast_in_dim3A_2041 = vector.broadcast %sub3A_2040 : f32 to vector<8x2048xf32>
      %select_n3A_2042 = arith.select %gt3A_2037, %broadcast_in_dim3A_2041, %select_n3A_2035 : vector<8x2048xi1>, vector<8x2048xf32>
      %slice3A_2043 = vector.extract_strided_slice %dot_general3A_1883 {offsets = [176, 0], sizes = [8, 2048], strides = [1, 1]} : vector<512x2048xf32> to vector<8x2048xf32>
      %gt3A_2044 = arith.cmpf ogt, %slice3A_2043, %select_n3A_2038 : vector<8x2048xf32>
      %select_n3A_2045 = arith.select %gt3A_2044, %slice3A_2043, %select_n3A_2038 : vector<8x2048xi1>, vector<8x2048xf32>
      %sub3A_2046 = arith.constant 2.200000e+01 : f32
      %sub3A_2047 = arith.subf %convert_element_type3A_1888, %sub3A_2046 : f32
      %broadcast_in_dim3A_2048 = vector.broadcast %sub3A_2047 : f32 to vector<8x2048xf32>
      %select_n3A_2049 = arith.select %gt3A_2044, %broadcast_in_dim3A_2048, %select_n3A_2042 : vector<8x2048xi1>, vector<8x2048xf32>
      %slice3A_2050 = vector.extract_strided_slice %dot_general3A_1883 {offsets = [184, 0], sizes = [8, 2048], strides = [1, 1]} : vector<512x2048xf32> to vector<8x2048xf32>
      %gt3A_2051 = arith.cmpf ogt, %slice3A_2050, %select_n3A_2045 : vector<8x2048xf32>
      %select_n3A_2052 = arith.select %gt3A_2051, %slice3A_2050, %select_n3A_2045 : vector<8x2048xi1>, vector<8x2048xf32>
      %sub3A_2053 = arith.constant 2.300000e+01 : f32
      %sub3A_2054 = arith.subf %convert_element_type3A_1888, %sub3A_2053 : f32
      %broadcast_in_dim3A_2055 = vector.broadcast %sub3A_2054 : f32 to vector<8x2048xf32>
      %select_n3A_2056 = arith.select %gt3A_2051, %broadcast_in_dim3A_2055, %select_n3A_2049 : vector<8x2048xi1>, vector<8x2048xf32>
      %slice3A_2057 = vector.extract_strided_slice %dot_general3A_1883 {offsets = [192, 0], sizes = [8, 2048], strides = [1, 1]} : vector<512x2048xf32> to vector<8x2048xf32>
      %gt3A_2058 = arith.cmpf ogt, %slice3A_2057, %select_n3A_2052 : vector<8x2048xf32>
      %select_n3A_2059 = arith.select %gt3A_2058, %slice3A_2057, %select_n3A_2052 : vector<8x2048xi1>, vector<8x2048xf32>
      %sub3A_2060 = arith.constant 2.400000e+01 : f32
      %sub3A_2061 = arith.subf %convert_element_type3A_1888, %sub3A_2060 : f32
      %broadcast_in_dim3A_2062 = vector.broadcast %sub3A_2061 : f32 to vector<8x2048xf32>
      %select_n3A_2063 = arith.select %gt3A_2058, %broadcast_in_dim3A_2062, %select_n3A_2056 : vector<8x2048xi1>, vector<8x2048xf32>
      %slice3A_2064 = vector.extract_strided_slice %dot_general3A_1883 {offsets = [200, 0], sizes = [8, 2048], strides = [1, 1]} : vector<512x2048xf32> to vector<8x2048xf32>
      %gt3A_2065 = arith.cmpf ogt, %slice3A_2064, %select_n3A_2059 : vector<8x2048xf32>
      %select_n3A_2066 = arith.select %gt3A_2065, %slice3A_2064, %select_n3A_2059 : vector<8x2048xi1>, vector<8x2048xf32>
      %sub3A_2067 = arith.constant 2.500000e+01 : f32
      %sub3A_2068 = arith.subf %convert_element_type3A_1888, %sub3A_2067 : f32
      %broadcast_in_dim3A_2069 = vector.broadcast %sub3A_2068 : f32 to vector<8x2048xf32>
      %select_n3A_2070 = arith.select %gt3A_2065, %broadcast_in_dim3A_2069, %select_n3A_2063 : vector<8x2048xi1>, vector<8x2048xf32>
      %slice3A_2071 = vector.extract_strided_slice %dot_general3A_1883 {offsets = [208, 0], sizes = [8, 2048], strides = [1, 1]} : vector<512x2048xf32> to vector<8x2048xf32>
      %gt3A_2072 = arith.cmpf ogt, %slice3A_2071, %select_n3A_2066 : vector<8x2048xf32>
      %select_n3A_2073 = arith.select %gt3A_2072, %slice3A_2071, %select_n3A_2066 : vector<8x2048xi1>, vector<8x2048xf32>
      %sub3A_2074 = arith.constant 2.600000e+01 : f32
      %sub3A_2075 = arith.subf %convert_element_type3A_1888, %sub3A_2074 : f32
      %broadcast_in_dim3A_2076 = vector.broadcast %sub3A_2075 : f32 to vector<8x2048xf32>
      %select_n3A_2077 = arith.select %gt3A_2072, %broadcast_in_dim3A_2076, %select_n3A_2070 : vector<8x2048xi1>, vector<8x2048xf32>
      %slice3A_2078 = vector.extract_strided_slice %dot_general3A_1883 {offsets = [216, 0], sizes = [8, 2048], strides = [1, 1]} : vector<512x2048xf32> to vector<8x2048xf32>
      %gt3A_2079 = arith.cmpf ogt, %slice3A_2078, %select_n3A_2073 : vector<8x2048xf32>
      %select_n3A_2080 = arith.select %gt3A_2079, %slice3A_2078, %select_n3A_2073 : vector<8x2048xi1>, vector<8x2048xf32>
      %sub3A_2081 = arith.constant 2.700000e+01 : f32
      %sub3A_2082 = arith.subf %convert_element_type3A_1888, %sub3A_2081 : f32
      %broadcast_in_dim3A_2083 = vector.broadcast %sub3A_2082 : f32 to vector<8x2048xf32>
      %select_n3A_2084 = arith.select %gt3A_2079, %broadcast_in_dim3A_2083, %select_n3A_2077 : vector<8x2048xi1>, vector<8x2048xf32>
      %slice3A_2085 = vector.extract_strided_slice %dot_general3A_1883 {offsets = [224, 0], sizes = [8, 2048], strides = [1, 1]} : vector<512x2048xf32> to vector<8x2048xf32>
      %gt3A_2086 = arith.cmpf ogt, %slice3A_2085, %select_n3A_2080 : vector<8x2048xf32>
      %select_n3A_2087 = arith.select %gt3A_2086, %slice3A_2085, %select_n3A_2080 : vector<8x2048xi1>, vector<8x2048xf32>
      %sub3A_2088 = arith.constant 2.800000e+01 : f32
      %sub3A_2089 = arith.subf %convert_element_type3A_1888, %sub3A_2088 : f32
      %broadcast_in_dim3A_2090 = vector.broadcast %sub3A_2089 : f32 to vector<8x2048xf32>
      %select_n3A_2091 = arith.select %gt3A_2086, %broadcast_in_dim3A_2090, %select_n3A_2084 : vector<8x2048xi1>, vector<8x2048xf32>
      %slice3A_2092 = vector.extract_strided_slice %dot_general3A_1883 {offsets = [232, 0], sizes = [8, 2048], strides = [1, 1]} : vector<512x2048xf32> to vector<8x2048xf32>
      %gt3A_2093 = arith.cmpf ogt, %slice3A_2092, %select_n3A_2087 : vector<8x2048xf32>
      %select_n3A_2094 = arith.select %gt3A_2093, %slice3A_2092, %select_n3A_2087 : vector<8x2048xi1>, vector<8x2048xf32>
      %sub3A_2095 = arith.constant 2.900000e+01 : f32
      %sub3A_2096 = arith.subf %convert_element_type3A_1888, %sub3A_2095 : f32
      %broadcast_in_dim3A_2097 = vector.broadcast %sub3A_2096 : f32 to vector<8x2048xf32>
      %select_n3A_2098 = arith.select %gt3A_2093, %broadcast_in_dim3A_2097, %select_n3A_2091 : vector<8x2048xi1>, vector<8x2048xf32>
      %slice3A_2099 = vector.extract_strided_slice %dot_general3A_1883 {offsets = [240, 0], sizes = [8, 2048], strides = [1, 1]} : vector<512x2048xf32> to vector<8x2048xf32>
      %gt3A_2100 = arith.cmpf ogt, %slice3A_2099, %select_n3A_2094 : vector<8x2048xf32>
      %select_n3A_2101 = arith.select %gt3A_2100, %slice3A_2099, %select_n3A_2094 : vector<8x2048xi1>, vector<8x2048xf32>
      %sub3A_2102 = arith.constant 3.000000e+01 : f32
      %sub3A_2103 = arith.subf %convert_element_type3A_1888, %sub3A_2102 : f32
      %broadcast_in_dim3A_2104 = vector.broadcast %sub3A_2103 : f32 to vector<8x2048xf32>
      %select_n3A_2105 = arith.select %gt3A_2100, %broadcast_in_dim3A_2104, %select_n3A_2098 : vector<8x2048xi1>, vector<8x2048xf32>
      %slice3A_2106 = vector.extract_strided_slice %dot_general3A_1883 {offsets = [248, 0], sizes = [8, 2048], strides = [1, 1]} : vector<512x2048xf32> to vector<8x2048xf32>
      %gt3A_2107 = arith.cmpf ogt, %slice3A_2106, %select_n3A_2101 : vector<8x2048xf32>
      %select_n3A_2108 = arith.select %gt3A_2107, %slice3A_2106, %select_n3A_2101 : vector<8x2048xi1>, vector<8x2048xf32>
      %sub3A_2109 = arith.constant 3.100000e+01 : f32
      %sub3A_2110 = arith.subf %convert_element_type3A_1888, %sub3A_2109 : f32
      %broadcast_in_dim3A_2111 = vector.broadcast %sub3A_2110 : f32 to vector<8x2048xf32>
      %select_n3A_2112 = arith.select %gt3A_2107, %broadcast_in_dim3A_2111, %select_n3A_2105 : vector<8x2048xi1>, vector<8x2048xf32>
      %slice3A_2113 = vector.extract_strided_slice %dot_general3A_1883 {offsets = [256, 0], sizes = [8, 2048], strides = [1, 1]} : vector<512x2048xf32> to vector<8x2048xf32>
      %gt3A_2114 = arith.cmpf ogt, %slice3A_2113, %select_n3A_2108 : vector<8x2048xf32>
      %select_n3A_2115 = arith.select %gt3A_2114, %slice3A_2113, %select_n3A_2108 : vector<8x2048xi1>, vector<8x2048xf32>
      %sub3A_2116 = arith.constant 3.200000e+01 : f32
      %sub3A_2117 = arith.subf %convert_element_type3A_1888, %sub3A_2116 : f32
      %broadcast_in_dim3A_2118 = vector.broadcast %sub3A_2117 : f32 to vector<8x2048xf32>
      %select_n3A_2119 = arith.select %gt3A_2114, %broadcast_in_dim3A_2118, %select_n3A_2112 : vector<8x2048xi1>, vector<8x2048xf32>
      %slice3A_2120 = vector.extract_strided_slice %dot_general3A_1883 {offsets = [264, 0], sizes = [8, 2048], strides = [1, 1]} : vector<512x2048xf32> to vector<8x2048xf32>
      %gt3A_2121 = arith.cmpf ogt, %slice3A_2120, %select_n3A_2115 : vector<8x2048xf32>
      %select_n3A_2122 = arith.select %gt3A_2121, %slice3A_2120, %select_n3A_2115 : vector<8x2048xi1>, vector<8x2048xf32>
      %sub3A_2123 = arith.constant 3.300000e+01 : f32
      %sub3A_2124 = arith.subf %convert_element_type3A_1888, %sub3A_2123 : f32
      %broadcast_in_dim3A_2125 = vector.broadcast %sub3A_2124 : f32 to vector<8x2048xf32>
      %select_n3A_2126 = arith.select %gt3A_2121, %broadcast_in_dim3A_2125, %select_n3A_2119 : vector<8x2048xi1>, vector<8x2048xf32>
      %slice3A_2127 = vector.extract_strided_slice %dot_general3A_1883 {offsets = [272, 0], sizes = [8, 2048], strides = [1, 1]} : vector<512x2048xf32> to vector<8x2048xf32>
      %gt3A_2128 = arith.cmpf ogt, %slice3A_2127, %select_n3A_2122 : vector<8x2048xf32>
      %select_n3A_2129 = arith.select %gt3A_2128, %slice3A_2127, %select_n3A_2122 : vector<8x2048xi1>, vector<8x2048xf32>
      %sub3A_2130 = arith.constant 3.400000e+01 : f32
      %sub3A_2131 = arith.subf %convert_element_type3A_1888, %sub3A_2130 : f32
      %broadcast_in_dim3A_2132 = vector.broadcast %sub3A_2131 : f32 to vector<8x2048xf32>
      %select_n3A_2133 = arith.select %gt3A_2128, %broadcast_in_dim3A_2132, %select_n3A_2126 : vector<8x2048xi1>, vector<8x2048xf32>
      %slice3A_2134 = vector.extract_strided_slice %dot_general3A_1883 {offsets = [280, 0], sizes = [8, 2048], strides = [1, 1]} : vector<512x2048xf32> to vector<8x2048xf32>
      %gt3A_2135 = arith.cmpf ogt, %slice3A_2134, %select_n3A_2129 : vector<8x2048xf32>
      %select_n3A_2136 = arith.select %gt3A_2135, %slice3A_2134, %select_n3A_2129 : vector<8x2048xi1>, vector<8x2048xf32>
      %sub3A_2137 = arith.constant 3.500000e+01 : f32
      %sub3A_2138 = arith.subf %convert_element_type3A_1888, %sub3A_2137 : f32
      %broadcast_in_dim3A_2139 = vector.broadcast %sub3A_2138 : f32 to vector<8x2048xf32>
      %select_n3A_2140 = arith.select %gt3A_2135, %broadcast_in_dim3A_2139, %select_n3A_2133 : vector<8x2048xi1>, vector<8x2048xf32>
      %slice3A_2141 = vector.extract_strided_slice %dot_general3A_1883 {offsets = [288, 0], sizes = [8, 2048], strides = [1, 1]} : vector<512x2048xf32> to vector<8x2048xf32>
      %gt3A_2142 = arith.cmpf ogt, %slice3A_2141, %select_n3A_2136 : vector<8x2048xf32>
      %select_n3A_2143 = arith.select %gt3A_2142, %slice3A_2141, %select_n3A_2136 : vector<8x2048xi1>, vector<8x2048xf32>
      %sub3A_2144 = arith.constant 3.600000e+01 : f32
      %sub3A_2145 = arith.subf %convert_element_type3A_1888, %sub3A_2144 : f32
      %broadcast_in_dim3A_2146 = vector.broadcast %sub3A_2145 : f32 to vector<8x2048xf32>
      %select_n3A_2147 = arith.select %gt3A_2142, %broadcast_in_dim3A_2146, %select_n3A_2140 : vector<8x2048xi1>, vector<8x2048xf32>
      %slice3A_2148 = vector.extract_strided_slice %dot_general3A_1883 {offsets = [296, 0], sizes = [8, 2048], strides = [1, 1]} : vector<512x2048xf32> to vector<8x2048xf32>
      %gt3A_2149 = arith.cmpf ogt, %slice3A_2148, %select_n3A_2143 : vector<8x2048xf32>
      %select_n3A_2150 = arith.select %gt3A_2149, %slice3A_2148, %select_n3A_2143 : vector<8x2048xi1>, vector<8x2048xf32>
      %sub3A_2151 = arith.constant 3.700000e+01 : f32
      %sub3A_2152 = arith.subf %convert_element_type3A_1888, %sub3A_2151 : f32
      %broadcast_in_dim3A_2153 = vector.broadcast %sub3A_2152 : f32 to vector<8x2048xf32>
      %select_n3A_2154 = arith.select %gt3A_2149, %broadcast_in_dim3A_2153, %select_n3A_2147 : vector<8x2048xi1>, vector<8x2048xf32>
      %slice3A_2155 = vector.extract_strided_slice %dot_general3A_1883 {offsets = [304, 0], sizes = [8, 2048], strides = [1, 1]} : vector<512x2048xf32> to vector<8x2048xf32>
      %gt3A_2156 = arith.cmpf ogt, %slice3A_2155, %select_n3A_2150 : vector<8x2048xf32>
      %select_n3A_2157 = arith.select %gt3A_2156, %slice3A_2155, %select_n3A_2150 : vector<8x2048xi1>, vector<8x2048xf32>
      %sub3A_2158 = arith.constant 3.800000e+01 : f32
      %sub3A_2159 = arith.subf %convert_element_type3A_1888, %sub3A_2158 : f32
      %broadcast_in_dim3A_2160 = vector.broadcast %sub3A_2159 : f32 to vector<8x2048xf32>
      %select_n3A_2161 = arith.select %gt3A_2156, %broadcast_in_dim3A_2160, %select_n3A_2154 : vector<8x2048xi1>, vector<8x2048xf32>
      %slice3A_2162 = vector.extract_strided_slice %dot_general3A_1883 {offsets = [312, 0], sizes = [8, 2048], strides = [1, 1]} : vector<512x2048xf32> to vector<8x2048xf32>
      %gt3A_2163 = arith.cmpf ogt, %slice3A_2162, %select_n3A_2157 : vector<8x2048xf32>
      %select_n3A_2164 = arith.select %gt3A_2163, %slice3A_2162, %select_n3A_2157 : vector<8x2048xi1>, vector<8x2048xf32>
      %sub3A_2165 = arith.constant 3.900000e+01 : f32
      %sub3A_2166 = arith.subf %convert_element_type3A_1888, %sub3A_2165 : f32
      %broadcast_in_dim3A_2167 = vector.broadcast %sub3A_2166 : f32 to vector<8x2048xf32>
      %select_n3A_2168 = arith.select %gt3A_2163, %broadcast_in_dim3A_2167, %select_n3A_2161 : vector<8x2048xi1>, vector<8x2048xf32>
      %slice3A_2169 = vector.extract_strided_slice %dot_general3A_1883 {offsets = [320, 0], sizes = [8, 2048], strides = [1, 1]} : vector<512x2048xf32> to vector<8x2048xf32>
      %gt3A_2170 = arith.cmpf ogt, %slice3A_2169, %select_n3A_2164 : vector<8x2048xf32>
      %select_n3A_2171 = arith.select %gt3A_2170, %slice3A_2169, %select_n3A_2164 : vector<8x2048xi1>, vector<8x2048xf32>
      %sub3A_2172 = arith.constant 4.000000e+01 : f32
      %sub3A_2173 = arith.subf %convert_element_type3A_1888, %sub3A_2172 : f32
      %broadcast_in_dim3A_2174 = vector.broadcast %sub3A_2173 : f32 to vector<8x2048xf32>
      %select_n3A_2175 = arith.select %gt3A_2170, %broadcast_in_dim3A_2174, %select_n3A_2168 : vector<8x2048xi1>, vector<8x2048xf32>
      %slice3A_2176 = vector.extract_strided_slice %dot_general3A_1883 {offsets = [328, 0], sizes = [8, 2048], strides = [1, 1]} : vector<512x2048xf32> to vector<8x2048xf32>
      %gt3A_2177 = arith.cmpf ogt, %slice3A_2176, %select_n3A_2171 : vector<8x2048xf32>
      %select_n3A_2178 = arith.select %gt3A_2177, %slice3A_2176, %select_n3A_2171 : vector<8x2048xi1>, vector<8x2048xf32>
      %sub3A_2179 = arith.constant 4.100000e+01 : f32
      %sub3A_2180 = arith.subf %convert_element_type3A_1888, %sub3A_2179 : f32
      %broadcast_in_dim3A_2181 = vector.broadcast %sub3A_2180 : f32 to vector<8x2048xf32>
      %select_n3A_2182 = arith.select %gt3A_2177, %broadcast_in_dim3A_2181, %select_n3A_2175 : vector<8x2048xi1>, vector<8x2048xf32>
      %slice3A_2183 = vector.extract_strided_slice %dot_general3A_1883 {offsets = [336, 0], sizes = [8, 2048], strides = [1, 1]} : vector<512x2048xf32> to vector<8x2048xf32>
      %gt3A_2184 = arith.cmpf ogt, %slice3A_2183, %select_n3A_2178 : vector<8x2048xf32>
      %select_n3A_2185 = arith.select %gt3A_2184, %slice3A_2183, %select_n3A_2178 : vector<8x2048xi1>, vector<8x2048xf32>
      %sub3A_2186 = arith.constant 4.200000e+01 : f32
      %sub3A_2187 = arith.subf %convert_element_type3A_1888, %sub3A_2186 : f32
      %broadcast_in_dim3A_2188 = vector.broadcast %sub3A_2187 : f32 to vector<8x2048xf32>
      %select_n3A_2189 = arith.select %gt3A_2184, %broadcast_in_dim3A_2188, %select_n3A_2182 : vector<8x2048xi1>, vector<8x2048xf32>
      %slice3A_2190 = vector.extract_strided_slice %dot_general3A_1883 {offsets = [344, 0], sizes = [8, 2048], strides = [1, 1]} : vector<512x2048xf32> to vector<8x2048xf32>
      %gt3A_2191 = arith.cmpf ogt, %slice3A_2190, %select_n3A_2185 : vector<8x2048xf32>
      %select_n3A_2192 = arith.select %gt3A_2191, %slice3A_2190, %select_n3A_2185 : vector<8x2048xi1>, vector<8x2048xf32>
      %sub3A_2193 = arith.constant 4.300000e+01 : f32
      %sub3A_2194 = arith.subf %convert_element_type3A_1888, %sub3A_2193 : f32
      %broadcast_in_dim3A_2195 = vector.broadcast %sub3A_2194 : f32 to vector<8x2048xf32>
      %select_n3A_2196 = arith.select %gt3A_2191, %broadcast_in_dim3A_2195, %select_n3A_2189 : vector<8x2048xi1>, vector<8x2048xf32>
      %slice3A_2197 = vector.extract_strided_slice %dot_general3A_1883 {offsets = [352, 0], sizes = [8, 2048], strides = [1, 1]} : vector<512x2048xf32> to vector<8x2048xf32>
      %gt3A_2198 = arith.cmpf ogt, %slice3A_2197, %select_n3A_2192 : vector<8x2048xf32>
      %select_n3A_2199 = arith.select %gt3A_2198, %slice3A_2197, %select_n3A_2192 : vector<8x2048xi1>, vector<8x2048xf32>
      %sub3A_2200 = arith.constant 4.400000e+01 : f32
      %sub3A_2201 = arith.subf %convert_element_type3A_1888, %sub3A_2200 : f32
      %broadcast_in_dim3A_2202 = vector.broadcast %sub3A_2201 : f32 to vector<8x2048xf32>
      %select_n3A_2203 = arith.select %gt3A_2198, %broadcast_in_dim3A_2202, %select_n3A_2196 : vector<8x2048xi1>, vector<8x2048xf32>
      %slice3A_2204 = vector.extract_strided_slice %dot_general3A_1883 {offsets = [360, 0], sizes = [8, 2048], strides = [1, 1]} : vector<512x2048xf32> to vector<8x2048xf32>
      %gt3A_2205 = arith.cmpf ogt, %slice3A_2204, %select_n3A_2199 : vector<8x2048xf32>
      %select_n3A_2206 = arith.select %gt3A_2205, %slice3A_2204, %select_n3A_2199 : vector<8x2048xi1>, vector<8x2048xf32>
      %sub3A_2207 = arith.constant 4.500000e+01 : f32
      %sub3A_2208 = arith.subf %convert_element_type3A_1888, %sub3A_2207 : f32
      %broadcast_in_dim3A_2209 = vector.broadcast %sub3A_2208 : f32 to vector<8x2048xf32>
      %select_n3A_2210 = arith.select %gt3A_2205, %broadcast_in_dim3A_2209, %select_n3A_2203 : vector<8x2048xi1>, vector<8x2048xf32>
      %slice3A_2211 = vector.extract_strided_slice %dot_general3A_1883 {offsets = [368, 0], sizes = [8, 2048], strides = [1, 1]} : vector<512x2048xf32> to vector<8x2048xf32>
      %gt3A_2212 = arith.cmpf ogt, %slice3A_2211, %select_n3A_2206 : vector<8x2048xf32>
      %select_n3A_2213 = arith.select %gt3A_2212, %slice3A_2211, %select_n3A_2206 : vector<8x2048xi1>, vector<8x2048xf32>
      %sub3A_2214 = arith.constant 4.600000e+01 : f32
      %sub3A_2215 = arith.subf %convert_element_type3A_1888, %sub3A_2214 : f32
      %broadcast_in_dim3A_2216 = vector.broadcast %sub3A_2215 : f32 to vector<8x2048xf32>
      %select_n3A_2217 = arith.select %gt3A_2212, %broadcast_in_dim3A_2216, %select_n3A_2210 : vector<8x2048xi1>, vector<8x2048xf32>
      %slice3A_2218 = vector.extract_strided_slice %dot_general3A_1883 {offsets = [376, 0], sizes = [8, 2048], strides = [1, 1]} : vector<512x2048xf32> to vector<8x2048xf32>
      %gt3A_2219 = arith.cmpf ogt, %slice3A_2218, %select_n3A_2213 : vector<8x2048xf32>
      %select_n3A_2220 = arith.select %gt3A_2219, %slice3A_2218, %select_n3A_2213 : vector<8x2048xi1>, vector<8x2048xf32>
      %sub3A_2221 = arith.constant 4.700000e+01 : f32
      %sub3A_2222 = arith.subf %convert_element_type3A_1888, %sub3A_2221 : f32
      %broadcast_in_dim3A_2223 = vector.broadcast %sub3A_2222 : f32 to vector<8x2048xf32>
      %select_n3A_2224 = arith.select %gt3A_2219, %broadcast_in_dim3A_2223, %select_n3A_2217 : vector<8x2048xi1>, vector<8x2048xf32>
      %slice3A_2225 = vector.extract_strided_slice %dot_general3A_1883 {offsets = [384, 0], sizes = [8, 2048], strides = [1, 1]} : vector<512x2048xf32> to vector<8x2048xf32>
      %gt3A_2226 = arith.cmpf ogt, %slice3A_2225, %select_n3A_2220 : vector<8x2048xf32>
      %select_n3A_2227 = arith.select %gt3A_2226, %slice3A_2225, %select_n3A_2220 : vector<8x2048xi1>, vector<8x2048xf32>
      %sub3A_2228 = arith.constant 4.800000e+01 : f32
      %sub3A_2229 = arith.subf %convert_element_type3A_1888, %sub3A_2228 : f32
      %broadcast_in_dim3A_2230 = vector.broadcast %sub3A_2229 : f32 to vector<8x2048xf32>
      %select_n3A_2231 = arith.select %gt3A_2226, %broadcast_in_dim3A_2230, %select_n3A_2224 : vector<8x2048xi1>, vector<8x2048xf32>
      %slice3A_2232 = vector.extract_strided_slice %dot_general3A_1883 {offsets = [392, 0], sizes = [8, 2048], strides = [1, 1]} : vector<512x2048xf32> to vector<8x2048xf32>
      %gt3A_2233 = arith.cmpf ogt, %slice3A_2232, %select_n3A_2227 : vector<8x2048xf32>
      %select_n3A_2234 = arith.select %gt3A_2233, %slice3A_2232, %select_n3A_2227 : vector<8x2048xi1>, vector<8x2048xf32>
      %sub3A_2235 = arith.constant 4.900000e+01 : f32
      %sub3A_2236 = arith.subf %convert_element_type3A_1888, %sub3A_2235 : f32
      %broadcast_in_dim3A_2237 = vector.broadcast %sub3A_2236 : f32 to vector<8x2048xf32>
      %select_n3A_2238 = arith.select %gt3A_2233, %broadcast_in_dim3A_2237, %select_n3A_2231 : vector<8x2048xi1>, vector<8x2048xf32>
      %slice3A_2239 = vector.extract_strided_slice %dot_general3A_1883 {offsets = [400, 0], sizes = [8, 2048], strides = [1, 1]} : vector<512x2048xf32> to vector<8x2048xf32>
      %gt3A_2240 = arith.cmpf ogt, %slice3A_2239, %select_n3A_2234 : vector<8x2048xf32>
      %select_n3A_2241 = arith.select %gt3A_2240, %slice3A_2239, %select_n3A_2234 : vector<8x2048xi1>, vector<8x2048xf32>
      %sub3A_2242 = arith.constant 5.000000e+01 : f32
      %sub3A_2243 = arith.subf %convert_element_type3A_1888, %sub3A_2242 : f32
      %broadcast_in_dim3A_2244 = vector.broadcast %sub3A_2243 : f32 to vector<8x2048xf32>
      %select_n3A_2245 = arith.select %gt3A_2240, %broadcast_in_dim3A_2244, %select_n3A_2238 : vector<8x2048xi1>, vector<8x2048xf32>
      %slice3A_2246 = vector.extract_strided_slice %dot_general3A_1883 {offsets = [408, 0], sizes = [8, 2048], strides = [1, 1]} : vector<512x2048xf32> to vector<8x2048xf32>
      %gt3A_2247 = arith.cmpf ogt, %slice3A_2246, %select_n3A_2241 : vector<8x2048xf32>
      %select_n3A_2248 = arith.select %gt3A_2247, %slice3A_2246, %select_n3A_2241 : vector<8x2048xi1>, vector<8x2048xf32>
      %sub3A_2249 = arith.constant 5.100000e+01 : f32
      %sub3A_2250 = arith.subf %convert_element_type3A_1888, %sub3A_2249 : f32
      %broadcast_in_dim3A_2251 = vector.broadcast %sub3A_2250 : f32 to vector<8x2048xf32>
      %select_n3A_2252 = arith.select %gt3A_2247, %broadcast_in_dim3A_2251, %select_n3A_2245 : vector<8x2048xi1>, vector<8x2048xf32>
      %slice3A_2253 = vector.extract_strided_slice %dot_general3A_1883 {offsets = [416, 0], sizes = [8, 2048], strides = [1, 1]} : vector<512x2048xf32> to vector<8x2048xf32>
      %gt3A_2254 = arith.cmpf ogt, %slice3A_2253, %select_n3A_2248 : vector<8x2048xf32>
      %select_n3A_2255 = arith.select %gt3A_2254, %slice3A_2253, %select_n3A_2248 : vector<8x2048xi1>, vector<8x2048xf32>
      %sub3A_2256 = arith.constant 5.200000e+01 : f32
      %sub3A_2257 = arith.subf %convert_element_type3A_1888, %sub3A_2256 : f32
      %broadcast_in_dim3A_2258 = vector.broadcast %sub3A_2257 : f32 to vector<8x2048xf32>
      %select_n3A_2259 = arith.select %gt3A_2254, %broadcast_in_dim3A_2258, %select_n3A_2252 : vector<8x2048xi1>, vector<8x2048xf32>
      %slice3A_2260 = vector.extract_strided_slice %dot_general3A_1883 {offsets = [424, 0], sizes = [8, 2048], strides = [1, 1]} : vector<512x2048xf32> to vector<8x2048xf32>
      %gt3A_2261 = arith.cmpf ogt, %slice3A_2260, %select_n3A_2255 : vector<8x2048xf32>
      %select_n3A_2262 = arith.select %gt3A_2261, %slice3A_2260, %select_n3A_2255 : vector<8x2048xi1>, vector<8x2048xf32>
      %sub3A_2263 = arith.constant 5.300000e+01 : f32
      %sub3A_2264 = arith.subf %convert_element_type3A_1888, %sub3A_2263 : f32
      %broadcast_in_dim3A_2265 = vector.broadcast %sub3A_2264 : f32 to vector<8x2048xf32>
      %select_n3A_2266 = arith.select %gt3A_2261, %broadcast_in_dim3A_2265, %select_n3A_2259 : vector<8x2048xi1>, vector<8x2048xf32>
      %slice3A_2267 = vector.extract_strided_slice %dot_general3A_1883 {offsets = [432, 0], sizes = [8, 2048], strides = [1, 1]} : vector<512x2048xf32> to vector<8x2048xf32>
      %gt3A_2268 = arith.cmpf ogt, %slice3A_2267, %select_n3A_2262 : vector<8x2048xf32>
      %select_n3A_2269 = arith.select %gt3A_2268, %slice3A_2267, %select_n3A_2262 : vector<8x2048xi1>, vector<8x2048xf32>
      %sub3A_2270 = arith.constant 5.400000e+01 : f32
      %sub3A_2271 = arith.subf %convert_element_type3A_1888, %sub3A_2270 : f32
      %broadcast_in_dim3A_2272 = vector.broadcast %sub3A_2271 : f32 to vector<8x2048xf32>
      %select_n3A_2273 = arith.select %gt3A_2268, %broadcast_in_dim3A_2272, %select_n3A_2266 : vector<8x2048xi1>, vector<8x2048xf32>
      %slice3A_2274 = vector.extract_strided_slice %dot_general3A_1883 {offsets = [440, 0], sizes = [8, 2048], strides = [1, 1]} : vector<512x2048xf32> to vector<8x2048xf32>
      %gt3A_2275 = arith.cmpf ogt, %slice3A_2274, %select_n3A_2269 : vector<8x2048xf32>
      %select_n3A_2276 = arith.select %gt3A_2275, %slice3A_2274, %select_n3A_2269 : vector<8x2048xi1>, vector<8x2048xf32>
      %sub3A_2277 = arith.constant 5.500000e+01 : f32
      %sub3A_2278 = arith.subf %convert_element_type3A_1888, %sub3A_2277 : f32
      %broadcast_in_dim3A_2279 = vector.broadcast %sub3A_2278 : f32 to vector<8x2048xf32>
      %select_n3A_2280 = arith.select %gt3A_2275, %broadcast_in_dim3A_2279, %select_n3A_2273 : vector<8x2048xi1>, vector<8x2048xf32>
      %slice3A_2281 = vector.extract_strided_slice %dot_general3A_1883 {offsets = [448, 0], sizes = [8, 2048], strides = [1, 1]} : vector<512x2048xf32> to vector<8x2048xf32>
      %gt3A_2282 = arith.cmpf ogt, %slice3A_2281, %select_n3A_2276 : vector<8x2048xf32>
      %select_n3A_2283 = arith.select %gt3A_2282, %slice3A_2281, %select_n3A_2276 : vector<8x2048xi1>, vector<8x2048xf32>
      %sub3A_2284 = arith.constant 5.600000e+01 : f32
      %sub3A_2285 = arith.subf %convert_element_type3A_1888, %sub3A_2284 : f32
      %broadcast_in_dim3A_2286 = vector.broadcast %sub3A_2285 : f32 to vector<8x2048xf32>
      %select_n3A_2287 = arith.select %gt3A_2282, %broadcast_in_dim3A_2286, %select_n3A_2280 : vector<8x2048xi1>, vector<8x2048xf32>
      %slice3A_2288 = vector.extract_strided_slice %dot_general3A_1883 {offsets = [456, 0], sizes = [8, 2048], strides = [1, 1]} : vector<512x2048xf32> to vector<8x2048xf32>
      %gt3A_2289 = arith.cmpf ogt, %slice3A_2288, %select_n3A_2283 : vector<8x2048xf32>
      %select_n3A_2290 = arith.select %gt3A_2289, %slice3A_2288, %select_n3A_2283 : vector<8x2048xi1>, vector<8x2048xf32>
      %sub3A_2291 = arith.constant 5.700000e+01 : f32
      %sub3A_2292 = arith.subf %convert_element_type3A_1888, %sub3A_2291 : f32
      %broadcast_in_dim3A_2293 = vector.broadcast %sub3A_2292 : f32 to vector<8x2048xf32>
      %select_n3A_2294 = arith.select %gt3A_2289, %broadcast_in_dim3A_2293, %select_n3A_2287 : vector<8x2048xi1>, vector<8x2048xf32>
      %slice3A_2295 = vector.extract_strided_slice %dot_general3A_1883 {offsets = [464, 0], sizes = [8, 2048], strides = [1, 1]} : vector<512x2048xf32> to vector<8x2048xf32>
      %gt3A_2296 = arith.cmpf ogt, %slice3A_2295, %select_n3A_2290 : vector<8x2048xf32>
      %select_n3A_2297 = arith.select %gt3A_2296, %slice3A_2295, %select_n3A_2290 : vector<8x2048xi1>, vector<8x2048xf32>
      %sub3A_2298 = arith.constant 5.800000e+01 : f32
      %sub3A_2299 = arith.subf %convert_element_type3A_1888, %sub3A_2298 : f32
      %broadcast_in_dim3A_2300 = vector.broadcast %sub3A_2299 : f32 to vector<8x2048xf32>
      %select_n3A_2301 = arith.select %gt3A_2296, %broadcast_in_dim3A_2300, %select_n3A_2294 : vector<8x2048xi1>, vector<8x2048xf32>
      %slice3A_2302 = vector.extract_strided_slice %dot_general3A_1883 {offsets = [472, 0], sizes = [8, 2048], strides = [1, 1]} : vector<512x2048xf32> to vector<8x2048xf32>
      %gt3A_2303 = arith.cmpf ogt, %slice3A_2302, %select_n3A_2297 : vector<8x2048xf32>
      %select_n3A_2304 = arith.select %gt3A_2303, %slice3A_2302, %select_n3A_2297 : vector<8x2048xi1>, vector<8x2048xf32>
      %sub3A_2305 = arith.constant 5.900000e+01 : f32
      %sub3A_2306 = arith.subf %convert_element_type3A_1888, %sub3A_2305 : f32
      %broadcast_in_dim3A_2307 = vector.broadcast %sub3A_2306 : f32 to vector<8x2048xf32>
      %select_n3A_2308 = arith.select %gt3A_2303, %broadcast_in_dim3A_2307, %select_n3A_2301 : vector<8x2048xi1>, vector<8x2048xf32>
      %slice3A_2309 = vector.extract_strided_slice %dot_general3A_1883 {offsets = [480, 0], sizes = [8, 2048], strides = [1, 1]} : vector<512x2048xf32> to vector<8x2048xf32>
      %gt3A_2310 = arith.cmpf ogt, %slice3A_2309, %select_n3A_2304 : vector<8x2048xf32>
      %select_n3A_2311 = arith.select %gt3A_2310, %slice3A_2309, %select_n3A_2304 : vector<8x2048xi1>, vector<8x2048xf32>
      %sub3A_2312 = arith.constant 6.000000e+01 : f32
      %sub3A_2313 = arith.subf %convert_element_type3A_1888, %sub3A_2312 : f32
      %broadcast_in_dim3A_2314 = vector.broadcast %sub3A_2313 : f32 to vector<8x2048xf32>
      %select_n3A_2315 = arith.select %gt3A_2310, %broadcast_in_dim3A_2314, %select_n3A_2308 : vector<8x2048xi1>, vector<8x2048xf32>
      %slice3A_2316 = vector.extract_strided_slice %dot_general3A_1883 {offsets = [488, 0], sizes = [8, 2048], strides = [1, 1]} : vector<512x2048xf32> to vector<8x2048xf32>
      %gt3A_2317 = arith.cmpf ogt, %slice3A_2316, %select_n3A_2311 : vector<8x2048xf32>
      %select_n3A_2318 = arith.select %gt3A_2317, %slice3A_2316, %select_n3A_2311 : vector<8x2048xi1>, vector<8x2048xf32>
      %sub3A_2319 = arith.constant 6.100000e+01 : f32
      %sub3A_2320 = arith.subf %convert_element_type3A_1888, %sub3A_2319 : f32
      %broadcast_in_dim3A_2321 = vector.broadcast %sub3A_2320 : f32 to vector<8x2048xf32>
      %select_n3A_2322 = arith.select %gt3A_2317, %broadcast_in_dim3A_2321, %select_n3A_2315 : vector<8x2048xi1>, vector<8x2048xf32>
      %slice3A_2323 = vector.extract_strided_slice %dot_general3A_1883 {offsets = [496, 0], sizes = [8, 2048], strides = [1, 1]} : vector<512x2048xf32> to vector<8x2048xf32>
      %gt3A_2324 = arith.cmpf ogt, %slice3A_2323, %select_n3A_2318 : vector<8x2048xf32>
      %select_n3A_2325 = arith.select %gt3A_2324, %slice3A_2323, %select_n3A_2318 : vector<8x2048xi1>, vector<8x2048xf32>
      %sub3A_2326 = arith.constant 6.200000e+01 : f32
      %sub3A_2327 = arith.subf %convert_element_type3A_1888, %sub3A_2326 : f32
      %broadcast_in_dim3A_2328 = vector.broadcast %sub3A_2327 : f32 to vector<8x2048xf32>
      %select_n3A_2329 = arith.select %gt3A_2324, %broadcast_in_dim3A_2328, %select_n3A_2322 : vector<8x2048xi1>, vector<8x2048xf32>
      %slice3A_2330 = vector.extract_strided_slice %dot_general3A_1883 {offsets = [504, 0], sizes = [8, 2048], strides = [1, 1]} : vector<512x2048xf32> to vector<8x2048xf32>
      %gt3A_2331 = arith.cmpf ogt, %slice3A_2330, %select_n3A_2325 : vector<8x2048xf32>
      %select_n3A_2332 = arith.select %gt3A_2331, %slice3A_2330, %select_n3A_2325 : vector<8x2048xi1>, vector<8x2048xf32>
      %sub3A_2333 = arith.constant 6.300000e+01 : f32
      %sub3A_2334 = arith.subf %convert_element_type3A_1888, %sub3A_2333 : f32
      %broadcast_in_dim3A_2335 = vector.broadcast %sub3A_2334 : f32 to vector<8x2048xf32>
      %select_n3A_2336 = arith.select %gt3A_2331, %broadcast_in_dim3A_2335, %select_n3A_2329 : vector<8x2048xi1>, vector<8x2048xf32>
      %scan3A_2337 = arith.constant 5 : i32
      %scan3A_2338 = arith.addi %scan3A_30, %scan3A_2337 : i32
      %mul3A_2339 = arith.constant 512 : i32
      %mul3A_2340 = arith.muli %scan3A_2338, %mul3A_2339 : i32
      %get3A_2341 = arith.index_cast %mul3A_2340 : i32 to index
      %get3A_2342 = arith.constant 0 : index
      %get3A_2343 = vector.load %arg1[%get3A_2341, %get3A_2342] : memref<8192x32xf32, #tpu.memory_space<vmem>>, vector<512x32xf32>
      %dot_general3A_2344 = arith.constant dense<0.000000e+00> : vector<512x2048xf32>
      %dot_general3A_2345 = tpu.matmul %get3A_2343, %get3A_1, %dot_general3A_2344 {dimension_numbers = #tpu.dot_dimension_numbers<[1], [0], [0], [1], [0, 0, 1, 1], [], []>, transpose_lhs_hint = false} : vector<512x32xf32>, vector<32x2048xf32>, vector<512x2048xf32> -> vector<512x2048xf32>
      %mul3A_2346 = arith.constant 64 : i32
      %mul3A_2347 = arith.muli %scan3A_2338, %mul3A_2346 : i32
      %neg3A_2348 = arith.constant 0 : i32
      %neg3A_2349 = arith.subi %neg3A_2348, %mul3A_2347 : i32
      %convert_element_type3A_2350 = arith.sitofp %neg3A_2349 : i32 to f32
      %slice3A_2351 = vector.extract_strided_slice %dot_general3A_2345 {offsets = [0, 0], sizes = [8, 2048], strides = [1, 1]} : vector<512x2048xf32> to vector<8x2048xf32>
      %gt3A_2352 = arith.cmpf ogt, %slice3A_2351, %select_n3A_2332 : vector<8x2048xf32>
      %select_n3A_2353 = arith.select %gt3A_2352, %slice3A_2351, %select_n3A_2332 : vector<8x2048xi1>, vector<8x2048xf32>
      %sub3A_2354 = arith.constant 0.000000e+00 : f32
      %sub3A_2355 = arith.subf %convert_element_type3A_2350, %sub3A_2354 : f32
      %broadcast_in_dim3A_2356 = vector.broadcast %sub3A_2355 : f32 to vector<8x2048xf32>
      %select_n3A_2357 = arith.select %gt3A_2352, %broadcast_in_dim3A_2356, %select_n3A_2336 : vector<8x2048xi1>, vector<8x2048xf32>
      %slice3A_2358 = vector.extract_strided_slice %dot_general3A_2345 {offsets = [8, 0], sizes = [8, 2048], strides = [1, 1]} : vector<512x2048xf32> to vector<8x2048xf32>
      %gt3A_2359 = arith.cmpf ogt, %slice3A_2358, %select_n3A_2353 : vector<8x2048xf32>
      %select_n3A_2360 = arith.select %gt3A_2359, %slice3A_2358, %select_n3A_2353 : vector<8x2048xi1>, vector<8x2048xf32>
      %sub3A_2361 = arith.constant 1.000000e+00 : f32
      %sub3A_2362 = arith.subf %convert_element_type3A_2350, %sub3A_2361 : f32
      %broadcast_in_dim3A_2363 = vector.broadcast %sub3A_2362 : f32 to vector<8x2048xf32>
      %select_n3A_2364 = arith.select %gt3A_2359, %broadcast_in_dim3A_2363, %select_n3A_2357 : vector<8x2048xi1>, vector<8x2048xf32>
      %slice3A_2365 = vector.extract_strided_slice %dot_general3A_2345 {offsets = [16, 0], sizes = [8, 2048], strides = [1, 1]} : vector<512x2048xf32> to vector<8x2048xf32>
      %gt3A_2366 = arith.cmpf ogt, %slice3A_2365, %select_n3A_2360 : vector<8x2048xf32>
      %select_n3A_2367 = arith.select %gt3A_2366, %slice3A_2365, %select_n3A_2360 : vector<8x2048xi1>, vector<8x2048xf32>
      %sub3A_2368 = arith.constant 2.000000e+00 : f32
      %sub3A_2369 = arith.subf %convert_element_type3A_2350, %sub3A_2368 : f32
      %broadcast_in_dim3A_2370 = vector.broadcast %sub3A_2369 : f32 to vector<8x2048xf32>
      %select_n3A_2371 = arith.select %gt3A_2366, %broadcast_in_dim3A_2370, %select_n3A_2364 : vector<8x2048xi1>, vector<8x2048xf32>
      %slice3A_2372 = vector.extract_strided_slice %dot_general3A_2345 {offsets = [24, 0], sizes = [8, 2048], strides = [1, 1]} : vector<512x2048xf32> to vector<8x2048xf32>
      %gt3A_2373 = arith.cmpf ogt, %slice3A_2372, %select_n3A_2367 : vector<8x2048xf32>
      %select_n3A_2374 = arith.select %gt3A_2373, %slice3A_2372, %select_n3A_2367 : vector<8x2048xi1>, vector<8x2048xf32>
      %sub3A_2375 = arith.constant 3.000000e+00 : f32
      %sub3A_2376 = arith.subf %convert_element_type3A_2350, %sub3A_2375 : f32
      %broadcast_in_dim3A_2377 = vector.broadcast %sub3A_2376 : f32 to vector<8x2048xf32>
      %select_n3A_2378 = arith.select %gt3A_2373, %broadcast_in_dim3A_2377, %select_n3A_2371 : vector<8x2048xi1>, vector<8x2048xf32>
      %slice3A_2379 = vector.extract_strided_slice %dot_general3A_2345 {offsets = [32, 0], sizes = [8, 2048], strides = [1, 1]} : vector<512x2048xf32> to vector<8x2048xf32>
      %gt3A_2380 = arith.cmpf ogt, %slice3A_2379, %select_n3A_2374 : vector<8x2048xf32>
      %select_n3A_2381 = arith.select %gt3A_2380, %slice3A_2379, %select_n3A_2374 : vector<8x2048xi1>, vector<8x2048xf32>
      %sub3A_2382 = arith.constant 4.000000e+00 : f32
      %sub3A_2383 = arith.subf %convert_element_type3A_2350, %sub3A_2382 : f32
      %broadcast_in_dim3A_2384 = vector.broadcast %sub3A_2383 : f32 to vector<8x2048xf32>
      %select_n3A_2385 = arith.select %gt3A_2380, %broadcast_in_dim3A_2384, %select_n3A_2378 : vector<8x2048xi1>, vector<8x2048xf32>
      %slice3A_2386 = vector.extract_strided_slice %dot_general3A_2345 {offsets = [40, 0], sizes = [8, 2048], strides = [1, 1]} : vector<512x2048xf32> to vector<8x2048xf32>
      %gt3A_2387 = arith.cmpf ogt, %slice3A_2386, %select_n3A_2381 : vector<8x2048xf32>
      %select_n3A_2388 = arith.select %gt3A_2387, %slice3A_2386, %select_n3A_2381 : vector<8x2048xi1>, vector<8x2048xf32>
      %sub3A_2389 = arith.constant 5.000000e+00 : f32
      %sub3A_2390 = arith.subf %convert_element_type3A_2350, %sub3A_2389 : f32
      %broadcast_in_dim3A_2391 = vector.broadcast %sub3A_2390 : f32 to vector<8x2048xf32>
      %select_n3A_2392 = arith.select %gt3A_2387, %broadcast_in_dim3A_2391, %select_n3A_2385 : vector<8x2048xi1>, vector<8x2048xf32>
      %slice3A_2393 = vector.extract_strided_slice %dot_general3A_2345 {offsets = [48, 0], sizes = [8, 2048], strides = [1, 1]} : vector<512x2048xf32> to vector<8x2048xf32>
      %gt3A_2394 = arith.cmpf ogt, %slice3A_2393, %select_n3A_2388 : vector<8x2048xf32>
      %select_n3A_2395 = arith.select %gt3A_2394, %slice3A_2393, %select_n3A_2388 : vector<8x2048xi1>, vector<8x2048xf32>
      %sub3A_2396 = arith.constant 6.000000e+00 : f32
      %sub3A_2397 = arith.subf %convert_element_type3A_2350, %sub3A_2396 : f32
      %broadcast_in_dim3A_2398 = vector.broadcast %sub3A_2397 : f32 to vector<8x2048xf32>
      %select_n3A_2399 = arith.select %gt3A_2394, %broadcast_in_dim3A_2398, %select_n3A_2392 : vector<8x2048xi1>, vector<8x2048xf32>
      %slice3A_2400 = vector.extract_strided_slice %dot_general3A_2345 {offsets = [56, 0], sizes = [8, 2048], strides = [1, 1]} : vector<512x2048xf32> to vector<8x2048xf32>
      %gt3A_2401 = arith.cmpf ogt, %slice3A_2400, %select_n3A_2395 : vector<8x2048xf32>
      %select_n3A_2402 = arith.select %gt3A_2401, %slice3A_2400, %select_n3A_2395 : vector<8x2048xi1>, vector<8x2048xf32>
      %sub3A_2403 = arith.constant 7.000000e+00 : f32
      %sub3A_2404 = arith.subf %convert_element_type3A_2350, %sub3A_2403 : f32
      %broadcast_in_dim3A_2405 = vector.broadcast %sub3A_2404 : f32 to vector<8x2048xf32>
      %select_n3A_2406 = arith.select %gt3A_2401, %broadcast_in_dim3A_2405, %select_n3A_2399 : vector<8x2048xi1>, vector<8x2048xf32>
      %slice3A_2407 = vector.extract_strided_slice %dot_general3A_2345 {offsets = [64, 0], sizes = [8, 2048], strides = [1, 1]} : vector<512x2048xf32> to vector<8x2048xf32>
      %gt3A_2408 = arith.cmpf ogt, %slice3A_2407, %select_n3A_2402 : vector<8x2048xf32>
      %select_n3A_2409 = arith.select %gt3A_2408, %slice3A_2407, %select_n3A_2402 : vector<8x2048xi1>, vector<8x2048xf32>
      %sub3A_2410 = arith.constant 8.000000e+00 : f32
      %sub3A_2411 = arith.subf %convert_element_type3A_2350, %sub3A_2410 : f32
      %broadcast_in_dim3A_2412 = vector.broadcast %sub3A_2411 : f32 to vector<8x2048xf32>
      %select_n3A_2413 = arith.select %gt3A_2408, %broadcast_in_dim3A_2412, %select_n3A_2406 : vector<8x2048xi1>, vector<8x2048xf32>
      %slice3A_2414 = vector.extract_strided_slice %dot_general3A_2345 {offsets = [72, 0], sizes = [8, 2048], strides = [1, 1]} : vector<512x2048xf32> to vector<8x2048xf32>
      %gt3A_2415 = arith.cmpf ogt, %slice3A_2414, %select_n3A_2409 : vector<8x2048xf32>
      %select_n3A_2416 = arith.select %gt3A_2415, %slice3A_2414, %select_n3A_2409 : vector<8x2048xi1>, vector<8x2048xf32>
      %sub3A_2417 = arith.constant 9.000000e+00 : f32
      %sub3A_2418 = arith.subf %convert_element_type3A_2350, %sub3A_2417 : f32
      %broadcast_in_dim3A_2419 = vector.broadcast %sub3A_2418 : f32 to vector<8x2048xf32>
      %select_n3A_2420 = arith.select %gt3A_2415, %broadcast_in_dim3A_2419, %select_n3A_2413 : vector<8x2048xi1>, vector<8x2048xf32>
      %slice3A_2421 = vector.extract_strided_slice %dot_general3A_2345 {offsets = [80, 0], sizes = [8, 2048], strides = [1, 1]} : vector<512x2048xf32> to vector<8x2048xf32>
      %gt3A_2422 = arith.cmpf ogt, %slice3A_2421, %select_n3A_2416 : vector<8x2048xf32>
      %select_n3A_2423 = arith.select %gt3A_2422, %slice3A_2421, %select_n3A_2416 : vector<8x2048xi1>, vector<8x2048xf32>
      %sub3A_2424 = arith.constant 1.000000e+01 : f32
      %sub3A_2425 = arith.subf %convert_element_type3A_2350, %sub3A_2424 : f32
      %broadcast_in_dim3A_2426 = vector.broadcast %sub3A_2425 : f32 to vector<8x2048xf32>
      %select_n3A_2427 = arith.select %gt3A_2422, %broadcast_in_dim3A_2426, %select_n3A_2420 : vector<8x2048xi1>, vector<8x2048xf32>
      %slice3A_2428 = vector.extract_strided_slice %dot_general3A_2345 {offsets = [88, 0], sizes = [8, 2048], strides = [1, 1]} : vector<512x2048xf32> to vector<8x2048xf32>
      %gt3A_2429 = arith.cmpf ogt, %slice3A_2428, %select_n3A_2423 : vector<8x2048xf32>
      %select_n3A_2430 = arith.select %gt3A_2429, %slice3A_2428, %select_n3A_2423 : vector<8x2048xi1>, vector<8x2048xf32>
      %sub3A_2431 = arith.constant 1.100000e+01 : f32
      %sub3A_2432 = arith.subf %convert_element_type3A_2350, %sub3A_2431 : f32
      %broadcast_in_dim3A_2433 = vector.broadcast %sub3A_2432 : f32 to vector<8x2048xf32>
      %select_n3A_2434 = arith.select %gt3A_2429, %broadcast_in_dim3A_2433, %select_n3A_2427 : vector<8x2048xi1>, vector<8x2048xf32>
      %slice3A_2435 = vector.extract_strided_slice %dot_general3A_2345 {offsets = [96, 0], sizes = [8, 2048], strides = [1, 1]} : vector<512x2048xf32> to vector<8x2048xf32>
      %gt3A_2436 = arith.cmpf ogt, %slice3A_2435, %select_n3A_2430 : vector<8x2048xf32>
      %select_n3A_2437 = arith.select %gt3A_2436, %slice3A_2435, %select_n3A_2430 : vector<8x2048xi1>, vector<8x2048xf32>
      %sub3A_2438 = arith.constant 1.200000e+01 : f32
      %sub3A_2439 = arith.subf %convert_element_type3A_2350, %sub3A_2438 : f32
      %broadcast_in_dim3A_2440 = vector.broadcast %sub3A_2439 : f32 to vector<8x2048xf32>
      %select_n3A_2441 = arith.select %gt3A_2436, %broadcast_in_dim3A_2440, %select_n3A_2434 : vector<8x2048xi1>, vector<8x2048xf32>
      %slice3A_2442 = vector.extract_strided_slice %dot_general3A_2345 {offsets = [104, 0], sizes = [8, 2048], strides = [1, 1]} : vector<512x2048xf32> to vector<8x2048xf32>
      %gt3A_2443 = arith.cmpf ogt, %slice3A_2442, %select_n3A_2437 : vector<8x2048xf32>
      %select_n3A_2444 = arith.select %gt3A_2443, %slice3A_2442, %select_n3A_2437 : vector<8x2048xi1>, vector<8x2048xf32>
      %sub3A_2445 = arith.constant 1.300000e+01 : f32
      %sub3A_2446 = arith.subf %convert_element_type3A_2350, %sub3A_2445 : f32
      %broadcast_in_dim3A_2447 = vector.broadcast %sub3A_2446 : f32 to vector<8x2048xf32>
      %select_n3A_2448 = arith.select %gt3A_2443, %broadcast_in_dim3A_2447, %select_n3A_2441 : vector<8x2048xi1>, vector<8x2048xf32>
      %slice3A_2449 = vector.extract_strided_slice %dot_general3A_2345 {offsets = [112, 0], sizes = [8, 2048], strides = [1, 1]} : vector<512x2048xf32> to vector<8x2048xf32>
      %gt3A_2450 = arith.cmpf ogt, %slice3A_2449, %select_n3A_2444 : vector<8x2048xf32>
      %select_n3A_2451 = arith.select %gt3A_2450, %slice3A_2449, %select_n3A_2444 : vector<8x2048xi1>, vector<8x2048xf32>
      %sub3A_2452 = arith.constant 1.400000e+01 : f32
      %sub3A_2453 = arith.subf %convert_element_type3A_2350, %sub3A_2452 : f32
      %broadcast_in_dim3A_2454 = vector.broadcast %sub3A_2453 : f32 to vector<8x2048xf32>
      %select_n3A_2455 = arith.select %gt3A_2450, %broadcast_in_dim3A_2454, %select_n3A_2448 : vector<8x2048xi1>, vector<8x2048xf32>
      %slice3A_2456 = vector.extract_strided_slice %dot_general3A_2345 {offsets = [120, 0], sizes = [8, 2048], strides = [1, 1]} : vector<512x2048xf32> to vector<8x2048xf32>
      %gt3A_2457 = arith.cmpf ogt, %slice3A_2456, %select_n3A_2451 : vector<8x2048xf32>
      %select_n3A_2458 = arith.select %gt3A_2457, %slice3A_2456, %select_n3A_2451 : vector<8x2048xi1>, vector<8x2048xf32>
      %sub3A_2459 = arith.constant 1.500000e+01 : f32
      %sub3A_2460 = arith.subf %convert_element_type3A_2350, %sub3A_2459 : f32
      %broadcast_in_dim3A_2461 = vector.broadcast %sub3A_2460 : f32 to vector<8x2048xf32>
      %select_n3A_2462 = arith.select %gt3A_2457, %broadcast_in_dim3A_2461, %select_n3A_2455 : vector<8x2048xi1>, vector<8x2048xf32>
      %slice3A_2463 = vector.extract_strided_slice %dot_general3A_2345 {offsets = [128, 0], sizes = [8, 2048], strides = [1, 1]} : vector<512x2048xf32> to vector<8x2048xf32>
      %gt3A_2464 = arith.cmpf ogt, %slice3A_2463, %select_n3A_2458 : vector<8x2048xf32>
      %select_n3A_2465 = arith.select %gt3A_2464, %slice3A_2463, %select_n3A_2458 : vector<8x2048xi1>, vector<8x2048xf32>
      %sub3A_2466 = arith.constant 1.600000e+01 : f32
      %sub3A_2467 = arith.subf %convert_element_type3A_2350, %sub3A_2466 : f32
      %broadcast_in_dim3A_2468 = vector.broadcast %sub3A_2467 : f32 to vector<8x2048xf32>
      %select_n3A_2469 = arith.select %gt3A_2464, %broadcast_in_dim3A_2468, %select_n3A_2462 : vector<8x2048xi1>, vector<8x2048xf32>
      %slice3A_2470 = vector.extract_strided_slice %dot_general3A_2345 {offsets = [136, 0], sizes = [8, 2048], strides = [1, 1]} : vector<512x2048xf32> to vector<8x2048xf32>
      %gt3A_2471 = arith.cmpf ogt, %slice3A_2470, %select_n3A_2465 : vector<8x2048xf32>
      %select_n3A_2472 = arith.select %gt3A_2471, %slice3A_2470, %select_n3A_2465 : vector<8x2048xi1>, vector<8x2048xf32>
      %sub3A_2473 = arith.constant 1.700000e+01 : f32
      %sub3A_2474 = arith.subf %convert_element_type3A_2350, %sub3A_2473 : f32
      %broadcast_in_dim3A_2475 = vector.broadcast %sub3A_2474 : f32 to vector<8x2048xf32>
      %select_n3A_2476 = arith.select %gt3A_2471, %broadcast_in_dim3A_2475, %select_n3A_2469 : vector<8x2048xi1>, vector<8x2048xf32>
      %slice3A_2477 = vector.extract_strided_slice %dot_general3A_2345 {offsets = [144, 0], sizes = [8, 2048], strides = [1, 1]} : vector<512x2048xf32> to vector<8x2048xf32>
      %gt3A_2478 = arith.cmpf ogt, %slice3A_2477, %select_n3A_2472 : vector<8x2048xf32>
      %select_n3A_2479 = arith.select %gt3A_2478, %slice3A_2477, %select_n3A_2472 : vector<8x2048xi1>, vector<8x2048xf32>
      %sub3A_2480 = arith.constant 1.800000e+01 : f32
      %sub3A_2481 = arith.subf %convert_element_type3A_2350, %sub3A_2480 : f32
      %broadcast_in_dim3A_2482 = vector.broadcast %sub3A_2481 : f32 to vector<8x2048xf32>
      %select_n3A_2483 = arith.select %gt3A_2478, %broadcast_in_dim3A_2482, %select_n3A_2476 : vector<8x2048xi1>, vector<8x2048xf32>
      %slice3A_2484 = vector.extract_strided_slice %dot_general3A_2345 {offsets = [152, 0], sizes = [8, 2048], strides = [1, 1]} : vector<512x2048xf32> to vector<8x2048xf32>
      %gt3A_2485 = arith.cmpf ogt, %slice3A_2484, %select_n3A_2479 : vector<8x2048xf32>
      %select_n3A_2486 = arith.select %gt3A_2485, %slice3A_2484, %select_n3A_2479 : vector<8x2048xi1>, vector<8x2048xf32>
      %sub3A_2487 = arith.constant 1.900000e+01 : f32
      %sub3A_2488 = arith.subf %convert_element_type3A_2350, %sub3A_2487 : f32
      %broadcast_in_dim3A_2489 = vector.broadcast %sub3A_2488 : f32 to vector<8x2048xf32>
      %select_n3A_2490 = arith.select %gt3A_2485, %broadcast_in_dim3A_2489, %select_n3A_2483 : vector<8x2048xi1>, vector<8x2048xf32>
      %slice3A_2491 = vector.extract_strided_slice %dot_general3A_2345 {offsets = [160, 0], sizes = [8, 2048], strides = [1, 1]} : vector<512x2048xf32> to vector<8x2048xf32>
      %gt3A_2492 = arith.cmpf ogt, %slice3A_2491, %select_n3A_2486 : vector<8x2048xf32>
      %select_n3A_2493 = arith.select %gt3A_2492, %slice3A_2491, %select_n3A_2486 : vector<8x2048xi1>, vector<8x2048xf32>
      %sub3A_2494 = arith.constant 2.000000e+01 : f32
      %sub3A_2495 = arith.subf %convert_element_type3A_2350, %sub3A_2494 : f32
      %broadcast_in_dim3A_2496 = vector.broadcast %sub3A_2495 : f32 to vector<8x2048xf32>
      %select_n3A_2497 = arith.select %gt3A_2492, %broadcast_in_dim3A_2496, %select_n3A_2490 : vector<8x2048xi1>, vector<8x2048xf32>
      %slice3A_2498 = vector.extract_strided_slice %dot_general3A_2345 {offsets = [168, 0], sizes = [8, 2048], strides = [1, 1]} : vector<512x2048xf32> to vector<8x2048xf32>
      %gt3A_2499 = arith.cmpf ogt, %slice3A_2498, %select_n3A_2493 : vector<8x2048xf32>
      %select_n3A_2500 = arith.select %gt3A_2499, %slice3A_2498, %select_n3A_2493 : vector<8x2048xi1>, vector<8x2048xf32>
      %sub3A_2501 = arith.constant 2.100000e+01 : f32
      %sub3A_2502 = arith.subf %convert_element_type3A_2350, %sub3A_2501 : f32
      %broadcast_in_dim3A_2503 = vector.broadcast %sub3A_2502 : f32 to vector<8x2048xf32>
      %select_n3A_2504 = arith.select %gt3A_2499, %broadcast_in_dim3A_2503, %select_n3A_2497 : vector<8x2048xi1>, vector<8x2048xf32>
      %slice3A_2505 = vector.extract_strided_slice %dot_general3A_2345 {offsets = [176, 0], sizes = [8, 2048], strides = [1, 1]} : vector<512x2048xf32> to vector<8x2048xf32>
      %gt3A_2506 = arith.cmpf ogt, %slice3A_2505, %select_n3A_2500 : vector<8x2048xf32>
      %select_n3A_2507 = arith.select %gt3A_2506, %slice3A_2505, %select_n3A_2500 : vector<8x2048xi1>, vector<8x2048xf32>
      %sub3A_2508 = arith.constant 2.200000e+01 : f32
      %sub3A_2509 = arith.subf %convert_element_type3A_2350, %sub3A_2508 : f32
      %broadcast_in_dim3A_2510 = vector.broadcast %sub3A_2509 : f32 to vector<8x2048xf32>
      %select_n3A_2511 = arith.select %gt3A_2506, %broadcast_in_dim3A_2510, %select_n3A_2504 : vector<8x2048xi1>, vector<8x2048xf32>
      %slice3A_2512 = vector.extract_strided_slice %dot_general3A_2345 {offsets = [184, 0], sizes = [8, 2048], strides = [1, 1]} : vector<512x2048xf32> to vector<8x2048xf32>
      %gt3A_2513 = arith.cmpf ogt, %slice3A_2512, %select_n3A_2507 : vector<8x2048xf32>
      %select_n3A_2514 = arith.select %gt3A_2513, %slice3A_2512, %select_n3A_2507 : vector<8x2048xi1>, vector<8x2048xf32>
      %sub3A_2515 = arith.constant 2.300000e+01 : f32
      %sub3A_2516 = arith.subf %convert_element_type3A_2350, %sub3A_2515 : f32
      %broadcast_in_dim3A_2517 = vector.broadcast %sub3A_2516 : f32 to vector<8x2048xf32>
      %select_n3A_2518 = arith.select %gt3A_2513, %broadcast_in_dim3A_2517, %select_n3A_2511 : vector<8x2048xi1>, vector<8x2048xf32>
      %slice3A_2519 = vector.extract_strided_slice %dot_general3A_2345 {offsets = [192, 0], sizes = [8, 2048], strides = [1, 1]} : vector<512x2048xf32> to vector<8x2048xf32>
      %gt3A_2520 = arith.cmpf ogt, %slice3A_2519, %select_n3A_2514 : vector<8x2048xf32>
      %select_n3A_2521 = arith.select %gt3A_2520, %slice3A_2519, %select_n3A_2514 : vector<8x2048xi1>, vector<8x2048xf32>
      %sub3A_2522 = arith.constant 2.400000e+01 : f32
      %sub3A_2523 = arith.subf %convert_element_type3A_2350, %sub3A_2522 : f32
      %broadcast_in_dim3A_2524 = vector.broadcast %sub3A_2523 : f32 to vector<8x2048xf32>
      %select_n3A_2525 = arith.select %gt3A_2520, %broadcast_in_dim3A_2524, %select_n3A_2518 : vector<8x2048xi1>, vector<8x2048xf32>
      %slice3A_2526 = vector.extract_strided_slice %dot_general3A_2345 {offsets = [200, 0], sizes = [8, 2048], strides = [1, 1]} : vector<512x2048xf32> to vector<8x2048xf32>
      %gt3A_2527 = arith.cmpf ogt, %slice3A_2526, %select_n3A_2521 : vector<8x2048xf32>
      %select_n3A_2528 = arith.select %gt3A_2527, %slice3A_2526, %select_n3A_2521 : vector<8x2048xi1>, vector<8x2048xf32>
      %sub3A_2529 = arith.constant 2.500000e+01 : f32
      %sub3A_2530 = arith.subf %convert_element_type3A_2350, %sub3A_2529 : f32
      %broadcast_in_dim3A_2531 = vector.broadcast %sub3A_2530 : f32 to vector<8x2048xf32>
      %select_n3A_2532 = arith.select %gt3A_2527, %broadcast_in_dim3A_2531, %select_n3A_2525 : vector<8x2048xi1>, vector<8x2048xf32>
      %slice3A_2533 = vector.extract_strided_slice %dot_general3A_2345 {offsets = [208, 0], sizes = [8, 2048], strides = [1, 1]} : vector<512x2048xf32> to vector<8x2048xf32>
      %gt3A_2534 = arith.cmpf ogt, %slice3A_2533, %select_n3A_2528 : vector<8x2048xf32>
      %select_n3A_2535 = arith.select %gt3A_2534, %slice3A_2533, %select_n3A_2528 : vector<8x2048xi1>, vector<8x2048xf32>
      %sub3A_2536 = arith.constant 2.600000e+01 : f32
      %sub3A_2537 = arith.subf %convert_element_type3A_2350, %sub3A_2536 : f32
      %broadcast_in_dim3A_2538 = vector.broadcast %sub3A_2537 : f32 to vector<8x2048xf32>
      %select_n3A_2539 = arith.select %gt3A_2534, %broadcast_in_dim3A_2538, %select_n3A_2532 : vector<8x2048xi1>, vector<8x2048xf32>
      %slice3A_2540 = vector.extract_strided_slice %dot_general3A_2345 {offsets = [216, 0], sizes = [8, 2048], strides = [1, 1]} : vector<512x2048xf32> to vector<8x2048xf32>
      %gt3A_2541 = arith.cmpf ogt, %slice3A_2540, %select_n3A_2535 : vector<8x2048xf32>
      %select_n3A_2542 = arith.select %gt3A_2541, %slice3A_2540, %select_n3A_2535 : vector<8x2048xi1>, vector<8x2048xf32>
      %sub3A_2543 = arith.constant 2.700000e+01 : f32
      %sub3A_2544 = arith.subf %convert_element_type3A_2350, %sub3A_2543 : f32
      %broadcast_in_dim3A_2545 = vector.broadcast %sub3A_2544 : f32 to vector<8x2048xf32>
      %select_n3A_2546 = arith.select %gt3A_2541, %broadcast_in_dim3A_2545, %select_n3A_2539 : vector<8x2048xi1>, vector<8x2048xf32>
      %slice3A_2547 = vector.extract_strided_slice %dot_general3A_2345 {offsets = [224, 0], sizes = [8, 2048], strides = [1, 1]} : vector<512x2048xf32> to vector<8x2048xf32>
      %gt3A_2548 = arith.cmpf ogt, %slice3A_2547, %select_n3A_2542 : vector<8x2048xf32>
      %select_n3A_2549 = arith.select %gt3A_2548, %slice3A_2547, %select_n3A_2542 : vector<8x2048xi1>, vector<8x2048xf32>
      %sub3A_2550 = arith.constant 2.800000e+01 : f32
      %sub3A_2551 = arith.subf %convert_element_type3A_2350, %sub3A_2550 : f32
      %broadcast_in_dim3A_2552 = vector.broadcast %sub3A_2551 : f32 to vector<8x2048xf32>
      %select_n3A_2553 = arith.select %gt3A_2548, %broadcast_in_dim3A_2552, %select_n3A_2546 : vector<8x2048xi1>, vector<8x2048xf32>
      %slice3A_2554 = vector.extract_strided_slice %dot_general3A_2345 {offsets = [232, 0], sizes = [8, 2048], strides = [1, 1]} : vector<512x2048xf32> to vector<8x2048xf32>
      %gt3A_2555 = arith.cmpf ogt, %slice3A_2554, %select_n3A_2549 : vector<8x2048xf32>
      %select_n3A_2556 = arith.select %gt3A_2555, %slice3A_2554, %select_n3A_2549 : vector<8x2048xi1>, vector<8x2048xf32>
      %sub3A_2557 = arith.constant 2.900000e+01 : f32
      %sub3A_2558 = arith.subf %convert_element_type3A_2350, %sub3A_2557 : f32
      %broadcast_in_dim3A_2559 = vector.broadcast %sub3A_2558 : f32 to vector<8x2048xf32>
      %select_n3A_2560 = arith.select %gt3A_2555, %broadcast_in_dim3A_2559, %select_n3A_2553 : vector<8x2048xi1>, vector<8x2048xf32>
      %slice3A_2561 = vector.extract_strided_slice %dot_general3A_2345 {offsets = [240, 0], sizes = [8, 2048], strides = [1, 1]} : vector<512x2048xf32> to vector<8x2048xf32>
      %gt3A_2562 = arith.cmpf ogt, %slice3A_2561, %select_n3A_2556 : vector<8x2048xf32>
      %select_n3A_2563 = arith.select %gt3A_2562, %slice3A_2561, %select_n3A_2556 : vector<8x2048xi1>, vector<8x2048xf32>
      %sub3A_2564 = arith.constant 3.000000e+01 : f32
      %sub3A_2565 = arith.subf %convert_element_type3A_2350, %sub3A_2564 : f32
      %broadcast_in_dim3A_2566 = vector.broadcast %sub3A_2565 : f32 to vector<8x2048xf32>
      %select_n3A_2567 = arith.select %gt3A_2562, %broadcast_in_dim3A_2566, %select_n3A_2560 : vector<8x2048xi1>, vector<8x2048xf32>
      %slice3A_2568 = vector.extract_strided_slice %dot_general3A_2345 {offsets = [248, 0], sizes = [8, 2048], strides = [1, 1]} : vector<512x2048xf32> to vector<8x2048xf32>
      %gt3A_2569 = arith.cmpf ogt, %slice3A_2568, %select_n3A_2563 : vector<8x2048xf32>
      %select_n3A_2570 = arith.select %gt3A_2569, %slice3A_2568, %select_n3A_2563 : vector<8x2048xi1>, vector<8x2048xf32>
      %sub3A_2571 = arith.constant 3.100000e+01 : f32
      %sub3A_2572 = arith.subf %convert_element_type3A_2350, %sub3A_2571 : f32
      %broadcast_in_dim3A_2573 = vector.broadcast %sub3A_2572 : f32 to vector<8x2048xf32>
      %select_n3A_2574 = arith.select %gt3A_2569, %broadcast_in_dim3A_2573, %select_n3A_2567 : vector<8x2048xi1>, vector<8x2048xf32>
      %slice3A_2575 = vector.extract_strided_slice %dot_general3A_2345 {offsets = [256, 0], sizes = [8, 2048], strides = [1, 1]} : vector<512x2048xf32> to vector<8x2048xf32>
      %gt3A_2576 = arith.cmpf ogt, %slice3A_2575, %select_n3A_2570 : vector<8x2048xf32>
      %select_n3A_2577 = arith.select %gt3A_2576, %slice3A_2575, %select_n3A_2570 : vector<8x2048xi1>, vector<8x2048xf32>
      %sub3A_2578 = arith.constant 3.200000e+01 : f32
      %sub3A_2579 = arith.subf %convert_element_type3A_2350, %sub3A_2578 : f32
      %broadcast_in_dim3A_2580 = vector.broadcast %sub3A_2579 : f32 to vector<8x2048xf32>
      %select_n3A_2581 = arith.select %gt3A_2576, %broadcast_in_dim3A_2580, %select_n3A_2574 : vector<8x2048xi1>, vector<8x2048xf32>
      %slice3A_2582 = vector.extract_strided_slice %dot_general3A_2345 {offsets = [264, 0], sizes = [8, 2048], strides = [1, 1]} : vector<512x2048xf32> to vector<8x2048xf32>
      %gt3A_2583 = arith.cmpf ogt, %slice3A_2582, %select_n3A_2577 : vector<8x2048xf32>
      %select_n3A_2584 = arith.select %gt3A_2583, %slice3A_2582, %select_n3A_2577 : vector<8x2048xi1>, vector<8x2048xf32>
      %sub3A_2585 = arith.constant 3.300000e+01 : f32
      %sub3A_2586 = arith.subf %convert_element_type3A_2350, %sub3A_2585 : f32
      %broadcast_in_dim3A_2587 = vector.broadcast %sub3A_2586 : f32 to vector<8x2048xf32>
      %select_n3A_2588 = arith.select %gt3A_2583, %broadcast_in_dim3A_2587, %select_n3A_2581 : vector<8x2048xi1>, vector<8x2048xf32>
      %slice3A_2589 = vector.extract_strided_slice %dot_general3A_2345 {offsets = [272, 0], sizes = [8, 2048], strides = [1, 1]} : vector<512x2048xf32> to vector<8x2048xf32>
      %gt3A_2590 = arith.cmpf ogt, %slice3A_2589, %select_n3A_2584 : vector<8x2048xf32>
      %select_n3A_2591 = arith.select %gt3A_2590, %slice3A_2589, %select_n3A_2584 : vector<8x2048xi1>, vector<8x2048xf32>
      %sub3A_2592 = arith.constant 3.400000e+01 : f32
      %sub3A_2593 = arith.subf %convert_element_type3A_2350, %sub3A_2592 : f32
      %broadcast_in_dim3A_2594 = vector.broadcast %sub3A_2593 : f32 to vector<8x2048xf32>
      %select_n3A_2595 = arith.select %gt3A_2590, %broadcast_in_dim3A_2594, %select_n3A_2588 : vector<8x2048xi1>, vector<8x2048xf32>
      %slice3A_2596 = vector.extract_strided_slice %dot_general3A_2345 {offsets = [280, 0], sizes = [8, 2048], strides = [1, 1]} : vector<512x2048xf32> to vector<8x2048xf32>
      %gt3A_2597 = arith.cmpf ogt, %slice3A_2596, %select_n3A_2591 : vector<8x2048xf32>
      %select_n3A_2598 = arith.select %gt3A_2597, %slice3A_2596, %select_n3A_2591 : vector<8x2048xi1>, vector<8x2048xf32>
      %sub3A_2599 = arith.constant 3.500000e+01 : f32
      %sub3A_2600 = arith.subf %convert_element_type3A_2350, %sub3A_2599 : f32
      %broadcast_in_dim3A_2601 = vector.broadcast %sub3A_2600 : f32 to vector<8x2048xf32>
      %select_n3A_2602 = arith.select %gt3A_2597, %broadcast_in_dim3A_2601, %select_n3A_2595 : vector<8x2048xi1>, vector<8x2048xf32>
      %slice3A_2603 = vector.extract_strided_slice %dot_general3A_2345 {offsets = [288, 0], sizes = [8, 2048], strides = [1, 1]} : vector<512x2048xf32> to vector<8x2048xf32>
      %gt3A_2604 = arith.cmpf ogt, %slice3A_2603, %select_n3A_2598 : vector<8x2048xf32>
      %select_n3A_2605 = arith.select %gt3A_2604, %slice3A_2603, %select_n3A_2598 : vector<8x2048xi1>, vector<8x2048xf32>
      %sub3A_2606 = arith.constant 3.600000e+01 : f32
      %sub3A_2607 = arith.subf %convert_element_type3A_2350, %sub3A_2606 : f32
      %broadcast_in_dim3A_2608 = vector.broadcast %sub3A_2607 : f32 to vector<8x2048xf32>
      %select_n3A_2609 = arith.select %gt3A_2604, %broadcast_in_dim3A_2608, %select_n3A_2602 : vector<8x2048xi1>, vector<8x2048xf32>
      %slice3A_2610 = vector.extract_strided_slice %dot_general3A_2345 {offsets = [296, 0], sizes = [8, 2048], strides = [1, 1]} : vector<512x2048xf32> to vector<8x2048xf32>
      %gt3A_2611 = arith.cmpf ogt, %slice3A_2610, %select_n3A_2605 : vector<8x2048xf32>
      %select_n3A_2612 = arith.select %gt3A_2611, %slice3A_2610, %select_n3A_2605 : vector<8x2048xi1>, vector<8x2048xf32>
      %sub3A_2613 = arith.constant 3.700000e+01 : f32
      %sub3A_2614 = arith.subf %convert_element_type3A_2350, %sub3A_2613 : f32
      %broadcast_in_dim3A_2615 = vector.broadcast %sub3A_2614 : f32 to vector<8x2048xf32>
      %select_n3A_2616 = arith.select %gt3A_2611, %broadcast_in_dim3A_2615, %select_n3A_2609 : vector<8x2048xi1>, vector<8x2048xf32>
      %slice3A_2617 = vector.extract_strided_slice %dot_general3A_2345 {offsets = [304, 0], sizes = [8, 2048], strides = [1, 1]} : vector<512x2048xf32> to vector<8x2048xf32>
      %gt3A_2618 = arith.cmpf ogt, %slice3A_2617, %select_n3A_2612 : vector<8x2048xf32>
      %select_n3A_2619 = arith.select %gt3A_2618, %slice3A_2617, %select_n3A_2612 : vector<8x2048xi1>, vector<8x2048xf32>
      %sub3A_2620 = arith.constant 3.800000e+01 : f32
      %sub3A_2621 = arith.subf %convert_element_type3A_2350, %sub3A_2620 : f32
      %broadcast_in_dim3A_2622 = vector.broadcast %sub3A_2621 : f32 to vector<8x2048xf32>
      %select_n3A_2623 = arith.select %gt3A_2618, %broadcast_in_dim3A_2622, %select_n3A_2616 : vector<8x2048xi1>, vector<8x2048xf32>
      %slice3A_2624 = vector.extract_strided_slice %dot_general3A_2345 {offsets = [312, 0], sizes = [8, 2048], strides = [1, 1]} : vector<512x2048xf32> to vector<8x2048xf32>
      %gt3A_2625 = arith.cmpf ogt, %slice3A_2624, %select_n3A_2619 : vector<8x2048xf32>
      %select_n3A_2626 = arith.select %gt3A_2625, %slice3A_2624, %select_n3A_2619 : vector<8x2048xi1>, vector<8x2048xf32>
      %sub3A_2627 = arith.constant 3.900000e+01 : f32
      %sub3A_2628 = arith.subf %convert_element_type3A_2350, %sub3A_2627 : f32
      %broadcast_in_dim3A_2629 = vector.broadcast %sub3A_2628 : f32 to vector<8x2048xf32>
      %select_n3A_2630 = arith.select %gt3A_2625, %broadcast_in_dim3A_2629, %select_n3A_2623 : vector<8x2048xi1>, vector<8x2048xf32>
      %slice3A_2631 = vector.extract_strided_slice %dot_general3A_2345 {offsets = [320, 0], sizes = [8, 2048], strides = [1, 1]} : vector<512x2048xf32> to vector<8x2048xf32>
      %gt3A_2632 = arith.cmpf ogt, %slice3A_2631, %select_n3A_2626 : vector<8x2048xf32>
      %select_n3A_2633 = arith.select %gt3A_2632, %slice3A_2631, %select_n3A_2626 : vector<8x2048xi1>, vector<8x2048xf32>
      %sub3A_2634 = arith.constant 4.000000e+01 : f32
      %sub3A_2635 = arith.subf %convert_element_type3A_2350, %sub3A_2634 : f32
      %broadcast_in_dim3A_2636 = vector.broadcast %sub3A_2635 : f32 to vector<8x2048xf32>
      %select_n3A_2637 = arith.select %gt3A_2632, %broadcast_in_dim3A_2636, %select_n3A_2630 : vector<8x2048xi1>, vector<8x2048xf32>
      %slice3A_2638 = vector.extract_strided_slice %dot_general3A_2345 {offsets = [328, 0], sizes = [8, 2048], strides = [1, 1]} : vector<512x2048xf32> to vector<8x2048xf32>
      %gt3A_2639 = arith.cmpf ogt, %slice3A_2638, %select_n3A_2633 : vector<8x2048xf32>
      %select_n3A_2640 = arith.select %gt3A_2639, %slice3A_2638, %select_n3A_2633 : vector<8x2048xi1>, vector<8x2048xf32>
      %sub3A_2641 = arith.constant 4.100000e+01 : f32
      %sub3A_2642 = arith.subf %convert_element_type3A_2350, %sub3A_2641 : f32
      %broadcast_in_dim3A_2643 = vector.broadcast %sub3A_2642 : f32 to vector<8x2048xf32>
      %select_n3A_2644 = arith.select %gt3A_2639, %broadcast_in_dim3A_2643, %select_n3A_2637 : vector<8x2048xi1>, vector<8x2048xf32>
      %slice3A_2645 = vector.extract_strided_slice %dot_general3A_2345 {offsets = [336, 0], sizes = [8, 2048], strides = [1, 1]} : vector<512x2048xf32> to vector<8x2048xf32>
      %gt3A_2646 = arith.cmpf ogt, %slice3A_2645, %select_n3A_2640 : vector<8x2048xf32>
      %select_n3A_2647 = arith.select %gt3A_2646, %slice3A_2645, %select_n3A_2640 : vector<8x2048xi1>, vector<8x2048xf32>
      %sub3A_2648 = arith.constant 4.200000e+01 : f32
      %sub3A_2649 = arith.subf %convert_element_type3A_2350, %sub3A_2648 : f32
      %broadcast_in_dim3A_2650 = vector.broadcast %sub3A_2649 : f32 to vector<8x2048xf32>
      %select_n3A_2651 = arith.select %gt3A_2646, %broadcast_in_dim3A_2650, %select_n3A_2644 : vector<8x2048xi1>, vector<8x2048xf32>
      %slice3A_2652 = vector.extract_strided_slice %dot_general3A_2345 {offsets = [344, 0], sizes = [8, 2048], strides = [1, 1]} : vector<512x2048xf32> to vector<8x2048xf32>
      %gt3A_2653 = arith.cmpf ogt, %slice3A_2652, %select_n3A_2647 : vector<8x2048xf32>
      %select_n3A_2654 = arith.select %gt3A_2653, %slice3A_2652, %select_n3A_2647 : vector<8x2048xi1>, vector<8x2048xf32>
      %sub3A_2655 = arith.constant 4.300000e+01 : f32
      %sub3A_2656 = arith.subf %convert_element_type3A_2350, %sub3A_2655 : f32
      %broadcast_in_dim3A_2657 = vector.broadcast %sub3A_2656 : f32 to vector<8x2048xf32>
      %select_n3A_2658 = arith.select %gt3A_2653, %broadcast_in_dim3A_2657, %select_n3A_2651 : vector<8x2048xi1>, vector<8x2048xf32>
      %slice3A_2659 = vector.extract_strided_slice %dot_general3A_2345 {offsets = [352, 0], sizes = [8, 2048], strides = [1, 1]} : vector<512x2048xf32> to vector<8x2048xf32>
      %gt3A_2660 = arith.cmpf ogt, %slice3A_2659, %select_n3A_2654 : vector<8x2048xf32>
      %select_n3A_2661 = arith.select %gt3A_2660, %slice3A_2659, %select_n3A_2654 : vector<8x2048xi1>, vector<8x2048xf32>
      %sub3A_2662 = arith.constant 4.400000e+01 : f32
      %sub3A_2663 = arith.subf %convert_element_type3A_2350, %sub3A_2662 : f32
      %broadcast_in_dim3A_2664 = vector.broadcast %sub3A_2663 : f32 to vector<8x2048xf32>
      %select_n3A_2665 = arith.select %gt3A_2660, %broadcast_in_dim3A_2664, %select_n3A_2658 : vector<8x2048xi1>, vector<8x2048xf32>
      %slice3A_2666 = vector.extract_strided_slice %dot_general3A_2345 {offsets = [360, 0], sizes = [8, 2048], strides = [1, 1]} : vector<512x2048xf32> to vector<8x2048xf32>
      %gt3A_2667 = arith.cmpf ogt, %slice3A_2666, %select_n3A_2661 : vector<8x2048xf32>
      %select_n3A_2668 = arith.select %gt3A_2667, %slice3A_2666, %select_n3A_2661 : vector<8x2048xi1>, vector<8x2048xf32>
      %sub3A_2669 = arith.constant 4.500000e+01 : f32
      %sub3A_2670 = arith.subf %convert_element_type3A_2350, %sub3A_2669 : f32
      %broadcast_in_dim3A_2671 = vector.broadcast %sub3A_2670 : f32 to vector<8x2048xf32>
      %select_n3A_2672 = arith.select %gt3A_2667, %broadcast_in_dim3A_2671, %select_n3A_2665 : vector<8x2048xi1>, vector<8x2048xf32>
      %slice3A_2673 = vector.extract_strided_slice %dot_general3A_2345 {offsets = [368, 0], sizes = [8, 2048], strides = [1, 1]} : vector<512x2048xf32> to vector<8x2048xf32>
      %gt3A_2674 = arith.cmpf ogt, %slice3A_2673, %select_n3A_2668 : vector<8x2048xf32>
      %select_n3A_2675 = arith.select %gt3A_2674, %slice3A_2673, %select_n3A_2668 : vector<8x2048xi1>, vector<8x2048xf32>
      %sub3A_2676 = arith.constant 4.600000e+01 : f32
      %sub3A_2677 = arith.subf %convert_element_type3A_2350, %sub3A_2676 : f32
      %broadcast_in_dim3A_2678 = vector.broadcast %sub3A_2677 : f32 to vector<8x2048xf32>
      %select_n3A_2679 = arith.select %gt3A_2674, %broadcast_in_dim3A_2678, %select_n3A_2672 : vector<8x2048xi1>, vector<8x2048xf32>
      %slice3A_2680 = vector.extract_strided_slice %dot_general3A_2345 {offsets = [376, 0], sizes = [8, 2048], strides = [1, 1]} : vector<512x2048xf32> to vector<8x2048xf32>
      %gt3A_2681 = arith.cmpf ogt, %slice3A_2680, %select_n3A_2675 : vector<8x2048xf32>
      %select_n3A_2682 = arith.select %gt3A_2681, %slice3A_2680, %select_n3A_2675 : vector<8x2048xi1>, vector<8x2048xf32>
      %sub3A_2683 = arith.constant 4.700000e+01 : f32
      %sub3A_2684 = arith.subf %convert_element_type3A_2350, %sub3A_2683 : f32
      %broadcast_in_dim3A_2685 = vector.broadcast %sub3A_2684 : f32 to vector<8x2048xf32>
      %select_n3A_2686 = arith.select %gt3A_2681, %broadcast_in_dim3A_2685, %select_n3A_2679 : vector<8x2048xi1>, vector<8x2048xf32>
      %slice3A_2687 = vector.extract_strided_slice %dot_general3A_2345 {offsets = [384, 0], sizes = [8, 2048], strides = [1, 1]} : vector<512x2048xf32> to vector<8x2048xf32>
      %gt3A_2688 = arith.cmpf ogt, %slice3A_2687, %select_n3A_2682 : vector<8x2048xf32>
      %select_n3A_2689 = arith.select %gt3A_2688, %slice3A_2687, %select_n3A_2682 : vector<8x2048xi1>, vector<8x2048xf32>
      %sub3A_2690 = arith.constant 4.800000e+01 : f32
      %sub3A_2691 = arith.subf %convert_element_type3A_2350, %sub3A_2690 : f32
      %broadcast_in_dim3A_2692 = vector.broadcast %sub3A_2691 : f32 to vector<8x2048xf32>
      %select_n3A_2693 = arith.select %gt3A_2688, %broadcast_in_dim3A_2692, %select_n3A_2686 : vector<8x2048xi1>, vector<8x2048xf32>
      %slice3A_2694 = vector.extract_strided_slice %dot_general3A_2345 {offsets = [392, 0], sizes = [8, 2048], strides = [1, 1]} : vector<512x2048xf32> to vector<8x2048xf32>
      %gt3A_2695 = arith.cmpf ogt, %slice3A_2694, %select_n3A_2689 : vector<8x2048xf32>
      %select_n3A_2696 = arith.select %gt3A_2695, %slice3A_2694, %select_n3A_2689 : vector<8x2048xi1>, vector<8x2048xf32>
      %sub3A_2697 = arith.constant 4.900000e+01 : f32
      %sub3A_2698 = arith.subf %convert_element_type3A_2350, %sub3A_2697 : f32
      %broadcast_in_dim3A_2699 = vector.broadcast %sub3A_2698 : f32 to vector<8x2048xf32>
      %select_n3A_2700 = arith.select %gt3A_2695, %broadcast_in_dim3A_2699, %select_n3A_2693 : vector<8x2048xi1>, vector<8x2048xf32>
      %slice3A_2701 = vector.extract_strided_slice %dot_general3A_2345 {offsets = [400, 0], sizes = [8, 2048], strides = [1, 1]} : vector<512x2048xf32> to vector<8x2048xf32>
      %gt3A_2702 = arith.cmpf ogt, %slice3A_2701, %select_n3A_2696 : vector<8x2048xf32>
      %select_n3A_2703 = arith.select %gt3A_2702, %slice3A_2701, %select_n3A_2696 : vector<8x2048xi1>, vector<8x2048xf32>
      %sub3A_2704 = arith.constant 5.000000e+01 : f32
      %sub3A_2705 = arith.subf %convert_element_type3A_2350, %sub3A_2704 : f32
      %broadcast_in_dim3A_2706 = vector.broadcast %sub3A_2705 : f32 to vector<8x2048xf32>
      %select_n3A_2707 = arith.select %gt3A_2702, %broadcast_in_dim3A_2706, %select_n3A_2700 : vector<8x2048xi1>, vector<8x2048xf32>
      %slice3A_2708 = vector.extract_strided_slice %dot_general3A_2345 {offsets = [408, 0], sizes = [8, 2048], strides = [1, 1]} : vector<512x2048xf32> to vector<8x2048xf32>
      %gt3A_2709 = arith.cmpf ogt, %slice3A_2708, %select_n3A_2703 : vector<8x2048xf32>
      %select_n3A_2710 = arith.select %gt3A_2709, %slice3A_2708, %select_n3A_2703 : vector<8x2048xi1>, vector<8x2048xf32>
      %sub3A_2711 = arith.constant 5.100000e+01 : f32
      %sub3A_2712 = arith.subf %convert_element_type3A_2350, %sub3A_2711 : f32
      %broadcast_in_dim3A_2713 = vector.broadcast %sub3A_2712 : f32 to vector<8x2048xf32>
      %select_n3A_2714 = arith.select %gt3A_2709, %broadcast_in_dim3A_2713, %select_n3A_2707 : vector<8x2048xi1>, vector<8x2048xf32>
      %slice3A_2715 = vector.extract_strided_slice %dot_general3A_2345 {offsets = [416, 0], sizes = [8, 2048], strides = [1, 1]} : vector<512x2048xf32> to vector<8x2048xf32>
      %gt3A_2716 = arith.cmpf ogt, %slice3A_2715, %select_n3A_2710 : vector<8x2048xf32>
      %select_n3A_2717 = arith.select %gt3A_2716, %slice3A_2715, %select_n3A_2710 : vector<8x2048xi1>, vector<8x2048xf32>
      %sub3A_2718 = arith.constant 5.200000e+01 : f32
      %sub3A_2719 = arith.subf %convert_element_type3A_2350, %sub3A_2718 : f32
      %broadcast_in_dim3A_2720 = vector.broadcast %sub3A_2719 : f32 to vector<8x2048xf32>
      %select_n3A_2721 = arith.select %gt3A_2716, %broadcast_in_dim3A_2720, %select_n3A_2714 : vector<8x2048xi1>, vector<8x2048xf32>
      %slice3A_2722 = vector.extract_strided_slice %dot_general3A_2345 {offsets = [424, 0], sizes = [8, 2048], strides = [1, 1]} : vector<512x2048xf32> to vector<8x2048xf32>
      %gt3A_2723 = arith.cmpf ogt, %slice3A_2722, %select_n3A_2717 : vector<8x2048xf32>
      %select_n3A_2724 = arith.select %gt3A_2723, %slice3A_2722, %select_n3A_2717 : vector<8x2048xi1>, vector<8x2048xf32>
      %sub3A_2725 = arith.constant 5.300000e+01 : f32
      %sub3A_2726 = arith.subf %convert_element_type3A_2350, %sub3A_2725 : f32
      %broadcast_in_dim3A_2727 = vector.broadcast %sub3A_2726 : f32 to vector<8x2048xf32>
      %select_n3A_2728 = arith.select %gt3A_2723, %broadcast_in_dim3A_2727, %select_n3A_2721 : vector<8x2048xi1>, vector<8x2048xf32>
      %slice3A_2729 = vector.extract_strided_slice %dot_general3A_2345 {offsets = [432, 0], sizes = [8, 2048], strides = [1, 1]} : vector<512x2048xf32> to vector<8x2048xf32>
      %gt3A_2730 = arith.cmpf ogt, %slice3A_2729, %select_n3A_2724 : vector<8x2048xf32>
      %select_n3A_2731 = arith.select %gt3A_2730, %slice3A_2729, %select_n3A_2724 : vector<8x2048xi1>, vector<8x2048xf32>
      %sub3A_2732 = arith.constant 5.400000e+01 : f32
      %sub3A_2733 = arith.subf %convert_element_type3A_2350, %sub3A_2732 : f32
      %broadcast_in_dim3A_2734 = vector.broadcast %sub3A_2733 : f32 to vector<8x2048xf32>
      %select_n3A_2735 = arith.select %gt3A_2730, %broadcast_in_dim3A_2734, %select_n3A_2728 : vector<8x2048xi1>, vector<8x2048xf32>
      %slice3A_2736 = vector.extract_strided_slice %dot_general3A_2345 {offsets = [440, 0], sizes = [8, 2048], strides = [1, 1]} : vector<512x2048xf32> to vector<8x2048xf32>
      %gt3A_2737 = arith.cmpf ogt, %slice3A_2736, %select_n3A_2731 : vector<8x2048xf32>
      %select_n3A_2738 = arith.select %gt3A_2737, %slice3A_2736, %select_n3A_2731 : vector<8x2048xi1>, vector<8x2048xf32>
      %sub3A_2739 = arith.constant 5.500000e+01 : f32
      %sub3A_2740 = arith.subf %convert_element_type3A_2350, %sub3A_2739 : f32
      %broadcast_in_dim3A_2741 = vector.broadcast %sub3A_2740 : f32 to vector<8x2048xf32>
      %select_n3A_2742 = arith.select %gt3A_2737, %broadcast_in_dim3A_2741, %select_n3A_2735 : vector<8x2048xi1>, vector<8x2048xf32>
      %slice3A_2743 = vector.extract_strided_slice %dot_general3A_2345 {offsets = [448, 0], sizes = [8, 2048], strides = [1, 1]} : vector<512x2048xf32> to vector<8x2048xf32>
      %gt3A_2744 = arith.cmpf ogt, %slice3A_2743, %select_n3A_2738 : vector<8x2048xf32>
      %select_n3A_2745 = arith.select %gt3A_2744, %slice3A_2743, %select_n3A_2738 : vector<8x2048xi1>, vector<8x2048xf32>
      %sub3A_2746 = arith.constant 5.600000e+01 : f32
      %sub3A_2747 = arith.subf %convert_element_type3A_2350, %sub3A_2746 : f32
      %broadcast_in_dim3A_2748 = vector.broadcast %sub3A_2747 : f32 to vector<8x2048xf32>
      %select_n3A_2749 = arith.select %gt3A_2744, %broadcast_in_dim3A_2748, %select_n3A_2742 : vector<8x2048xi1>, vector<8x2048xf32>
      %slice3A_2750 = vector.extract_strided_slice %dot_general3A_2345 {offsets = [456, 0], sizes = [8, 2048], strides = [1, 1]} : vector<512x2048xf32> to vector<8x2048xf32>
      %gt3A_2751 = arith.cmpf ogt, %slice3A_2750, %select_n3A_2745 : vector<8x2048xf32>
      %select_n3A_2752 = arith.select %gt3A_2751, %slice3A_2750, %select_n3A_2745 : vector<8x2048xi1>, vector<8x2048xf32>
      %sub3A_2753 = arith.constant 5.700000e+01 : f32
      %sub3A_2754 = arith.subf %convert_element_type3A_2350, %sub3A_2753 : f32
      %broadcast_in_dim3A_2755 = vector.broadcast %sub3A_2754 : f32 to vector<8x2048xf32>
      %select_n3A_2756 = arith.select %gt3A_2751, %broadcast_in_dim3A_2755, %select_n3A_2749 : vector<8x2048xi1>, vector<8x2048xf32>
      %slice3A_2757 = vector.extract_strided_slice %dot_general3A_2345 {offsets = [464, 0], sizes = [8, 2048], strides = [1, 1]} : vector<512x2048xf32> to vector<8x2048xf32>
      %gt3A_2758 = arith.cmpf ogt, %slice3A_2757, %select_n3A_2752 : vector<8x2048xf32>
      %select_n3A_2759 = arith.select %gt3A_2758, %slice3A_2757, %select_n3A_2752 : vector<8x2048xi1>, vector<8x2048xf32>
      %sub3A_2760 = arith.constant 5.800000e+01 : f32
      %sub3A_2761 = arith.subf %convert_element_type3A_2350, %sub3A_2760 : f32
      %broadcast_in_dim3A_2762 = vector.broadcast %sub3A_2761 : f32 to vector<8x2048xf32>
      %select_n3A_2763 = arith.select %gt3A_2758, %broadcast_in_dim3A_2762, %select_n3A_2756 : vector<8x2048xi1>, vector<8x2048xf32>
      %slice3A_2764 = vector.extract_strided_slice %dot_general3A_2345 {offsets = [472, 0], sizes = [8, 2048], strides = [1, 1]} : vector<512x2048xf32> to vector<8x2048xf32>
      %gt3A_2765 = arith.cmpf ogt, %slice3A_2764, %select_n3A_2759 : vector<8x2048xf32>
      %select_n3A_2766 = arith.select %gt3A_2765, %slice3A_2764, %select_n3A_2759 : vector<8x2048xi1>, vector<8x2048xf32>
      %sub3A_2767 = arith.constant 5.900000e+01 : f32
      %sub3A_2768 = arith.subf %convert_element_type3A_2350, %sub3A_2767 : f32
      %broadcast_in_dim3A_2769 = vector.broadcast %sub3A_2768 : f32 to vector<8x2048xf32>
      %select_n3A_2770 = arith.select %gt3A_2765, %broadcast_in_dim3A_2769, %select_n3A_2763 : vector<8x2048xi1>, vector<8x2048xf32>
      %slice3A_2771 = vector.extract_strided_slice %dot_general3A_2345 {offsets = [480, 0], sizes = [8, 2048], strides = [1, 1]} : vector<512x2048xf32> to vector<8x2048xf32>
      %gt3A_2772 = arith.cmpf ogt, %slice3A_2771, %select_n3A_2766 : vector<8x2048xf32>
      %select_n3A_2773 = arith.select %gt3A_2772, %slice3A_2771, %select_n3A_2766 : vector<8x2048xi1>, vector<8x2048xf32>
      %sub3A_2774 = arith.constant 6.000000e+01 : f32
      %sub3A_2775 = arith.subf %convert_element_type3A_2350, %sub3A_2774 : f32
      %broadcast_in_dim3A_2776 = vector.broadcast %sub3A_2775 : f32 to vector<8x2048xf32>
      %select_n3A_2777 = arith.select %gt3A_2772, %broadcast_in_dim3A_2776, %select_n3A_2770 : vector<8x2048xi1>, vector<8x2048xf32>
      %slice3A_2778 = vector.extract_strided_slice %dot_general3A_2345 {offsets = [488, 0], sizes = [8, 2048], strides = [1, 1]} : vector<512x2048xf32> to vector<8x2048xf32>
      %gt3A_2779 = arith.cmpf ogt, %slice3A_2778, %select_n3A_2773 : vector<8x2048xf32>
      %select_n3A_2780 = arith.select %gt3A_2779, %slice3A_2778, %select_n3A_2773 : vector<8x2048xi1>, vector<8x2048xf32>
      %sub3A_2781 = arith.constant 6.100000e+01 : f32
      %sub3A_2782 = arith.subf %convert_element_type3A_2350, %sub3A_2781 : f32
      %broadcast_in_dim3A_2783 = vector.broadcast %sub3A_2782 : f32 to vector<8x2048xf32>
      %select_n3A_2784 = arith.select %gt3A_2779, %broadcast_in_dim3A_2783, %select_n3A_2777 : vector<8x2048xi1>, vector<8x2048xf32>
      %slice3A_2785 = vector.extract_strided_slice %dot_general3A_2345 {offsets = [496, 0], sizes = [8, 2048], strides = [1, 1]} : vector<512x2048xf32> to vector<8x2048xf32>
      %gt3A_2786 = arith.cmpf ogt, %slice3A_2785, %select_n3A_2780 : vector<8x2048xf32>
      %select_n3A_2787 = arith.select %gt3A_2786, %slice3A_2785, %select_n3A_2780 : vector<8x2048xi1>, vector<8x2048xf32>
      %sub3A_2788 = arith.constant 6.200000e+01 : f32
      %sub3A_2789 = arith.subf %convert_element_type3A_2350, %sub3A_2788 : f32
      %broadcast_in_dim3A_2790 = vector.broadcast %sub3A_2789 : f32 to vector<8x2048xf32>
      %select_n3A_2791 = arith.select %gt3A_2786, %broadcast_in_dim3A_2790, %select_n3A_2784 : vector<8x2048xi1>, vector<8x2048xf32>
      %slice3A_2792 = vector.extract_strided_slice %dot_general3A_2345 {offsets = [504, 0], sizes = [8, 2048], strides = [1, 1]} : vector<512x2048xf32> to vector<8x2048xf32>
      %gt3A_2793 = arith.cmpf ogt, %slice3A_2792, %select_n3A_2787 : vector<8x2048xf32>
      %select_n3A_2794 = arith.select %gt3A_2793, %slice3A_2792, %select_n3A_2787 : vector<8x2048xi1>, vector<8x2048xf32>
      %sub3A_2795 = arith.constant 6.300000e+01 : f32
      %sub3A_2796 = arith.subf %convert_element_type3A_2350, %sub3A_2795 : f32
      %broadcast_in_dim3A_2797 = vector.broadcast %sub3A_2796 : f32 to vector<8x2048xf32>
      %select_n3A_2798 = arith.select %gt3A_2793, %broadcast_in_dim3A_2797, %select_n3A_2791 : vector<8x2048xi1>, vector<8x2048xf32>
      %scan3A_2799 = arith.constant 6 : i32
      %scan3A_2800 = arith.addi %scan3A_30, %scan3A_2799 : i32
      %mul3A_2801 = arith.constant 512 : i32
      %mul3A_2802 = arith.muli %scan3A_2800, %mul3A_2801 : i32
      %get3A_2803 = arith.index_cast %mul3A_2802 : i32 to index
      %get3A_2804 = arith.constant 0 : index
      %get3A_2805 = vector.load %arg1[%get3A_2803, %get3A_2804] : memref<8192x32xf32, #tpu.memory_space<vmem>>, vector<512x32xf32>
      %dot_general3A_2806 = arith.constant dense<0.000000e+00> : vector<512x2048xf32>
      %dot_general3A_2807 = tpu.matmul %get3A_2805, %get3A_1, %dot_general3A_2806 {dimension_numbers = #tpu.dot_dimension_numbers<[1], [0], [0], [1], [0, 0, 1, 1], [], []>, transpose_lhs_hint = false} : vector<512x32xf32>, vector<32x2048xf32>, vector<512x2048xf32> -> vector<512x2048xf32>
      %mul3A_2808 = arith.constant 64 : i32
      %mul3A_2809 = arith.muli %scan3A_2800, %mul3A_2808 : i32
      %neg3A_2810 = arith.constant 0 : i32
      %neg3A_2811 = arith.subi %neg3A_2810, %mul3A_2809 : i32
      %convert_element_type3A_2812 = arith.sitofp %neg3A_2811 : i32 to f32
      %slice3A_2813 = vector.extract_strided_slice %dot_general3A_2807 {offsets = [0, 0], sizes = [8, 2048], strides = [1, 1]} : vector<512x2048xf32> to vector<8x2048xf32>
      %gt3A_2814 = arith.cmpf ogt, %slice3A_2813, %select_n3A_2794 : vector<8x2048xf32>
      %select_n3A_2815 = arith.select %gt3A_2814, %slice3A_2813, %select_n3A_2794 : vector<8x2048xi1>, vector<8x2048xf32>
      %sub3A_2816 = arith.constant 0.000000e+00 : f32
      %sub3A_2817 = arith.subf %convert_element_type3A_2812, %sub3A_2816 : f32
      %broadcast_in_dim3A_2818 = vector.broadcast %sub3A_2817 : f32 to vector<8x2048xf32>
      %select_n3A_2819 = arith.select %gt3A_2814, %broadcast_in_dim3A_2818, %select_n3A_2798 : vector<8x2048xi1>, vector<8x2048xf32>
      %slice3A_2820 = vector.extract_strided_slice %dot_general3A_2807 {offsets = [8, 0], sizes = [8, 2048], strides = [1, 1]} : vector<512x2048xf32> to vector<8x2048xf32>
      %gt3A_2821 = arith.cmpf ogt, %slice3A_2820, %select_n3A_2815 : vector<8x2048xf32>
      %select_n3A_2822 = arith.select %gt3A_2821, %slice3A_2820, %select_n3A_2815 : vector<8x2048xi1>, vector<8x2048xf32>
      %sub3A_2823 = arith.constant 1.000000e+00 : f32
      %sub3A_2824 = arith.subf %convert_element_type3A_2812, %sub3A_2823 : f32
      %broadcast_in_dim3A_2825 = vector.broadcast %sub3A_2824 : f32 to vector<8x2048xf32>
      %select_n3A_2826 = arith.select %gt3A_2821, %broadcast_in_dim3A_2825, %select_n3A_2819 : vector<8x2048xi1>, vector<8x2048xf32>
      %slice3A_2827 = vector.extract_strided_slice %dot_general3A_2807 {offsets = [16, 0], sizes = [8, 2048], strides = [1, 1]} : vector<512x2048xf32> to vector<8x2048xf32>
      %gt3A_2828 = arith.cmpf ogt, %slice3A_2827, %select_n3A_2822 : vector<8x2048xf32>
      %select_n3A_2829 = arith.select %gt3A_2828, %slice3A_2827, %select_n3A_2822 : vector<8x2048xi1>, vector<8x2048xf32>
      %sub3A_2830 = arith.constant 2.000000e+00 : f32
      %sub3A_2831 = arith.subf %convert_element_type3A_2812, %sub3A_2830 : f32
      %broadcast_in_dim3A_2832 = vector.broadcast %sub3A_2831 : f32 to vector<8x2048xf32>
      %select_n3A_2833 = arith.select %gt3A_2828, %broadcast_in_dim3A_2832, %select_n3A_2826 : vector<8x2048xi1>, vector<8x2048xf32>
      %slice3A_2834 = vector.extract_strided_slice %dot_general3A_2807 {offsets = [24, 0], sizes = [8, 2048], strides = [1, 1]} : vector<512x2048xf32> to vector<8x2048xf32>
      %gt3A_2835 = arith.cmpf ogt, %slice3A_2834, %select_n3A_2829 : vector<8x2048xf32>
      %select_n3A_2836 = arith.select %gt3A_2835, %slice3A_2834, %select_n3A_2829 : vector<8x2048xi1>, vector<8x2048xf32>
      %sub3A_2837 = arith.constant 3.000000e+00 : f32
      %sub3A_2838 = arith.subf %convert_element_type3A_2812, %sub3A_2837 : f32
      %broadcast_in_dim3A_2839 = vector.broadcast %sub3A_2838 : f32 to vector<8x2048xf32>
      %select_n3A_2840 = arith.select %gt3A_2835, %broadcast_in_dim3A_2839, %select_n3A_2833 : vector<8x2048xi1>, vector<8x2048xf32>
      %slice3A_2841 = vector.extract_strided_slice %dot_general3A_2807 {offsets = [32, 0], sizes = [8, 2048], strides = [1, 1]} : vector<512x2048xf32> to vector<8x2048xf32>
      %gt3A_2842 = arith.cmpf ogt, %slice3A_2841, %select_n3A_2836 : vector<8x2048xf32>
      %select_n3A_2843 = arith.select %gt3A_2842, %slice3A_2841, %select_n3A_2836 : vector<8x2048xi1>, vector<8x2048xf32>
      %sub3A_2844 = arith.constant 4.000000e+00 : f32
      %sub3A_2845 = arith.subf %convert_element_type3A_2812, %sub3A_2844 : f32
      %broadcast_in_dim3A_2846 = vector.broadcast %sub3A_2845 : f32 to vector<8x2048xf32>
      %select_n3A_2847 = arith.select %gt3A_2842, %broadcast_in_dim3A_2846, %select_n3A_2840 : vector<8x2048xi1>, vector<8x2048xf32>
      %slice3A_2848 = vector.extract_strided_slice %dot_general3A_2807 {offsets = [40, 0], sizes = [8, 2048], strides = [1, 1]} : vector<512x2048xf32> to vector<8x2048xf32>
      %gt3A_2849 = arith.cmpf ogt, %slice3A_2848, %select_n3A_2843 : vector<8x2048xf32>
      %select_n3A_2850 = arith.select %gt3A_2849, %slice3A_2848, %select_n3A_2843 : vector<8x2048xi1>, vector<8x2048xf32>
      %sub3A_2851 = arith.constant 5.000000e+00 : f32
      %sub3A_2852 = arith.subf %convert_element_type3A_2812, %sub3A_2851 : f32
      %broadcast_in_dim3A_2853 = vector.broadcast %sub3A_2852 : f32 to vector<8x2048xf32>
      %select_n3A_2854 = arith.select %gt3A_2849, %broadcast_in_dim3A_2853, %select_n3A_2847 : vector<8x2048xi1>, vector<8x2048xf32>
      %slice3A_2855 = vector.extract_strided_slice %dot_general3A_2807 {offsets = [48, 0], sizes = [8, 2048], strides = [1, 1]} : vector<512x2048xf32> to vector<8x2048xf32>
      %gt3A_2856 = arith.cmpf ogt, %slice3A_2855, %select_n3A_2850 : vector<8x2048xf32>
      %select_n3A_2857 = arith.select %gt3A_2856, %slice3A_2855, %select_n3A_2850 : vector<8x2048xi1>, vector<8x2048xf32>
      %sub3A_2858 = arith.constant 6.000000e+00 : f32
      %sub3A_2859 = arith.subf %convert_element_type3A_2812, %sub3A_2858 : f32
      %broadcast_in_dim3A_2860 = vector.broadcast %sub3A_2859 : f32 to vector<8x2048xf32>
      %select_n3A_2861 = arith.select %gt3A_2856, %broadcast_in_dim3A_2860, %select_n3A_2854 : vector<8x2048xi1>, vector<8x2048xf32>
      %slice3A_2862 = vector.extract_strided_slice %dot_general3A_2807 {offsets = [56, 0], sizes = [8, 2048], strides = [1, 1]} : vector<512x2048xf32> to vector<8x2048xf32>
      %gt3A_2863 = arith.cmpf ogt, %slice3A_2862, %select_n3A_2857 : vector<8x2048xf32>
      %select_n3A_2864 = arith.select %gt3A_2863, %slice3A_2862, %select_n3A_2857 : vector<8x2048xi1>, vector<8x2048xf32>
      %sub3A_2865 = arith.constant 7.000000e+00 : f32
      %sub3A_2866 = arith.subf %convert_element_type3A_2812, %sub3A_2865 : f32
      %broadcast_in_dim3A_2867 = vector.broadcast %sub3A_2866 : f32 to vector<8x2048xf32>
      %select_n3A_2868 = arith.select %gt3A_2863, %broadcast_in_dim3A_2867, %select_n3A_2861 : vector<8x2048xi1>, vector<8x2048xf32>
      %slice3A_2869 = vector.extract_strided_slice %dot_general3A_2807 {offsets = [64, 0], sizes = [8, 2048], strides = [1, 1]} : vector<512x2048xf32> to vector<8x2048xf32>
      %gt3A_2870 = arith.cmpf ogt, %slice3A_2869, %select_n3A_2864 : vector<8x2048xf32>
      %select_n3A_2871 = arith.select %gt3A_2870, %slice3A_2869, %select_n3A_2864 : vector<8x2048xi1>, vector<8x2048xf32>
      %sub3A_2872 = arith.constant 8.000000e+00 : f32
      %sub3A_2873 = arith.subf %convert_element_type3A_2812, %sub3A_2872 : f32
      %broadcast_in_dim3A_2874 = vector.broadcast %sub3A_2873 : f32 to vector<8x2048xf32>
      %select_n3A_2875 = arith.select %gt3A_2870, %broadcast_in_dim3A_2874, %select_n3A_2868 : vector<8x2048xi1>, vector<8x2048xf32>
      %slice3A_2876 = vector.extract_strided_slice %dot_general3A_2807 {offsets = [72, 0], sizes = [8, 2048], strides = [1, 1]} : vector<512x2048xf32> to vector<8x2048xf32>
      %gt3A_2877 = arith.cmpf ogt, %slice3A_2876, %select_n3A_2871 : vector<8x2048xf32>
      %select_n3A_2878 = arith.select %gt3A_2877, %slice3A_2876, %select_n3A_2871 : vector<8x2048xi1>, vector<8x2048xf32>
      %sub3A_2879 = arith.constant 9.000000e+00 : f32
      %sub3A_2880 = arith.subf %convert_element_type3A_2812, %sub3A_2879 : f32
      %broadcast_in_dim3A_2881 = vector.broadcast %sub3A_2880 : f32 to vector<8x2048xf32>
      %select_n3A_2882 = arith.select %gt3A_2877, %broadcast_in_dim3A_2881, %select_n3A_2875 : vector<8x2048xi1>, vector<8x2048xf32>
      %slice3A_2883 = vector.extract_strided_slice %dot_general3A_2807 {offsets = [80, 0], sizes = [8, 2048], strides = [1, 1]} : vector<512x2048xf32> to vector<8x2048xf32>
      %gt3A_2884 = arith.cmpf ogt, %slice3A_2883, %select_n3A_2878 : vector<8x2048xf32>
      %select_n3A_2885 = arith.select %gt3A_2884, %slice3A_2883, %select_n3A_2878 : vector<8x2048xi1>, vector<8x2048xf32>
      %sub3A_2886 = arith.constant 1.000000e+01 : f32
      %sub3A_2887 = arith.subf %convert_element_type3A_2812, %sub3A_2886 : f32
      %broadcast_in_dim3A_2888 = vector.broadcast %sub3A_2887 : f32 to vector<8x2048xf32>
      %select_n3A_2889 = arith.select %gt3A_2884, %broadcast_in_dim3A_2888, %select_n3A_2882 : vector<8x2048xi1>, vector<8x2048xf32>
      %slice3A_2890 = vector.extract_strided_slice %dot_general3A_2807 {offsets = [88, 0], sizes = [8, 2048], strides = [1, 1]} : vector<512x2048xf32> to vector<8x2048xf32>
      %gt3A_2891 = arith.cmpf ogt, %slice3A_2890, %select_n3A_2885 : vector<8x2048xf32>
      %select_n3A_2892 = arith.select %gt3A_2891, %slice3A_2890, %select_n3A_2885 : vector<8x2048xi1>, vector<8x2048xf32>
      %sub3A_2893 = arith.constant 1.100000e+01 : f32
      %sub3A_2894 = arith.subf %convert_element_type3A_2812, %sub3A_2893 : f32
      %broadcast_in_dim3A_2895 = vector.broadcast %sub3A_2894 : f32 to vector<8x2048xf32>
      %select_n3A_2896 = arith.select %gt3A_2891, %broadcast_in_dim3A_2895, %select_n3A_2889 : vector<8x2048xi1>, vector<8x2048xf32>
      %slice3A_2897 = vector.extract_strided_slice %dot_general3A_2807 {offsets = [96, 0], sizes = [8, 2048], strides = [1, 1]} : vector<512x2048xf32> to vector<8x2048xf32>
      %gt3A_2898 = arith.cmpf ogt, %slice3A_2897, %select_n3A_2892 : vector<8x2048xf32>
      %select_n3A_2899 = arith.select %gt3A_2898, %slice3A_2897, %select_n3A_2892 : vector<8x2048xi1>, vector<8x2048xf32>
      %sub3A_2900 = arith.constant 1.200000e+01 : f32
      %sub3A_2901 = arith.subf %convert_element_type3A_2812, %sub3A_2900 : f32
      %broadcast_in_dim3A_2902 = vector.broadcast %sub3A_2901 : f32 to vector<8x2048xf32>
      %select_n3A_2903 = arith.select %gt3A_2898, %broadcast_in_dim3A_2902, %select_n3A_2896 : vector<8x2048xi1>, vector<8x2048xf32>
      %slice3A_2904 = vector.extract_strided_slice %dot_general3A_2807 {offsets = [104, 0], sizes = [8, 2048], strides = [1, 1]} : vector<512x2048xf32> to vector<8x2048xf32>
      %gt3A_2905 = arith.cmpf ogt, %slice3A_2904, %select_n3A_2899 : vector<8x2048xf32>
      %select_n3A_2906 = arith.select %gt3A_2905, %slice3A_2904, %select_n3A_2899 : vector<8x2048xi1>, vector<8x2048xf32>
      %sub3A_2907 = arith.constant 1.300000e+01 : f32
      %sub3A_2908 = arith.subf %convert_element_type3A_2812, %sub3A_2907 : f32
      %broadcast_in_dim3A_2909 = vector.broadcast %sub3A_2908 : f32 to vector<8x2048xf32>
      %select_n3A_2910 = arith.select %gt3A_2905, %broadcast_in_dim3A_2909, %select_n3A_2903 : vector<8x2048xi1>, vector<8x2048xf32>
      %slice3A_2911 = vector.extract_strided_slice %dot_general3A_2807 {offsets = [112, 0], sizes = [8, 2048], strides = [1, 1]} : vector<512x2048xf32> to vector<8x2048xf32>
      %gt3A_2912 = arith.cmpf ogt, %slice3A_2911, %select_n3A_2906 : vector<8x2048xf32>
      %select_n3A_2913 = arith.select %gt3A_2912, %slice3A_2911, %select_n3A_2906 : vector<8x2048xi1>, vector<8x2048xf32>
      %sub3A_2914 = arith.constant 1.400000e+01 : f32
      %sub3A_2915 = arith.subf %convert_element_type3A_2812, %sub3A_2914 : f32
      %broadcast_in_dim3A_2916 = vector.broadcast %sub3A_2915 : f32 to vector<8x2048xf32>
      %select_n3A_2917 = arith.select %gt3A_2912, %broadcast_in_dim3A_2916, %select_n3A_2910 : vector<8x2048xi1>, vector<8x2048xf32>
      %slice3A_2918 = vector.extract_strided_slice %dot_general3A_2807 {offsets = [120, 0], sizes = [8, 2048], strides = [1, 1]} : vector<512x2048xf32> to vector<8x2048xf32>
      %gt3A_2919 = arith.cmpf ogt, %slice3A_2918, %select_n3A_2913 : vector<8x2048xf32>
      %select_n3A_2920 = arith.select %gt3A_2919, %slice3A_2918, %select_n3A_2913 : vector<8x2048xi1>, vector<8x2048xf32>
      %sub3A_2921 = arith.constant 1.500000e+01 : f32
      %sub3A_2922 = arith.subf %convert_element_type3A_2812, %sub3A_2921 : f32
      %broadcast_in_dim3A_2923 = vector.broadcast %sub3A_2922 : f32 to vector<8x2048xf32>
      %select_n3A_2924 = arith.select %gt3A_2919, %broadcast_in_dim3A_2923, %select_n3A_2917 : vector<8x2048xi1>, vector<8x2048xf32>
      %slice3A_2925 = vector.extract_strided_slice %dot_general3A_2807 {offsets = [128, 0], sizes = [8, 2048], strides = [1, 1]} : vector<512x2048xf32> to vector<8x2048xf32>
      %gt3A_2926 = arith.cmpf ogt, %slice3A_2925, %select_n3A_2920 : vector<8x2048xf32>
      %select_n3A_2927 = arith.select %gt3A_2926, %slice3A_2925, %select_n3A_2920 : vector<8x2048xi1>, vector<8x2048xf32>
      %sub3A_2928 = arith.constant 1.600000e+01 : f32
      %sub3A_2929 = arith.subf %convert_element_type3A_2812, %sub3A_2928 : f32
      %broadcast_in_dim3A_2930 = vector.broadcast %sub3A_2929 : f32 to vector<8x2048xf32>
      %select_n3A_2931 = arith.select %gt3A_2926, %broadcast_in_dim3A_2930, %select_n3A_2924 : vector<8x2048xi1>, vector<8x2048xf32>
      %slice3A_2932 = vector.extract_strided_slice %dot_general3A_2807 {offsets = [136, 0], sizes = [8, 2048], strides = [1, 1]} : vector<512x2048xf32> to vector<8x2048xf32>
      %gt3A_2933 = arith.cmpf ogt, %slice3A_2932, %select_n3A_2927 : vector<8x2048xf32>
      %select_n3A_2934 = arith.select %gt3A_2933, %slice3A_2932, %select_n3A_2927 : vector<8x2048xi1>, vector<8x2048xf32>
      %sub3A_2935 = arith.constant 1.700000e+01 : f32
      %sub3A_2936 = arith.subf %convert_element_type3A_2812, %sub3A_2935 : f32
      %broadcast_in_dim3A_2937 = vector.broadcast %sub3A_2936 : f32 to vector<8x2048xf32>
      %select_n3A_2938 = arith.select %gt3A_2933, %broadcast_in_dim3A_2937, %select_n3A_2931 : vector<8x2048xi1>, vector<8x2048xf32>
      %slice3A_2939 = vector.extract_strided_slice %dot_general3A_2807 {offsets = [144, 0], sizes = [8, 2048], strides = [1, 1]} : vector<512x2048xf32> to vector<8x2048xf32>
      %gt3A_2940 = arith.cmpf ogt, %slice3A_2939, %select_n3A_2934 : vector<8x2048xf32>
      %select_n3A_2941 = arith.select %gt3A_2940, %slice3A_2939, %select_n3A_2934 : vector<8x2048xi1>, vector<8x2048xf32>
      %sub3A_2942 = arith.constant 1.800000e+01 : f32
      %sub3A_2943 = arith.subf %convert_element_type3A_2812, %sub3A_2942 : f32
      %broadcast_in_dim3A_2944 = vector.broadcast %sub3A_2943 : f32 to vector<8x2048xf32>
      %select_n3A_2945 = arith.select %gt3A_2940, %broadcast_in_dim3A_2944, %select_n3A_2938 : vector<8x2048xi1>, vector<8x2048xf32>
      %slice3A_2946 = vector.extract_strided_slice %dot_general3A_2807 {offsets = [152, 0], sizes = [8, 2048], strides = [1, 1]} : vector<512x2048xf32> to vector<8x2048xf32>
      %gt3A_2947 = arith.cmpf ogt, %slice3A_2946, %select_n3A_2941 : vector<8x2048xf32>
      %select_n3A_2948 = arith.select %gt3A_2947, %slice3A_2946, %select_n3A_2941 : vector<8x2048xi1>, vector<8x2048xf32>
      %sub3A_2949 = arith.constant 1.900000e+01 : f32
      %sub3A_2950 = arith.subf %convert_element_type3A_2812, %sub3A_2949 : f32
      %broadcast_in_dim3A_2951 = vector.broadcast %sub3A_2950 : f32 to vector<8x2048xf32>
      %select_n3A_2952 = arith.select %gt3A_2947, %broadcast_in_dim3A_2951, %select_n3A_2945 : vector<8x2048xi1>, vector<8x2048xf32>
      %slice3A_2953 = vector.extract_strided_slice %dot_general3A_2807 {offsets = [160, 0], sizes = [8, 2048], strides = [1, 1]} : vector<512x2048xf32> to vector<8x2048xf32>
      %gt3A_2954 = arith.cmpf ogt, %slice3A_2953, %select_n3A_2948 : vector<8x2048xf32>
      %select_n3A_2955 = arith.select %gt3A_2954, %slice3A_2953, %select_n3A_2948 : vector<8x2048xi1>, vector<8x2048xf32>
      %sub3A_2956 = arith.constant 2.000000e+01 : f32
      %sub3A_2957 = arith.subf %convert_element_type3A_2812, %sub3A_2956 : f32
      %broadcast_in_dim3A_2958 = vector.broadcast %sub3A_2957 : f32 to vector<8x2048xf32>
      %select_n3A_2959 = arith.select %gt3A_2954, %broadcast_in_dim3A_2958, %select_n3A_2952 : vector<8x2048xi1>, vector<8x2048xf32>
      %slice3A_2960 = vector.extract_strided_slice %dot_general3A_2807 {offsets = [168, 0], sizes = [8, 2048], strides = [1, 1]} : vector<512x2048xf32> to vector<8x2048xf32>
      %gt3A_2961 = arith.cmpf ogt, %slice3A_2960, %select_n3A_2955 : vector<8x2048xf32>
      %select_n3A_2962 = arith.select %gt3A_2961, %slice3A_2960, %select_n3A_2955 : vector<8x2048xi1>, vector<8x2048xf32>
      %sub3A_2963 = arith.constant 2.100000e+01 : f32
      %sub3A_2964 = arith.subf %convert_element_type3A_2812, %sub3A_2963 : f32
      %broadcast_in_dim3A_2965 = vector.broadcast %sub3A_2964 : f32 to vector<8x2048xf32>
      %select_n3A_2966 = arith.select %gt3A_2961, %broadcast_in_dim3A_2965, %select_n3A_2959 : vector<8x2048xi1>, vector<8x2048xf32>
      %slice3A_2967 = vector.extract_strided_slice %dot_general3A_2807 {offsets = [176, 0], sizes = [8, 2048], strides = [1, 1]} : vector<512x2048xf32> to vector<8x2048xf32>
      %gt3A_2968 = arith.cmpf ogt, %slice3A_2967, %select_n3A_2962 : vector<8x2048xf32>
      %select_n3A_2969 = arith.select %gt3A_2968, %slice3A_2967, %select_n3A_2962 : vector<8x2048xi1>, vector<8x2048xf32>
      %sub3A_2970 = arith.constant 2.200000e+01 : f32
      %sub3A_2971 = arith.subf %convert_element_type3A_2812, %sub3A_2970 : f32
      %broadcast_in_dim3A_2972 = vector.broadcast %sub3A_2971 : f32 to vector<8x2048xf32>
      %select_n3A_2973 = arith.select %gt3A_2968, %broadcast_in_dim3A_2972, %select_n3A_2966 : vector<8x2048xi1>, vector<8x2048xf32>
      %slice3A_2974 = vector.extract_strided_slice %dot_general3A_2807 {offsets = [184, 0], sizes = [8, 2048], strides = [1, 1]} : vector<512x2048xf32> to vector<8x2048xf32>
      %gt3A_2975 = arith.cmpf ogt, %slice3A_2974, %select_n3A_2969 : vector<8x2048xf32>
      %select_n3A_2976 = arith.select %gt3A_2975, %slice3A_2974, %select_n3A_2969 : vector<8x2048xi1>, vector<8x2048xf32>
      %sub3A_2977 = arith.constant 2.300000e+01 : f32
      %sub3A_2978 = arith.subf %convert_element_type3A_2812, %sub3A_2977 : f32
      %broadcast_in_dim3A_2979 = vector.broadcast %sub3A_2978 : f32 to vector<8x2048xf32>
      %select_n3A_2980 = arith.select %gt3A_2975, %broadcast_in_dim3A_2979, %select_n3A_2973 : vector<8x2048xi1>, vector<8x2048xf32>
      %slice3A_2981 = vector.extract_strided_slice %dot_general3A_2807 {offsets = [192, 0], sizes = [8, 2048], strides = [1, 1]} : vector<512x2048xf32> to vector<8x2048xf32>
      %gt3A_2982 = arith.cmpf ogt, %slice3A_2981, %select_n3A_2976 : vector<8x2048xf32>
      %select_n3A_2983 = arith.select %gt3A_2982, %slice3A_2981, %select_n3A_2976 : vector<8x2048xi1>, vector<8x2048xf32>
      %sub3A_2984 = arith.constant 2.400000e+01 : f32
      %sub3A_2985 = arith.subf %convert_element_type3A_2812, %sub3A_2984 : f32
      %broadcast_in_dim3A_2986 = vector.broadcast %sub3A_2985 : f32 to vector<8x2048xf32>
      %select_n3A_2987 = arith.select %gt3A_2982, %broadcast_in_dim3A_2986, %select_n3A_2980 : vector<8x2048xi1>, vector<8x2048xf32>
      %slice3A_2988 = vector.extract_strided_slice %dot_general3A_2807 {offsets = [200, 0], sizes = [8, 2048], strides = [1, 1]} : vector<512x2048xf32> to vector<8x2048xf32>
      %gt3A_2989 = arith.cmpf ogt, %slice3A_2988, %select_n3A_2983 : vector<8x2048xf32>
      %select_n3A_2990 = arith.select %gt3A_2989, %slice3A_2988, %select_n3A_2983 : vector<8x2048xi1>, vector<8x2048xf32>
      %sub3A_2991 = arith.constant 2.500000e+01 : f32
      %sub3A_2992 = arith.subf %convert_element_type3A_2812, %sub3A_2991 : f32
      %broadcast_in_dim3A_2993 = vector.broadcast %sub3A_2992 : f32 to vector<8x2048xf32>
      %select_n3A_2994 = arith.select %gt3A_2989, %broadcast_in_dim3A_2993, %select_n3A_2987 : vector<8x2048xi1>, vector<8x2048xf32>
      %slice3A_2995 = vector.extract_strided_slice %dot_general3A_2807 {offsets = [208, 0], sizes = [8, 2048], strides = [1, 1]} : vector<512x2048xf32> to vector<8x2048xf32>
      %gt3A_2996 = arith.cmpf ogt, %slice3A_2995, %select_n3A_2990 : vector<8x2048xf32>
      %select_n3A_2997 = arith.select %gt3A_2996, %slice3A_2995, %select_n3A_2990 : vector<8x2048xi1>, vector<8x2048xf32>
      %sub3A_2998 = arith.constant 2.600000e+01 : f32
      %sub3A_2999 = arith.subf %convert_element_type3A_2812, %sub3A_2998 : f32
      %broadcast_in_dim3A_3000 = vector.broadcast %sub3A_2999 : f32 to vector<8x2048xf32>
      %select_n3A_3001 = arith.select %gt3A_2996, %broadcast_in_dim3A_3000, %select_n3A_2994 : vector<8x2048xi1>, vector<8x2048xf32>
      %slice3A_3002 = vector.extract_strided_slice %dot_general3A_2807 {offsets = [216, 0], sizes = [8, 2048], strides = [1, 1]} : vector<512x2048xf32> to vector<8x2048xf32>
      %gt3A_3003 = arith.cmpf ogt, %slice3A_3002, %select_n3A_2997 : vector<8x2048xf32>
      %select_n3A_3004 = arith.select %gt3A_3003, %slice3A_3002, %select_n3A_2997 : vector<8x2048xi1>, vector<8x2048xf32>
      %sub3A_3005 = arith.constant 2.700000e+01 : f32
      %sub3A_3006 = arith.subf %convert_element_type3A_2812, %sub3A_3005 : f32
      %broadcast_in_dim3A_3007 = vector.broadcast %sub3A_3006 : f32 to vector<8x2048xf32>
      %select_n3A_3008 = arith.select %gt3A_3003, %broadcast_in_dim3A_3007, %select_n3A_3001 : vector<8x2048xi1>, vector<8x2048xf32>
      %slice3A_3009 = vector.extract_strided_slice %dot_general3A_2807 {offsets = [224, 0], sizes = [8, 2048], strides = [1, 1]} : vector<512x2048xf32> to vector<8x2048xf32>
      %gt3A_3010 = arith.cmpf ogt, %slice3A_3009, %select_n3A_3004 : vector<8x2048xf32>
      %select_n3A_3011 = arith.select %gt3A_3010, %slice3A_3009, %select_n3A_3004 : vector<8x2048xi1>, vector<8x2048xf32>
      %sub3A_3012 = arith.constant 2.800000e+01 : f32
      %sub3A_3013 = arith.subf %convert_element_type3A_2812, %sub3A_3012 : f32
      %broadcast_in_dim3A_3014 = vector.broadcast %sub3A_3013 : f32 to vector<8x2048xf32>
      %select_n3A_3015 = arith.select %gt3A_3010, %broadcast_in_dim3A_3014, %select_n3A_3008 : vector<8x2048xi1>, vector<8x2048xf32>
      %slice3A_3016 = vector.extract_strided_slice %dot_general3A_2807 {offsets = [232, 0], sizes = [8, 2048], strides = [1, 1]} : vector<512x2048xf32> to vector<8x2048xf32>
      %gt3A_3017 = arith.cmpf ogt, %slice3A_3016, %select_n3A_3011 : vector<8x2048xf32>
      %select_n3A_3018 = arith.select %gt3A_3017, %slice3A_3016, %select_n3A_3011 : vector<8x2048xi1>, vector<8x2048xf32>
      %sub3A_3019 = arith.constant 2.900000e+01 : f32
      %sub3A_3020 = arith.subf %convert_element_type3A_2812, %sub3A_3019 : f32
      %broadcast_in_dim3A_3021 = vector.broadcast %sub3A_3020 : f32 to vector<8x2048xf32>
      %select_n3A_3022 = arith.select %gt3A_3017, %broadcast_in_dim3A_3021, %select_n3A_3015 : vector<8x2048xi1>, vector<8x2048xf32>
      %slice3A_3023 = vector.extract_strided_slice %dot_general3A_2807 {offsets = [240, 0], sizes = [8, 2048], strides = [1, 1]} : vector<512x2048xf32> to vector<8x2048xf32>
      %gt3A_3024 = arith.cmpf ogt, %slice3A_3023, %select_n3A_3018 : vector<8x2048xf32>
      %select_n3A_3025 = arith.select %gt3A_3024, %slice3A_3023, %select_n3A_3018 : vector<8x2048xi1>, vector<8x2048xf32>
      %sub3A_3026 = arith.constant 3.000000e+01 : f32
      %sub3A_3027 = arith.subf %convert_element_type3A_2812, %sub3A_3026 : f32
      %broadcast_in_dim3A_3028 = vector.broadcast %sub3A_3027 : f32 to vector<8x2048xf32>
      %select_n3A_3029 = arith.select %gt3A_3024, %broadcast_in_dim3A_3028, %select_n3A_3022 : vector<8x2048xi1>, vector<8x2048xf32>
      %slice3A_3030 = vector.extract_strided_slice %dot_general3A_2807 {offsets = [248, 0], sizes = [8, 2048], strides = [1, 1]} : vector<512x2048xf32> to vector<8x2048xf32>
      %gt3A_3031 = arith.cmpf ogt, %slice3A_3030, %select_n3A_3025 : vector<8x2048xf32>
      %select_n3A_3032 = arith.select %gt3A_3031, %slice3A_3030, %select_n3A_3025 : vector<8x2048xi1>, vector<8x2048xf32>
      %sub3A_3033 = arith.constant 3.100000e+01 : f32
      %sub3A_3034 = arith.subf %convert_element_type3A_2812, %sub3A_3033 : f32
      %broadcast_in_dim3A_3035 = vector.broadcast %sub3A_3034 : f32 to vector<8x2048xf32>
      %select_n3A_3036 = arith.select %gt3A_3031, %broadcast_in_dim3A_3035, %select_n3A_3029 : vector<8x2048xi1>, vector<8x2048xf32>
      %slice3A_3037 = vector.extract_strided_slice %dot_general3A_2807 {offsets = [256, 0], sizes = [8, 2048], strides = [1, 1]} : vector<512x2048xf32> to vector<8x2048xf32>
      %gt3A_3038 = arith.cmpf ogt, %slice3A_3037, %select_n3A_3032 : vector<8x2048xf32>
      %select_n3A_3039 = arith.select %gt3A_3038, %slice3A_3037, %select_n3A_3032 : vector<8x2048xi1>, vector<8x2048xf32>
      %sub3A_3040 = arith.constant 3.200000e+01 : f32
      %sub3A_3041 = arith.subf %convert_element_type3A_2812, %sub3A_3040 : f32
      %broadcast_in_dim3A_3042 = vector.broadcast %sub3A_3041 : f32 to vector<8x2048xf32>
      %select_n3A_3043 = arith.select %gt3A_3038, %broadcast_in_dim3A_3042, %select_n3A_3036 : vector<8x2048xi1>, vector<8x2048xf32>
      %slice3A_3044 = vector.extract_strided_slice %dot_general3A_2807 {offsets = [264, 0], sizes = [8, 2048], strides = [1, 1]} : vector<512x2048xf32> to vector<8x2048xf32>
      %gt3A_3045 = arith.cmpf ogt, %slice3A_3044, %select_n3A_3039 : vector<8x2048xf32>
      %select_n3A_3046 = arith.select %gt3A_3045, %slice3A_3044, %select_n3A_3039 : vector<8x2048xi1>, vector<8x2048xf32>
      %sub3A_3047 = arith.constant 3.300000e+01 : f32
      %sub3A_3048 = arith.subf %convert_element_type3A_2812, %sub3A_3047 : f32
      %broadcast_in_dim3A_3049 = vector.broadcast %sub3A_3048 : f32 to vector<8x2048xf32>
      %select_n3A_3050 = arith.select %gt3A_3045, %broadcast_in_dim3A_3049, %select_n3A_3043 : vector<8x2048xi1>, vector<8x2048xf32>
      %slice3A_3051 = vector.extract_strided_slice %dot_general3A_2807 {offsets = [272, 0], sizes = [8, 2048], strides = [1, 1]} : vector<512x2048xf32> to vector<8x2048xf32>
      %gt3A_3052 = arith.cmpf ogt, %slice3A_3051, %select_n3A_3046 : vector<8x2048xf32>
      %select_n3A_3053 = arith.select %gt3A_3052, %slice3A_3051, %select_n3A_3046 : vector<8x2048xi1>, vector<8x2048xf32>
      %sub3A_3054 = arith.constant 3.400000e+01 : f32
      %sub3A_3055 = arith.subf %convert_element_type3A_2812, %sub3A_3054 : f32
      %broadcast_in_dim3A_3056 = vector.broadcast %sub3A_3055 : f32 to vector<8x2048xf32>
      %select_n3A_3057 = arith.select %gt3A_3052, %broadcast_in_dim3A_3056, %select_n3A_3050 : vector<8x2048xi1>, vector<8x2048xf32>
      %slice3A_3058 = vector.extract_strided_slice %dot_general3A_2807 {offsets = [280, 0], sizes = [8, 2048], strides = [1, 1]} : vector<512x2048xf32> to vector<8x2048xf32>
      %gt3A_3059 = arith.cmpf ogt, %slice3A_3058, %select_n3A_3053 : vector<8x2048xf32>
      %select_n3A_3060 = arith.select %gt3A_3059, %slice3A_3058, %select_n3A_3053 : vector<8x2048xi1>, vector<8x2048xf32>
      %sub3A_3061 = arith.constant 3.500000e+01 : f32
      %sub3A_3062 = arith.subf %convert_element_type3A_2812, %sub3A_3061 : f32
      %broadcast_in_dim3A_3063 = vector.broadcast %sub3A_3062 : f32 to vector<8x2048xf32>
      %select_n3A_3064 = arith.select %gt3A_3059, %broadcast_in_dim3A_3063, %select_n3A_3057 : vector<8x2048xi1>, vector<8x2048xf32>
      %slice3A_3065 = vector.extract_strided_slice %dot_general3A_2807 {offsets = [288, 0], sizes = [8, 2048], strides = [1, 1]} : vector<512x2048xf32> to vector<8x2048xf32>
      %gt3A_3066 = arith.cmpf ogt, %slice3A_3065, %select_n3A_3060 : vector<8x2048xf32>
      %select_n3A_3067 = arith.select %gt3A_3066, %slice3A_3065, %select_n3A_3060 : vector<8x2048xi1>, vector<8x2048xf32>
      %sub3A_3068 = arith.constant 3.600000e+01 : f32
      %sub3A_3069 = arith.subf %convert_element_type3A_2812, %sub3A_3068 : f32
      %broadcast_in_dim3A_3070 = vector.broadcast %sub3A_3069 : f32 to vector<8x2048xf32>
      %select_n3A_3071 = arith.select %gt3A_3066, %broadcast_in_dim3A_3070, %select_n3A_3064 : vector<8x2048xi1>, vector<8x2048xf32>
      %slice3A_3072 = vector.extract_strided_slice %dot_general3A_2807 {offsets = [296, 0], sizes = [8, 2048], strides = [1, 1]} : vector<512x2048xf32> to vector<8x2048xf32>
      %gt3A_3073 = arith.cmpf ogt, %slice3A_3072, %select_n3A_3067 : vector<8x2048xf32>
      %select_n3A_3074 = arith.select %gt3A_3073, %slice3A_3072, %select_n3A_3067 : vector<8x2048xi1>, vector<8x2048xf32>
      %sub3A_3075 = arith.constant 3.700000e+01 : f32
      %sub3A_3076 = arith.subf %convert_element_type3A_2812, %sub3A_3075 : f32
      %broadcast_in_dim3A_3077 = vector.broadcast %sub3A_3076 : f32 to vector<8x2048xf32>
      %select_n3A_3078 = arith.select %gt3A_3073, %broadcast_in_dim3A_3077, %select_n3A_3071 : vector<8x2048xi1>, vector<8x2048xf32>
      %slice3A_3079 = vector.extract_strided_slice %dot_general3A_2807 {offsets = [304, 0], sizes = [8, 2048], strides = [1, 1]} : vector<512x2048xf32> to vector<8x2048xf32>
      %gt3A_3080 = arith.cmpf ogt, %slice3A_3079, %select_n3A_3074 : vector<8x2048xf32>
      %select_n3A_3081 = arith.select %gt3A_3080, %slice3A_3079, %select_n3A_3074 : vector<8x2048xi1>, vector<8x2048xf32>
      %sub3A_3082 = arith.constant 3.800000e+01 : f32
      %sub3A_3083 = arith.subf %convert_element_type3A_2812, %sub3A_3082 : f32
      %broadcast_in_dim3A_3084 = vector.broadcast %sub3A_3083 : f32 to vector<8x2048xf32>
      %select_n3A_3085 = arith.select %gt3A_3080, %broadcast_in_dim3A_3084, %select_n3A_3078 : vector<8x2048xi1>, vector<8x2048xf32>
      %slice3A_3086 = vector.extract_strided_slice %dot_general3A_2807 {offsets = [312, 0], sizes = [8, 2048], strides = [1, 1]} : vector<512x2048xf32> to vector<8x2048xf32>
      %gt3A_3087 = arith.cmpf ogt, %slice3A_3086, %select_n3A_3081 : vector<8x2048xf32>
      %select_n3A_3088 = arith.select %gt3A_3087, %slice3A_3086, %select_n3A_3081 : vector<8x2048xi1>, vector<8x2048xf32>
      %sub3A_3089 = arith.constant 3.900000e+01 : f32
      %sub3A_3090 = arith.subf %convert_element_type3A_2812, %sub3A_3089 : f32
      %broadcast_in_dim3A_3091 = vector.broadcast %sub3A_3090 : f32 to vector<8x2048xf32>
      %select_n3A_3092 = arith.select %gt3A_3087, %broadcast_in_dim3A_3091, %select_n3A_3085 : vector<8x2048xi1>, vector<8x2048xf32>
      %slice3A_3093 = vector.extract_strided_slice %dot_general3A_2807 {offsets = [320, 0], sizes = [8, 2048], strides = [1, 1]} : vector<512x2048xf32> to vector<8x2048xf32>
      %gt3A_3094 = arith.cmpf ogt, %slice3A_3093, %select_n3A_3088 : vector<8x2048xf32>
      %select_n3A_3095 = arith.select %gt3A_3094, %slice3A_3093, %select_n3A_3088 : vector<8x2048xi1>, vector<8x2048xf32>
      %sub3A_3096 = arith.constant 4.000000e+01 : f32
      %sub3A_3097 = arith.subf %convert_element_type3A_2812, %sub3A_3096 : f32
      %broadcast_in_dim3A_3098 = vector.broadcast %sub3A_3097 : f32 to vector<8x2048xf32>
      %select_n3A_3099 = arith.select %gt3A_3094, %broadcast_in_dim3A_3098, %select_n3A_3092 : vector<8x2048xi1>, vector<8x2048xf32>
      %slice3A_3100 = vector.extract_strided_slice %dot_general3A_2807 {offsets = [328, 0], sizes = [8, 2048], strides = [1, 1]} : vector<512x2048xf32> to vector<8x2048xf32>
      %gt3A_3101 = arith.cmpf ogt, %slice3A_3100, %select_n3A_3095 : vector<8x2048xf32>
      %select_n3A_3102 = arith.select %gt3A_3101, %slice3A_3100, %select_n3A_3095 : vector<8x2048xi1>, vector<8x2048xf32>
      %sub3A_3103 = arith.constant 4.100000e+01 : f32
      %sub3A_3104 = arith.subf %convert_element_type3A_2812, %sub3A_3103 : f32
      %broadcast_in_dim3A_3105 = vector.broadcast %sub3A_3104 : f32 to vector<8x2048xf32>
      %select_n3A_3106 = arith.select %gt3A_3101, %broadcast_in_dim3A_3105, %select_n3A_3099 : vector<8x2048xi1>, vector<8x2048xf32>
      %slice3A_3107 = vector.extract_strided_slice %dot_general3A_2807 {offsets = [336, 0], sizes = [8, 2048], strides = [1, 1]} : vector<512x2048xf32> to vector<8x2048xf32>
      %gt3A_3108 = arith.cmpf ogt, %slice3A_3107, %select_n3A_3102 : vector<8x2048xf32>
      %select_n3A_3109 = arith.select %gt3A_3108, %slice3A_3107, %select_n3A_3102 : vector<8x2048xi1>, vector<8x2048xf32>
      %sub3A_3110 = arith.constant 4.200000e+01 : f32
      %sub3A_3111 = arith.subf %convert_element_type3A_2812, %sub3A_3110 : f32
      %broadcast_in_dim3A_3112 = vector.broadcast %sub3A_3111 : f32 to vector<8x2048xf32>
      %select_n3A_3113 = arith.select %gt3A_3108, %broadcast_in_dim3A_3112, %select_n3A_3106 : vector<8x2048xi1>, vector<8x2048xf32>
      %slice3A_3114 = vector.extract_strided_slice %dot_general3A_2807 {offsets = [344, 0], sizes = [8, 2048], strides = [1, 1]} : vector<512x2048xf32> to vector<8x2048xf32>
      %gt3A_3115 = arith.cmpf ogt, %slice3A_3114, %select_n3A_3109 : vector<8x2048xf32>
      %select_n3A_3116 = arith.select %gt3A_3115, %slice3A_3114, %select_n3A_3109 : vector<8x2048xi1>, vector<8x2048xf32>
      %sub3A_3117 = arith.constant 4.300000e+01 : f32
      %sub3A_3118 = arith.subf %convert_element_type3A_2812, %sub3A_3117 : f32
      %broadcast_in_dim3A_3119 = vector.broadcast %sub3A_3118 : f32 to vector<8x2048xf32>
      %select_n3A_3120 = arith.select %gt3A_3115, %broadcast_in_dim3A_3119, %select_n3A_3113 : vector<8x2048xi1>, vector<8x2048xf32>
      %slice3A_3121 = vector.extract_strided_slice %dot_general3A_2807 {offsets = [352, 0], sizes = [8, 2048], strides = [1, 1]} : vector<512x2048xf32> to vector<8x2048xf32>
      %gt3A_3122 = arith.cmpf ogt, %slice3A_3121, %select_n3A_3116 : vector<8x2048xf32>
      %select_n3A_3123 = arith.select %gt3A_3122, %slice3A_3121, %select_n3A_3116 : vector<8x2048xi1>, vector<8x2048xf32>
      %sub3A_3124 = arith.constant 4.400000e+01 : f32
      %sub3A_3125 = arith.subf %convert_element_type3A_2812, %sub3A_3124 : f32
      %broadcast_in_dim3A_3126 = vector.broadcast %sub3A_3125 : f32 to vector<8x2048xf32>
      %select_n3A_3127 = arith.select %gt3A_3122, %broadcast_in_dim3A_3126, %select_n3A_3120 : vector<8x2048xi1>, vector<8x2048xf32>
      %slice3A_3128 = vector.extract_strided_slice %dot_general3A_2807 {offsets = [360, 0], sizes = [8, 2048], strides = [1, 1]} : vector<512x2048xf32> to vector<8x2048xf32>
      %gt3A_3129 = arith.cmpf ogt, %slice3A_3128, %select_n3A_3123 : vector<8x2048xf32>
      %select_n3A_3130 = arith.select %gt3A_3129, %slice3A_3128, %select_n3A_3123 : vector<8x2048xi1>, vector<8x2048xf32>
      %sub3A_3131 = arith.constant 4.500000e+01 : f32
      %sub3A_3132 = arith.subf %convert_element_type3A_2812, %sub3A_3131 : f32
      %broadcast_in_dim3A_3133 = vector.broadcast %sub3A_3132 : f32 to vector<8x2048xf32>
      %select_n3A_3134 = arith.select %gt3A_3129, %broadcast_in_dim3A_3133, %select_n3A_3127 : vector<8x2048xi1>, vector<8x2048xf32>
      %slice3A_3135 = vector.extract_strided_slice %dot_general3A_2807 {offsets = [368, 0], sizes = [8, 2048], strides = [1, 1]} : vector<512x2048xf32> to vector<8x2048xf32>
      %gt3A_3136 = arith.cmpf ogt, %slice3A_3135, %select_n3A_3130 : vector<8x2048xf32>
      %select_n3A_3137 = arith.select %gt3A_3136, %slice3A_3135, %select_n3A_3130 : vector<8x2048xi1>, vector<8x2048xf32>
      %sub3A_3138 = arith.constant 4.600000e+01 : f32
      %sub3A_3139 = arith.subf %convert_element_type3A_2812, %sub3A_3138 : f32
      %broadcast_in_dim3A_3140 = vector.broadcast %sub3A_3139 : f32 to vector<8x2048xf32>
      %select_n3A_3141 = arith.select %gt3A_3136, %broadcast_in_dim3A_3140, %select_n3A_3134 : vector<8x2048xi1>, vector<8x2048xf32>
      %slice3A_3142 = vector.extract_strided_slice %dot_general3A_2807 {offsets = [376, 0], sizes = [8, 2048], strides = [1, 1]} : vector<512x2048xf32> to vector<8x2048xf32>
      %gt3A_3143 = arith.cmpf ogt, %slice3A_3142, %select_n3A_3137 : vector<8x2048xf32>
      %select_n3A_3144 = arith.select %gt3A_3143, %slice3A_3142, %select_n3A_3137 : vector<8x2048xi1>, vector<8x2048xf32>
      %sub3A_3145 = arith.constant 4.700000e+01 : f32
      %sub3A_3146 = arith.subf %convert_element_type3A_2812, %sub3A_3145 : f32
      %broadcast_in_dim3A_3147 = vector.broadcast %sub3A_3146 : f32 to vector<8x2048xf32>
      %select_n3A_3148 = arith.select %gt3A_3143, %broadcast_in_dim3A_3147, %select_n3A_3141 : vector<8x2048xi1>, vector<8x2048xf32>
      %slice3A_3149 = vector.extract_strided_slice %dot_general3A_2807 {offsets = [384, 0], sizes = [8, 2048], strides = [1, 1]} : vector<512x2048xf32> to vector<8x2048xf32>
      %gt3A_3150 = arith.cmpf ogt, %slice3A_3149, %select_n3A_3144 : vector<8x2048xf32>
      %select_n3A_3151 = arith.select %gt3A_3150, %slice3A_3149, %select_n3A_3144 : vector<8x2048xi1>, vector<8x2048xf32>
      %sub3A_3152 = arith.constant 4.800000e+01 : f32
      %sub3A_3153 = arith.subf %convert_element_type3A_2812, %sub3A_3152 : f32
      %broadcast_in_dim3A_3154 = vector.broadcast %sub3A_3153 : f32 to vector<8x2048xf32>
      %select_n3A_3155 = arith.select %gt3A_3150, %broadcast_in_dim3A_3154, %select_n3A_3148 : vector<8x2048xi1>, vector<8x2048xf32>
      %slice3A_3156 = vector.extract_strided_slice %dot_general3A_2807 {offsets = [392, 0], sizes = [8, 2048], strides = [1, 1]} : vector<512x2048xf32> to vector<8x2048xf32>
      %gt3A_3157 = arith.cmpf ogt, %slice3A_3156, %select_n3A_3151 : vector<8x2048xf32>
      %select_n3A_3158 = arith.select %gt3A_3157, %slice3A_3156, %select_n3A_3151 : vector<8x2048xi1>, vector<8x2048xf32>
      %sub3A_3159 = arith.constant 4.900000e+01 : f32
      %sub3A_3160 = arith.subf %convert_element_type3A_2812, %sub3A_3159 : f32
      %broadcast_in_dim3A_3161 = vector.broadcast %sub3A_3160 : f32 to vector<8x2048xf32>
      %select_n3A_3162 = arith.select %gt3A_3157, %broadcast_in_dim3A_3161, %select_n3A_3155 : vector<8x2048xi1>, vector<8x2048xf32>
      %slice3A_3163 = vector.extract_strided_slice %dot_general3A_2807 {offsets = [400, 0], sizes = [8, 2048], strides = [1, 1]} : vector<512x2048xf32> to vector<8x2048xf32>
      %gt3A_3164 = arith.cmpf ogt, %slice3A_3163, %select_n3A_3158 : vector<8x2048xf32>
      %select_n3A_3165 = arith.select %gt3A_3164, %slice3A_3163, %select_n3A_3158 : vector<8x2048xi1>, vector<8x2048xf32>
      %sub3A_3166 = arith.constant 5.000000e+01 : f32
      %sub3A_3167 = arith.subf %convert_element_type3A_2812, %sub3A_3166 : f32
      %broadcast_in_dim3A_3168 = vector.broadcast %sub3A_3167 : f32 to vector<8x2048xf32>
      %select_n3A_3169 = arith.select %gt3A_3164, %broadcast_in_dim3A_3168, %select_n3A_3162 : vector<8x2048xi1>, vector<8x2048xf32>
      %slice3A_3170 = vector.extract_strided_slice %dot_general3A_2807 {offsets = [408, 0], sizes = [8, 2048], strides = [1, 1]} : vector<512x2048xf32> to vector<8x2048xf32>
      %gt3A_3171 = arith.cmpf ogt, %slice3A_3170, %select_n3A_3165 : vector<8x2048xf32>
      %select_n3A_3172 = arith.select %gt3A_3171, %slice3A_3170, %select_n3A_3165 : vector<8x2048xi1>, vector<8x2048xf32>
      %sub3A_3173 = arith.constant 5.100000e+01 : f32
      %sub3A_3174 = arith.subf %convert_element_type3A_2812, %sub3A_3173 : f32
      %broadcast_in_dim3A_3175 = vector.broadcast %sub3A_3174 : f32 to vector<8x2048xf32>
      %select_n3A_3176 = arith.select %gt3A_3171, %broadcast_in_dim3A_3175, %select_n3A_3169 : vector<8x2048xi1>, vector<8x2048xf32>
      %slice3A_3177 = vector.extract_strided_slice %dot_general3A_2807 {offsets = [416, 0], sizes = [8, 2048], strides = [1, 1]} : vector<512x2048xf32> to vector<8x2048xf32>
      %gt3A_3178 = arith.cmpf ogt, %slice3A_3177, %select_n3A_3172 : vector<8x2048xf32>
      %select_n3A_3179 = arith.select %gt3A_3178, %slice3A_3177, %select_n3A_3172 : vector<8x2048xi1>, vector<8x2048xf32>
      %sub3A_3180 = arith.constant 5.200000e+01 : f32
      %sub3A_3181 = arith.subf %convert_element_type3A_2812, %sub3A_3180 : f32
      %broadcast_in_dim3A_3182 = vector.broadcast %sub3A_3181 : f32 to vector<8x2048xf32>
      %select_n3A_3183 = arith.select %gt3A_3178, %broadcast_in_dim3A_3182, %select_n3A_3176 : vector<8x2048xi1>, vector<8x2048xf32>
      %slice3A_3184 = vector.extract_strided_slice %dot_general3A_2807 {offsets = [424, 0], sizes = [8, 2048], strides = [1, 1]} : vector<512x2048xf32> to vector<8x2048xf32>
      %gt3A_3185 = arith.cmpf ogt, %slice3A_3184, %select_n3A_3179 : vector<8x2048xf32>
      %select_n3A_3186 = arith.select %gt3A_3185, %slice3A_3184, %select_n3A_3179 : vector<8x2048xi1>, vector<8x2048xf32>
      %sub3A_3187 = arith.constant 5.300000e+01 : f32
      %sub3A_3188 = arith.subf %convert_element_type3A_2812, %sub3A_3187 : f32
      %broadcast_in_dim3A_3189 = vector.broadcast %sub3A_3188 : f32 to vector<8x2048xf32>
      %select_n3A_3190 = arith.select %gt3A_3185, %broadcast_in_dim3A_3189, %select_n3A_3183 : vector<8x2048xi1>, vector<8x2048xf32>
      %slice3A_3191 = vector.extract_strided_slice %dot_general3A_2807 {offsets = [432, 0], sizes = [8, 2048], strides = [1, 1]} : vector<512x2048xf32> to vector<8x2048xf32>
      %gt3A_3192 = arith.cmpf ogt, %slice3A_3191, %select_n3A_3186 : vector<8x2048xf32>
      %select_n3A_3193 = arith.select %gt3A_3192, %slice3A_3191, %select_n3A_3186 : vector<8x2048xi1>, vector<8x2048xf32>
      %sub3A_3194 = arith.constant 5.400000e+01 : f32
      %sub3A_3195 = arith.subf %convert_element_type3A_2812, %sub3A_3194 : f32
      %broadcast_in_dim3A_3196 = vector.broadcast %sub3A_3195 : f32 to vector<8x2048xf32>
      %select_n3A_3197 = arith.select %gt3A_3192, %broadcast_in_dim3A_3196, %select_n3A_3190 : vector<8x2048xi1>, vector<8x2048xf32>
      %slice3A_3198 = vector.extract_strided_slice %dot_general3A_2807 {offsets = [440, 0], sizes = [8, 2048], strides = [1, 1]} : vector<512x2048xf32> to vector<8x2048xf32>
      %gt3A_3199 = arith.cmpf ogt, %slice3A_3198, %select_n3A_3193 : vector<8x2048xf32>
      %select_n3A_3200 = arith.select %gt3A_3199, %slice3A_3198, %select_n3A_3193 : vector<8x2048xi1>, vector<8x2048xf32>
      %sub3A_3201 = arith.constant 5.500000e+01 : f32
      %sub3A_3202 = arith.subf %convert_element_type3A_2812, %sub3A_3201 : f32
      %broadcast_in_dim3A_3203 = vector.broadcast %sub3A_3202 : f32 to vector<8x2048xf32>
      %select_n3A_3204 = arith.select %gt3A_3199, %broadcast_in_dim3A_3203, %select_n3A_3197 : vector<8x2048xi1>, vector<8x2048xf32>
      %slice3A_3205 = vector.extract_strided_slice %dot_general3A_2807 {offsets = [448, 0], sizes = [8, 2048], strides = [1, 1]} : vector<512x2048xf32> to vector<8x2048xf32>
      %gt3A_3206 = arith.cmpf ogt, %slice3A_3205, %select_n3A_3200 : vector<8x2048xf32>
      %select_n3A_3207 = arith.select %gt3A_3206, %slice3A_3205, %select_n3A_3200 : vector<8x2048xi1>, vector<8x2048xf32>
      %sub3A_3208 = arith.constant 5.600000e+01 : f32
      %sub3A_3209 = arith.subf %convert_element_type3A_2812, %sub3A_3208 : f32
      %broadcast_in_dim3A_3210 = vector.broadcast %sub3A_3209 : f32 to vector<8x2048xf32>
      %select_n3A_3211 = arith.select %gt3A_3206, %broadcast_in_dim3A_3210, %select_n3A_3204 : vector<8x2048xi1>, vector<8x2048xf32>
      %slice3A_3212 = vector.extract_strided_slice %dot_general3A_2807 {offsets = [456, 0], sizes = [8, 2048], strides = [1, 1]} : vector<512x2048xf32> to vector<8x2048xf32>
      %gt3A_3213 = arith.cmpf ogt, %slice3A_3212, %select_n3A_3207 : vector<8x2048xf32>
      %select_n3A_3214 = arith.select %gt3A_3213, %slice3A_3212, %select_n3A_3207 : vector<8x2048xi1>, vector<8x2048xf32>
      %sub3A_3215 = arith.constant 5.700000e+01 : f32
      %sub3A_3216 = arith.subf %convert_element_type3A_2812, %sub3A_3215 : f32
      %broadcast_in_dim3A_3217 = vector.broadcast %sub3A_3216 : f32 to vector<8x2048xf32>
      %select_n3A_3218 = arith.select %gt3A_3213, %broadcast_in_dim3A_3217, %select_n3A_3211 : vector<8x2048xi1>, vector<8x2048xf32>
      %slice3A_3219 = vector.extract_strided_slice %dot_general3A_2807 {offsets = [464, 0], sizes = [8, 2048], strides = [1, 1]} : vector<512x2048xf32> to vector<8x2048xf32>
      %gt3A_3220 = arith.cmpf ogt, %slice3A_3219, %select_n3A_3214 : vector<8x2048xf32>
      %select_n3A_3221 = arith.select %gt3A_3220, %slice3A_3219, %select_n3A_3214 : vector<8x2048xi1>, vector<8x2048xf32>
      %sub3A_3222 = arith.constant 5.800000e+01 : f32
      %sub3A_3223 = arith.subf %convert_element_type3A_2812, %sub3A_3222 : f32
      %broadcast_in_dim3A_3224 = vector.broadcast %sub3A_3223 : f32 to vector<8x2048xf32>
      %select_n3A_3225 = arith.select %gt3A_3220, %broadcast_in_dim3A_3224, %select_n3A_3218 : vector<8x2048xi1>, vector<8x2048xf32>
      %slice3A_3226 = vector.extract_strided_slice %dot_general3A_2807 {offsets = [472, 0], sizes = [8, 2048], strides = [1, 1]} : vector<512x2048xf32> to vector<8x2048xf32>
      %gt3A_3227 = arith.cmpf ogt, %slice3A_3226, %select_n3A_3221 : vector<8x2048xf32>
      %select_n3A_3228 = arith.select %gt3A_3227, %slice3A_3226, %select_n3A_3221 : vector<8x2048xi1>, vector<8x2048xf32>
      %sub3A_3229 = arith.constant 5.900000e+01 : f32
      %sub3A_3230 = arith.subf %convert_element_type3A_2812, %sub3A_3229 : f32
      %broadcast_in_dim3A_3231 = vector.broadcast %sub3A_3230 : f32 to vector<8x2048xf32>
      %select_n3A_3232 = arith.select %gt3A_3227, %broadcast_in_dim3A_3231, %select_n3A_3225 : vector<8x2048xi1>, vector<8x2048xf32>
      %slice3A_3233 = vector.extract_strided_slice %dot_general3A_2807 {offsets = [480, 0], sizes = [8, 2048], strides = [1, 1]} : vector<512x2048xf32> to vector<8x2048xf32>
      %gt3A_3234 = arith.cmpf ogt, %slice3A_3233, %select_n3A_3228 : vector<8x2048xf32>
      %select_n3A_3235 = arith.select %gt3A_3234, %slice3A_3233, %select_n3A_3228 : vector<8x2048xi1>, vector<8x2048xf32>
      %sub3A_3236 = arith.constant 6.000000e+01 : f32
      %sub3A_3237 = arith.subf %convert_element_type3A_2812, %sub3A_3236 : f32
      %broadcast_in_dim3A_3238 = vector.broadcast %sub3A_3237 : f32 to vector<8x2048xf32>
      %select_n3A_3239 = arith.select %gt3A_3234, %broadcast_in_dim3A_3238, %select_n3A_3232 : vector<8x2048xi1>, vector<8x2048xf32>
      %slice3A_3240 = vector.extract_strided_slice %dot_general3A_2807 {offsets = [488, 0], sizes = [8, 2048], strides = [1, 1]} : vector<512x2048xf32> to vector<8x2048xf32>
      %gt3A_3241 = arith.cmpf ogt, %slice3A_3240, %select_n3A_3235 : vector<8x2048xf32>
      %select_n3A_3242 = arith.select %gt3A_3241, %slice3A_3240, %select_n3A_3235 : vector<8x2048xi1>, vector<8x2048xf32>
      %sub3A_3243 = arith.constant 6.100000e+01 : f32
      %sub3A_3244 = arith.subf %convert_element_type3A_2812, %sub3A_3243 : f32
      %broadcast_in_dim3A_3245 = vector.broadcast %sub3A_3244 : f32 to vector<8x2048xf32>
      %select_n3A_3246 = arith.select %gt3A_3241, %broadcast_in_dim3A_3245, %select_n3A_3239 : vector<8x2048xi1>, vector<8x2048xf32>
      %slice3A_3247 = vector.extract_strided_slice %dot_general3A_2807 {offsets = [496, 0], sizes = [8, 2048], strides = [1, 1]} : vector<512x2048xf32> to vector<8x2048xf32>
      %gt3A_3248 = arith.cmpf ogt, %slice3A_3247, %select_n3A_3242 : vector<8x2048xf32>
      %select_n3A_3249 = arith.select %gt3A_3248, %slice3A_3247, %select_n3A_3242 : vector<8x2048xi1>, vector<8x2048xf32>
      %sub3A_3250 = arith.constant 6.200000e+01 : f32
      %sub3A_3251 = arith.subf %convert_element_type3A_2812, %sub3A_3250 : f32
      %broadcast_in_dim3A_3252 = vector.broadcast %sub3A_3251 : f32 to vector<8x2048xf32>
      %select_n3A_3253 = arith.select %gt3A_3248, %broadcast_in_dim3A_3252, %select_n3A_3246 : vector<8x2048xi1>, vector<8x2048xf32>
      %slice3A_3254 = vector.extract_strided_slice %dot_general3A_2807 {offsets = [504, 0], sizes = [8, 2048], strides = [1, 1]} : vector<512x2048xf32> to vector<8x2048xf32>
      %gt3A_3255 = arith.cmpf ogt, %slice3A_3254, %select_n3A_3249 : vector<8x2048xf32>
      %select_n3A_3256 = arith.select %gt3A_3255, %slice3A_3254, %select_n3A_3249 : vector<8x2048xi1>, vector<8x2048xf32>
      %sub3A_3257 = arith.constant 6.300000e+01 : f32
      %sub3A_3258 = arith.subf %convert_element_type3A_2812, %sub3A_3257 : f32
      %broadcast_in_dim3A_3259 = vector.broadcast %sub3A_3258 : f32 to vector<8x2048xf32>
      %select_n3A_3260 = arith.select %gt3A_3255, %broadcast_in_dim3A_3259, %select_n3A_3253 : vector<8x2048xi1>, vector<8x2048xf32>
      %scan3A_3261 = arith.constant 7 : i32
      %scan3A_3262 = arith.addi %scan3A_30, %scan3A_3261 : i32
      %mul3A_3263 = arith.constant 512 : i32
      %mul3A_3264 = arith.muli %scan3A_3262, %mul3A_3263 : i32
      %get3A_3265 = arith.index_cast %mul3A_3264 : i32 to index
      %get3A_3266 = arith.constant 0 : index
      %get3A_3267 = vector.load %arg1[%get3A_3265, %get3A_3266] : memref<8192x32xf32, #tpu.memory_space<vmem>>, vector<512x32xf32>
      %dot_general3A_3268 = arith.constant dense<0.000000e+00> : vector<512x2048xf32>
      %dot_general3A_3269 = tpu.matmul %get3A_3267, %get3A_1, %dot_general3A_3268 {dimension_numbers = #tpu.dot_dimension_numbers<[1], [0], [0], [1], [0, 0, 1, 1], [], []>, transpose_lhs_hint = false} : vector<512x32xf32>, vector<32x2048xf32>, vector<512x2048xf32> -> vector<512x2048xf32>
      %mul3A_3270 = arith.constant 64 : i32
      %mul3A_3271 = arith.muli %scan3A_3262, %mul3A_3270 : i32
      %neg3A_3272 = arith.constant 0 : i32
      %neg3A_3273 = arith.subi %neg3A_3272, %mul3A_3271 : i32
      %convert_element_type3A_3274 = arith.sitofp %neg3A_3273 : i32 to f32
      %slice3A_3275 = vector.extract_strided_slice %dot_general3A_3269 {offsets = [0, 0], sizes = [8, 2048], strides = [1, 1]} : vector<512x2048xf32> to vector<8x2048xf32>
      %gt3A_3276 = arith.cmpf ogt, %slice3A_3275, %select_n3A_3256 : vector<8x2048xf32>
      %select_n3A_3277 = arith.select %gt3A_3276, %slice3A_3275, %select_n3A_3256 : vector<8x2048xi1>, vector<8x2048xf32>
      %sub3A_3278 = arith.constant 0.000000e+00 : f32
      %sub3A_3279 = arith.subf %convert_element_type3A_3274, %sub3A_3278 : f32
      %broadcast_in_dim3A_3280 = vector.broadcast %sub3A_3279 : f32 to vector<8x2048xf32>
      %select_n3A_3281 = arith.select %gt3A_3276, %broadcast_in_dim3A_3280, %select_n3A_3260 : vector<8x2048xi1>, vector<8x2048xf32>
      %slice3A_3282 = vector.extract_strided_slice %dot_general3A_3269 {offsets = [8, 0], sizes = [8, 2048], strides = [1, 1]} : vector<512x2048xf32> to vector<8x2048xf32>
      %gt3A_3283 = arith.cmpf ogt, %slice3A_3282, %select_n3A_3277 : vector<8x2048xf32>
      %select_n3A_3284 = arith.select %gt3A_3283, %slice3A_3282, %select_n3A_3277 : vector<8x2048xi1>, vector<8x2048xf32>
      %sub3A_3285 = arith.constant 1.000000e+00 : f32
      %sub3A_3286 = arith.subf %convert_element_type3A_3274, %sub3A_3285 : f32
      %broadcast_in_dim3A_3287 = vector.broadcast %sub3A_3286 : f32 to vector<8x2048xf32>
      %select_n3A_3288 = arith.select %gt3A_3283, %broadcast_in_dim3A_3287, %select_n3A_3281 : vector<8x2048xi1>, vector<8x2048xf32>
      %slice3A_3289 = vector.extract_strided_slice %dot_general3A_3269 {offsets = [16, 0], sizes = [8, 2048], strides = [1, 1]} : vector<512x2048xf32> to vector<8x2048xf32>
      %gt3A_3290 = arith.cmpf ogt, %slice3A_3289, %select_n3A_3284 : vector<8x2048xf32>
      %select_n3A_3291 = arith.select %gt3A_3290, %slice3A_3289, %select_n3A_3284 : vector<8x2048xi1>, vector<8x2048xf32>
      %sub3A_3292 = arith.constant 2.000000e+00 : f32
      %sub3A_3293 = arith.subf %convert_element_type3A_3274, %sub3A_3292 : f32
      %broadcast_in_dim3A_3294 = vector.broadcast %sub3A_3293 : f32 to vector<8x2048xf32>
      %select_n3A_3295 = arith.select %gt3A_3290, %broadcast_in_dim3A_3294, %select_n3A_3288 : vector<8x2048xi1>, vector<8x2048xf32>
      %slice3A_3296 = vector.extract_strided_slice %dot_general3A_3269 {offsets = [24, 0], sizes = [8, 2048], strides = [1, 1]} : vector<512x2048xf32> to vector<8x2048xf32>
      %gt3A_3297 = arith.cmpf ogt, %slice3A_3296, %select_n3A_3291 : vector<8x2048xf32>
      %select_n3A_3298 = arith.select %gt3A_3297, %slice3A_3296, %select_n3A_3291 : vector<8x2048xi1>, vector<8x2048xf32>
      %sub3A_3299 = arith.constant 3.000000e+00 : f32
      %sub3A_3300 = arith.subf %convert_element_type3A_3274, %sub3A_3299 : f32
      %broadcast_in_dim3A_3301 = vector.broadcast %sub3A_3300 : f32 to vector<8x2048xf32>
      %select_n3A_3302 = arith.select %gt3A_3297, %broadcast_in_dim3A_3301, %select_n3A_3295 : vector<8x2048xi1>, vector<8x2048xf32>
      %slice3A_3303 = vector.extract_strided_slice %dot_general3A_3269 {offsets = [32, 0], sizes = [8, 2048], strides = [1, 1]} : vector<512x2048xf32> to vector<8x2048xf32>
      %gt3A_3304 = arith.cmpf ogt, %slice3A_3303, %select_n3A_3298 : vector<8x2048xf32>
      %select_n3A_3305 = arith.select %gt3A_3304, %slice3A_3303, %select_n3A_3298 : vector<8x2048xi1>, vector<8x2048xf32>
      %sub3A_3306 = arith.constant 4.000000e+00 : f32
      %sub3A_3307 = arith.subf %convert_element_type3A_3274, %sub3A_3306 : f32
      %broadcast_in_dim3A_3308 = vector.broadcast %sub3A_3307 : f32 to vector<8x2048xf32>
      %select_n3A_3309 = arith.select %gt3A_3304, %broadcast_in_dim3A_3308, %select_n3A_3302 : vector<8x2048xi1>, vector<8x2048xf32>
      %slice3A_3310 = vector.extract_strided_slice %dot_general3A_3269 {offsets = [40, 0], sizes = [8, 2048], strides = [1, 1]} : vector<512x2048xf32> to vector<8x2048xf32>
      %gt3A_3311 = arith.cmpf ogt, %slice3A_3310, %select_n3A_3305 : vector<8x2048xf32>
      %select_n3A_3312 = arith.select %gt3A_3311, %slice3A_3310, %select_n3A_3305 : vector<8x2048xi1>, vector<8x2048xf32>
      %sub3A_3313 = arith.constant 5.000000e+00 : f32
      %sub3A_3314 = arith.subf %convert_element_type3A_3274, %sub3A_3313 : f32
      %broadcast_in_dim3A_3315 = vector.broadcast %sub3A_3314 : f32 to vector<8x2048xf32>
      %select_n3A_3316 = arith.select %gt3A_3311, %broadcast_in_dim3A_3315, %select_n3A_3309 : vector<8x2048xi1>, vector<8x2048xf32>
      %slice3A_3317 = vector.extract_strided_slice %dot_general3A_3269 {offsets = [48, 0], sizes = [8, 2048], strides = [1, 1]} : vector<512x2048xf32> to vector<8x2048xf32>
      %gt3A_3318 = arith.cmpf ogt, %slice3A_3317, %select_n3A_3312 : vector<8x2048xf32>
      %select_n3A_3319 = arith.select %gt3A_3318, %slice3A_3317, %select_n3A_3312 : vector<8x2048xi1>, vector<8x2048xf32>
      %sub3A_3320 = arith.constant 6.000000e+00 : f32
      %sub3A_3321 = arith.subf %convert_element_type3A_3274, %sub3A_3320 : f32
      %broadcast_in_dim3A_3322 = vector.broadcast %sub3A_3321 : f32 to vector<8x2048xf32>
      %select_n3A_3323 = arith.select %gt3A_3318, %broadcast_in_dim3A_3322, %select_n3A_3316 : vector<8x2048xi1>, vector<8x2048xf32>
      %slice3A_3324 = vector.extract_strided_slice %dot_general3A_3269 {offsets = [56, 0], sizes = [8, 2048], strides = [1, 1]} : vector<512x2048xf32> to vector<8x2048xf32>
      %gt3A_3325 = arith.cmpf ogt, %slice3A_3324, %select_n3A_3319 : vector<8x2048xf32>
      %select_n3A_3326 = arith.select %gt3A_3325, %slice3A_3324, %select_n3A_3319 : vector<8x2048xi1>, vector<8x2048xf32>
      %sub3A_3327 = arith.constant 7.000000e+00 : f32
      %sub3A_3328 = arith.subf %convert_element_type3A_3274, %sub3A_3327 : f32
      %broadcast_in_dim3A_3329 = vector.broadcast %sub3A_3328 : f32 to vector<8x2048xf32>
      %select_n3A_3330 = arith.select %gt3A_3325, %broadcast_in_dim3A_3329, %select_n3A_3323 : vector<8x2048xi1>, vector<8x2048xf32>
      %slice3A_3331 = vector.extract_strided_slice %dot_general3A_3269 {offsets = [64, 0], sizes = [8, 2048], strides = [1, 1]} : vector<512x2048xf32> to vector<8x2048xf32>
      %gt3A_3332 = arith.cmpf ogt, %slice3A_3331, %select_n3A_3326 : vector<8x2048xf32>
      %select_n3A_3333 = arith.select %gt3A_3332, %slice3A_3331, %select_n3A_3326 : vector<8x2048xi1>, vector<8x2048xf32>
      %sub3A_3334 = arith.constant 8.000000e+00 : f32
      %sub3A_3335 = arith.subf %convert_element_type3A_3274, %sub3A_3334 : f32
      %broadcast_in_dim3A_3336 = vector.broadcast %sub3A_3335 : f32 to vector<8x2048xf32>
      %select_n3A_3337 = arith.select %gt3A_3332, %broadcast_in_dim3A_3336, %select_n3A_3330 : vector<8x2048xi1>, vector<8x2048xf32>
      %slice3A_3338 = vector.extract_strided_slice %dot_general3A_3269 {offsets = [72, 0], sizes = [8, 2048], strides = [1, 1]} : vector<512x2048xf32> to vector<8x2048xf32>
      %gt3A_3339 = arith.cmpf ogt, %slice3A_3338, %select_n3A_3333 : vector<8x2048xf32>
      %select_n3A_3340 = arith.select %gt3A_3339, %slice3A_3338, %select_n3A_3333 : vector<8x2048xi1>, vector<8x2048xf32>
      %sub3A_3341 = arith.constant 9.000000e+00 : f32
      %sub3A_3342 = arith.subf %convert_element_type3A_3274, %sub3A_3341 : f32
      %broadcast_in_dim3A_3343 = vector.broadcast %sub3A_3342 : f32 to vector<8x2048xf32>
      %select_n3A_3344 = arith.select %gt3A_3339, %broadcast_in_dim3A_3343, %select_n3A_3337 : vector<8x2048xi1>, vector<8x2048xf32>
      %slice3A_3345 = vector.extract_strided_slice %dot_general3A_3269 {offsets = [80, 0], sizes = [8, 2048], strides = [1, 1]} : vector<512x2048xf32> to vector<8x2048xf32>
      %gt3A_3346 = arith.cmpf ogt, %slice3A_3345, %select_n3A_3340 : vector<8x2048xf32>
      %select_n3A_3347 = arith.select %gt3A_3346, %slice3A_3345, %select_n3A_3340 : vector<8x2048xi1>, vector<8x2048xf32>
      %sub3A_3348 = arith.constant 1.000000e+01 : f32
      %sub3A_3349 = arith.subf %convert_element_type3A_3274, %sub3A_3348 : f32
      %broadcast_in_dim3A_3350 = vector.broadcast %sub3A_3349 : f32 to vector<8x2048xf32>
      %select_n3A_3351 = arith.select %gt3A_3346, %broadcast_in_dim3A_3350, %select_n3A_3344 : vector<8x2048xi1>, vector<8x2048xf32>
      %slice3A_3352 = vector.extract_strided_slice %dot_general3A_3269 {offsets = [88, 0], sizes = [8, 2048], strides = [1, 1]} : vector<512x2048xf32> to vector<8x2048xf32>
      %gt3A_3353 = arith.cmpf ogt, %slice3A_3352, %select_n3A_3347 : vector<8x2048xf32>
      %select_n3A_3354 = arith.select %gt3A_3353, %slice3A_3352, %select_n3A_3347 : vector<8x2048xi1>, vector<8x2048xf32>
      %sub3A_3355 = arith.constant 1.100000e+01 : f32
      %sub3A_3356 = arith.subf %convert_element_type3A_3274, %sub3A_3355 : f32
      %broadcast_in_dim3A_3357 = vector.broadcast %sub3A_3356 : f32 to vector<8x2048xf32>
      %select_n3A_3358 = arith.select %gt3A_3353, %broadcast_in_dim3A_3357, %select_n3A_3351 : vector<8x2048xi1>, vector<8x2048xf32>
      %slice3A_3359 = vector.extract_strided_slice %dot_general3A_3269 {offsets = [96, 0], sizes = [8, 2048], strides = [1, 1]} : vector<512x2048xf32> to vector<8x2048xf32>
      %gt3A_3360 = arith.cmpf ogt, %slice3A_3359, %select_n3A_3354 : vector<8x2048xf32>
      %select_n3A_3361 = arith.select %gt3A_3360, %slice3A_3359, %select_n3A_3354 : vector<8x2048xi1>, vector<8x2048xf32>
      %sub3A_3362 = arith.constant 1.200000e+01 : f32
      %sub3A_3363 = arith.subf %convert_element_type3A_3274, %sub3A_3362 : f32
      %broadcast_in_dim3A_3364 = vector.broadcast %sub3A_3363 : f32 to vector<8x2048xf32>
      %select_n3A_3365 = arith.select %gt3A_3360, %broadcast_in_dim3A_3364, %select_n3A_3358 : vector<8x2048xi1>, vector<8x2048xf32>
      %slice3A_3366 = vector.extract_strided_slice %dot_general3A_3269 {offsets = [104, 0], sizes = [8, 2048], strides = [1, 1]} : vector<512x2048xf32> to vector<8x2048xf32>
      %gt3A_3367 = arith.cmpf ogt, %slice3A_3366, %select_n3A_3361 : vector<8x2048xf32>
      %select_n3A_3368 = arith.select %gt3A_3367, %slice3A_3366, %select_n3A_3361 : vector<8x2048xi1>, vector<8x2048xf32>
      %sub3A_3369 = arith.constant 1.300000e+01 : f32
      %sub3A_3370 = arith.subf %convert_element_type3A_3274, %sub3A_3369 : f32
      %broadcast_in_dim3A_3371 = vector.broadcast %sub3A_3370 : f32 to vector<8x2048xf32>
      %select_n3A_3372 = arith.select %gt3A_3367, %broadcast_in_dim3A_3371, %select_n3A_3365 : vector<8x2048xi1>, vector<8x2048xf32>
      %slice3A_3373 = vector.extract_strided_slice %dot_general3A_3269 {offsets = [112, 0], sizes = [8, 2048], strides = [1, 1]} : vector<512x2048xf32> to vector<8x2048xf32>
      %gt3A_3374 = arith.cmpf ogt, %slice3A_3373, %select_n3A_3368 : vector<8x2048xf32>
      %select_n3A_3375 = arith.select %gt3A_3374, %slice3A_3373, %select_n3A_3368 : vector<8x2048xi1>, vector<8x2048xf32>
      %sub3A_3376 = arith.constant 1.400000e+01 : f32
      %sub3A_3377 = arith.subf %convert_element_type3A_3274, %sub3A_3376 : f32
      %broadcast_in_dim3A_3378 = vector.broadcast %sub3A_3377 : f32 to vector<8x2048xf32>
      %select_n3A_3379 = arith.select %gt3A_3374, %broadcast_in_dim3A_3378, %select_n3A_3372 : vector<8x2048xi1>, vector<8x2048xf32>
      %slice3A_3380 = vector.extract_strided_slice %dot_general3A_3269 {offsets = [120, 0], sizes = [8, 2048], strides = [1, 1]} : vector<512x2048xf32> to vector<8x2048xf32>
      %gt3A_3381 = arith.cmpf ogt, %slice3A_3380, %select_n3A_3375 : vector<8x2048xf32>
      %select_n3A_3382 = arith.select %gt3A_3381, %slice3A_3380, %select_n3A_3375 : vector<8x2048xi1>, vector<8x2048xf32>
      %sub3A_3383 = arith.constant 1.500000e+01 : f32
      %sub3A_3384 = arith.subf %convert_element_type3A_3274, %sub3A_3383 : f32
      %broadcast_in_dim3A_3385 = vector.broadcast %sub3A_3384 : f32 to vector<8x2048xf32>
      %select_n3A_3386 = arith.select %gt3A_3381, %broadcast_in_dim3A_3385, %select_n3A_3379 : vector<8x2048xi1>, vector<8x2048xf32>
      %slice3A_3387 = vector.extract_strided_slice %dot_general3A_3269 {offsets = [128, 0], sizes = [8, 2048], strides = [1, 1]} : vector<512x2048xf32> to vector<8x2048xf32>
      %gt3A_3388 = arith.cmpf ogt, %slice3A_3387, %select_n3A_3382 : vector<8x2048xf32>
      %select_n3A_3389 = arith.select %gt3A_3388, %slice3A_3387, %select_n3A_3382 : vector<8x2048xi1>, vector<8x2048xf32>
      %sub3A_3390 = arith.constant 1.600000e+01 : f32
      %sub3A_3391 = arith.subf %convert_element_type3A_3274, %sub3A_3390 : f32
      %broadcast_in_dim3A_3392 = vector.broadcast %sub3A_3391 : f32 to vector<8x2048xf32>
      %select_n3A_3393 = arith.select %gt3A_3388, %broadcast_in_dim3A_3392, %select_n3A_3386 : vector<8x2048xi1>, vector<8x2048xf32>
      %slice3A_3394 = vector.extract_strided_slice %dot_general3A_3269 {offsets = [136, 0], sizes = [8, 2048], strides = [1, 1]} : vector<512x2048xf32> to vector<8x2048xf32>
      %gt3A_3395 = arith.cmpf ogt, %slice3A_3394, %select_n3A_3389 : vector<8x2048xf32>
      %select_n3A_3396 = arith.select %gt3A_3395, %slice3A_3394, %select_n3A_3389 : vector<8x2048xi1>, vector<8x2048xf32>
      %sub3A_3397 = arith.constant 1.700000e+01 : f32
      %sub3A_3398 = arith.subf %convert_element_type3A_3274, %sub3A_3397 : f32
      %broadcast_in_dim3A_3399 = vector.broadcast %sub3A_3398 : f32 to vector<8x2048xf32>
      %select_n3A_3400 = arith.select %gt3A_3395, %broadcast_in_dim3A_3399, %select_n3A_3393 : vector<8x2048xi1>, vector<8x2048xf32>
      %slice3A_3401 = vector.extract_strided_slice %dot_general3A_3269 {offsets = [144, 0], sizes = [8, 2048], strides = [1, 1]} : vector<512x2048xf32> to vector<8x2048xf32>
      %gt3A_3402 = arith.cmpf ogt, %slice3A_3401, %select_n3A_3396 : vector<8x2048xf32>
      %select_n3A_3403 = arith.select %gt3A_3402, %slice3A_3401, %select_n3A_3396 : vector<8x2048xi1>, vector<8x2048xf32>
      %sub3A_3404 = arith.constant 1.800000e+01 : f32
      %sub3A_3405 = arith.subf %convert_element_type3A_3274, %sub3A_3404 : f32
      %broadcast_in_dim3A_3406 = vector.broadcast %sub3A_3405 : f32 to vector<8x2048xf32>
      %select_n3A_3407 = arith.select %gt3A_3402, %broadcast_in_dim3A_3406, %select_n3A_3400 : vector<8x2048xi1>, vector<8x2048xf32>
      %slice3A_3408 = vector.extract_strided_slice %dot_general3A_3269 {offsets = [152, 0], sizes = [8, 2048], strides = [1, 1]} : vector<512x2048xf32> to vector<8x2048xf32>
      %gt3A_3409 = arith.cmpf ogt, %slice3A_3408, %select_n3A_3403 : vector<8x2048xf32>
      %select_n3A_3410 = arith.select %gt3A_3409, %slice3A_3408, %select_n3A_3403 : vector<8x2048xi1>, vector<8x2048xf32>
      %sub3A_3411 = arith.constant 1.900000e+01 : f32
      %sub3A_3412 = arith.subf %convert_element_type3A_3274, %sub3A_3411 : f32
      %broadcast_in_dim3A_3413 = vector.broadcast %sub3A_3412 : f32 to vector<8x2048xf32>
      %select_n3A_3414 = arith.select %gt3A_3409, %broadcast_in_dim3A_3413, %select_n3A_3407 : vector<8x2048xi1>, vector<8x2048xf32>
      %slice3A_3415 = vector.extract_strided_slice %dot_general3A_3269 {offsets = [160, 0], sizes = [8, 2048], strides = [1, 1]} : vector<512x2048xf32> to vector<8x2048xf32>
      %gt3A_3416 = arith.cmpf ogt, %slice3A_3415, %select_n3A_3410 : vector<8x2048xf32>
      %select_n3A_3417 = arith.select %gt3A_3416, %slice3A_3415, %select_n3A_3410 : vector<8x2048xi1>, vector<8x2048xf32>
      %sub3A_3418 = arith.constant 2.000000e+01 : f32
      %sub3A_3419 = arith.subf %convert_element_type3A_3274, %sub3A_3418 : f32
      %broadcast_in_dim3A_3420 = vector.broadcast %sub3A_3419 : f32 to vector<8x2048xf32>
      %select_n3A_3421 = arith.select %gt3A_3416, %broadcast_in_dim3A_3420, %select_n3A_3414 : vector<8x2048xi1>, vector<8x2048xf32>
      %slice3A_3422 = vector.extract_strided_slice %dot_general3A_3269 {offsets = [168, 0], sizes = [8, 2048], strides = [1, 1]} : vector<512x2048xf32> to vector<8x2048xf32>
      %gt3A_3423 = arith.cmpf ogt, %slice3A_3422, %select_n3A_3417 : vector<8x2048xf32>
      %select_n3A_3424 = arith.select %gt3A_3423, %slice3A_3422, %select_n3A_3417 : vector<8x2048xi1>, vector<8x2048xf32>
      %sub3A_3425 = arith.constant 2.100000e+01 : f32
      %sub3A_3426 = arith.subf %convert_element_type3A_3274, %sub3A_3425 : f32
      %broadcast_in_dim3A_3427 = vector.broadcast %sub3A_3426 : f32 to vector<8x2048xf32>
      %select_n3A_3428 = arith.select %gt3A_3423, %broadcast_in_dim3A_3427, %select_n3A_3421 : vector<8x2048xi1>, vector<8x2048xf32>
      %slice3A_3429 = vector.extract_strided_slice %dot_general3A_3269 {offsets = [176, 0], sizes = [8, 2048], strides = [1, 1]} : vector<512x2048xf32> to vector<8x2048xf32>
      %gt3A_3430 = arith.cmpf ogt, %slice3A_3429, %select_n3A_3424 : vector<8x2048xf32>
      %select_n3A_3431 = arith.select %gt3A_3430, %slice3A_3429, %select_n3A_3424 : vector<8x2048xi1>, vector<8x2048xf32>
      %sub3A_3432 = arith.constant 2.200000e+01 : f32
      %sub3A_3433 = arith.subf %convert_element_type3A_3274, %sub3A_3432 : f32
      %broadcast_in_dim3A_3434 = vector.broadcast %sub3A_3433 : f32 to vector<8x2048xf32>
      %select_n3A_3435 = arith.select %gt3A_3430, %broadcast_in_dim3A_3434, %select_n3A_3428 : vector<8x2048xi1>, vector<8x2048xf32>
      %slice3A_3436 = vector.extract_strided_slice %dot_general3A_3269 {offsets = [184, 0], sizes = [8, 2048], strides = [1, 1]} : vector<512x2048xf32> to vector<8x2048xf32>
      %gt3A_3437 = arith.cmpf ogt, %slice3A_3436, %select_n3A_3431 : vector<8x2048xf32>
      %select_n3A_3438 = arith.select %gt3A_3437, %slice3A_3436, %select_n3A_3431 : vector<8x2048xi1>, vector<8x2048xf32>
      %sub3A_3439 = arith.constant 2.300000e+01 : f32
      %sub3A_3440 = arith.subf %convert_element_type3A_3274, %sub3A_3439 : f32
      %broadcast_in_dim3A_3441 = vector.broadcast %sub3A_3440 : f32 to vector<8x2048xf32>
      %select_n3A_3442 = arith.select %gt3A_3437, %broadcast_in_dim3A_3441, %select_n3A_3435 : vector<8x2048xi1>, vector<8x2048xf32>
      %slice3A_3443 = vector.extract_strided_slice %dot_general3A_3269 {offsets = [192, 0], sizes = [8, 2048], strides = [1, 1]} : vector<512x2048xf32> to vector<8x2048xf32>
      %gt3A_3444 = arith.cmpf ogt, %slice3A_3443, %select_n3A_3438 : vector<8x2048xf32>
      %select_n3A_3445 = arith.select %gt3A_3444, %slice3A_3443, %select_n3A_3438 : vector<8x2048xi1>, vector<8x2048xf32>
      %sub3A_3446 = arith.constant 2.400000e+01 : f32
      %sub3A_3447 = arith.subf %convert_element_type3A_3274, %sub3A_3446 : f32
      %broadcast_in_dim3A_3448 = vector.broadcast %sub3A_3447 : f32 to vector<8x2048xf32>
      %select_n3A_3449 = arith.select %gt3A_3444, %broadcast_in_dim3A_3448, %select_n3A_3442 : vector<8x2048xi1>, vector<8x2048xf32>
      %slice3A_3450 = vector.extract_strided_slice %dot_general3A_3269 {offsets = [200, 0], sizes = [8, 2048], strides = [1, 1]} : vector<512x2048xf32> to vector<8x2048xf32>
      %gt3A_3451 = arith.cmpf ogt, %slice3A_3450, %select_n3A_3445 : vector<8x2048xf32>
      %select_n3A_3452 = arith.select %gt3A_3451, %slice3A_3450, %select_n3A_3445 : vector<8x2048xi1>, vector<8x2048xf32>
      %sub3A_3453 = arith.constant 2.500000e+01 : f32
      %sub3A_3454 = arith.subf %convert_element_type3A_3274, %sub3A_3453 : f32
      %broadcast_in_dim3A_3455 = vector.broadcast %sub3A_3454 : f32 to vector<8x2048xf32>
      %select_n3A_3456 = arith.select %gt3A_3451, %broadcast_in_dim3A_3455, %select_n3A_3449 : vector<8x2048xi1>, vector<8x2048xf32>
      %slice3A_3457 = vector.extract_strided_slice %dot_general3A_3269 {offsets = [208, 0], sizes = [8, 2048], strides = [1, 1]} : vector<512x2048xf32> to vector<8x2048xf32>
      %gt3A_3458 = arith.cmpf ogt, %slice3A_3457, %select_n3A_3452 : vector<8x2048xf32>
      %select_n3A_3459 = arith.select %gt3A_3458, %slice3A_3457, %select_n3A_3452 : vector<8x2048xi1>, vector<8x2048xf32>
      %sub3A_3460 = arith.constant 2.600000e+01 : f32
      %sub3A_3461 = arith.subf %convert_element_type3A_3274, %sub3A_3460 : f32
      %broadcast_in_dim3A_3462 = vector.broadcast %sub3A_3461 : f32 to vector<8x2048xf32>
      %select_n3A_3463 = arith.select %gt3A_3458, %broadcast_in_dim3A_3462, %select_n3A_3456 : vector<8x2048xi1>, vector<8x2048xf32>
      %slice3A_3464 = vector.extract_strided_slice %dot_general3A_3269 {offsets = [216, 0], sizes = [8, 2048], strides = [1, 1]} : vector<512x2048xf32> to vector<8x2048xf32>
      %gt3A_3465 = arith.cmpf ogt, %slice3A_3464, %select_n3A_3459 : vector<8x2048xf32>
      %select_n3A_3466 = arith.select %gt3A_3465, %slice3A_3464, %select_n3A_3459 : vector<8x2048xi1>, vector<8x2048xf32>
      %sub3A_3467 = arith.constant 2.700000e+01 : f32
      %sub3A_3468 = arith.subf %convert_element_type3A_3274, %sub3A_3467 : f32
      %broadcast_in_dim3A_3469 = vector.broadcast %sub3A_3468 : f32 to vector<8x2048xf32>
      %select_n3A_3470 = arith.select %gt3A_3465, %broadcast_in_dim3A_3469, %select_n3A_3463 : vector<8x2048xi1>, vector<8x2048xf32>
      %slice3A_3471 = vector.extract_strided_slice %dot_general3A_3269 {offsets = [224, 0], sizes = [8, 2048], strides = [1, 1]} : vector<512x2048xf32> to vector<8x2048xf32>
      %gt3A_3472 = arith.cmpf ogt, %slice3A_3471, %select_n3A_3466 : vector<8x2048xf32>
      %select_n3A_3473 = arith.select %gt3A_3472, %slice3A_3471, %select_n3A_3466 : vector<8x2048xi1>, vector<8x2048xf32>
      %sub3A_3474 = arith.constant 2.800000e+01 : f32
      %sub3A_3475 = arith.subf %convert_element_type3A_3274, %sub3A_3474 : f32
      %broadcast_in_dim3A_3476 = vector.broadcast %sub3A_3475 : f32 to vector<8x2048xf32>
      %select_n3A_3477 = arith.select %gt3A_3472, %broadcast_in_dim3A_3476, %select_n3A_3470 : vector<8x2048xi1>, vector<8x2048xf32>
      %slice3A_3478 = vector.extract_strided_slice %dot_general3A_3269 {offsets = [232, 0], sizes = [8, 2048], strides = [1, 1]} : vector<512x2048xf32> to vector<8x2048xf32>
      %gt3A_3479 = arith.cmpf ogt, %slice3A_3478, %select_n3A_3473 : vector<8x2048xf32>
      %select_n3A_3480 = arith.select %gt3A_3479, %slice3A_3478, %select_n3A_3473 : vector<8x2048xi1>, vector<8x2048xf32>
      %sub3A_3481 = arith.constant 2.900000e+01 : f32
      %sub3A_3482 = arith.subf %convert_element_type3A_3274, %sub3A_3481 : f32
      %broadcast_in_dim3A_3483 = vector.broadcast %sub3A_3482 : f32 to vector<8x2048xf32>
      %select_n3A_3484 = arith.select %gt3A_3479, %broadcast_in_dim3A_3483, %select_n3A_3477 : vector<8x2048xi1>, vector<8x2048xf32>
      %slice3A_3485 = vector.extract_strided_slice %dot_general3A_3269 {offsets = [240, 0], sizes = [8, 2048], strides = [1, 1]} : vector<512x2048xf32> to vector<8x2048xf32>
      %gt3A_3486 = arith.cmpf ogt, %slice3A_3485, %select_n3A_3480 : vector<8x2048xf32>
      %select_n3A_3487 = arith.select %gt3A_3486, %slice3A_3485, %select_n3A_3480 : vector<8x2048xi1>, vector<8x2048xf32>
      %sub3A_3488 = arith.constant 3.000000e+01 : f32
      %sub3A_3489 = arith.subf %convert_element_type3A_3274, %sub3A_3488 : f32
      %broadcast_in_dim3A_3490 = vector.broadcast %sub3A_3489 : f32 to vector<8x2048xf32>
      %select_n3A_3491 = arith.select %gt3A_3486, %broadcast_in_dim3A_3490, %select_n3A_3484 : vector<8x2048xi1>, vector<8x2048xf32>
      %slice3A_3492 = vector.extract_strided_slice %dot_general3A_3269 {offsets = [248, 0], sizes = [8, 2048], strides = [1, 1]} : vector<512x2048xf32> to vector<8x2048xf32>
      %gt3A_3493 = arith.cmpf ogt, %slice3A_3492, %select_n3A_3487 : vector<8x2048xf32>
      %select_n3A_3494 = arith.select %gt3A_3493, %slice3A_3492, %select_n3A_3487 : vector<8x2048xi1>, vector<8x2048xf32>
      %sub3A_3495 = arith.constant 3.100000e+01 : f32
      %sub3A_3496 = arith.subf %convert_element_type3A_3274, %sub3A_3495 : f32
      %broadcast_in_dim3A_3497 = vector.broadcast %sub3A_3496 : f32 to vector<8x2048xf32>
      %select_n3A_3498 = arith.select %gt3A_3493, %broadcast_in_dim3A_3497, %select_n3A_3491 : vector<8x2048xi1>, vector<8x2048xf32>
      %slice3A_3499 = vector.extract_strided_slice %dot_general3A_3269 {offsets = [256, 0], sizes = [8, 2048], strides = [1, 1]} : vector<512x2048xf32> to vector<8x2048xf32>
      %gt3A_3500 = arith.cmpf ogt, %slice3A_3499, %select_n3A_3494 : vector<8x2048xf32>
      %select_n3A_3501 = arith.select %gt3A_3500, %slice3A_3499, %select_n3A_3494 : vector<8x2048xi1>, vector<8x2048xf32>
      %sub3A_3502 = arith.constant 3.200000e+01 : f32
      %sub3A_3503 = arith.subf %convert_element_type3A_3274, %sub3A_3502 : f32
      %broadcast_in_dim3A_3504 = vector.broadcast %sub3A_3503 : f32 to vector<8x2048xf32>
      %select_n3A_3505 = arith.select %gt3A_3500, %broadcast_in_dim3A_3504, %select_n3A_3498 : vector<8x2048xi1>, vector<8x2048xf32>
      %slice3A_3506 = vector.extract_strided_slice %dot_general3A_3269 {offsets = [264, 0], sizes = [8, 2048], strides = [1, 1]} : vector<512x2048xf32> to vector<8x2048xf32>
      %gt3A_3507 = arith.cmpf ogt, %slice3A_3506, %select_n3A_3501 : vector<8x2048xf32>
      %select_n3A_3508 = arith.select %gt3A_3507, %slice3A_3506, %select_n3A_3501 : vector<8x2048xi1>, vector<8x2048xf32>
      %sub3A_3509 = arith.constant 3.300000e+01 : f32
      %sub3A_3510 = arith.subf %convert_element_type3A_3274, %sub3A_3509 : f32
      %broadcast_in_dim3A_3511 = vector.broadcast %sub3A_3510 : f32 to vector<8x2048xf32>
      %select_n3A_3512 = arith.select %gt3A_3507, %broadcast_in_dim3A_3511, %select_n3A_3505 : vector<8x2048xi1>, vector<8x2048xf32>
      %slice3A_3513 = vector.extract_strided_slice %dot_general3A_3269 {offsets = [272, 0], sizes = [8, 2048], strides = [1, 1]} : vector<512x2048xf32> to vector<8x2048xf32>
      %gt3A_3514 = arith.cmpf ogt, %slice3A_3513, %select_n3A_3508 : vector<8x2048xf32>
      %select_n3A_3515 = arith.select %gt3A_3514, %slice3A_3513, %select_n3A_3508 : vector<8x2048xi1>, vector<8x2048xf32>
      %sub3A_3516 = arith.constant 3.400000e+01 : f32
      %sub3A_3517 = arith.subf %convert_element_type3A_3274, %sub3A_3516 : f32
      %broadcast_in_dim3A_3518 = vector.broadcast %sub3A_3517 : f32 to vector<8x2048xf32>
      %select_n3A_3519 = arith.select %gt3A_3514, %broadcast_in_dim3A_3518, %select_n3A_3512 : vector<8x2048xi1>, vector<8x2048xf32>
      %slice3A_3520 = vector.extract_strided_slice %dot_general3A_3269 {offsets = [280, 0], sizes = [8, 2048], strides = [1, 1]} : vector<512x2048xf32> to vector<8x2048xf32>
      %gt3A_3521 = arith.cmpf ogt, %slice3A_3520, %select_n3A_3515 : vector<8x2048xf32>
      %select_n3A_3522 = arith.select %gt3A_3521, %slice3A_3520, %select_n3A_3515 : vector<8x2048xi1>, vector<8x2048xf32>
      %sub3A_3523 = arith.constant 3.500000e+01 : f32
      %sub3A_3524 = arith.subf %convert_element_type3A_3274, %sub3A_3523 : f32
      %broadcast_in_dim3A_3525 = vector.broadcast %sub3A_3524 : f32 to vector<8x2048xf32>
      %select_n3A_3526 = arith.select %gt3A_3521, %broadcast_in_dim3A_3525, %select_n3A_3519 : vector<8x2048xi1>, vector<8x2048xf32>
      %slice3A_3527 = vector.extract_strided_slice %dot_general3A_3269 {offsets = [288, 0], sizes = [8, 2048], strides = [1, 1]} : vector<512x2048xf32> to vector<8x2048xf32>
      %gt3A_3528 = arith.cmpf ogt, %slice3A_3527, %select_n3A_3522 : vector<8x2048xf32>
      %select_n3A_3529 = arith.select %gt3A_3528, %slice3A_3527, %select_n3A_3522 : vector<8x2048xi1>, vector<8x2048xf32>
      %sub3A_3530 = arith.constant 3.600000e+01 : f32
      %sub3A_3531 = arith.subf %convert_element_type3A_3274, %sub3A_3530 : f32
      %broadcast_in_dim3A_3532 = vector.broadcast %sub3A_3531 : f32 to vector<8x2048xf32>
      %select_n3A_3533 = arith.select %gt3A_3528, %broadcast_in_dim3A_3532, %select_n3A_3526 : vector<8x2048xi1>, vector<8x2048xf32>
      %slice3A_3534 = vector.extract_strided_slice %dot_general3A_3269 {offsets = [296, 0], sizes = [8, 2048], strides = [1, 1]} : vector<512x2048xf32> to vector<8x2048xf32>
      %gt3A_3535 = arith.cmpf ogt, %slice3A_3534, %select_n3A_3529 : vector<8x2048xf32>
      %select_n3A_3536 = arith.select %gt3A_3535, %slice3A_3534, %select_n3A_3529 : vector<8x2048xi1>, vector<8x2048xf32>
      %sub3A_3537 = arith.constant 3.700000e+01 : f32
      %sub3A_3538 = arith.subf %convert_element_type3A_3274, %sub3A_3537 : f32
      %broadcast_in_dim3A_3539 = vector.broadcast %sub3A_3538 : f32 to vector<8x2048xf32>
      %select_n3A_3540 = arith.select %gt3A_3535, %broadcast_in_dim3A_3539, %select_n3A_3533 : vector<8x2048xi1>, vector<8x2048xf32>
      %slice3A_3541 = vector.extract_strided_slice %dot_general3A_3269 {offsets = [304, 0], sizes = [8, 2048], strides = [1, 1]} : vector<512x2048xf32> to vector<8x2048xf32>
      %gt3A_3542 = arith.cmpf ogt, %slice3A_3541, %select_n3A_3536 : vector<8x2048xf32>
      %select_n3A_3543 = arith.select %gt3A_3542, %slice3A_3541, %select_n3A_3536 : vector<8x2048xi1>, vector<8x2048xf32>
      %sub3A_3544 = arith.constant 3.800000e+01 : f32
      %sub3A_3545 = arith.subf %convert_element_type3A_3274, %sub3A_3544 : f32
      %broadcast_in_dim3A_3546 = vector.broadcast %sub3A_3545 : f32 to vector<8x2048xf32>
      %select_n3A_3547 = arith.select %gt3A_3542, %broadcast_in_dim3A_3546, %select_n3A_3540 : vector<8x2048xi1>, vector<8x2048xf32>
      %slice3A_3548 = vector.extract_strided_slice %dot_general3A_3269 {offsets = [312, 0], sizes = [8, 2048], strides = [1, 1]} : vector<512x2048xf32> to vector<8x2048xf32>
      %gt3A_3549 = arith.cmpf ogt, %slice3A_3548, %select_n3A_3543 : vector<8x2048xf32>
      %select_n3A_3550 = arith.select %gt3A_3549, %slice3A_3548, %select_n3A_3543 : vector<8x2048xi1>, vector<8x2048xf32>
      %sub3A_3551 = arith.constant 3.900000e+01 : f32
      %sub3A_3552 = arith.subf %convert_element_type3A_3274, %sub3A_3551 : f32
      %broadcast_in_dim3A_3553 = vector.broadcast %sub3A_3552 : f32 to vector<8x2048xf32>
      %select_n3A_3554 = arith.select %gt3A_3549, %broadcast_in_dim3A_3553, %select_n3A_3547 : vector<8x2048xi1>, vector<8x2048xf32>
      %slice3A_3555 = vector.extract_strided_slice %dot_general3A_3269 {offsets = [320, 0], sizes = [8, 2048], strides = [1, 1]} : vector<512x2048xf32> to vector<8x2048xf32>
      %gt3A_3556 = arith.cmpf ogt, %slice3A_3555, %select_n3A_3550 : vector<8x2048xf32>
      %select_n3A_3557 = arith.select %gt3A_3556, %slice3A_3555, %select_n3A_3550 : vector<8x2048xi1>, vector<8x2048xf32>
      %sub3A_3558 = arith.constant 4.000000e+01 : f32
      %sub3A_3559 = arith.subf %convert_element_type3A_3274, %sub3A_3558 : f32
      %broadcast_in_dim3A_3560 = vector.broadcast %sub3A_3559 : f32 to vector<8x2048xf32>
      %select_n3A_3561 = arith.select %gt3A_3556, %broadcast_in_dim3A_3560, %select_n3A_3554 : vector<8x2048xi1>, vector<8x2048xf32>
      %slice3A_3562 = vector.extract_strided_slice %dot_general3A_3269 {offsets = [328, 0], sizes = [8, 2048], strides = [1, 1]} : vector<512x2048xf32> to vector<8x2048xf32>
      %gt3A_3563 = arith.cmpf ogt, %slice3A_3562, %select_n3A_3557 : vector<8x2048xf32>
      %select_n3A_3564 = arith.select %gt3A_3563, %slice3A_3562, %select_n3A_3557 : vector<8x2048xi1>, vector<8x2048xf32>
      %sub3A_3565 = arith.constant 4.100000e+01 : f32
      %sub3A_3566 = arith.subf %convert_element_type3A_3274, %sub3A_3565 : f32
      %broadcast_in_dim3A_3567 = vector.broadcast %sub3A_3566 : f32 to vector<8x2048xf32>
      %select_n3A_3568 = arith.select %gt3A_3563, %broadcast_in_dim3A_3567, %select_n3A_3561 : vector<8x2048xi1>, vector<8x2048xf32>
      %slice3A_3569 = vector.extract_strided_slice %dot_general3A_3269 {offsets = [336, 0], sizes = [8, 2048], strides = [1, 1]} : vector<512x2048xf32> to vector<8x2048xf32>
      %gt3A_3570 = arith.cmpf ogt, %slice3A_3569, %select_n3A_3564 : vector<8x2048xf32>
      %select_n3A_3571 = arith.select %gt3A_3570, %slice3A_3569, %select_n3A_3564 : vector<8x2048xi1>, vector<8x2048xf32>
      %sub3A_3572 = arith.constant 4.200000e+01 : f32
      %sub3A_3573 = arith.subf %convert_element_type3A_3274, %sub3A_3572 : f32
      %broadcast_in_dim3A_3574 = vector.broadcast %sub3A_3573 : f32 to vector<8x2048xf32>
      %select_n3A_3575 = arith.select %gt3A_3570, %broadcast_in_dim3A_3574, %select_n3A_3568 : vector<8x2048xi1>, vector<8x2048xf32>
      %slice3A_3576 = vector.extract_strided_slice %dot_general3A_3269 {offsets = [344, 0], sizes = [8, 2048], strides = [1, 1]} : vector<512x2048xf32> to vector<8x2048xf32>
      %gt3A_3577 = arith.cmpf ogt, %slice3A_3576, %select_n3A_3571 : vector<8x2048xf32>
      %select_n3A_3578 = arith.select %gt3A_3577, %slice3A_3576, %select_n3A_3571 : vector<8x2048xi1>, vector<8x2048xf32>
      %sub3A_3579 = arith.constant 4.300000e+01 : f32
      %sub3A_3580 = arith.subf %convert_element_type3A_3274, %sub3A_3579 : f32
      %broadcast_in_dim3A_3581 = vector.broadcast %sub3A_3580 : f32 to vector<8x2048xf32>
      %select_n3A_3582 = arith.select %gt3A_3577, %broadcast_in_dim3A_3581, %select_n3A_3575 : vector<8x2048xi1>, vector<8x2048xf32>
      %slice3A_3583 = vector.extract_strided_slice %dot_general3A_3269 {offsets = [352, 0], sizes = [8, 2048], strides = [1, 1]} : vector<512x2048xf32> to vector<8x2048xf32>
      %gt3A_3584 = arith.cmpf ogt, %slice3A_3583, %select_n3A_3578 : vector<8x2048xf32>
      %select_n3A_3585 = arith.select %gt3A_3584, %slice3A_3583, %select_n3A_3578 : vector<8x2048xi1>, vector<8x2048xf32>
      %sub3A_3586 = arith.constant 4.400000e+01 : f32
      %sub3A_3587 = arith.subf %convert_element_type3A_3274, %sub3A_3586 : f32
      %broadcast_in_dim3A_3588 = vector.broadcast %sub3A_3587 : f32 to vector<8x2048xf32>
      %select_n3A_3589 = arith.select %gt3A_3584, %broadcast_in_dim3A_3588, %select_n3A_3582 : vector<8x2048xi1>, vector<8x2048xf32>
      %slice3A_3590 = vector.extract_strided_slice %dot_general3A_3269 {offsets = [360, 0], sizes = [8, 2048], strides = [1, 1]} : vector<512x2048xf32> to vector<8x2048xf32>
      %gt3A_3591 = arith.cmpf ogt, %slice3A_3590, %select_n3A_3585 : vector<8x2048xf32>
      %select_n3A_3592 = arith.select %gt3A_3591, %slice3A_3590, %select_n3A_3585 : vector<8x2048xi1>, vector<8x2048xf32>
      %sub3A_3593 = arith.constant 4.500000e+01 : f32
      %sub3A_3594 = arith.subf %convert_element_type3A_3274, %sub3A_3593 : f32
      %broadcast_in_dim3A_3595 = vector.broadcast %sub3A_3594 : f32 to vector<8x2048xf32>
      %select_n3A_3596 = arith.select %gt3A_3591, %broadcast_in_dim3A_3595, %select_n3A_3589 : vector<8x2048xi1>, vector<8x2048xf32>
      %slice3A_3597 = vector.extract_strided_slice %dot_general3A_3269 {offsets = [368, 0], sizes = [8, 2048], strides = [1, 1]} : vector<512x2048xf32> to vector<8x2048xf32>
      %gt3A_3598 = arith.cmpf ogt, %slice3A_3597, %select_n3A_3592 : vector<8x2048xf32>
      %select_n3A_3599 = arith.select %gt3A_3598, %slice3A_3597, %select_n3A_3592 : vector<8x2048xi1>, vector<8x2048xf32>
      %sub3A_3600 = arith.constant 4.600000e+01 : f32
      %sub3A_3601 = arith.subf %convert_element_type3A_3274, %sub3A_3600 : f32
      %broadcast_in_dim3A_3602 = vector.broadcast %sub3A_3601 : f32 to vector<8x2048xf32>
      %select_n3A_3603 = arith.select %gt3A_3598, %broadcast_in_dim3A_3602, %select_n3A_3596 : vector<8x2048xi1>, vector<8x2048xf32>
      %slice3A_3604 = vector.extract_strided_slice %dot_general3A_3269 {offsets = [376, 0], sizes = [8, 2048], strides = [1, 1]} : vector<512x2048xf32> to vector<8x2048xf32>
      %gt3A_3605 = arith.cmpf ogt, %slice3A_3604, %select_n3A_3599 : vector<8x2048xf32>
      %select_n3A_3606 = arith.select %gt3A_3605, %slice3A_3604, %select_n3A_3599 : vector<8x2048xi1>, vector<8x2048xf32>
      %sub3A_3607 = arith.constant 4.700000e+01 : f32
      %sub3A_3608 = arith.subf %convert_element_type3A_3274, %sub3A_3607 : f32
      %broadcast_in_dim3A_3609 = vector.broadcast %sub3A_3608 : f32 to vector<8x2048xf32>
      %select_n3A_3610 = arith.select %gt3A_3605, %broadcast_in_dim3A_3609, %select_n3A_3603 : vector<8x2048xi1>, vector<8x2048xf32>
      %slice3A_3611 = vector.extract_strided_slice %dot_general3A_3269 {offsets = [384, 0], sizes = [8, 2048], strides = [1, 1]} : vector<512x2048xf32> to vector<8x2048xf32>
      %gt3A_3612 = arith.cmpf ogt, %slice3A_3611, %select_n3A_3606 : vector<8x2048xf32>
      %select_n3A_3613 = arith.select %gt3A_3612, %slice3A_3611, %select_n3A_3606 : vector<8x2048xi1>, vector<8x2048xf32>
      %sub3A_3614 = arith.constant 4.800000e+01 : f32
      %sub3A_3615 = arith.subf %convert_element_type3A_3274, %sub3A_3614 : f32
      %broadcast_in_dim3A_3616 = vector.broadcast %sub3A_3615 : f32 to vector<8x2048xf32>
      %select_n3A_3617 = arith.select %gt3A_3612, %broadcast_in_dim3A_3616, %select_n3A_3610 : vector<8x2048xi1>, vector<8x2048xf32>
      %slice3A_3618 = vector.extract_strided_slice %dot_general3A_3269 {offsets = [392, 0], sizes = [8, 2048], strides = [1, 1]} : vector<512x2048xf32> to vector<8x2048xf32>
      %gt3A_3619 = arith.cmpf ogt, %slice3A_3618, %select_n3A_3613 : vector<8x2048xf32>
      %select_n3A_3620 = arith.select %gt3A_3619, %slice3A_3618, %select_n3A_3613 : vector<8x2048xi1>, vector<8x2048xf32>
      %sub3A_3621 = arith.constant 4.900000e+01 : f32
      %sub3A_3622 = arith.subf %convert_element_type3A_3274, %sub3A_3621 : f32
      %broadcast_in_dim3A_3623 = vector.broadcast %sub3A_3622 : f32 to vector<8x2048xf32>
      %select_n3A_3624 = arith.select %gt3A_3619, %broadcast_in_dim3A_3623, %select_n3A_3617 : vector<8x2048xi1>, vector<8x2048xf32>
      %slice3A_3625 = vector.extract_strided_slice %dot_general3A_3269 {offsets = [400, 0], sizes = [8, 2048], strides = [1, 1]} : vector<512x2048xf32> to vector<8x2048xf32>
      %gt3A_3626 = arith.cmpf ogt, %slice3A_3625, %select_n3A_3620 : vector<8x2048xf32>
      %select_n3A_3627 = arith.select %gt3A_3626, %slice3A_3625, %select_n3A_3620 : vector<8x2048xi1>, vector<8x2048xf32>
      %sub3A_3628 = arith.constant 5.000000e+01 : f32
      %sub3A_3629 = arith.subf %convert_element_type3A_3274, %sub3A_3628 : f32
      %broadcast_in_dim3A_3630 = vector.broadcast %sub3A_3629 : f32 to vector<8x2048xf32>
      %select_n3A_3631 = arith.select %gt3A_3626, %broadcast_in_dim3A_3630, %select_n3A_3624 : vector<8x2048xi1>, vector<8x2048xf32>
      %slice3A_3632 = vector.extract_strided_slice %dot_general3A_3269 {offsets = [408, 0], sizes = [8, 2048], strides = [1, 1]} : vector<512x2048xf32> to vector<8x2048xf32>
      %gt3A_3633 = arith.cmpf ogt, %slice3A_3632, %select_n3A_3627 : vector<8x2048xf32>
      %select_n3A_3634 = arith.select %gt3A_3633, %slice3A_3632, %select_n3A_3627 : vector<8x2048xi1>, vector<8x2048xf32>
      %sub3A_3635 = arith.constant 5.100000e+01 : f32
      %sub3A_3636 = arith.subf %convert_element_type3A_3274, %sub3A_3635 : f32
      %broadcast_in_dim3A_3637 = vector.broadcast %sub3A_3636 : f32 to vector<8x2048xf32>
      %select_n3A_3638 = arith.select %gt3A_3633, %broadcast_in_dim3A_3637, %select_n3A_3631 : vector<8x2048xi1>, vector<8x2048xf32>
      %slice3A_3639 = vector.extract_strided_slice %dot_general3A_3269 {offsets = [416, 0], sizes = [8, 2048], strides = [1, 1]} : vector<512x2048xf32> to vector<8x2048xf32>
      %gt3A_3640 = arith.cmpf ogt, %slice3A_3639, %select_n3A_3634 : vector<8x2048xf32>
      %select_n3A_3641 = arith.select %gt3A_3640, %slice3A_3639, %select_n3A_3634 : vector<8x2048xi1>, vector<8x2048xf32>
      %sub3A_3642 = arith.constant 5.200000e+01 : f32
      %sub3A_3643 = arith.subf %convert_element_type3A_3274, %sub3A_3642 : f32
      %broadcast_in_dim3A_3644 = vector.broadcast %sub3A_3643 : f32 to vector<8x2048xf32>
      %select_n3A_3645 = arith.select %gt3A_3640, %broadcast_in_dim3A_3644, %select_n3A_3638 : vector<8x2048xi1>, vector<8x2048xf32>
      %slice3A_3646 = vector.extract_strided_slice %dot_general3A_3269 {offsets = [424, 0], sizes = [8, 2048], strides = [1, 1]} : vector<512x2048xf32> to vector<8x2048xf32>
      %gt3A_3647 = arith.cmpf ogt, %slice3A_3646, %select_n3A_3641 : vector<8x2048xf32>
      %select_n3A_3648 = arith.select %gt3A_3647, %slice3A_3646, %select_n3A_3641 : vector<8x2048xi1>, vector<8x2048xf32>
      %sub3A_3649 = arith.constant 5.300000e+01 : f32
      %sub3A_3650 = arith.subf %convert_element_type3A_3274, %sub3A_3649 : f32
      %broadcast_in_dim3A_3651 = vector.broadcast %sub3A_3650 : f32 to vector<8x2048xf32>
      %select_n3A_3652 = arith.select %gt3A_3647, %broadcast_in_dim3A_3651, %select_n3A_3645 : vector<8x2048xi1>, vector<8x2048xf32>
      %slice3A_3653 = vector.extract_strided_slice %dot_general3A_3269 {offsets = [432, 0], sizes = [8, 2048], strides = [1, 1]} : vector<512x2048xf32> to vector<8x2048xf32>
      %gt3A_3654 = arith.cmpf ogt, %slice3A_3653, %select_n3A_3648 : vector<8x2048xf32>
      %select_n3A_3655 = arith.select %gt3A_3654, %slice3A_3653, %select_n3A_3648 : vector<8x2048xi1>, vector<8x2048xf32>
      %sub3A_3656 = arith.constant 5.400000e+01 : f32
      %sub3A_3657 = arith.subf %convert_element_type3A_3274, %sub3A_3656 : f32
      %broadcast_in_dim3A_3658 = vector.broadcast %sub3A_3657 : f32 to vector<8x2048xf32>
      %select_n3A_3659 = arith.select %gt3A_3654, %broadcast_in_dim3A_3658, %select_n3A_3652 : vector<8x2048xi1>, vector<8x2048xf32>
      %slice3A_3660 = vector.extract_strided_slice %dot_general3A_3269 {offsets = [440, 0], sizes = [8, 2048], strides = [1, 1]} : vector<512x2048xf32> to vector<8x2048xf32>
      %gt3A_3661 = arith.cmpf ogt, %slice3A_3660, %select_n3A_3655 : vector<8x2048xf32>
      %select_n3A_3662 = arith.select %gt3A_3661, %slice3A_3660, %select_n3A_3655 : vector<8x2048xi1>, vector<8x2048xf32>
      %sub3A_3663 = arith.constant 5.500000e+01 : f32
      %sub3A_3664 = arith.subf %convert_element_type3A_3274, %sub3A_3663 : f32
      %broadcast_in_dim3A_3665 = vector.broadcast %sub3A_3664 : f32 to vector<8x2048xf32>
      %select_n3A_3666 = arith.select %gt3A_3661, %broadcast_in_dim3A_3665, %select_n3A_3659 : vector<8x2048xi1>, vector<8x2048xf32>
      %slice3A_3667 = vector.extract_strided_slice %dot_general3A_3269 {offsets = [448, 0], sizes = [8, 2048], strides = [1, 1]} : vector<512x2048xf32> to vector<8x2048xf32>
      %gt3A_3668 = arith.cmpf ogt, %slice3A_3667, %select_n3A_3662 : vector<8x2048xf32>
      %select_n3A_3669 = arith.select %gt3A_3668, %slice3A_3667, %select_n3A_3662 : vector<8x2048xi1>, vector<8x2048xf32>
      %sub3A_3670 = arith.constant 5.600000e+01 : f32
      %sub3A_3671 = arith.subf %convert_element_type3A_3274, %sub3A_3670 : f32
      %broadcast_in_dim3A_3672 = vector.broadcast %sub3A_3671 : f32 to vector<8x2048xf32>
      %select_n3A_3673 = arith.select %gt3A_3668, %broadcast_in_dim3A_3672, %select_n3A_3666 : vector<8x2048xi1>, vector<8x2048xf32>
      %slice3A_3674 = vector.extract_strided_slice %dot_general3A_3269 {offsets = [456, 0], sizes = [8, 2048], strides = [1, 1]} : vector<512x2048xf32> to vector<8x2048xf32>
      %gt3A_3675 = arith.cmpf ogt, %slice3A_3674, %select_n3A_3669 : vector<8x2048xf32>
      %select_n3A_3676 = arith.select %gt3A_3675, %slice3A_3674, %select_n3A_3669 : vector<8x2048xi1>, vector<8x2048xf32>
      %sub3A_3677 = arith.constant 5.700000e+01 : f32
      %sub3A_3678 = arith.subf %convert_element_type3A_3274, %sub3A_3677 : f32
      %broadcast_in_dim3A_3679 = vector.broadcast %sub3A_3678 : f32 to vector<8x2048xf32>
      %select_n3A_3680 = arith.select %gt3A_3675, %broadcast_in_dim3A_3679, %select_n3A_3673 : vector<8x2048xi1>, vector<8x2048xf32>
      %slice3A_3681 = vector.extract_strided_slice %dot_general3A_3269 {offsets = [464, 0], sizes = [8, 2048], strides = [1, 1]} : vector<512x2048xf32> to vector<8x2048xf32>
      %gt3A_3682 = arith.cmpf ogt, %slice3A_3681, %select_n3A_3676 : vector<8x2048xf32>
      %select_n3A_3683 = arith.select %gt3A_3682, %slice3A_3681, %select_n3A_3676 : vector<8x2048xi1>, vector<8x2048xf32>
      %sub3A_3684 = arith.constant 5.800000e+01 : f32
      %sub3A_3685 = arith.subf %convert_element_type3A_3274, %sub3A_3684 : f32
      %broadcast_in_dim3A_3686 = vector.broadcast %sub3A_3685 : f32 to vector<8x2048xf32>
      %select_n3A_3687 = arith.select %gt3A_3682, %broadcast_in_dim3A_3686, %select_n3A_3680 : vector<8x2048xi1>, vector<8x2048xf32>
      %slice3A_3688 = vector.extract_strided_slice %dot_general3A_3269 {offsets = [472, 0], sizes = [8, 2048], strides = [1, 1]} : vector<512x2048xf32> to vector<8x2048xf32>
      %gt3A_3689 = arith.cmpf ogt, %slice3A_3688, %select_n3A_3683 : vector<8x2048xf32>
      %select_n3A_3690 = arith.select %gt3A_3689, %slice3A_3688, %select_n3A_3683 : vector<8x2048xi1>, vector<8x2048xf32>
      %sub3A_3691 = arith.constant 5.900000e+01 : f32
      %sub3A_3692 = arith.subf %convert_element_type3A_3274, %sub3A_3691 : f32
      %broadcast_in_dim3A_3693 = vector.broadcast %sub3A_3692 : f32 to vector<8x2048xf32>
      %select_n3A_3694 = arith.select %gt3A_3689, %broadcast_in_dim3A_3693, %select_n3A_3687 : vector<8x2048xi1>, vector<8x2048xf32>
      %slice3A_3695 = vector.extract_strided_slice %dot_general3A_3269 {offsets = [480, 0], sizes = [8, 2048], strides = [1, 1]} : vector<512x2048xf32> to vector<8x2048xf32>
      %gt3A_3696 = arith.cmpf ogt, %slice3A_3695, %select_n3A_3690 : vector<8x2048xf32>
      %select_n3A_3697 = arith.select %gt3A_3696, %slice3A_3695, %select_n3A_3690 : vector<8x2048xi1>, vector<8x2048xf32>
      %sub3A_3698 = arith.constant 6.000000e+01 : f32
      %sub3A_3699 = arith.subf %convert_element_type3A_3274, %sub3A_3698 : f32
      %broadcast_in_dim3A_3700 = vector.broadcast %sub3A_3699 : f32 to vector<8x2048xf32>
      %select_n3A_3701 = arith.select %gt3A_3696, %broadcast_in_dim3A_3700, %select_n3A_3694 : vector<8x2048xi1>, vector<8x2048xf32>
      %slice3A_3702 = vector.extract_strided_slice %dot_general3A_3269 {offsets = [488, 0], sizes = [8, 2048], strides = [1, 1]} : vector<512x2048xf32> to vector<8x2048xf32>
      %gt3A_3703 = arith.cmpf ogt, %slice3A_3702, %select_n3A_3697 : vector<8x2048xf32>
      %select_n3A_3704 = arith.select %gt3A_3703, %slice3A_3702, %select_n3A_3697 : vector<8x2048xi1>, vector<8x2048xf32>
      %sub3A_3705 = arith.constant 6.100000e+01 : f32
      %sub3A_3706 = arith.subf %convert_element_type3A_3274, %sub3A_3705 : f32
      %broadcast_in_dim3A_3707 = vector.broadcast %sub3A_3706 : f32 to vector<8x2048xf32>
      %select_n3A_3708 = arith.select %gt3A_3703, %broadcast_in_dim3A_3707, %select_n3A_3701 : vector<8x2048xi1>, vector<8x2048xf32>
      %slice3A_3709 = vector.extract_strided_slice %dot_general3A_3269 {offsets = [496, 0], sizes = [8, 2048], strides = [1, 1]} : vector<512x2048xf32> to vector<8x2048xf32>
      %gt3A_3710 = arith.cmpf ogt, %slice3A_3709, %select_n3A_3704 : vector<8x2048xf32>
      %select_n3A_3711 = arith.select %gt3A_3710, %slice3A_3709, %select_n3A_3704 : vector<8x2048xi1>, vector<8x2048xf32>
      %sub3A_3712 = arith.constant 6.200000e+01 : f32
      %sub3A_3713 = arith.subf %convert_element_type3A_3274, %sub3A_3712 : f32
      %broadcast_in_dim3A_3714 = vector.broadcast %sub3A_3713 : f32 to vector<8x2048xf32>
      %select_n3A_3715 = arith.select %gt3A_3710, %broadcast_in_dim3A_3714, %select_n3A_3708 : vector<8x2048xi1>, vector<8x2048xf32>
      %slice3A_3716 = vector.extract_strided_slice %dot_general3A_3269 {offsets = [504, 0], sizes = [8, 2048], strides = [1, 1]} : vector<512x2048xf32> to vector<8x2048xf32>
      %gt3A_3717 = arith.cmpf ogt, %slice3A_3716, %select_n3A_3711 : vector<8x2048xf32>
      %select_n3A_3718 = arith.select %gt3A_3717, %slice3A_3716, %select_n3A_3711 : vector<8x2048xi1>, vector<8x2048xf32>
      %sub3A_3719 = arith.constant 6.300000e+01 : f32
      %sub3A_3720 = arith.subf %convert_element_type3A_3274, %sub3A_3719 : f32
      %broadcast_in_dim3A_3721 = vector.broadcast %sub3A_3720 : f32 to vector<8x2048xf32>
      %select_n3A_3722 = arith.select %gt3A_3717, %broadcast_in_dim3A_3721, %select_n3A_3715 : vector<8x2048xi1>, vector<8x2048xf32>
      scf.yield %select_n3A_3718, %select_n3A_3722 : vector<8x2048xf32>, vector<8x2048xf32>
    }
    %scan3A_9 = arith.constant 16 : i32
    %iota3A = tpu.iota {dimensions = array<i32: 0>} : vector<8x2048xi32>
    %convert_element_type3A = arith.sitofp %iota3A : vector<8x2048xi32> to vector<8x2048xf32>
    %mul3A = arith.constant -8.000000e+00 : f32
    %mul3A_10 = vector.broadcast %mul3A : f32 to vector<8x2048xf32>
    %mul3A_11 = arith.mulf %mul3A_10, %scan3A_8#1 : vector<8x2048xf32>
    %add3A = arith.addf %mul3A_11, %convert_element_type3A : vector<8x2048xf32>
    %reduce_max3A = arith.constant dense<0xFF800000> : vector<2048xf32>
    %reduce_max3A_12 = vector.multi_reduction <maximumf>, %scan3A_8#0, %reduce_max3A [0] : vector<8x2048xf32> to vector<2048xf32>
    %broadcast_in_dim3A_13 = vector.shape_cast %reduce_max3A_12 : vector<2048xf32> to vector<1x2048xf32>
    %eq3A = vector.broadcast %broadcast_in_dim3A_13 : vector<1x2048xf32> to vector<8x2048xf32>
    %eq3A_14 = arith.cmpf oeq, %scan3A_8#0, %eq3A : vector<8x2048xf32>
    %neg3A = arith.constant 0.000000e+00 : f32
    %neg3A_15 = vector.broadcast %neg3A : f32 to vector<8x2048xf32>
    %neg3A_16 = arith.subf %neg3A_15, %add3A : vector<8x2048xf32>
    %jit3A = arith.constant 0xFF800000 : f32
    %broadcast_in_dim3A_17 = vector.broadcast %jit3A : f32 to vector<8x2048xf32>
    %select_n3A = arith.select %eq3A_14, %neg3A_16, %broadcast_in_dim3A_17 : vector<8x2048xi1>, vector<8x2048xf32>
    %reduce_max3A_18 = arith.constant dense<0xFF800000> : vector<2048xf32>
    %reduce_max3A_19 = vector.multi_reduction <maximumf>, %select_n3A, %reduce_max3A_18 [0] : vector<8x2048xf32> to vector<2048xf32>
    %broadcast_in_dim3A_20 = vector.shape_cast %reduce_max3A_19 : vector<2048xf32> to vector<1x2048xf32>
    %neg3A_21 = arith.constant 0.000000e+00 : f32
    %neg3A_22 = vector.broadcast %neg3A_21 : f32 to vector<1x2048xf32>
    %neg3A_23 = arith.subf %neg3A_22, %broadcast_in_dim3A_20 : vector<1x2048xf32>
    %convert_element_type3A_24 = arith.fptosi %neg3A_23 : vector<1x2048xf32> to vector<1x2048xi32>
    %swap3A = arith.constant 0 : index
    %swap3A_25 = arith.constant 0 : index
    %swap3A_26 = arith.constant 0 : index
    %swap3A_27 = vector.load %arg3[%swap3A, %swap3A_25, %swap3A_26] : memref<1x1x2048xi32, #tpu.memory_space<vmem>>, vector<1x1x2048xi32>
    %swap3A_28 = vector.shape_cast %swap3A_27 : vector<1x1x2048xi32> to vector<1x2048xi32>
    %swap3A_29 = vector.shape_cast %convert_element_type3A_24 : vector<1x2048xi32> to vector<1x1x2048xi32>
    tpu.vector_store %arg3[%swap3A, %swap3A_25, %swap3A_26], %swap3A_29 {strides = array<i32>} : memref<1x1x2048xi32, #tpu.memory_space<vmem>>, vector<1x1x2048xi32>,
    return
  }
  func.func @transform_0(%arg0: i32) -> (i32, i32) {
    %c0_i32 = arith.constant 0 : i32
    %c0_i32_0 = arith.constant 0 : i32
    %c0_i32_1 = arith.constant 0 : i32
    return %c0_i32, %c0_i32_0 : i32, i32
  }
  func.func @transform_1(%arg0: i32) -> (i32, i32) {
    %c0_i32 = arith.constant 0 : i32
    %c0_i32_0 = arith.constant 0 : i32
    return %c0_i32, %arg0 : i32, i32
  }
  func.func @transform_2(%arg0: i32) -> (i32, i32, i32) {
    %c0_i32 = arith.constant 0 : i32
    %c0_i32_0 = arith.constant 0 : i32
    %c0_i32_1 = arith.constant 0 : i32
    return %arg0, %c0_i32, %c0_i32_0 : i32, i32, i32
  }
}

</mosaic_0001>

<sc_bundles>
// kernel: kernel.5.cloned.1.call-start
scs
__scs_entry_jumppad:
0x0: {  	(pc) =	sbr.rel $0x88, $3  }
0x1: {  	(tag) =	ssettag $0x0;
	lr =	simm.s32 $0x1  }
0x2: {  	[smem:$0x3F9E] =	sst lr;
	_ =	strace $0xD0000000  }
0x3: {  	_ = 	snop  }
0x4: {  	_ = 	snop  }
0x5: {  	_ = 	snop  }
0x6: {  	_ = 	snop  }
0x7: {  	_ = 	snop  }
__scs_overlays_trampoline_lowered:
0x8: {  	[smem:$0x3FAD] =	sst s0  }
0x9: {  	[smem:$0x3FAE] =	sst s1  }
0xa: {  	[smem:$0x3FAF] =	sst s2  }
0xb: {  	[smem:$0x3FB0] =	sst s3  }
0xc: {  	[smem:$0x3FB1] =	sst s4  }
0xd: {  	[smem:$0x3FB2] =	sst s5  }
0xe: {  	[smem:$0x3FB3] =	sst s6  }
0xf: {  	[smem:$0x3FB4] =	sst s7  }
0x10: {  	[smem:$0x3FB5] =	sst s8  }
0x11: {  	[smem:$0x3FB6] =	sst s9;
	s0 =	simm.s32 @!p0 $0x0  }
0x12: {  	s1 =	sld [smem:$0x3F9C];
	s0 =	simm.s32 @p0 $0x1  }
0x13: {  	[smem:$0x3FB7] =	sst s0;
	s0 =	simm.s32 @!p1 $0x0  }
0x14: {  	s2 =	sld [smem:$0x3F9B];
	s0 =	simm.s32 @p1 $0x1  }
0x15: {  	[smem:$0x3FB8] =	sst s0;
	s0 =	simm.s32 @!p2 $0x0  }
0x16: {  	s3 =	sld [smem:$0x3FDB];
	s0 =	simm.s32 @p2 $0x1  }
0x17: {  	s4 =	simm.s32 $0x1BF5;
	[smem:$0x3FBA] =	sst s0  }
0x18: {  	s0 =	sld [smem:$0x3F9D];
	_ =	swait.ge [sflag:s4], $0x0  }
0x19: {  	s7 =	sld [smem:$0x3F9E]  }
0x1a: {  	s8 =	sadd.s32 $0xFFFFE003, lr  }
0x1b: {  	s9 =	sadd.s32 $0xFFFFFEF7, lr;
	s5 =	simm.s32 $0xFFFFFFFF;
	p2 =	slt.u32 s8, $0xFFFFF086  }
0x1c: {  	p1 =	slt.u32 s9, $0xF7A;
	s5 =	simm.s32 @!p2 $0x0  }
0x1d: {  	s5 =	simm.s32 @p1 $0x1;
	p0 =	seq.s32 s7, s2  }
0x1e: {  	s7 =	smul.u32 @!p0 $0xF7A, s2;
	p2 =	seq.s32 @!p0 s5, $0x0  }
0x1f: {  	s9 =	smul.u32 $0xF7A, s1;
	s8 =	simm.s32 @!p0 $0x1BF5;
	p2 =	por !p2, p0  }
0x20: {  	[sflag:s8] =	ssyncset.s32 @!p0 $0xFFFFF086;
	s6 =	sadd.s32 @!p0 s3, s7;
	s7 =	simm.s32 @!p0 $0x108  }
0x21: {  	s3 =	sadd.s32 s3, s9;
	s6 =	sadd.s32 @!p0 $0x88, s6;
	s7 =	simm.s32 @p2 $0x1082  }
0x22: {  	[simem:s7], [sflag:s8] =	dma.local @!p0 [hbm:s6], $0xF7A  }
0x23: {  	s9 =	sor.u32 $0xD0000000, s2;
	s6 =	simm.s32 $0x108;
	_ =	swait.ge @!p0 [sflag:s8], $0x0  }
0x24: {  	s3 =	sadd.s32 $0x88, s3;
	s6 =	simm.s32 @!p1 $0x1082;
	[sflag:s4] =	ssyncset.s32 $0xFFFFF086  }
0x25: {  	[simem:s6], [sflag:s4] =	dma.local [hbm:s3], $0xF7A  }
0x26: {  	[smem:$0x3F9E] =	sst s1;
	(tag) =	ssettag s2;
	_ =	strace s9  }
0x27: {  	s1 =	sld [smem:$0x3FAE]  }
0x28: {  	s2 =	sld [smem:$0x3FAF]  }
0x29: {  	s4 =	sld [smem:$0x3FB1]  }
0x2a: {  	p0 =	seq.s32 s5, $0x0;
	s5 =	sld [smem:$0x3FB2]  }
0x2b: {  	s6 =	sld [smem:$0x3FB3]  }
0x2c: {  	s7 =	sld [smem:$0x3FB4]  }
0x2d: {  	s3 =	simm.s32 $0x108;
	s8 =	sld [smem:$0x3FB5]  }
0x2e: {  	s3 =	simm.s32 @!p0 $0x1082;
	s9 =	sld [smem:$0x3FB6]  }
0x2f: {  	lr =	sadd.s32 s0, s3;
	s0 =	sld [smem:$0x3FAD]  }
0x30: {  	s3 =	sld [smem:$0x3FB0]  }
0x31: {  	[smem:$0x3FB9] =	sst s10  }
0x32: {  	s10 =	sld [smem:$0x3FB7];
	_ =	sdelay $0x3  }
0x33: {  	p0 =	seq.s32 s10, $0x1;
	s10 =	sld [smem:$0x3FB9];
	_ =	sdelay $0x3  }
0x34: {  	[smem:$0x3FB9] =	sst s10  }
0x35: {  	s10 =	sld [smem:$0x3FB8];
	_ =	sdelay $0x3  }
0x36: {  	p1 =	seq.s32 s10, $0x1;
	s10 =	sld [smem:$0x3FB9];
	_ =	sdelay $0x3  }
0x37: {  	[smem:$0x3FB9] =	sst s10  }
0x38: {  	s10 =	sld [smem:$0x3FBA]  }
0x39: {  	_ = 	snop;
	(pc) =	sbr.ind lr, $3  }
0x3a: {  	_ = 	snop  }
0x3b: {  	_ = 	snop  }
0x3c: {  	p2 =	seq.s32 s10, $0x1;
	s10 =	sld [smem:$0x3FB9]  }
0x3d: {  	_ =	shalt  }
0x3e: {  	_ =	shalt  }
0x3f: {  	_ =	shalt  }
0x40: {  	_ =	shalt  }
0x41: {  	_ =	shalt  }
0x42: {  	_ =	shalt  }
0x43: {  	_ =	shalt  }
0x44: {  	_ =	shalt  }
0x45: {  	_ =	shalt  }
0x46: {  	_ =	shalt  }
0x47: {  	_ =	shalt  }
0x48: {  	_ =	shalt  }
0x49: {  	_ =	shalt  }
0x4a: {  	_ =	shalt  }
0x4b: {  	_ =	shalt  }
0x4c: {  	_ =	shalt  }
0x4d: {  	_ =	shalt  }
0x4e: {  	_ =	shalt  }
0x4f: {  	_ =	shalt  }
0x50: {  	_ =	shalt  }
0x51: {  	_ =	shalt  }
0x52: {  	_ =	shalt  }
0x53: {  	_ =	shalt  }
0x54: {  	_ =	shalt  }
0x55: {  	_ =	shalt  }
0x56: {  	_ =	shalt  }
0x57: {  	_ =	shalt  }
0x58: {  	_ =	shalt  }
0x59: {  	_ =	shalt  }
0x5a: {  	_ =	shalt  }
0x5b: {  	_ =	shalt  }
0x5c: {  	_ =	shalt  }
0x5d: {  	_ =	shalt  }
0x5e: {  	_ =	shalt  }
0x5f: {  	_ =	shalt  }
0x60: {  	_ =	shalt  }
0x61: {  	_ =	shalt  }
0x62: {  	_ =	shalt  }
0x63: {  	_ =	shalt  }
0x64: {  	_ =	shalt  }
0x65: {  	_ =	shalt  }
0x66: {  	_ =	shalt  }
0x67: {  	_ =	shalt  }
0x68: {  	_ =	shalt  }
0x69: {  	_ =	shalt  }
0x6a: {  	_ =	shalt  }
0x6b: {  	_ =	shalt  }
0x6c: {  	_ =	shalt  }
0x6d: {  	_ =	shalt  }
0x6e: {  	_ =	shalt  }
0x6f: {  	_ =	shalt  }
0x70: {  	_ =	shalt  }
0x71: {  	_ =	shalt  }
0x72: {  	_ =	shalt  }
0x73: {  	_ =	shalt  }
0x74: {  	_ =	shalt  }
0x75: {  	_ =	shalt  }
0x76: {  	_ =	shalt  }
0x77: {  	_ =	shalt  }
0x78: {  	_ =	shalt  }
0x79: {  	_ =	shalt  }
0x7a: {  	_ =	shalt  }
0x7b: {  	_ =	shalt  }
0x7c: {  	_ =	shalt  }
0x7d: {  	_ =	shalt  }
0x7e: {  	_ =	shalt  }
0x7f: {  	_ =	shalt  }
0x80: {  	_ =	shalt  }
0x81: {  	_ =	shalt  }
0x82: {  	_ =	shalt  }
0x83: {  	_ =	shalt  }
0x84: {  	_ =	shalt  }
0x85: {  	_ =	shalt  }
0x86: {  	_ =	shalt  }
0x87: {  	_ =	shalt  }
.Lfunc_end0:
.L_simem_size_0:
called_computation_lowered:
.L_overlay_start_0:
0x88: {  	s2 =	sld [smem:$0x3FD9]  }
0x89: {  	s3 =	sld [smem:$0x3FFE];
	_ =	sdelay $0x1  }
0x8a: {  	s1 =	srdreg.scid  }
0x8b: {  	s0 =	sand.u32 $0x1, s1  }
0x8c: {  	s16 =	sshll.u32 s0, $0xA;
	s2 =	sadd.s32 s3, s2  }
0x8d: {  	s2 =	sadd.s32 s2, s16  }
0x8e: {  	[smem:$0x3FC5] =	sst s2  }
0x8f: {  	_ = 	snop  }
0x90: {  	(tm) =	ssettm $0x1  }
0x91: {  	s17 =	sld [smem:$0x3FFB];
	_ =	sdelay $0x3  }
0x92: {  	_ =	strace s17  }
0x93: {  	s2 =	sld [smem:$0x3FFC];
	_ =	sdelay $0x3  }
0x94: {  	_ =	strace s2  }
0x95: {  	s2 =	sld [smem:$0x3FFD];
	_ =	sdelay $0x3  }
0x96: {  	_ =	strace s2  }
0x97: {  	_ =	strace $0x8FFFFFFF  }
0x98: {  	s18 =	sld [smem:$0x3FDB];
	_ =	sdelay $0x1  }
0x99: {  	s19 =	simm.s32 $_scs_section_size  }
0x9a: {  	s4 =	simm.s32 $_size__tile_overlayer_lowered;
	s5 =	simm.s32 $_tile_overlayer_lowered  }
0x9b: {  	s22 =	simm.s32 $0x1BFF;
	s21 =	sshll.u32 s5, $0x1;
	s2 =	sadd.s32 s19, s18  }
0x9c: {  	s6 =	simm.s32 $0x0;
	s20 =	sshll.u32 s4, $0x1;
	s4 =	sadd.s32 s21, s2  }
0x9d: {  	[timem:s6], [sflag:s22] =	dma.local [hbm:s4], s20  }
0x9e: {  	_ =	swait.ge [sflag:s22], s20  }
0x9f: {  	s3 =	ssub.s32 $0x0, s20;
	[sflag:s22] =	ssyncset.done $0x0  }
0xa0: {  	[sflag:s22] =	ssyncadd.s32 s3;
	_ =	sdelay $0x1  }
0xa1: {  	s23 =	simm.s32 $0x1B8B  }
0xa2: {  	_ =	swait.ge [sflag:s23], $0x1  }
0xa3: {  	[sflag:s23] =	ssyncset.done $0x0  }
0xa4: {  	s25 =	simm.s32 $0x1B8E;
	s24 =	sld [smem:$0x3FFE];
	[sflag:s23] =	ssyncadd.s32 $0xFFFFFFFF  }
0xa5: {  	s26 =	simm.s32 $execute0_lowered;
	[smem:$0x3FD2] =	sst s25  }
0xa6: {  	s4 =	sshll.u32 s26, $0x1;
	_ =	strace $0x80000046;
	[dreg:$0x1] =	wrdreg $0xFFFFFFFF  }
0xa7: {  	s28 =	simm.s32 $_size_execute0_lowered;
	s2 =	sadd.s32 s2, s4;
	[dreg:$0x0] =	wrdreg $0x0  }
0xa8: {  	s4 =	sshll.u32 s28, $0x1;
	[dreg:$0x2] =	wrdreg s2  }
0xa9: {  	[dreg:$0x3] =	wrdreg s4  }
0xaa: {  	[dreg:$0x4] =	wrdreg $0xC0  }
0xab: {  	_ =	task [dreg:s6], $0x5FFFF  }
0xac: {  	[dreg:$0x1] =	wrdreg $0xFFFFFFFF  }
0xad: {  	[dreg:$0x0] =	wrdreg $0x60  }
0xae: {  	[dreg:$0x2] =	wrdreg s24  }
0xaf: {  	[dreg:$0x3] =	wrdreg $0x9  }
0xb0: {  	_ =	task.clear_ibuf [dreg:s6], $0x4FFFF;
	_ =	strace $0x90000046  }
0xb1: {  	s29 =	simm.s32 $0x9;
	_ =	strace $0x80000048  }
0xb2: {  	_ =	swait.ge [sflag:s29], $0x1  }
0xb3: {  	[sflag:s29] =	ssyncadd.s32 $0xFFFFFFFF  }
0xb4: {  	_ =	strace $0x90000048  }
0xb5: {  	_ =	sfence  }
0xb6: {  	s30 =	sld [smem:$0x0];
	_ =	sdelay $0x2  }
0xb7: {  	s31 =	sshll.u32 s1, $0xD;
	s1 =	sshrl.u32 s1, $0x2  }
0xb8: {  	s3 =	sand.u32 $0x4000, s31;
	s1 =	sadd.s32 s1, s30  }
0xb9: {  	s0 =	sor.u32 s3, s0;
	s1 =	sshll.u32 s1, $0x11  }
0xba: {  	s0 =	sor.u32 s1, s0  }
0xbb: {  	s0 =	sadd.s32 $0x8F2B, s0  }
0xbc: {  	[sflag:s0] =	ssyncadd.remote.s32 $0x1  }
0xbd: {  	_ =	sfence.sel $0xFFFF  }
0xbe: {  	[dreg:$0x0] =	wrdreg $0xFFFFFFFF;
	(pc) =	sbr.abs _section_cstart, $3  }
0xbf: {  	[dreg:$0x1] =	wrdreg $0xFFFFFFFF  }
0xc0: {  	_ =	task.clear_ibuf [dreg:s6], $0x2FFFF;
	_ =	strace $0x9FFFFFFF  }
0xc1: {  	(tm) =	ssettm $0x7FFFFFFF  }
tec
execute0_lowered:
.L_overlay_start_1:
0x0: {  	(tag) =	ssettag $0x1  }
0x1: {  	s0 =	srdreg.scid  }
0x2: {  	s2 =	sand.u32 $0x1, s0;
	s0 =	stileid.u32  }
0x3: {  	s3 =	sor.u32 s0, s2  }
0x4: {  	p0 =	sne.s32 s3, $0x0  }
.Ltmp0:
0x5: {  	_ = 	snop;
	(pc) =	sbr.rel @p0 .LBB2_5-.Ltmp0, $3  }
0x6: {  	_ =	sdelay $0x1  }
0x7: {  	s4 =	rddreg [dreg:$0x0]  }
0x8: {  	s1 =	rddreg [dreg:$0x1];
	_ =	strace $0x80000047  }
0x9: {  	s5 =	ssub.s32 $0x2, s2  }
0xa: {  	s2 =	sadd.s32 $0xE00, s4;
	s3 =	sadd.s32 $0x1600, s4;
	s4 =	sadd.s32 $0x1A00, s4  }
0xb: {  	s7 =	simm.s32 $0x4000;
	s8 =	simm.s32 $0x1;
	s6 =	sshrl.u32 s5, $0x1  }
0xc: {  	v0 =	vimm.f32 $1.000000000e+00;
	s9 =	simm.s32 $0x0;
	s5 =	ssub.s32 s5, s6;
	s6 =	simm.s32 $0x0  }
.LBB2_2:
0xd: {  	[tilespmem:s7], [sflag:$0x1] =	stream.linear.gather [hbm4b:s3+s6], $0x2000, $0x38;
	[tilespmem:$0x6000] =	vst v63  }
0xe: {  	_ =	swait.ge [sflag:s8], $0x2000  }
0xf: {  	[sflag:s8] =	ssyncset.done $0x0  }
0x10: {  	[sflag:s8] =	ssyncadd.s32 $0xFFFFE000  }
0x11: {  	[tilespmem:s6], [sflag:$0x1] =	stream.linear.gather [hbm4b:s2+s6], $0x4000, $0x38;
	[tilespmem:$0x6000] =	vst v63  }
0x12: {  	_ =	swait.ge [sflag:s8], $0x4000  }
0x13: {  	[sflag:s8] =	ssyncset.done $0x0  }
0x14: {  	s11 =	simm.s32 $0x0;
	s10 =	simm.s32 $0x40;
	[sflag:s8] =	ssyncadd.s32 $0xFFFFC000  }
.LBB2_3:
0x15: {  	p0 =	sne.s32 s10, $0xFFC0;
	v1 =	vld [tilespmem:s11+$0x0];
	_ =	sdelay $0x3  }
.Ltmp1:
0x16: {  	(pc) =	sbr.rel @p0 .LBB2_3-.Ltmp1, $2  }
0x17: {  	_ =	sdelay $0x2  }
0x18: {  	s11 =	sshra.s32 s10, $0x2;
	s10 =	sadd.s32 $0x40, s10;
	[tilespmem:v1+s7+$0x0] =	vst.idx.msk $0xffff, v0  }
0x19: {  	v1 =	vld [tilespmem:s11+$0x0];
	_ =	sdelay $0x5  }
0x1a: {  	s9 =	sadd.s32 $0x1, s9  }
0x1b: {  	p0 =	sne.s32 s9, s5  }
.Ltmp2:
0x1c: {  	[tilespmem:v1+s7+$0x0] =	vst.idx.msk $0xffff, v0;
	(pc) =	sbr.rel @p0 .LBB2_2-.Ltmp2, $4  }
0x1d: {  	[hbm4b:s4+s6] =	stream.linear.scatter [tilespmem:s7], [sflag:$0x1], $0x2000, $0x38;
	[tilespmem:$0x6000] =	vst v63  }
0x1e: {  	_ =	swait.ge [sflag:s8], $0x2000  }
0x1f: {  	[sflag:s8] =	ssyncset.done $0x0  }
0x20: {  	[sflag:s8] =	ssyncadd.s32 $0xFFFFE000  }
.LBB2_5:
0x21: {  	_ =	sfence.sel $0x180000  }
0x22: {  	[bflag:$0x0] =	sbarrier.arrive $0xFFFF  }
0x23: {  	p0 =	sne.s32 s0, $0x0;
	_ =	strace $0x90000047  }
0x24: {  	s0 =	sadd.s32 @!p0 $0x100000, s1;
	[bflag:$0x2] =	sbarrier.arrive $0xFFFF  }
0x25: {  	[sflag:s0] =	ssyncadd.tile.s32 @!p0 $0x1;
	_ =	shalt  }
.Lfunc_end2:
_tile_overlayer_lowered:
.L_overlay_start_2:
0x26: {  	(tag) =	ssettag $0x2  }
0x27: {  	s0 =	rddreg [dreg:$0x0];
	s2 =	stileid.u32  }
0x28: {  	s1 =	rddreg [dreg:$0x1];
	p0 =	sne.s32 s2, $0x0  }
0x29: {  	s3 =	rddreg [dreg:$0x2];
	[bflag:$0x3] =	sbarrier.arrive $0xFFFF;
	s2 =	simm.s32 @!p0 $0x1C01  }
0x2a: {  	[timem:s3], [sflag:s2] =	dma.local @!p0 [hbm:s0], s1  }
0x2b: {  	s0 =	simm.s32 @!p0 $0x1  }
0x2c: {  	_ =	swait.ge @!p0 [sflag:s0], s1  }
0x2d: {  	s1 =	ssub.s32 @!p0 $0x0, s1;
	[sflag:s0] =	ssyncset.done @!p0 $0x0  }
0x2e: {  	[sflag:s0] =	ssyncadd.s32 @!p0 s1  }
0x2f: {  	[bflag:$0x3] =	sbarrier.arrive $0xFFFF  }
0x30: {  	_ =	shalt  }

</sc_bundles>
